<compile_context>
chip_gen: v7x
topology: tpu7x:2x2x1
jax: 0.10.2.dev20260603
libtpu: 0.0.44.dev20260713+nightly
codegen_flags: <defaults>
</compile_context>

<pallas_src>
import functools

import jax
import jax.numpy as jnp
from jax import lax
from jax.experimental import pallas as pl
from jax.experimental.pallas import tpu as pltpu
from jax.experimental.pallas import tpu_sc as plsc

NC = 2
NS = 16
NW = NC * NS

BB = 1024
SUB = 128
NSUB = BB // SUB


def _make_emb_kernel(BATCH, HIST, V, D, DPAD):
    n_units = HIST * (BATCH // BB)
    n_units_w = n_units // NW
    assert n_units_w % 2 == 0
    blk_per_t = BATCH // BB

    mesh = plsc.VectorSubcoreMesh(core_axis_name="c", subcore_axis_name="s")

    @functools.partial(
        pl.kernel,
        mesh=mesh,
        out_type=jax.ShapeDtypeStruct((D, HIST, BATCH), jnp.float32),
        scratch_types=[
            pltpu.VMEM((BB,), jnp.int32),
            pltpu.VMEM((BB,), jnp.int32),
            pltpu.VMEM((SUB, DPAD), jnp.float32),
            pltpu.VMEM((SUB, DPAD), jnp.float32),
            pltpu.VMEM((D * BB,), jnp.float32),
            pltpu.SemaphoreType.DMA,
            pltpu.SemaphoreType.DMA,
            pltpu.SemaphoreType.DMA,
            pltpu.SemaphoreType.DMA,
            pltpu.SemaphoreType.DMA,
        ],
        compiler_params=pltpu.CompilerParams(needs_layout_passes=False),
    )
    def emb(idx_hbm, table_hbm, out_hbm,
            ib0, ib1, a0, a1, trans, si0, si1, sg0, sg1, so):
        idx_bufs = (ib0, ib1)
        a_bufs = (a0, a1)
        sem_i = (si0, si1)
        sem_g = (sg0, sg1)
        wid = lax.axis_index("s") * NC + lax.axis_index("c")
        u0_w = wid * n_units_w
        iota = lax.iota(jnp.int32, 16)
        DOFF = (0, 16, 32, D - 16)
        dpre = [(iota + o) * BB for o in DOFF]

        def unit_tb(u):
            g = u0_w + u
            return g // blk_per_t, (g % blk_per_t) * BB

        def fire_idx(u, p):
            t, b0 = unit_tb(u)
            pltpu.async_copy(
                idx_hbm.at[t, pl.ds(b0, BB)], idx_bufs[p], sem_i[p]
            )

        def wait_idx(p):
            pltpu.make_async_copy(
                idx_hbm.at[0, pl.ds(0, BB)], idx_bufs[p], sem_i[p]
            ).wait()

        def fire_gather(ip, s, ap):
            pltpu.async_copy(
                table_hbm.at[idx_bufs[ip].at[pl.ds(s * SUB, SUB)]],
                a_bufs[ap], sem_g[ap],
            )

        def wait_gather(p):
            pltpu.make_async_copy(
                table_hbm.at[pl.ds(0, SUB)], a_bufs[p], sem_g[p]
            ).wait()

        def transpose(s):
            av = a_bufs[s % 2]

            if True:
                return

            def r_body(rq, _):
                for rr in range(4):
                    r = rq * 4 + rr
                    col = s * SUB + r
                    for j in range(4):
                        v = av[r, pl.ds(DOFF[j], 16)]
                        plsc.store_scatter(trans, [dpre[j] + col], v)
                return ()

            lax.fori_loop(0, SUB // 4, r_body, ())

        def fire_outs(u):
            t, b0 = unit_tb(u)
            for d in range(D):
                pltpu.async_copy(
                    trans.at[pl.ds(d * BB, BB)],
                    out_hbm.at[d, t, pl.ds(b0, BB)], so,
                )

        def drain_outs():
            for _ in range(D):
                pltpu.make_async_copy(
                    trans.at[pl.ds(0, BB)], out_hbm.at[0, 0, pl.ds(0, BB)], so
                ).wait()

        def unit_body(u, eps):
            @pl.when(u > 0)
            def _():
                drain_outs()

            @pl.when(u + 1 < n_units_w)
            def _():
                fire_idx(u + 1, 1 - eps)

            for s in range(NSUB):
                wait_gather(s % 2)
                if s < NSUB - 1:
                    fire_gather(eps, s + 1, (s + 1) % 2)
                else:
                    @pl.when(u + 1 < n_units_w)
                    def _():
                        wait_idx(1 - eps)
                        fire_gather(1 - eps, 0, 0)
                transpose(s)
            fire_outs(u)

        fire_idx(0, 0)
        wait_idx(0)
        fire_gather(0, 0, 0)

        def pair_body(p, _):
            unit_body(p * 2, 0)
            unit_body(p * 2 + 1, 1)
            return ()

        lax.fori_loop(0, n_units_w // 2, pair_body, ())
        drain_outs()

    return emb


def kernel(indices, table):
    BATCH, HIST = indices.shape
    V, D = table.shape
    DPAD = 128
    idx_t = indices.T.astype(jnp.int32)
    table_p = jnp.pad(table, ((0, 0), (0, DPAD - D)))
    emb = _make_emb_kernel(BATCH, HIST, V, D, DPAD)
    out_t = emb(idx_t, table_p)
    return jnp.transpose(out_t, (2, 1, 0))

# --- scband reference (transcript-rebuilt; emitter-appended) ---
"""Pipeline reference for scband-embedding-layer-17652315587304 (READ-ONLY COPY).

The authoritative reference and input builder live on the scoring server;
editing this copy changes nothing except your own understanding.
"""

import jax, jax.numpy as jnp
import numpy as np

NUNIQUE = 1000000
EMB_DIM = int(min(np.ceil(NUNIQUE / 2), 50))  # = 50, per module formula
BATCH = 16384
HIST = 200

def setup_inputs(seed: int = 0) -> dict:
    key = jax.random.key(seed)
    k1, k2 = jax.random.split(key)
    indices = jax.random.randint(k1, (BATCH, HIST), 0, NUNIQUE, dtype=jnp.int64 if jax.config.jax_enable_x64 else jnp.int32)
    table = jax.random.normal(k2, (NUNIQUE, EMB_DIM), dtype=jnp.float32) * 0.02
    return {"indices": indices, "table": table}

def reference(indices, table):
    # Faithful embedding lookup: out[b, t, :] = table[indices[b, t], :]
    out = jnp.take(table, indices, axis=0)
    return out

if __name__ == "__main__":
    import jax
    _d = setup_inputs()
    print(jax.jit(kernel)(*tuple(_d.values())))

</pallas_src>

<mosaic_0001>
#map = affine_map<(d0, d1) -> (0, 0)>
#map1 = affine_map<(d0, d1) -> (0, 0, 0)>
module attributes {stable_mosaic.version = 14 : i64} {
  func.func @emb(%arg0: i32, %arg1: i32, %arg2: memref<200x16384xi32, #tpu.memory_space<hbm>>, %arg3: memref<1000000x128xf32, #tpu.memory_space<hbm>>, %arg4: memref<50x200x16384xf32, #tpu.memory_space<hbm>>, %arg5: memref<1024xi32, #tpu.memory_space<vmem>>, %arg6: memref<1024xi32, #tpu.memory_space<vmem>>, %arg7: memref<128x128xf32, #tpu.memory_space<vmem>>, %arg8: memref<128x128xf32, #tpu.memory_space<vmem>>, %arg9: memref<51200xf32, #tpu.memory_space<vmem>>, %arg10: memref<!tpu.dma_semaphore, #tpu.memory_space<semaphore_mem>>, %arg11: memref<!tpu.dma_semaphore, #tpu.memory_space<semaphore_mem>>, %arg12: memref<!tpu.dma_semaphore, #tpu.memory_space<semaphore_mem>>, %arg13: memref<!tpu.dma_semaphore, #tpu.memory_space<semaphore_mem>>, %arg14: memref<!tpu.dma_semaphore, #tpu.memory_space<semaphore_mem>>) attributes {dimension_semantics = [#tpu.dimension_semantics<core_parallel>, #tpu.dimension_semantics<subcore_parallel>], iteration_bounds = array<i64: 2, 16>, scalar_prefetch = 0 : i64, scratch_operands = 10 : i64, tpu.core_type = #tpu.core_type<sc_vector_subcore>, window_params = [{transform_indices = #map}, {transform_indices = #map}, {transform_indices = #map1}]} {
    %mul3A = arith.constant 2 : i32
    %mul3A_0 = arith.muli %arg1, %mul3A : i32
    %add3A = arith.addi %mul3A_0, %arg0 : i32
    %mul3A_1 = arith.constant 100 : i32
    %mul3A_2 = arith.muli %add3A, %mul3A_1 : i32
    %iota3A = tpu.iota {dimensions = array<i32: 0>} : vector<16xi32>
    %add3A_3 = arith.constant 0 : i32
    %add3A_4 = vector.broadcast %add3A_3 : i32 to vector<16xi32>
    %add3A_5 = arith.addi %iota3A, %add3A_4 : vector<16xi32>
    %mul3A_6 = arith.constant 1024 : i32
    %mul3A_7 = vector.broadcast %mul3A_6 : i32 to vector<16xi32>
    %mul3A_8 = arith.muli %add3A_5, %mul3A_7 : vector<16xi32>
    %add3A_9 = arith.constant 16 : i32
    %add3A_10 = vector.broadcast %add3A_9 : i32 to vector<16xi32>
    %add3A_11 = arith.addi %iota3A, %add3A_10 : vector<16xi32>
    %mul3A_12 = arith.constant 1024 : i32
    %mul3A_13 = vector.broadcast %mul3A_12 : i32 to vector<16xi32>
    %mul3A_14 = arith.muli %add3A_11, %mul3A_13 : vector<16xi32>
    %add3A_15 = arith.constant 32 : i32
    %add3A_16 = vector.broadcast %add3A_15 : i32 to vector<16xi32>
    %add3A_17 = arith.addi %iota3A, %add3A_16 : vector<16xi32>
    %mul3A_18 = arith.constant 1024 : i32
    %mul3A_19 = vector.broadcast %mul3A_18 : i32 to vector<16xi32>
    %mul3A_20 = arith.muli %add3A_17, %mul3A_19 : vector<16xi32>
    %add3A_21 = arith.constant 34 : i32
    %add3A_22 = vector.broadcast %add3A_21 : i32 to vector<16xi32>
    %add3A_23 = arith.addi %iota3A, %add3A_22 : vector<16xi32>
    %mul3A_24 = arith.constant 1024 : i32
    %mul3A_25 = vector.broadcast %mul3A_24 : i32 to vector<16xi32>
    %mul3A_26 = arith.muli %add3A_23, %mul3A_25 : vector<16xi32>
    %add3A_27 = arith.constant 0 : i32
    %add3A_28 = arith.addi %mul3A_2, %add3A_27 : i32
    %jit3A = arith.constant 16 : i32
    %div3A = arith.divsi %add3A_28, %jit3A : i32
    %sign3A = arith.constant 0 : i32
    %sign3A_29 = arith.cmpi sgt, %add3A_28, %sign3A : i32
    %sign3A_30 = arith.extui %sign3A_29 : i1 to i32
    %sign3A_31 = arith.constant 0 : i32
    %sign3A_32 = arith.cmpi slt, %add3A_28, %sign3A_31 : i32
    %sign3A_33 = arith.extui %sign3A_32 : i1 to i32
    %sign3A_34 = arith.subi %sign3A_30, %sign3A_33 : i32
    %sign3A_35 = arith.constant 0 : i32
    %sign3A_36 = arith.cmpi sgt, %jit3A, %sign3A_35 : i32
    %sign3A_37 = arith.extui %sign3A_36 : i1 to i32
    %sign3A_38 = arith.constant 0 : i32
    %sign3A_39 = arith.cmpi slt, %jit3A, %sign3A_38 : i32
    %sign3A_40 = arith.extui %sign3A_39 : i1 to i32
    %sign3A_41 = arith.subi %sign3A_37, %sign3A_40 : i32
    %ne3A = arith.cmpi ne, %sign3A_34, %sign3A_41 : i32
    %rem3A = arith.remsi %add3A_28, %jit3A : i32
    %ne3A_42 = arith.constant 0 : i32
    %ne3A_43 = arith.cmpi ne, %rem3A, %ne3A_42 : i32
    %and3A = arith.andi %ne3A, %ne3A_43 : i1
    %sub3A = arith.constant 1 : i32
    %sub3A_44 = arith.subi %div3A, %sub3A : i32
    %select_n3A = arith.select %and3A, %sub3A_44, %div3A : i32
    %jit3A_45 = arith.constant 16 : i32
    %eq3A = arith.constant 0 : i32
    %eq3A_46 = arith.cmpi eq, %jit3A_45, %eq3A : i32
    %jit3A_47 = arith.constant 1 : i32
    %select_n3A_48 = arith.select %eq3A_46, %jit3A_47, %jit3A_45 : i32
    %rem3A_49 = arith.remsi %add3A_28, %select_n3A_48 : i32
    %ne3A_50 = arith.constant 0 : i32
    %ne3A_51 = arith.cmpi ne, %rem3A_49, %ne3A_50 : i32
    %lt3A = arith.constant 0 : i32
    %lt3A_52 = arith.cmpi slt, %rem3A_49, %lt3A : i32
    %lt3A_53 = arith.constant 0 : i32
    %lt3A_54 = arith.cmpi slt, %select_n3A_48, %lt3A_53 : i32
    %ne3A_55 = arith.xori %lt3A_52, %lt3A_54 : i1
    %and3A_56 = arith.andi %ne3A_55, %ne3A_51 : i1
    %add3A_57 = arith.addi %rem3A_49, %select_n3A_48 : i32
    %select_n3A_58 = arith.select %and3A_56, %add3A_57, %rem3A_49 : i32
    %mul3A_59 = arith.constant 1024 : i32
    %mul3A_60 = arith.muli %select_n3A_58, %mul3A_59 : i32
    %dma_start3A = tpu.memref_slice %arg2[%select_n3A, %mul3A_60] : memref<200x16384xi32, #tpu.memory_space<hbm>> -> memref<1x1024xi32, #tpu.memory_space<hbm>>
    %dma_start3A_61 = tpu.memref_squeeze %dma_start3A : memref<1x1024xi32, #tpu.memory_space<hbm>> -> memref<1024xi32, #tpu.memory_space<hbm>>
    %dma_start3A_62 = tpu.memref_slice %arg2[%select_n3A, %mul3A_60] : memref<200x16384xi32, #tpu.memory_space<hbm>> -> memref<1x1024xi32, #tpu.memory_space<hbm>>
    %dma_start3A_63 = tpu.memref_squeeze %dma_start3A_62 : memref<1x1024xi32, #tpu.memory_space<hbm>> -> memref<1024xi32, #tpu.memory_space<hbm>>
    tpu.enqueue_dma source(%dma_start3A_63 : memref<1024xi32, #tpu.memory_space<hbm>>) target(%arg5 : memref<1024xi32, #tpu.memory_space<vmem>>) target_semaphore(%arg10 : memref<!tpu.dma_semaphore, #tpu.memory_space<semaphore_mem>>)
    %dma_wait3A = arith.constant 0 : i32
    %dma_wait3A_64 = arith.constant 0 : i32
    %dma_wait3A_65 = tpu.memref_slice %arg2[%dma_wait3A, %dma_wait3A_64] : memref<200x16384xi32, #tpu.memory_space<hbm>> -> memref<1x1024xi32, #tpu.memory_space<hbm>>
    %dma_wait3A_66 = tpu.memref_squeeze %dma_wait3A_65 : memref<1x1024xi32, #tpu.memory_space<hbm>> -> memref<1024xi32, #tpu.memory_space<hbm>>
    %dma_wait3A_67 = arith.constant 0 : i32
    %dma_wait3A_68 = tpu.memref_slice %arg2[%dma_wait3A, %dma_wait3A_67] : memref<200x16384xi32, #tpu.memory_space<hbm>> -> memref<1x1024xi32, #tpu.memory_space<hbm>>
    %dma_wait3A_69 = tpu.memref_squeeze %dma_wait3A_68 : memref<1x1024xi32, #tpu.memory_space<hbm>> -> memref<1024xi32, #tpu.memory_space<hbm>>
    tpu.wait_dma2 semaphore(%arg10 : memref<!tpu.dma_semaphore, #tpu.memory_space<semaphore_mem>>) src(%dma_wait3A_69 : memref<1024xi32, #tpu.memory_space<hbm>>) dst(%arg5 : memref<1024xi32, #tpu.memory_space<vmem>>)
    %dma_start3A_70 = arith.constant 0 : i32
    %dma_start3A_71 = tpu.memref_slice %arg5[%dma_start3A_70] : memref<1024xi32, #tpu.memory_space<vmem>> -> memref<128xi32, #tpu.memory_space<vmem>>
    %dma_start3A_72 = arith.constant 0 : i32
    %dma_start3A_73 = arith.constant 0 : i32
    %dma_start3A_74 = tpu.memref_slice %arg3[%dma_start3A_72, %dma_start3A_73] : memref<1000000x128xf32, #tpu.memory_space<hbm>> -> memref<1000000x128xf32, #tpu.memory_space<hbm>>
    tpu.enqueue_indirect_dma source(%dma_start3A_74 : memref<1000000x128xf32, #tpu.memory_space<hbm>>) target(%arg7 : memref<128x128xf32, #tpu.memory_space<vmem>>) offsets(%dma_start3A_71 : memref<128xi32, #tpu.memory_space<vmem>>) semaphore(%arg12 : memref<!tpu.dma_semaphore, #tpu.memory_space<semaphore_mem>>)
    %scan3A = arith.constant 0 : i32
    %scan3A_75 = arith.constant 50 : i32
    %scan3A_76 = arith.addi %scan3A, %scan3A_75 : i32
    %scan3A_77 = arith.constant 1 : i32
    scf.for %scan3A_679 = %scan3A to %scan3A_76 step %scan3A_77  : i32 {
      %mul3A_680 = arith.constant 2 : i32
      %mul3A_681 = arith.muli %scan3A_679, %mul3A_680 : i32
      %gt3A = arith.constant 0 : i32
      %gt3A_682 = arith.cmpi sgt, %mul3A_681, %gt3A : i32
      %convert_element_type3A = arith.extui %gt3A_682 : i1 to i32
      %cond3A = arith.constant 0 : i32
      %cond3A_683 = arith.cmpi ne, %convert_element_type3A, %cond3A : i32
      scf.if %cond3A_683 {
        %dma_wait3A_1873 = arith.constant 0 : i32
        %dma_wait3A_1874 = arith.constant 0 : i32
        %dma_wait3A_1875 = arith.constant 0 : i32
        %dma_wait3A_1876 = tpu.memref_slice %arg9[%dma_wait3A_1875] : memref<51200xf32, #tpu.memory_space<vmem>> -> memref<1024xf32, #tpu.memory_space<vmem>>
        %dma_wait3A_1877 = arith.constant 0 : i32
        %dma_wait3A_1878 = tpu.memref_slice %arg4[%dma_wait3A_1873, %dma_wait3A_1874, %dma_wait3A_1877] : memref<50x200x16384xf32, #tpu.memory_space<hbm>> -> memref<1x1x1024xf32, #tpu.memory_space<hbm>>
        %dma_wait3A_1879 = tpu.memref_squeeze %dma_wait3A_1878 : memref<1x1x1024xf32, #tpu.memory_space<hbm>> -> memref<1024xf32, #tpu.memory_space<hbm>>
        %dma_wait3A_1880 = arith.constant 0 : i32
        %dma_wait3A_1881 = tpu.memref_slice %arg4[%dma_wait3A_1873, %dma_wait3A_1874, %dma_wait3A_1880] : memref<50x200x16384xf32, #tpu.memory_space<hbm>> -> memref<1x1x1024xf32, #tpu.memory_space<hbm>>
        %dma_wait3A_1882 = tpu.memref_squeeze %dma_wait3A_1881 : memref<1x1x1024xf32, #tpu.memory_space<hbm>> -> memref<1024xf32, #tpu.memory_space<hbm>>
        %dma_wait3A_1883 = arith.constant 0 : i32
        %dma_wait3A_1884 = tpu.memref_slice %arg9[%dma_wait3A_1883] : memref<51200xf32, #tpu.memory_space<vmem>> -> memref<1024xf32, #tpu.memory_space<vmem>>
        tpu.wait_dma2 semaphore(%arg14 : memref<!tpu.dma_semaphore, #tpu.memory_space<semaphore_mem>>) src(%dma_wait3A_1884 : memref<1024xf32, #tpu.memory_space<vmem>>) dst(%dma_wait3A_1882 : memref<1024xf32, #tpu.memory_space<hbm>>)
        %dma_wait3A_1885 = arith.constant 0 : i32
        %dma_wait3A_1886 = arith.constant 0 : i32
        %dma_wait3A_1887 = arith.constant 0 : i32
        %dma_wait3A_1888 = tpu.memref_slice %arg9[%dma_wait3A_1887] : memref<51200xf32, #tpu.memory_space<vmem>> -> memref<1024xf32, #tpu.memory_space<vmem>>
        %dma_wait3A_1889 = arith.constant 0 : i32
        %dma_wait3A_1890 = tpu.memref_slice %arg4[%dma_wait3A_1885, %dma_wait3A_1886, %dma_wait3A_1889] : memref<50x200x16384xf32, #tpu.memory_space<hbm>> -> memref<1x1x1024xf32, #tpu.memory_space<hbm>>
        %dma_wait3A_1891 = tpu.memref_squeeze %dma_wait3A_1890 : memref<1x1x1024xf32, #tpu.memory_space<hbm>> -> memref<1024xf32, #tpu.memory_space<hbm>>
        %dma_wait3A_1892 = arith.constant 0 : i32
        %dma_wait3A_1893 = tpu.memref_slice %arg4[%dma_wait3A_1885, %dma_wait3A_1886, %dma_wait3A_1892] : memref<50x200x16384xf32, #tpu.memory_space<hbm>> -> memref<1x1x1024xf32, #tpu.memory_space<hbm>>
        %dma_wait3A_1894 = tpu.memref_squeeze %dma_wait3A_1893 : memref<1x1x1024xf32, #tpu.memory_space<hbm>> -> memref<1024xf32, #tpu.memory_space<hbm>>
        %dma_wait3A_1895 = arith.constant 0 : i32
        %dma_wait3A_1896 = tpu.memref_slice %arg9[%dma_wait3A_1895] : memref<51200xf32, #tpu.memory_space<vmem>> -> memref<1024xf32, #tpu.memory_space<vmem>>
        tpu.wait_dma2 semaphore(%arg14 : memref<!tpu.dma_semaphore, #tpu.memory_space<semaphore_mem>>) src(%dma_wait3A_1896 : memref<1024xf32, #tpu.memory_space<vmem>>) dst(%dma_wait3A_1894 : memref<1024xf32, #tpu.memory_space<hbm>>)
        %dma_wait3A_1897 = arith.constant 0 : i32
        %dma_wait3A_1898 = arith.constant 0 : i32
        %dma_wait3A_1899 = arith.constant 0 : i32
        %dma_wait3A_1900 = tpu.memref_slice %arg9[%dma_wait3A_1899] : memref<51200xf32, #tpu.memory_space<vmem>> -> memref<1024xf32, #tpu.memory_space<vmem>>
        %dma_wait3A_1901 = arith.constant 0 : i32
        %dma_wait3A_1902 = tpu.memref_slice %arg4[%dma_wait3A_1897, %dma_wait3A_1898, %dma_wait3A_1901] : memref<50x200x16384xf32, #tpu.memory_space<hbm>> -> memref<1x1x1024xf32, #tpu.memory_space<hbm>>
        %dma_wait3A_1903 = tpu.memref_squeeze %dma_wait3A_1902 : memref<1x1x1024xf32, #tpu.memory_space<hbm>> -> memref<1024xf32, #tpu.memory_space<hbm>>
        %dma_wait3A_1904 = arith.constant 0 : i32
        %dma_wait3A_1905 = tpu.memref_slice %arg4[%dma_wait3A_1897, %dma_wait3A_1898, %dma_wait3A_1904] : memref<50x200x16384xf32, #tpu.memory_space<hbm>> -> memref<1x1x1024xf32, #tpu.memory_space<hbm>>
        %dma_wait3A_1906 = tpu.memref_squeeze %dma_wait3A_1905 : memref<1x1x1024xf32, #tpu.memory_space<hbm>> -> memref<1024xf32, #tpu.memory_space<hbm>>
        %dma_wait3A_1907 = arith.constant 0 : i32
        %dma_wait3A_1908 = tpu.memref_slice %arg9[%dma_wait3A_1907] : memref<51200xf32, #tpu.memory_space<vmem>> -> memref<1024xf32, #tpu.memory_space<vmem>>
        tpu.wait_dma2 semaphore(%arg14 : memref<!tpu.dma_semaphore, #tpu.memory_space<semaphore_mem>>) src(%dma_wait3A_1908 : memref<1024xf32, #tpu.memory_space<vmem>>) dst(%dma_wait3A_1906 : memref<1024xf32, #tpu.memory_space<hbm>>)
        %dma_wait3A_1909 = arith.constant 0 : i32
        %dma_wait3A_1910 = arith.constant 0 : i32
        %dma_wait3A_1911 = arith.constant 0 : i32
        %dma_wait3A_1912 = tpu.memref_slice %arg9[%dma_wait3A_1911] : memref<51200xf32, #tpu.memory_space<vmem>> -> memref<1024xf32, #tpu.memory_space<vmem>>
        %dma_wait3A_1913 = arith.constant 0 : i32
        %dma_wait3A_1914 = tpu.memref_slice %arg4[%dma_wait3A_1909, %dma_wait3A_1910, %dma_wait3A_1913] : memref<50x200x16384xf32, #tpu.memory_space<hbm>> -> memref<1x1x1024xf32, #tpu.memory_space<hbm>>
        %dma_wait3A_1915 = tpu.memref_squeeze %dma_wait3A_1914 : memref<1x1x1024xf32, #tpu.memory_space<hbm>> -> memref<1024xf32, #tpu.memory_space<hbm>>
        %dma_wait3A_1916 = arith.constant 0 : i32
        %dma_wait3A_1917 = tpu.memref_slice %arg4[%dma_wait3A_1909, %dma_wait3A_1910, %dma_wait3A_1916] : memref<50x200x16384xf32, #tpu.memory_space<hbm>> -> memref<1x1x1024xf32, #tpu.memory_space<hbm>>
        %dma_wait3A_1918 = tpu.memref_squeeze %dma_wait3A_1917 : memref<1x1x1024xf32, #tpu.memory_space<hbm>> -> memref<1024xf32, #tpu.memory_space<hbm>>
        %dma_wait3A_1919 = arith.constant 0 : i32
        %dma_wait3A_1920 = tpu.memref_slice %arg9[%dma_wait3A_1919] : memref<51200xf32, #tpu.memory_space<vmem>> -> memref<1024xf32, #tpu.memory_space<vmem>>
        tpu.wait_dma2 semaphore(%arg14 : memref<!tpu.dma_semaphore, #tpu.memory_space<semaphore_mem>>) src(%dma_wait3A_1920 : memref<1024xf32, #tpu.memory_space<vmem>>) dst(%dma_wait3A_1918 : memref<1024xf32, #tpu.memory_space<hbm>>)
        %dma_wait3A_1921 = arith.constant 0 : i32
        %dma_wait3A_1922 = arith.constant 0 : i32
        %dma_wait3A_1923 = arith.constant 0 : i32
        %dma_wait3A_1924 = tpu.memref_slice %arg9[%dma_wait3A_1923] : memref<51200xf32, #tpu.memory_space<vmem>> -> memref<1024xf32, #tpu.memory_space<vmem>>
        %dma_wait3A_1925 = arith.constant 0 : i32
        %dma_wait3A_1926 = tpu.memref_slice %arg4[%dma_wait3A_1921, %dma_wait3A_1922, %dma_wait3A_1925] : memref<50x200x16384xf32, #tpu.memory_space<hbm>> -> memref<1x1x1024xf32, #tpu.memory_space<hbm>>
        %dma_wait3A_1927 = tpu.memref_squeeze %dma_wait3A_1926 : memref<1x1x1024xf32, #tpu.memory_space<hbm>> -> memref<1024xf32, #tpu.memory_space<hbm>>
        %dma_wait3A_1928 = arith.constant 0 : i32
        %dma_wait3A_1929 = tpu.memref_slice %arg4[%dma_wait3A_1921, %dma_wait3A_1922, %dma_wait3A_1928] : memref<50x200x16384xf32, #tpu.memory_space<hbm>> -> memref<1x1x1024xf32, #tpu.memory_space<hbm>>
        %dma_wait3A_1930 = tpu.memref_squeeze %dma_wait3A_1929 : memref<1x1x1024xf32, #tpu.memory_space<hbm>> -> memref<1024xf32, #tpu.memory_space<hbm>>
        %dma_wait3A_1931 = arith.constant 0 : i32
        %dma_wait3A_1932 = tpu.memref_slice %arg9[%dma_wait3A_1931] : memref<51200xf32, #tpu.memory_space<vmem>> -> memref<1024xf32, #tpu.memory_space<vmem>>
        tpu.wait_dma2 semaphore(%arg14 : memref<!tpu.dma_semaphore, #tpu.memory_space<semaphore_mem>>) src(%dma_wait3A_1932 : memref<1024xf32, #tpu.memory_space<vmem>>) dst(%dma_wait3A_1930 : memref<1024xf32, #tpu.memory_space<hbm>>)
        %dma_wait3A_1933 = arith.constant 0 : i32
        %dma_wait3A_1934 = arith.constant 0 : i32
        %dma_wait3A_1935 = arith.constant 0 : i32
        %dma_wait3A_1936 = tpu.memref_slice %arg9[%dma_wait3A_1935] : memref<51200xf32, #tpu.memory_space<vmem>> -> memref<1024xf32, #tpu.memory_space<vmem>>
        %dma_wait3A_1937 = arith.constant 0 : i32
        %dma_wait3A_1938 = tpu.memref_slice %arg4[%dma_wait3A_1933, %dma_wait3A_1934, %dma_wait3A_1937] : memref<50x200x16384xf32, #tpu.memory_space<hbm>> -> memref<1x1x1024xf32, #tpu.memory_space<hbm>>
        %dma_wait3A_1939 = tpu.memref_squeeze %dma_wait3A_1938 : memref<1x1x1024xf32, #tpu.memory_space<hbm>> -> memref<1024xf32, #tpu.memory_space<hbm>>
        %dma_wait3A_1940 = arith.constant 0 : i32
        %dma_wait3A_1941 = tpu.memref_slice %arg4[%dma_wait3A_1933, %dma_wait3A_1934, %dma_wait3A_1940] : memref<50x200x16384xf32, #tpu.memory_space<hbm>> -> memref<1x1x1024xf32, #tpu.memory_space<hbm>>
        %dma_wait3A_1942 = tpu.memref_squeeze %dma_wait3A_1941 : memref<1x1x1024xf32, #tpu.memory_space<hbm>> -> memref<1024xf32, #tpu.memory_space<hbm>>
        %dma_wait3A_1943 = arith.constant 0 : i32
        %dma_wait3A_1944 = tpu.memref_slice %arg9[%dma_wait3A_1943] : memref<51200xf32, #tpu.memory_space<vmem>> -> memref<1024xf32, #tpu.memory_space<vmem>>
        tpu.wait_dma2 semaphore(%arg14 : memref<!tpu.dma_semaphore, #tpu.memory_space<semaphore_mem>>) src(%dma_wait3A_1944 : memref<1024xf32, #tpu.memory_space<vmem>>) dst(%dma_wait3A_1942 : memref<1024xf32, #tpu.memory_space<hbm>>)
        %dma_wait3A_1945 = arith.constant 0 : i32
        %dma_wait3A_1946 = arith.constant 0 : i32
        %dma_wait3A_1947 = arith.constant 0 : i32
        %dma_wait3A_1948 = tpu.memref_slice %arg9[%dma_wait3A_1947] : memref<51200xf32, #tpu.memory_space<vmem>> -> memref<1024xf32, #tpu.memory_space<vmem>>
        %dma_wait3A_1949 = arith.constant 0 : i32
        %dma_wait3A_1950 = tpu.memref_slice %arg4[%dma_wait3A_1945, %dma_wait3A_1946, %dma_wait3A_1949] : memref<50x200x16384xf32, #tpu.memory_space<hbm>> -> memref<1x1x1024xf32, #tpu.memory_space<hbm>>
        %dma_wait3A_1951 = tpu.memref_squeeze %dma_wait3A_1950 : memref<1x1x1024xf32, #tpu.memory_space<hbm>> -> memref<1024xf32, #tpu.memory_space<hbm>>
        %dma_wait3A_1952 = arith.constant 0 : i32
        %dma_wait3A_1953 = tpu.memref_slice %arg4[%dma_wait3A_1945, %dma_wait3A_1946, %dma_wait3A_1952] : memref<50x200x16384xf32, #tpu.memory_space<hbm>> -> memref<1x1x1024xf32, #tpu.memory_space<hbm>>
        %dma_wait3A_1954 = tpu.memref_squeeze %dma_wait3A_1953 : memref<1x1x1024xf32, #tpu.memory_space<hbm>> -> memref<1024xf32, #tpu.memory_space<hbm>>
        %dma_wait3A_1955 = arith.constant 0 : i32
        %dma_wait3A_1956 = tpu.memref_slice %arg9[%dma_wait3A_1955] : memref<51200xf32, #tpu.memory_space<vmem>> -> memref<1024xf32, #tpu.memory_space<vmem>>
        tpu.wait_dma2 semaphore(%arg14 : memref<!tpu.dma_semaphore, #tpu.memory_space<semaphore_mem>>) src(%dma_wait3A_1956 : memref<1024xf32, #tpu.memory_space<vmem>>) dst(%dma_wait3A_1954 : memref<1024xf32, #tpu.memory_space<hbm>>)
        %dma_wait3A_1957 = arith.constant 0 : i32
        %dma_wait3A_1958 = arith.constant 0 : i32
        %dma_wait3A_1959 = arith.constant 0 : i32
        %dma_wait3A_1960 = tpu.memref_slice %arg9[%dma_wait3A_1959] : memref<51200xf32, #tpu.memory_space<vmem>> -> memref<1024xf32, #tpu.memory_space<vmem>>
        %dma_wait3A_1961 = arith.constant 0 : i32
        %dma_wait3A_1962 = tpu.memref_slice %arg4[%dma_wait3A_1957, %dma_wait3A_1958, %dma_wait3A_1961] : memref<50x200x16384xf32, #tpu.memory_space<hbm>> -> memref<1x1x1024xf32, #tpu.memory_space<hbm>>
        %dma_wait3A_1963 = tpu.memref_squeeze %dma_wait3A_1962 : memref<1x1x1024xf32, #tpu.memory_space<hbm>> -> memref<1024xf32, #tpu.memory_space<hbm>>
        %dma_wait3A_1964 = arith.constant 0 : i32
        %dma_wait3A_1965 = tpu.memref_slice %arg4[%dma_wait3A_1957, %dma_wait3A_1958, %dma_wait3A_1964] : memref<50x200x16384xf32, #tpu.memory_space<hbm>> -> memref<1x1x1024xf32, #tpu.memory_space<hbm>>
        %dma_wait3A_1966 = tpu.memref_squeeze %dma_wait3A_1965 : memref<1x1x1024xf32, #tpu.memory_space<hbm>> -> memref<1024xf32, #tpu.memory_space<hbm>>
        %dma_wait3A_1967 = arith.constant 0 : i32
        %dma_wait3A_1968 = tpu.memref_slice %arg9[%dma_wait3A_1967] : memref<51200xf32, #tpu.memory_space<vmem>> -> memref<1024xf32, #tpu.memory_space<vmem>>
        tpu.wait_dma2 semaphore(%arg14 : memref<!tpu.dma_semaphore, #tpu.memory_space<semaphore_mem>>) src(%dma_wait3A_1968 : memref<1024xf32, #tpu.memory_space<vmem>>) dst(%dma_wait3A_1966 : memref<1024xf32, #tpu.memory_space<hbm>>)
        %dma_wait3A_1969 = arith.constant 0 : i32
        %dma_wait3A_1970 = arith.constant 0 : i32
        %dma_wait3A_1971 = arith.constant 0 : i32
        %dma_wait3A_1972 = tpu.memref_slice %arg9[%dma_wait3A_1971] : memref<51200xf32, #tpu.memory_space<vmem>> -> memref<1024xf32, #tpu.memory_space<vmem>>
        %dma_wait3A_1973 = arith.constant 0 : i32
        %dma_wait3A_1974 = tpu.memref_slice %arg4[%dma_wait3A_1969, %dma_wait3A_1970, %dma_wait3A_1973] : memref<50x200x16384xf32, #tpu.memory_space<hbm>> -> memref<1x1x1024xf32, #tpu.memory_space<hbm>>
        %dma_wait3A_1975 = tpu.memref_squeeze %dma_wait3A_1974 : memref<1x1x1024xf32, #tpu.memory_space<hbm>> -> memref<1024xf32, #tpu.memory_space<hbm>>
        %dma_wait3A_1976 = arith.constant 0 : i32
        %dma_wait3A_1977 = tpu.memref_slice %arg4[%dma_wait3A_1969, %dma_wait3A_1970, %dma_wait3A_1976] : memref<50x200x16384xf32, #tpu.memory_space<hbm>> -> memref<1x1x1024xf32, #tpu.memory_space<hbm>>
        %dma_wait3A_1978 = tpu.memref_squeeze %dma_wait3A_1977 : memref<1x1x1024xf32, #tpu.memory_space<hbm>> -> memref<1024xf32, #tpu.memory_space<hbm>>
        %dma_wait3A_1979 = arith.constant 0 : i32
        %dma_wait3A_1980 = tpu.memref_slice %arg9[%dma_wait3A_1979] : memref<51200xf32, #tpu.memory_space<vmem>> -> memref<1024xf32, #tpu.memory_space<vmem>>
        tpu.wait_dma2 semaphore(%arg14 : memref<!tpu.dma_semaphore, #tpu.memory_space<semaphore_mem>>) src(%dma_wait3A_1980 : memref<1024xf32, #tpu.memory_space<vmem>>) dst(%dma_wait3A_1978 : memref<1024xf32, #tpu.memory_space<hbm>>)
        %dma_wait3A_1981 = arith.constant 0 : i32
        %dma_wait3A_1982 = arith.constant 0 : i32
        %dma_wait3A_1983 = arith.constant 0 : i32
        %dma_wait3A_1984 = tpu.memref_slice %arg9[%dma_wait3A_1983] : memref<51200xf32, #tpu.memory_space<vmem>> -> memref<1024xf32, #tpu.memory_space<vmem>>
        %dma_wait3A_1985 = arith.constant 0 : i32
        %dma_wait3A_1986 = tpu.memref_slice %arg4[%dma_wait3A_1981, %dma_wait3A_1982, %dma_wait3A_1985] : memref<50x200x16384xf32, #tpu.memory_space<hbm>> -> memref<1x1x1024xf32, #tpu.memory_space<hbm>>
        %dma_wait3A_1987 = tpu.memref_squeeze %dma_wait3A_1986 : memref<1x1x1024xf32, #tpu.memory_space<hbm>> -> memref<1024xf32, #tpu.memory_space<hbm>>
        %dma_wait3A_1988 = arith.constant 0 : i32
        %dma_wait3A_1989 = tpu.memref_slice %arg4[%dma_wait3A_1981, %dma_wait3A_1982, %dma_wait3A_1988] : memref<50x200x16384xf32, #tpu.memory_space<hbm>> -> memref<1x1x1024xf32, #tpu.memory_space<hbm>>
        %dma_wait3A_1990 = tpu.memref_squeeze %dma_wait3A_1989 : memref<1x1x1024xf32, #tpu.memory_space<hbm>> -> memref<1024xf32, #tpu.memory_space<hbm>>
        %dma_wait3A_1991 = arith.constant 0 : i32
        %dma_wait3A_1992 = tpu.memref_slice %arg9[%dma_wait3A_1991] : memref<51200xf32, #tpu.memory_space<vmem>> -> memref<1024xf32, #tpu.memory_space<vmem>>
        tpu.wait_dma2 semaphore(%arg14 : memref<!tpu.dma_semaphore, #tpu.memory_space<semaphore_mem>>) src(%dma_wait3A_1992 : memref<1024xf32, #tpu.memory_space<vmem>>) dst(%dma_wait3A_1990 : memref<1024xf32, #tpu.memory_space<hbm>>)
        %dma_wait3A_1993 = arith.constant 0 : i32
        %dma_wait3A_1994 = arith.constant 0 : i32
        %dma_wait3A_1995 = arith.constant 0 : i32
        %dma_wait3A_1996 = tpu.memref_slice %arg9[%dma_wait3A_1995] : memref<51200xf32, #tpu.memory_space<vmem>> -> memref<1024xf32, #tpu.memory_space<vmem>>
        %dma_wait3A_1997 = arith.constant 0 : i32
        %dma_wait3A_1998 = tpu.memref_slice %arg4[%dma_wait3A_1993, %dma_wait3A_1994, %dma_wait3A_1997] : memref<50x200x16384xf32, #tpu.memory_space<hbm>> -> memref<1x1x1024xf32, #tpu.memory_space<hbm>>
        %dma_wait3A_1999 = tpu.memref_squeeze %dma_wait3A_1998 : memref<1x1x1024xf32, #tpu.memory_space<hbm>> -> memref<1024xf32, #tpu.memory_space<hbm>>
        %dma_wait3A_2000 = arith.constant 0 : i32
        %dma_wait3A_2001 = tpu.memref_slice %arg4[%dma_wait3A_1993, %dma_wait3A_1994, %dma_wait3A_2000] : memref<50x200x16384xf32, #tpu.memory_space<hbm>> -> memref<1x1x1024xf32, #tpu.memory_space<hbm>>
        %dma_wait3A_2002 = tpu.memref_squeeze %dma_wait3A_2001 : memref<1x1x1024xf32, #tpu.memory_space<hbm>> -> memref<1024xf32, #tpu.memory_space<hbm>>
        %dma_wait3A_2003 = arith.constant 0 : i32
        %dma_wait3A_2004 = tpu.memref_slice %arg9[%dma_wait3A_2003] : memref<51200xf32, #tpu.memory_space<vmem>> -> memref<1024xf32, #tpu.memory_space<vmem>>
        tpu.wait_dma2 semaphore(%arg14 : memref<!tpu.dma_semaphore, #tpu.memory_space<semaphore_mem>>) src(%dma_wait3A_2004 : memref<1024xf32, #tpu.memory_space<vmem>>) dst(%dma_wait3A_2002 : memref<1024xf32, #tpu.memory_space<hbm>>)
        %dma_wait3A_2005 = arith.constant 0 : i32
        %dma_wait3A_2006 = arith.constant 0 : i32
        %dma_wait3A_2007 = arith.constant 0 : i32
        %dma_wait3A_2008 = tpu.memref_slice %arg9[%dma_wait3A_2007] : memref<51200xf32, #tpu.memory_space<vmem>> -> memref<1024xf32, #tpu.memory_space<vmem>>
        %dma_wait3A_2009 = arith.constant 0 : i32
        %dma_wait3A_2010 = tpu.memref_slice %arg4[%dma_wait3A_2005, %dma_wait3A_2006, %dma_wait3A_2009] : memref<50x200x16384xf32, #tpu.memory_space<hbm>> -> memref<1x1x1024xf32, #tpu.memory_space<hbm>>
        %dma_wait3A_2011 = tpu.memref_squeeze %dma_wait3A_2010 : memref<1x1x1024xf32, #tpu.memory_space<hbm>> -> memref<1024xf32, #tpu.memory_space<hbm>>
        %dma_wait3A_2012 = arith.constant 0 : i32
        %dma_wait3A_2013 = tpu.memref_slice %arg4[%dma_wait3A_2005, %dma_wait3A_2006, %dma_wait3A_2012] : memref<50x200x16384xf32, #tpu.memory_space<hbm>> -> memref<1x1x1024xf32, #tpu.memory_space<hbm>>
        %dma_wait3A_2014 = tpu.memref_squeeze %dma_wait3A_2013 : memref<1x1x1024xf32, #tpu.memory_space<hbm>> -> memref<1024xf32, #tpu.memory_space<hbm>>
        %dma_wait3A_2015 = arith.constant 0 : i32
        %dma_wait3A_2016 = tpu.memref_slice %arg9[%dma_wait3A_2015] : memref<51200xf32, #tpu.memory_space<vmem>> -> memref<1024xf32, #tpu.memory_space<vmem>>
        tpu.wait_dma2 semaphore(%arg14 : memref<!tpu.dma_semaphore, #tpu.memory_space<semaphore_mem>>) src(%dma_wait3A_2016 : memref<1024xf32, #tpu.memory_space<vmem>>) dst(%dma_wait3A_2014 : memref<1024xf32, #tpu.memory_space<hbm>>)
        %dma_wait3A_2017 = arith.constant 0 : i32
        %dma_wait3A_2018 = arith.constant 0 : i32
        %dma_wait3A_2019 = arith.constant 0 : i32
        %dma_wait3A_2020 = tpu.memref_slice %arg9[%dma_wait3A_2019] : memref<51200xf32, #tpu.memory_space<vmem>> -> memref<1024xf32, #tpu.memory_space<vmem>>
        %dma_wait3A_2021 = arith.constant 0 : i32
        %dma_wait3A_2022 = tpu.memref_slice %arg4[%dma_wait3A_2017, %dma_wait3A_2018, %dma_wait3A_2021] : memref<50x200x16384xf32, #tpu.memory_space<hbm>> -> memref<1x1x1024xf32, #tpu.memory_space<hbm>>
        %dma_wait3A_2023 = tpu.memref_squeeze %dma_wait3A_2022 : memref<1x1x1024xf32, #tpu.memory_space<hbm>> -> memref<1024xf32, #tpu.memory_space<hbm>>
        %dma_wait3A_2024 = arith.constant 0 : i32
        %dma_wait3A_2025 = tpu.memref_slice %arg4[%dma_wait3A_2017, %dma_wait3A_2018, %dma_wait3A_2024] : memref<50x200x16384xf32, #tpu.memory_space<hbm>> -> memref<1x1x1024xf32, #tpu.memory_space<hbm>>
        %dma_wait3A_2026 = tpu.memref_squeeze %dma_wait3A_2025 : memref<1x1x1024xf32, #tpu.memory_space<hbm>> -> memref<1024xf32, #tpu.memory_space<hbm>>
        %dma_wait3A_2027 = arith.constant 0 : i32
        %dma_wait3A_2028 = tpu.memref_slice %arg9[%dma_wait3A_2027] : memref<51200xf32, #tpu.memory_space<vmem>> -> memref<1024xf32, #tpu.memory_space<vmem>>
        tpu.wait_dma2 semaphore(%arg14 : memref<!tpu.dma_semaphore, #tpu.memory_space<semaphore_mem>>) src(%dma_wait3A_2028 : memref<1024xf32, #tpu.memory_space<vmem>>) dst(%dma_wait3A_2026 : memref<1024xf32, #tpu.memory_space<hbm>>)
        %dma_wait3A_2029 = arith.constant 0 : i32
        %dma_wait3A_2030 = arith.constant 0 : i32
        %dma_wait3A_2031 = arith.constant 0 : i32
        %dma_wait3A_2032 = tpu.memref_slice %arg9[%dma_wait3A_2031] : memref<51200xf32, #tpu.memory_space<vmem>> -> memref<1024xf32, #tpu.memory_space<vmem>>
        %dma_wait3A_2033 = arith.constant 0 : i32
        %dma_wait3A_2034 = tpu.memref_slice %arg4[%dma_wait3A_2029, %dma_wait3A_2030, %dma_wait3A_2033] : memref<50x200x16384xf32, #tpu.memory_space<hbm>> -> memref<1x1x1024xf32, #tpu.memory_space<hbm>>
        %dma_wait3A_2035 = tpu.memref_squeeze %dma_wait3A_2034 : memref<1x1x1024xf32, #tpu.memory_space<hbm>> -> memref<1024xf32, #tpu.memory_space<hbm>>
        %dma_wait3A_2036 = arith.constant 0 : i32
        %dma_wait3A_2037 = tpu.memref_slice %arg4[%dma_wait3A_2029, %dma_wait3A_2030, %dma_wait3A_2036] : memref<50x200x16384xf32, #tpu.memory_space<hbm>> -> memref<1x1x1024xf32, #tpu.memory_space<hbm>>
        %dma_wait3A_2038 = tpu.memref_squeeze %dma_wait3A_2037 : memref<1x1x1024xf32, #tpu.memory_space<hbm>> -> memref<1024xf32, #tpu.memory_space<hbm>>
        %dma_wait3A_2039 = arith.constant 0 : i32
        %dma_wait3A_2040 = tpu.memref_slice %arg9[%dma_wait3A_2039] : memref<51200xf32, #tpu.memory_space<vmem>> -> memref<1024xf32, #tpu.memory_space<vmem>>
        tpu.wait_dma2 semaphore(%arg14 : memref<!tpu.dma_semaphore, #tpu.memory_space<semaphore_mem>>) src(%dma_wait3A_2040 : memref<1024xf32, #tpu.memory_space<vmem>>) dst(%dma_wait3A_2038 : memref<1024xf32, #tpu.memory_space<hbm>>)
        %dma_wait3A_2041 = arith.constant 0 : i32
        %dma_wait3A_2042 = arith.constant 0 : i32
        %dma_wait3A_2043 = arith.constant 0 : i32
        %dma_wait3A_2044 = tpu.memref_slice %arg9[%dma_wait3A_2043] : memref<51200xf32, #tpu.memory_space<vmem>> -> memref<1024xf32, #tpu.memory_space<vmem>>
        %dma_wait3A_2045 = arith.constant 0 : i32
        %dma_wait3A_2046 = tpu.memref_slice %arg4[%dma_wait3A_2041, %dma_wait3A_2042, %dma_wait3A_2045] : memref<50x200x16384xf32, #tpu.memory_space<hbm>> -> memref<1x1x1024xf32, #tpu.memory_space<hbm>>
        %dma_wait3A_2047 = tpu.memref_squeeze %dma_wait3A_2046 : memref<1x1x1024xf32, #tpu.memory_space<hbm>> -> memref<1024xf32, #tpu.memory_space<hbm>>
        %dma_wait3A_2048 = arith.constant 0 : i32
        %dma_wait3A_2049 = tpu.memref_slice %arg4[%dma_wait3A_2041, %dma_wait3A_2042, %dma_wait3A_2048] : memref<50x200x16384xf32, #tpu.memory_space<hbm>> -> memref<1x1x1024xf32, #tpu.memory_space<hbm>>
        %dma_wait3A_2050 = tpu.memref_squeeze %dma_wait3A_2049 : memref<1x1x1024xf32, #tpu.memory_space<hbm>> -> memref<1024xf32, #tpu.memory_space<hbm>>
        %dma_wait3A_2051 = arith.constant 0 : i32
        %dma_wait3A_2052 = tpu.memref_slice %arg9[%dma_wait3A_2051] : memref<51200xf32, #tpu.memory_space<vmem>> -> memref<1024xf32, #tpu.memory_space<vmem>>
        tpu.wait_dma2 semaphore(%arg14 : memref<!tpu.dma_semaphore, #tpu.memory_space<semaphore_mem>>) src(%dma_wait3A_2052 : memref<1024xf32, #tpu.memory_space<vmem>>) dst(%dma_wait3A_2050 : memref<1024xf32, #tpu.memory_space<hbm>>)
        %dma_wait3A_2053 = arith.constant 0 : i32
        %dma_wait3A_2054 = arith.constant 0 : i32
        %dma_wait3A_2055 = arith.constant 0 : i32
        %dma_wait3A_2056 = tpu.memref_slice %arg9[%dma_wait3A_2055] : memref<51200xf32, #tpu.memory_space<vmem>> -> memref<1024xf32, #tpu.memory_space<vmem>>
        %dma_wait3A_2057 = arith.constant 0 : i32
        %dma_wait3A_2058 = tpu.memref_slice %arg4[%dma_wait3A_2053, %dma_wait3A_2054, %dma_wait3A_2057] : memref<50x200x16384xf32, #tpu.memory_space<hbm>> -> memref<1x1x1024xf32, #tpu.memory_space<hbm>>
        %dma_wait3A_2059 = tpu.memref_squeeze %dma_wait3A_2058 : memref<1x1x1024xf32, #tpu.memory_space<hbm>> -> memref<1024xf32, #tpu.memory_space<hbm>>
        %dma_wait3A_2060 = arith.constant 0 : i32
        %dma_wait3A_2061 = tpu.memref_slice %arg4[%dma_wait3A_2053, %dma_wait3A_2054, %dma_wait3A_2060] : memref<50x200x16384xf32, #tpu.memory_space<hbm>> -> memref<1x1x1024xf32, #tpu.memory_space<hbm>>
        %dma_wait3A_2062 = tpu.memref_squeeze %dma_wait3A_2061 : memref<1x1x1024xf32, #tpu.memory_space<hbm>> -> memref<1024xf32, #tpu.memory_space<hbm>>
        %dma_wait3A_2063 = arith.constant 0 : i32
        %dma_wait3A_2064 = tpu.memref_slice %arg9[%dma_wait3A_2063] : memref<51200xf32, #tpu.memory_space<vmem>> -> memref<1024xf32, #tpu.memory_space<vmem>>
        tpu.wait_dma2 semaphore(%arg14 : memref<!tpu.dma_semaphore, #tpu.memory_space<semaphore_mem>>) src(%dma_wait3A_2064 : memref<1024xf32, #tpu.memory_space<vmem>>) dst(%dma_wait3A_2062 : memref<1024xf32, #tpu.memory_space<hbm>>)
        %dma_wait3A_2065 = arith.constant 0 : i32
        %dma_wait3A_2066 = arith.constant 0 : i32
        %dma_wait3A_2067 = arith.constant 0 : i32
        %dma_wait3A_2068 = tpu.memref_slice %arg9[%dma_wait3A_2067] : memref<51200xf32, #tpu.memory_space<vmem>> -> memref<1024xf32, #tpu.memory_space<vmem>>
        %dma_wait3A_2069 = arith.constant 0 : i32
        %dma_wait3A_2070 = tpu.memref_slice %arg4[%dma_wait3A_2065, %dma_wait3A_2066, %dma_wait3A_2069] : memref<50x200x16384xf32, #tpu.memory_space<hbm>> -> memref<1x1x1024xf32, #tpu.memory_space<hbm>>
        %dma_wait3A_2071 = tpu.memref_squeeze %dma_wait3A_2070 : memref<1x1x1024xf32, #tpu.memory_space<hbm>> -> memref<1024xf32, #tpu.memory_space<hbm>>
        %dma_wait3A_2072 = arith.constant 0 : i32
        %dma_wait3A_2073 = tpu.memref_slice %arg4[%dma_wait3A_2065, %dma_wait3A_2066, %dma_wait3A_2072] : memref<50x200x16384xf32, #tpu.memory_space<hbm>> -> memref<1x1x1024xf32, #tpu.memory_space<hbm>>
        %dma_wait3A_2074 = tpu.memref_squeeze %dma_wait3A_2073 : memref<1x1x1024xf32, #tpu.memory_space<hbm>> -> memref<1024xf32, #tpu.memory_space<hbm>>
        %dma_wait3A_2075 = arith.constant 0 : i32
        %dma_wait3A_2076 = tpu.memref_slice %arg9[%dma_wait3A_2075] : memref<51200xf32, #tpu.memory_space<vmem>> -> memref<1024xf32, #tpu.memory_space<vmem>>
        tpu.wait_dma2 semaphore(%arg14 : memref<!tpu.dma_semaphore, #tpu.memory_space<semaphore_mem>>) src(%dma_wait3A_2076 : memref<1024xf32, #tpu.memory_space<vmem>>) dst(%dma_wait3A_2074 : memref<1024xf32, #tpu.memory_space<hbm>>)
        %dma_wait3A_2077 = arith.constant 0 : i32
        %dma_wait3A_2078 = arith.constant 0 : i32
        %dma_wait3A_2079 = arith.constant 0 : i32
        %dma_wait3A_2080 = tpu.memref_slice %arg9[%dma_wait3A_2079] : memref<51200xf32, #tpu.memory_space<vmem>> -> memref<1024xf32, #tpu.memory_space<vmem>>
        %dma_wait3A_2081 = arith.constant 0 : i32
        %dma_wait3A_2082 = tpu.memref_slice %arg4[%dma_wait3A_2077, %dma_wait3A_2078, %dma_wait3A_2081] : memref<50x200x16384xf32, #tpu.memory_space<hbm>> -> memref<1x1x1024xf32, #tpu.memory_space<hbm>>
        %dma_wait3A_2083 = tpu.memref_squeeze %dma_wait3A_2082 : memref<1x1x1024xf32, #tpu.memory_space<hbm>> -> memref<1024xf32, #tpu.memory_space<hbm>>
        %dma_wait3A_2084 = arith.constant 0 : i32
        %dma_wait3A_2085 = tpu.memref_slice %arg4[%dma_wait3A_2077, %dma_wait3A_2078, %dma_wait3A_2084] : memref<50x200x16384xf32, #tpu.memory_space<hbm>> -> memref<1x1x1024xf32, #tpu.memory_space<hbm>>
        %dma_wait3A_2086 = tpu.memref_squeeze %dma_wait3A_2085 : memref<1x1x1024xf32, #tpu.memory_space<hbm>> -> memref<1024xf32, #tpu.memory_space<hbm>>
        %dma_wait3A_2087 = arith.constant 0 : i32
        %dma_wait3A_2088 = tpu.memref_slice %arg9[%dma_wait3A_2087] : memref<51200xf32, #tpu.memory_space<vmem>> -> memref<1024xf32, #tpu.memory_space<vmem>>
        tpu.wait_dma2 semaphore(%arg14 : memref<!tpu.dma_semaphore, #tpu.memory_space<semaphore_mem>>) src(%dma_wait3A_2088 : memref<1024xf32, #tpu.memory_space<vmem>>) dst(%dma_wait3A_2086 : memref<1024xf32, #tpu.memory_space<hbm>>)
        %dma_wait3A_2089 = arith.constant 0 : i32
        %dma_wait3A_2090 = arith.constant 0 : i32
        %dma_wait3A_2091 = arith.constant 0 : i32
        %dma_wait3A_2092 = tpu.memref_slice %arg9[%dma_wait3A_2091] : memref<51200xf32, #tpu.memory_space<vmem>> -> memref<1024xf32, #tpu.memory_space<vmem>>
        %dma_wait3A_2093 = arith.constant 0 : i32
        %dma_wait3A_2094 = tpu.memref_slice %arg4[%dma_wait3A_2089, %dma_wait3A_2090, %dma_wait3A_2093] : memref<50x200x16384xf32, #tpu.memory_space<hbm>> -> memref<1x1x1024xf32, #tpu.memory_space<hbm>>
        %dma_wait3A_2095 = tpu.memref_squeeze %dma_wait3A_2094 : memref<1x1x1024xf32, #tpu.memory_space<hbm>> -> memref<1024xf32, #tpu.memory_space<hbm>>
        %dma_wait3A_2096 = arith.constant 0 : i32
        %dma_wait3A_2097 = tpu.memref_slice %arg4[%dma_wait3A_2089, %dma_wait3A_2090, %dma_wait3A_2096] : memref<50x200x16384xf32, #tpu.memory_space<hbm>> -> memref<1x1x1024xf32, #tpu.memory_space<hbm>>
        %dma_wait3A_2098 = tpu.memref_squeeze %dma_wait3A_2097 : memref<1x1x1024xf32, #tpu.memory_space<hbm>> -> memref<1024xf32, #tpu.memory_space<hbm>>
        %dma_wait3A_2099 = arith.constant 0 : i32
        %dma_wait3A_2100 = tpu.memref_slice %arg9[%dma_wait3A_2099] : memref<51200xf32, #tpu.memory_space<vmem>> -> memref<1024xf32, #tpu.memory_space<vmem>>
        tpu.wait_dma2 semaphore(%arg14 : memref<!tpu.dma_semaphore, #tpu.memory_space<semaphore_mem>>) src(%dma_wait3A_2100 : memref<1024xf32, #tpu.memory_space<vmem>>) dst(%dma_wait3A_2098 : memref<1024xf32, #tpu.memory_space<hbm>>)
        %dma_wait3A_2101 = arith.constant 0 : i32
        %dma_wait3A_2102 = arith.constant 0 : i32
        %dma_wait3A_2103 = arith.constant 0 : i32
        %dma_wait3A_2104 = tpu.memref_slice %arg9[%dma_wait3A_2103] : memref<51200xf32, #tpu.memory_space<vmem>> -> memref<1024xf32, #tpu.memory_space<vmem>>
        %dma_wait3A_2105 = arith.constant 0 : i32
        %dma_wait3A_2106 = tpu.memref_slice %arg4[%dma_wait3A_2101, %dma_wait3A_2102, %dma_wait3A_2105] : memref<50x200x16384xf32, #tpu.memory_space<hbm>> -> memref<1x1x1024xf32, #tpu.memory_space<hbm>>
        %dma_wait3A_2107 = tpu.memref_squeeze %dma_wait3A_2106 : memref<1x1x1024xf32, #tpu.memory_space<hbm>> -> memref<1024xf32, #tpu.memory_space<hbm>>
        %dma_wait3A_2108 = arith.constant 0 : i32
        %dma_wait3A_2109 = tpu.memref_slice %arg4[%dma_wait3A_2101, %dma_wait3A_2102, %dma_wait3A_2108] : memref<50x200x16384xf32, #tpu.memory_space<hbm>> -> memref<1x1x1024xf32, #tpu.memory_space<hbm>>
        %dma_wait3A_2110 = tpu.memref_squeeze %dma_wait3A_2109 : memref<1x1x1024xf32, #tpu.memory_space<hbm>> -> memref<1024xf32, #tpu.memory_space<hbm>>
        %dma_wait3A_2111 = arith.constant 0 : i32
        %dma_wait3A_2112 = tpu.memref_slice %arg9[%dma_wait3A_2111] : memref<51200xf32, #tpu.memory_space<vmem>> -> memref<1024xf32, #tpu.memory_space<vmem>>
        tpu.wait_dma2 semaphore(%arg14 : memref<!tpu.dma_semaphore, #tpu.memory_space<semaphore_mem>>) src(%dma_wait3A_2112 : memref<1024xf32, #tpu.memory_space<vmem>>) dst(%dma_wait3A_2110 : memref<1024xf32, #tpu.memory_space<hbm>>)
        %dma_wait3A_2113 = arith.constant 0 : i32
        %dma_wait3A_2114 = arith.constant 0 : i32
        %dma_wait3A_2115 = arith.constant 0 : i32
        %dma_wait3A_2116 = tpu.memref_slice %arg9[%dma_wait3A_2115] : memref<51200xf32, #tpu.memory_space<vmem>> -> memref<1024xf32, #tpu.memory_space<vmem>>
        %dma_wait3A_2117 = arith.constant 0 : i32
        %dma_wait3A_2118 = tpu.memref_slice %arg4[%dma_wait3A_2113, %dma_wait3A_2114, %dma_wait3A_2117] : memref<50x200x16384xf32, #tpu.memory_space<hbm>> -> memref<1x1x1024xf32, #tpu.memory_space<hbm>>
        %dma_wait3A_2119 = tpu.memref_squeeze %dma_wait3A_2118 : memref<1x1x1024xf32, #tpu.memory_space<hbm>> -> memref<1024xf32, #tpu.memory_space<hbm>>
        %dma_wait3A_2120 = arith.constant 0 : i32
        %dma_wait3A_2121 = tpu.memref_slice %arg4[%dma_wait3A_2113, %dma_wait3A_2114, %dma_wait3A_2120] : memref<50x200x16384xf32, #tpu.memory_space<hbm>> -> memref<1x1x1024xf32, #tpu.memory_space<hbm>>
        %dma_wait3A_2122 = tpu.memref_squeeze %dma_wait3A_2121 : memref<1x1x1024xf32, #tpu.memory_space<hbm>> -> memref<1024xf32, #tpu.memory_space<hbm>>
        %dma_wait3A_2123 = arith.constant 0 : i32
        %dma_wait3A_2124 = tpu.memref_slice %arg9[%dma_wait3A_2123] : memref<51200xf32, #tpu.memory_space<vmem>> -> memref<1024xf32, #tpu.memory_space<vmem>>
        tpu.wait_dma2 semaphore(%arg14 : memref<!tpu.dma_semaphore, #tpu.memory_space<semaphore_mem>>) src(%dma_wait3A_2124 : memref<1024xf32, #tpu.memory_space<vmem>>) dst(%dma_wait3A_2122 : memref<1024xf32, #tpu.memory_space<hbm>>)
        %dma_wait3A_2125 = arith.constant 0 : i32
        %dma_wait3A_2126 = arith.constant 0 : i32
        %dma_wait3A_2127 = arith.constant 0 : i32
        %dma_wait3A_2128 = tpu.memref_slice %arg9[%dma_wait3A_2127] : memref<51200xf32, #tpu.memory_space<vmem>> -> memref<1024xf32, #tpu.memory_space<vmem>>
        %dma_wait3A_2129 = arith.constant 0 : i32
        %dma_wait3A_2130 = tpu.memref_slice %arg4[%dma_wait3A_2125, %dma_wait3A_2126, %dma_wait3A_2129] : memref<50x200x16384xf32, #tpu.memory_space<hbm>> -> memref<1x1x1024xf32, #tpu.memory_space<hbm>>
        %dma_wait3A_2131 = tpu.memref_squeeze %dma_wait3A_2130 : memref<1x1x1024xf32, #tpu.memory_space<hbm>> -> memref<1024xf32, #tpu.memory_space<hbm>>
        %dma_wait3A_2132 = arith.constant 0 : i32
        %dma_wait3A_2133 = tpu.memref_slice %arg4[%dma_wait3A_2125, %dma_wait3A_2126, %dma_wait3A_2132] : memref<50x200x16384xf32, #tpu.memory_space<hbm>> -> memref<1x1x1024xf32, #tpu.memory_space<hbm>>
        %dma_wait3A_2134 = tpu.memref_squeeze %dma_wait3A_2133 : memref<1x1x1024xf32, #tpu.memory_space<hbm>> -> memref<1024xf32, #tpu.memory_space<hbm>>
        %dma_wait3A_2135 = arith.constant 0 : i32
        %dma_wait3A_2136 = tpu.memref_slice %arg9[%dma_wait3A_2135] : memref<51200xf32, #tpu.memory_space<vmem>> -> memref<1024xf32, #tpu.memory_space<vmem>>
        tpu.wait_dma2 semaphore(%arg14 : memref<!tpu.dma_semaphore, #tpu.memory_space<semaphore_mem>>) src(%dma_wait3A_2136 : memref<1024xf32, #tpu.memory_space<vmem>>) dst(%dma_wait3A_2134 : memref<1024xf32, #tpu.memory_space<hbm>>)
        %dma_wait3A_2137 = arith.constant 0 : i32
        %dma_wait3A_2138 = arith.constant 0 : i32
        %dma_wait3A_2139 = arith.constant 0 : i32
        %dma_wait3A_2140 = tpu.memref_slice %arg9[%dma_wait3A_2139] : memref<51200xf32, #tpu.memory_space<vmem>> -> memref<1024xf32, #tpu.memory_space<vmem>>
        %dma_wait3A_2141 = arith.constant 0 : i32
        %dma_wait3A_2142 = tpu.memref_slice %arg4[%dma_wait3A_2137, %dma_wait3A_2138, %dma_wait3A_2141] : memref<50x200x16384xf32, #tpu.memory_space<hbm>> -> memref<1x1x1024xf32, #tpu.memory_space<hbm>>
        %dma_wait3A_2143 = tpu.memref_squeeze %dma_wait3A_2142 : memref<1x1x1024xf32, #tpu.memory_space<hbm>> -> memref<1024xf32, #tpu.memory_space<hbm>>
        %dma_wait3A_2144 = arith.constant 0 : i32
        %dma_wait3A_2145 = tpu.memref_slice %arg4[%dma_wait3A_2137, %dma_wait3A_2138, %dma_wait3A_2144] : memref<50x200x16384xf32, #tpu.memory_space<hbm>> -> memref<1x1x1024xf32, #tpu.memory_space<hbm>>
        %dma_wait3A_2146 = tpu.memref_squeeze %dma_wait3A_2145 : memref<1x1x1024xf32, #tpu.memory_space<hbm>> -> memref<1024xf32, #tpu.memory_space<hbm>>
        %dma_wait3A_2147 = arith.constant 0 : i32
        %dma_wait3A_2148 = tpu.memref_slice %arg9[%dma_wait3A_2147] : memref<51200xf32, #tpu.memory_space<vmem>> -> memref<1024xf32, #tpu.memory_space<vmem>>
        tpu.wait_dma2 semaphore(%arg14 : memref<!tpu.dma_semaphore, #tpu.memory_space<semaphore_mem>>) src(%dma_wait3A_2148 : memref<1024xf32, #tpu.memory_space<vmem>>) dst(%dma_wait3A_2146 : memref<1024xf32, #tpu.memory_space<hbm>>)
        %dma_wait3A_2149 = arith.constant 0 : i32
        %dma_wait3A_2150 = arith.constant 0 : i32
        %dma_wait3A_2151 = arith.constant 0 : i32
        %dma_wait3A_2152 = tpu.memref_slice %arg9[%dma_wait3A_2151] : memref<51200xf32, #tpu.memory_space<vmem>> -> memref<1024xf32, #tpu.memory_space<vmem>>
        %dma_wait3A_2153 = arith.constant 0 : i32
        %dma_wait3A_2154 = tpu.memref_slice %arg4[%dma_wait3A_2149, %dma_wait3A_2150, %dma_wait3A_2153] : memref<50x200x16384xf32, #tpu.memory_space<hbm>> -> memref<1x1x1024xf32, #tpu.memory_space<hbm>>
        %dma_wait3A_2155 = tpu.memref_squeeze %dma_wait3A_2154 : memref<1x1x1024xf32, #tpu.memory_space<hbm>> -> memref<1024xf32, #tpu.memory_space<hbm>>
        %dma_wait3A_2156 = arith.constant 0 : i32
        %dma_wait3A_2157 = tpu.memref_slice %arg4[%dma_wait3A_2149, %dma_wait3A_2150, %dma_wait3A_2156] : memref<50x200x16384xf32, #tpu.memory_space<hbm>> -> memref<1x1x1024xf32, #tpu.memory_space<hbm>>
        %dma_wait3A_2158 = tpu.memref_squeeze %dma_wait3A_2157 : memref<1x1x1024xf32, #tpu.memory_space<hbm>> -> memref<1024xf32, #tpu.memory_space<hbm>>
        %dma_wait3A_2159 = arith.constant 0 : i32
        %dma_wait3A_2160 = tpu.memref_slice %arg9[%dma_wait3A_2159] : memref<51200xf32, #tpu.memory_space<vmem>> -> memref<1024xf32, #tpu.memory_space<vmem>>
        tpu.wait_dma2 semaphore(%arg14 : memref<!tpu.dma_semaphore, #tpu.memory_space<semaphore_mem>>) src(%dma_wait3A_2160 : memref<1024xf32, #tpu.memory_space<vmem>>) dst(%dma_wait3A_2158 : memref<1024xf32, #tpu.memory_space<hbm>>)
        %dma_wait3A_2161 = arith.constant 0 : i32
        %dma_wait3A_2162 = arith.constant 0 : i32
        %dma_wait3A_2163 = arith.constant 0 : i32
        %dma_wait3A_2164 = tpu.memref_slice %arg9[%dma_wait3A_2163] : memref<51200xf32, #tpu.memory_space<vmem>> -> memref<1024xf32, #tpu.memory_space<vmem>>
        %dma_wait3A_2165 = arith.constant 0 : i32
        %dma_wait3A_2166 = tpu.memref_slice %arg4[%dma_wait3A_2161, %dma_wait3A_2162, %dma_wait3A_2165] : memref<50x200x16384xf32, #tpu.memory_space<hbm>> -> memref<1x1x1024xf32, #tpu.memory_space<hbm>>
        %dma_wait3A_2167 = tpu.memref_squeeze %dma_wait3A_2166 : memref<1x1x1024xf32, #tpu.memory_space<hbm>> -> memref<1024xf32, #tpu.memory_space<hbm>>
        %dma_wait3A_2168 = arith.constant 0 : i32
        %dma_wait3A_2169 = tpu.memref_slice %arg4[%dma_wait3A_2161, %dma_wait3A_2162, %dma_wait3A_2168] : memref<50x200x16384xf32, #tpu.memory_space<hbm>> -> memref<1x1x1024xf32, #tpu.memory_space<hbm>>
        %dma_wait3A_2170 = tpu.memref_squeeze %dma_wait3A_2169 : memref<1x1x1024xf32, #tpu.memory_space<hbm>> -> memref<1024xf32, #tpu.memory_space<hbm>>
        %dma_wait3A_2171 = arith.constant 0 : i32
        %dma_wait3A_2172 = tpu.memref_slice %arg9[%dma_wait3A_2171] : memref<51200xf32, #tpu.memory_space<vmem>> -> memref<1024xf32, #tpu.memory_space<vmem>>
        tpu.wait_dma2 semaphore(%arg14 : memref<!tpu.dma_semaphore, #tpu.memory_space<semaphore_mem>>) src(%dma_wait3A_2172 : memref<1024xf32, #tpu.memory_space<vmem>>) dst(%dma_wait3A_2170 : memref<1024xf32, #tpu.memory_space<hbm>>)
        %dma_wait3A_2173 = arith.constant 0 : i32
        %dma_wait3A_2174 = arith.constant 0 : i32
        %dma_wait3A_2175 = arith.constant 0 : i32
        %dma_wait3A_2176 = tpu.memref_slice %arg9[%dma_wait3A_2175] : memref<51200xf32, #tpu.memory_space<vmem>> -> memref<1024xf32, #tpu.memory_space<vmem>>
        %dma_wait3A_2177 = arith.constant 0 : i32
        %dma_wait3A_2178 = tpu.memref_slice %arg4[%dma_wait3A_2173, %dma_wait3A_2174, %dma_wait3A_2177] : memref<50x200x16384xf32, #tpu.memory_space<hbm>> -> memref<1x1x1024xf32, #tpu.memory_space<hbm>>
        %dma_wait3A_2179 = tpu.memref_squeeze %dma_wait3A_2178 : memref<1x1x1024xf32, #tpu.memory_space<hbm>> -> memref<1024xf32, #tpu.memory_space<hbm>>
        %dma_wait3A_2180 = arith.constant 0 : i32
        %dma_wait3A_2181 = tpu.memref_slice %arg4[%dma_wait3A_2173, %dma_wait3A_2174, %dma_wait3A_2180] : memref<50x200x16384xf32, #tpu.memory_space<hbm>> -> memref<1x1x1024xf32, #tpu.memory_space<hbm>>
        %dma_wait3A_2182 = tpu.memref_squeeze %dma_wait3A_2181 : memref<1x1x1024xf32, #tpu.memory_space<hbm>> -> memref<1024xf32, #tpu.memory_space<hbm>>
        %dma_wait3A_2183 = arith.constant 0 : i32
        %dma_wait3A_2184 = tpu.memref_slice %arg9[%dma_wait3A_2183] : memref<51200xf32, #tpu.memory_space<vmem>> -> memref<1024xf32, #tpu.memory_space<vmem>>
        tpu.wait_dma2 semaphore(%arg14 : memref<!tpu.dma_semaphore, #tpu.memory_space<semaphore_mem>>) src(%dma_wait3A_2184 : memref<1024xf32, #tpu.memory_space<vmem>>) dst(%dma_wait3A_2182 : memref<1024xf32, #tpu.memory_space<hbm>>)
        %dma_wait3A_2185 = arith.constant 0 : i32
        %dma_wait3A_2186 = arith.constant 0 : i32
        %dma_wait3A_2187 = arith.constant 0 : i32
        %dma_wait3A_2188 = tpu.memref_slice %arg9[%dma_wait3A_2187] : memref<51200xf32, #tpu.memory_space<vmem>> -> memref<1024xf32, #tpu.memory_space<vmem>>
        %dma_wait3A_2189 = arith.constant 0 : i32
        %dma_wait3A_2190 = tpu.memref_slice %arg4[%dma_wait3A_2185, %dma_wait3A_2186, %dma_wait3A_2189] : memref<50x200x16384xf32, #tpu.memory_space<hbm>> -> memref<1x1x1024xf32, #tpu.memory_space<hbm>>
        %dma_wait3A_2191 = tpu.memref_squeeze %dma_wait3A_2190 : memref<1x1x1024xf32, #tpu.memory_space<hbm>> -> memref<1024xf32, #tpu.memory_space<hbm>>
        %dma_wait3A_2192 = arith.constant 0 : i32
        %dma_wait3A_2193 = tpu.memref_slice %arg4[%dma_wait3A_2185, %dma_wait3A_2186, %dma_wait3A_2192] : memref<50x200x16384xf32, #tpu.memory_space<hbm>> -> memref<1x1x1024xf32, #tpu.memory_space<hbm>>
        %dma_wait3A_2194 = tpu.memref_squeeze %dma_wait3A_2193 : memref<1x1x1024xf32, #tpu.memory_space<hbm>> -> memref<1024xf32, #tpu.memory_space<hbm>>
        %dma_wait3A_2195 = arith.constant 0 : i32
        %dma_wait3A_2196 = tpu.memref_slice %arg9[%dma_wait3A_2195] : memref<51200xf32, #tpu.memory_space<vmem>> -> memref<1024xf32, #tpu.memory_space<vmem>>
        tpu.wait_dma2 semaphore(%arg14 : memref<!tpu.dma_semaphore, #tpu.memory_space<semaphore_mem>>) src(%dma_wait3A_2196 : memref<1024xf32, #tpu.memory_space<vmem>>) dst(%dma_wait3A_2194 : memref<1024xf32, #tpu.memory_space<hbm>>)
        %dma_wait3A_2197 = arith.constant 0 : i32
        %dma_wait3A_2198 = arith.constant 0 : i32
        %dma_wait3A_2199 = arith.constant 0 : i32
        %dma_wait3A_2200 = tpu.memref_slice %arg9[%dma_wait3A_2199] : memref<51200xf32, #tpu.memory_space<vmem>> -> memref<1024xf32, #tpu.memory_space<vmem>>
        %dma_wait3A_2201 = arith.constant 0 : i32
        %dma_wait3A_2202 = tpu.memref_slice %arg4[%dma_wait3A_2197, %dma_wait3A_2198, %dma_wait3A_2201] : memref<50x200x16384xf32, #tpu.memory_space<hbm>> -> memref<1x1x1024xf32, #tpu.memory_space<hbm>>
        %dma_wait3A_2203 = tpu.memref_squeeze %dma_wait3A_2202 : memref<1x1x1024xf32, #tpu.memory_space<hbm>> -> memref<1024xf32, #tpu.memory_space<hbm>>
        %dma_wait3A_2204 = arith.constant 0 : i32
        %dma_wait3A_2205 = tpu.memref_slice %arg4[%dma_wait3A_2197, %dma_wait3A_2198, %dma_wait3A_2204] : memref<50x200x16384xf32, #tpu.memory_space<hbm>> -> memref<1x1x1024xf32, #tpu.memory_space<hbm>>
        %dma_wait3A_2206 = tpu.memref_squeeze %dma_wait3A_2205 : memref<1x1x1024xf32, #tpu.memory_space<hbm>> -> memref<1024xf32, #tpu.memory_space<hbm>>
        %dma_wait3A_2207 = arith.constant 0 : i32
        %dma_wait3A_2208 = tpu.memref_slice %arg9[%dma_wait3A_2207] : memref<51200xf32, #tpu.memory_space<vmem>> -> memref<1024xf32, #tpu.memory_space<vmem>>
        tpu.wait_dma2 semaphore(%arg14 : memref<!tpu.dma_semaphore, #tpu.memory_space<semaphore_mem>>) src(%dma_wait3A_2208 : memref<1024xf32, #tpu.memory_space<vmem>>) dst(%dma_wait3A_2206 : memref<1024xf32, #tpu.memory_space<hbm>>)
        %dma_wait3A_2209 = arith.constant 0 : i32
        %dma_wait3A_2210 = arith.constant 0 : i32
        %dma_wait3A_2211 = arith.constant 0 : i32
        %dma_wait3A_2212 = tpu.memref_slice %arg9[%dma_wait3A_2211] : memref<51200xf32, #tpu.memory_space<vmem>> -> memref<1024xf32, #tpu.memory_space<vmem>>
        %dma_wait3A_2213 = arith.constant 0 : i32
        %dma_wait3A_2214 = tpu.memref_slice %arg4[%dma_wait3A_2209, %dma_wait3A_2210, %dma_wait3A_2213] : memref<50x200x16384xf32, #tpu.memory_space<hbm>> -> memref<1x1x1024xf32, #tpu.memory_space<hbm>>
        %dma_wait3A_2215 = tpu.memref_squeeze %dma_wait3A_2214 : memref<1x1x1024xf32, #tpu.memory_space<hbm>> -> memref<1024xf32, #tpu.memory_space<hbm>>
        %dma_wait3A_2216 = arith.constant 0 : i32
        %dma_wait3A_2217 = tpu.memref_slice %arg4[%dma_wait3A_2209, %dma_wait3A_2210, %dma_wait3A_2216] : memref<50x200x16384xf32, #tpu.memory_space<hbm>> -> memref<1x1x1024xf32, #tpu.memory_space<hbm>>
        %dma_wait3A_2218 = tpu.memref_squeeze %dma_wait3A_2217 : memref<1x1x1024xf32, #tpu.memory_space<hbm>> -> memref<1024xf32, #tpu.memory_space<hbm>>
        %dma_wait3A_2219 = arith.constant 0 : i32
        %dma_wait3A_2220 = tpu.memref_slice %arg9[%dma_wait3A_2219] : memref<51200xf32, #tpu.memory_space<vmem>> -> memref<1024xf32, #tpu.memory_space<vmem>>
        tpu.wait_dma2 semaphore(%arg14 : memref<!tpu.dma_semaphore, #tpu.memory_space<semaphore_mem>>) src(%dma_wait3A_2220 : memref<1024xf32, #tpu.memory_space<vmem>>) dst(%dma_wait3A_2218 : memref<1024xf32, #tpu.memory_space<hbm>>)
        %dma_wait3A_2221 = arith.constant 0 : i32
        %dma_wait3A_2222 = arith.constant 0 : i32
        %dma_wait3A_2223 = arith.constant 0 : i32
        %dma_wait3A_2224 = tpu.memref_slice %arg9[%dma_wait3A_2223] : memref<51200xf32, #tpu.memory_space<vmem>> -> memref<1024xf32, #tpu.memory_space<vmem>>
        %dma_wait3A_2225 = arith.constant 0 : i32
        %dma_wait3A_2226 = tpu.memref_slice %arg4[%dma_wait3A_2221, %dma_wait3A_2222, %dma_wait3A_2225] : memref<50x200x16384xf32, #tpu.memory_space<hbm>> -> memref<1x1x1024xf32, #tpu.memory_space<hbm>>
        %dma_wait3A_2227 = tpu.memref_squeeze %dma_wait3A_2226 : memref<1x1x1024xf32, #tpu.memory_space<hbm>> -> memref<1024xf32, #tpu.memory_space<hbm>>
        %dma_wait3A_2228 = arith.constant 0 : i32
        %dma_wait3A_2229 = tpu.memref_slice %arg4[%dma_wait3A_2221, %dma_wait3A_2222, %dma_wait3A_2228] : memref<50x200x16384xf32, #tpu.memory_space<hbm>> -> memref<1x1x1024xf32, #tpu.memory_space<hbm>>
        %dma_wait3A_2230 = tpu.memref_squeeze %dma_wait3A_2229 : memref<1x1x1024xf32, #tpu.memory_space<hbm>> -> memref<1024xf32, #tpu.memory_space<hbm>>
        %dma_wait3A_2231 = arith.constant 0 : i32
        %dma_wait3A_2232 = tpu.memref_slice %arg9[%dma_wait3A_2231] : memref<51200xf32, #tpu.memory_space<vmem>> -> memref<1024xf32, #tpu.memory_space<vmem>>
        tpu.wait_dma2 semaphore(%arg14 : memref<!tpu.dma_semaphore, #tpu.memory_space<semaphore_mem>>) src(%dma_wait3A_2232 : memref<1024xf32, #tpu.memory_space<vmem>>) dst(%dma_wait3A_2230 : memref<1024xf32, #tpu.memory_space<hbm>>)
        %dma_wait3A_2233 = arith.constant 0 : i32
        %dma_wait3A_2234 = arith.constant 0 : i32
        %dma_wait3A_2235 = arith.constant 0 : i32
        %dma_wait3A_2236 = tpu.memref_slice %arg9[%dma_wait3A_2235] : memref<51200xf32, #tpu.memory_space<vmem>> -> memref<1024xf32, #tpu.memory_space<vmem>>
        %dma_wait3A_2237 = arith.constant 0 : i32
        %dma_wait3A_2238 = tpu.memref_slice %arg4[%dma_wait3A_2233, %dma_wait3A_2234, %dma_wait3A_2237] : memref<50x200x16384xf32, #tpu.memory_space<hbm>> -> memref<1x1x1024xf32, #tpu.memory_space<hbm>>
        %dma_wait3A_2239 = tpu.memref_squeeze %dma_wait3A_2238 : memref<1x1x1024xf32, #tpu.memory_space<hbm>> -> memref<1024xf32, #tpu.memory_space<hbm>>
        %dma_wait3A_2240 = arith.constant 0 : i32
        %dma_wait3A_2241 = tpu.memref_slice %arg4[%dma_wait3A_2233, %dma_wait3A_2234, %dma_wait3A_2240] : memref<50x200x16384xf32, #tpu.memory_space<hbm>> -> memref<1x1x1024xf32, #tpu.memory_space<hbm>>
        %dma_wait3A_2242 = tpu.memref_squeeze %dma_wait3A_2241 : memref<1x1x1024xf32, #tpu.memory_space<hbm>> -> memref<1024xf32, #tpu.memory_space<hbm>>
        %dma_wait3A_2243 = arith.constant 0 : i32
        %dma_wait3A_2244 = tpu.memref_slice %arg9[%dma_wait3A_2243] : memref<51200xf32, #tpu.memory_space<vmem>> -> memref<1024xf32, #tpu.memory_space<vmem>>
        tpu.wait_dma2 semaphore(%arg14 : memref<!tpu.dma_semaphore, #tpu.memory_space<semaphore_mem>>) src(%dma_wait3A_2244 : memref<1024xf32, #tpu.memory_space<vmem>>) dst(%dma_wait3A_2242 : memref<1024xf32, #tpu.memory_space<hbm>>)
        %dma_wait3A_2245 = arith.constant 0 : i32
        %dma_wait3A_2246 = arith.constant 0 : i32
        %dma_wait3A_2247 = arith.constant 0 : i32
        %dma_wait3A_2248 = tpu.memref_slice %arg9[%dma_wait3A_2247] : memref<51200xf32, #tpu.memory_space<vmem>> -> memref<1024xf32, #tpu.memory_space<vmem>>
        %dma_wait3A_2249 = arith.constant 0 : i32
        %dma_wait3A_2250 = tpu.memref_slice %arg4[%dma_wait3A_2245, %dma_wait3A_2246, %dma_wait3A_2249] : memref<50x200x16384xf32, #tpu.memory_space<hbm>> -> memref<1x1x1024xf32, #tpu.memory_space<hbm>>
        %dma_wait3A_2251 = tpu.memref_squeeze %dma_wait3A_2250 : memref<1x1x1024xf32, #tpu.memory_space<hbm>> -> memref<1024xf32, #tpu.memory_space<hbm>>
        %dma_wait3A_2252 = arith.constant 0 : i32
        %dma_wait3A_2253 = tpu.memref_slice %arg4[%dma_wait3A_2245, %dma_wait3A_2246, %dma_wait3A_2252] : memref<50x200x16384xf32, #tpu.memory_space<hbm>> -> memref<1x1x1024xf32, #tpu.memory_space<hbm>>
        %dma_wait3A_2254 = tpu.memref_squeeze %dma_wait3A_2253 : memref<1x1x1024xf32, #tpu.memory_space<hbm>> -> memref<1024xf32, #tpu.memory_space<hbm>>
        %dma_wait3A_2255 = arith.constant 0 : i32
        %dma_wait3A_2256 = tpu.memref_slice %arg9[%dma_wait3A_2255] : memref<51200xf32, #tpu.memory_space<vmem>> -> memref<1024xf32, #tpu.memory_space<vmem>>
        tpu.wait_dma2 semaphore(%arg14 : memref<!tpu.dma_semaphore, #tpu.memory_space<semaphore_mem>>) src(%dma_wait3A_2256 : memref<1024xf32, #tpu.memory_space<vmem>>) dst(%dma_wait3A_2254 : memref<1024xf32, #tpu.memory_space<hbm>>)
        %dma_wait3A_2257 = arith.constant 0 : i32
        %dma_wait3A_2258 = arith.constant 0 : i32
        %dma_wait3A_2259 = arith.constant 0 : i32
        %dma_wait3A_2260 = tpu.memref_slice %arg9[%dma_wait3A_2259] : memref<51200xf32, #tpu.memory_space<vmem>> -> memref<1024xf32, #tpu.memory_space<vmem>>
        %dma_wait3A_2261 = arith.constant 0 : i32
        %dma_wait3A_2262 = tpu.memref_slice %arg4[%dma_wait3A_2257, %dma_wait3A_2258, %dma_wait3A_2261] : memref<50x200x16384xf32, #tpu.memory_space<hbm>> -> memref<1x1x1024xf32, #tpu.memory_space<hbm>>
        %dma_wait3A_2263 = tpu.memref_squeeze %dma_wait3A_2262 : memref<1x1x1024xf32, #tpu.memory_space<hbm>> -> memref<1024xf32, #tpu.memory_space<hbm>>
        %dma_wait3A_2264 = arith.constant 0 : i32
        %dma_wait3A_2265 = tpu.memref_slice %arg4[%dma_wait3A_2257, %dma_wait3A_2258, %dma_wait3A_2264] : memref<50x200x16384xf32, #tpu.memory_space<hbm>> -> memref<1x1x1024xf32, #tpu.memory_space<hbm>>
        %dma_wait3A_2266 = tpu.memref_squeeze %dma_wait3A_2265 : memref<1x1x1024xf32, #tpu.memory_space<hbm>> -> memref<1024xf32, #tpu.memory_space<hbm>>
        %dma_wait3A_2267 = arith.constant 0 : i32
        %dma_wait3A_2268 = tpu.memref_slice %arg9[%dma_wait3A_2267] : memref<51200xf32, #tpu.memory_space<vmem>> -> memref<1024xf32, #tpu.memory_space<vmem>>
        tpu.wait_dma2 semaphore(%arg14 : memref<!tpu.dma_semaphore, #tpu.memory_space<semaphore_mem>>) src(%dma_wait3A_2268 : memref<1024xf32, #tpu.memory_space<vmem>>) dst(%dma_wait3A_2266 : memref<1024xf32, #tpu.memory_space<hbm>>)
        %dma_wait3A_2269 = arith.constant 0 : i32
        %dma_wait3A_2270 = arith.constant 0 : i32
        %dma_wait3A_2271 = arith.constant 0 : i32
        %dma_wait3A_2272 = tpu.memref_slice %arg9[%dma_wait3A_2271] : memref<51200xf32, #tpu.memory_space<vmem>> -> memref<1024xf32, #tpu.memory_space<vmem>>
        %dma_wait3A_2273 = arith.constant 0 : i32
        %dma_wait3A_2274 = tpu.memref_slice %arg4[%dma_wait3A_2269, %dma_wait3A_2270, %dma_wait3A_2273] : memref<50x200x16384xf32, #tpu.memory_space<hbm>> -> memref<1x1x1024xf32, #tpu.memory_space<hbm>>
        %dma_wait3A_2275 = tpu.memref_squeeze %dma_wait3A_2274 : memref<1x1x1024xf32, #tpu.memory_space<hbm>> -> memref<1024xf32, #tpu.memory_space<hbm>>
        %dma_wait3A_2276 = arith.constant 0 : i32
        %dma_wait3A_2277 = tpu.memref_slice %arg4[%dma_wait3A_2269, %dma_wait3A_2270, %dma_wait3A_2276] : memref<50x200x16384xf32, #tpu.memory_space<hbm>> -> memref<1x1x1024xf32, #tpu.memory_space<hbm>>
        %dma_wait3A_2278 = tpu.memref_squeeze %dma_wait3A_2277 : memref<1x1x1024xf32, #tpu.memory_space<hbm>> -> memref<1024xf32, #tpu.memory_space<hbm>>
        %dma_wait3A_2279 = arith.constant 0 : i32
        %dma_wait3A_2280 = tpu.memref_slice %arg9[%dma_wait3A_2279] : memref<51200xf32, #tpu.memory_space<vmem>> -> memref<1024xf32, #tpu.memory_space<vmem>>
        tpu.wait_dma2 semaphore(%arg14 : memref<!tpu.dma_semaphore, #tpu.memory_space<semaphore_mem>>) src(%dma_wait3A_2280 : memref<1024xf32, #tpu.memory_space<vmem>>) dst(%dma_wait3A_2278 : memref<1024xf32, #tpu.memory_space<hbm>>)
        %dma_wait3A_2281 = arith.constant 0 : i32
        %dma_wait3A_2282 = arith.constant 0 : i32
        %dma_wait3A_2283 = arith.constant 0 : i32
        %dma_wait3A_2284 = tpu.memref_slice %arg9[%dma_wait3A_2283] : memref<51200xf32, #tpu.memory_space<vmem>> -> memref<1024xf32, #tpu.memory_space<vmem>>
        %dma_wait3A_2285 = arith.constant 0 : i32
        %dma_wait3A_2286 = tpu.memref_slice %arg4[%dma_wait3A_2281, %dma_wait3A_2282, %dma_wait3A_2285] : memref<50x200x16384xf32, #tpu.memory_space<hbm>> -> memref<1x1x1024xf32, #tpu.memory_space<hbm>>
        %dma_wait3A_2287 = tpu.memref_squeeze %dma_wait3A_2286 : memref<1x1x1024xf32, #tpu.memory_space<hbm>> -> memref<1024xf32, #tpu.memory_space<hbm>>
        %dma_wait3A_2288 = arith.constant 0 : i32
        %dma_wait3A_2289 = tpu.memref_slice %arg4[%dma_wait3A_2281, %dma_wait3A_2282, %dma_wait3A_2288] : memref<50x200x16384xf32, #tpu.memory_space<hbm>> -> memref<1x1x1024xf32, #tpu.memory_space<hbm>>
        %dma_wait3A_2290 = tpu.memref_squeeze %dma_wait3A_2289 : memref<1x1x1024xf32, #tpu.memory_space<hbm>> -> memref<1024xf32, #tpu.memory_space<hbm>>
        %dma_wait3A_2291 = arith.constant 0 : i32
        %dma_wait3A_2292 = tpu.memref_slice %arg9[%dma_wait3A_2291] : memref<51200xf32, #tpu.memory_space<vmem>> -> memref<1024xf32, #tpu.memory_space<vmem>>
        tpu.wait_dma2 semaphore(%arg14 : memref<!tpu.dma_semaphore, #tpu.memory_space<semaphore_mem>>) src(%dma_wait3A_2292 : memref<1024xf32, #tpu.memory_space<vmem>>) dst(%dma_wait3A_2290 : memref<1024xf32, #tpu.memory_space<hbm>>)
        %dma_wait3A_2293 = arith.constant 0 : i32
        %dma_wait3A_2294 = arith.constant 0 : i32
        %dma_wait3A_2295 = arith.constant 0 : i32
        %dma_wait3A_2296 = tpu.memref_slice %arg9[%dma_wait3A_2295] : memref<51200xf32, #tpu.memory_space<vmem>> -> memref<1024xf32, #tpu.memory_space<vmem>>
        %dma_wait3A_2297 = arith.constant 0 : i32
        %dma_wait3A_2298 = tpu.memref_slice %arg4[%dma_wait3A_2293, %dma_wait3A_2294, %dma_wait3A_2297] : memref<50x200x16384xf32, #tpu.memory_space<hbm>> -> memref<1x1x1024xf32, #tpu.memory_space<hbm>>
        %dma_wait3A_2299 = tpu.memref_squeeze %dma_wait3A_2298 : memref<1x1x1024xf32, #tpu.memory_space<hbm>> -> memref<1024xf32, #tpu.memory_space<hbm>>
        %dma_wait3A_2300 = arith.constant 0 : i32
        %dma_wait3A_2301 = tpu.memref_slice %arg4[%dma_wait3A_2293, %dma_wait3A_2294, %dma_wait3A_2300] : memref<50x200x16384xf32, #tpu.memory_space<hbm>> -> memref<1x1x1024xf32, #tpu.memory_space<hbm>>
        %dma_wait3A_2302 = tpu.memref_squeeze %dma_wait3A_2301 : memref<1x1x1024xf32, #tpu.memory_space<hbm>> -> memref<1024xf32, #tpu.memory_space<hbm>>
        %dma_wait3A_2303 = arith.constant 0 : i32
        %dma_wait3A_2304 = tpu.memref_slice %arg9[%dma_wait3A_2303] : memref<51200xf32, #tpu.memory_space<vmem>> -> memref<1024xf32, #tpu.memory_space<vmem>>
        tpu.wait_dma2 semaphore(%arg14 : memref<!tpu.dma_semaphore, #tpu.memory_space<semaphore_mem>>) src(%dma_wait3A_2304 : memref<1024xf32, #tpu.memory_space<vmem>>) dst(%dma_wait3A_2302 : memref<1024xf32, #tpu.memory_space<hbm>>)
        %dma_wait3A_2305 = arith.constant 0 : i32
        %dma_wait3A_2306 = arith.constant 0 : i32
        %dma_wait3A_2307 = arith.constant 0 : i32
        %dma_wait3A_2308 = tpu.memref_slice %arg9[%dma_wait3A_2307] : memref<51200xf32, #tpu.memory_space<vmem>> -> memref<1024xf32, #tpu.memory_space<vmem>>
        %dma_wait3A_2309 = arith.constant 0 : i32
        %dma_wait3A_2310 = tpu.memref_slice %arg4[%dma_wait3A_2305, %dma_wait3A_2306, %dma_wait3A_2309] : memref<50x200x16384xf32, #tpu.memory_space<hbm>> -> memref<1x1x1024xf32, #tpu.memory_space<hbm>>
        %dma_wait3A_2311 = tpu.memref_squeeze %dma_wait3A_2310 : memref<1x1x1024xf32, #tpu.memory_space<hbm>> -> memref<1024xf32, #tpu.memory_space<hbm>>
        %dma_wait3A_2312 = arith.constant 0 : i32
        %dma_wait3A_2313 = tpu.memref_slice %arg4[%dma_wait3A_2305, %dma_wait3A_2306, %dma_wait3A_2312] : memref<50x200x16384xf32, #tpu.memory_space<hbm>> -> memref<1x1x1024xf32, #tpu.memory_space<hbm>>
        %dma_wait3A_2314 = tpu.memref_squeeze %dma_wait3A_2313 : memref<1x1x1024xf32, #tpu.memory_space<hbm>> -> memref<1024xf32, #tpu.memory_space<hbm>>
        %dma_wait3A_2315 = arith.constant 0 : i32
        %dma_wait3A_2316 = tpu.memref_slice %arg9[%dma_wait3A_2315] : memref<51200xf32, #tpu.memory_space<vmem>> -> memref<1024xf32, #tpu.memory_space<vmem>>
        tpu.wait_dma2 semaphore(%arg14 : memref<!tpu.dma_semaphore, #tpu.memory_space<semaphore_mem>>) src(%dma_wait3A_2316 : memref<1024xf32, #tpu.memory_space<vmem>>) dst(%dma_wait3A_2314 : memref<1024xf32, #tpu.memory_space<hbm>>)
        %dma_wait3A_2317 = arith.constant 0 : i32
        %dma_wait3A_2318 = arith.constant 0 : i32
        %dma_wait3A_2319 = arith.constant 0 : i32
        %dma_wait3A_2320 = tpu.memref_slice %arg9[%dma_wait3A_2319] : memref<51200xf32, #tpu.memory_space<vmem>> -> memref<1024xf32, #tpu.memory_space<vmem>>
        %dma_wait3A_2321 = arith.constant 0 : i32
        %dma_wait3A_2322 = tpu.memref_slice %arg4[%dma_wait3A_2317, %dma_wait3A_2318, %dma_wait3A_2321] : memref<50x200x16384xf32, #tpu.memory_space<hbm>> -> memref<1x1x1024xf32, #tpu.memory_space<hbm>>
        %dma_wait3A_2323 = tpu.memref_squeeze %dma_wait3A_2322 : memref<1x1x1024xf32, #tpu.memory_space<hbm>> -> memref<1024xf32, #tpu.memory_space<hbm>>
        %dma_wait3A_2324 = arith.constant 0 : i32
        %dma_wait3A_2325 = tpu.memref_slice %arg4[%dma_wait3A_2317, %dma_wait3A_2318, %dma_wait3A_2324] : memref<50x200x16384xf32, #tpu.memory_space<hbm>> -> memref<1x1x1024xf32, #tpu.memory_space<hbm>>
        %dma_wait3A_2326 = tpu.memref_squeeze %dma_wait3A_2325 : memref<1x1x1024xf32, #tpu.memory_space<hbm>> -> memref<1024xf32, #tpu.memory_space<hbm>>
        %dma_wait3A_2327 = arith.constant 0 : i32
        %dma_wait3A_2328 = tpu.memref_slice %arg9[%dma_wait3A_2327] : memref<51200xf32, #tpu.memory_space<vmem>> -> memref<1024xf32, #tpu.memory_space<vmem>>
        tpu.wait_dma2 semaphore(%arg14 : memref<!tpu.dma_semaphore, #tpu.memory_space<semaphore_mem>>) src(%dma_wait3A_2328 : memref<1024xf32, #tpu.memory_space<vmem>>) dst(%dma_wait3A_2326 : memref<1024xf32, #tpu.memory_space<hbm>>)
        %dma_wait3A_2329 = arith.constant 0 : i32
        %dma_wait3A_2330 = arith.constant 0 : i32
        %dma_wait3A_2331 = arith.constant 0 : i32
        %dma_wait3A_2332 = tpu.memref_slice %arg9[%dma_wait3A_2331] : memref<51200xf32, #tpu.memory_space<vmem>> -> memref<1024xf32, #tpu.memory_space<vmem>>
        %dma_wait3A_2333 = arith.constant 0 : i32
        %dma_wait3A_2334 = tpu.memref_slice %arg4[%dma_wait3A_2329, %dma_wait3A_2330, %dma_wait3A_2333] : memref<50x200x16384xf32, #tpu.memory_space<hbm>> -> memref<1x1x1024xf32, #tpu.memory_space<hbm>>
        %dma_wait3A_2335 = tpu.memref_squeeze %dma_wait3A_2334 : memref<1x1x1024xf32, #tpu.memory_space<hbm>> -> memref<1024xf32, #tpu.memory_space<hbm>>
        %dma_wait3A_2336 = arith.constant 0 : i32
        %dma_wait3A_2337 = tpu.memref_slice %arg4[%dma_wait3A_2329, %dma_wait3A_2330, %dma_wait3A_2336] : memref<50x200x16384xf32, #tpu.memory_space<hbm>> -> memref<1x1x1024xf32, #tpu.memory_space<hbm>>
        %dma_wait3A_2338 = tpu.memref_squeeze %dma_wait3A_2337 : memref<1x1x1024xf32, #tpu.memory_space<hbm>> -> memref<1024xf32, #tpu.memory_space<hbm>>
        %dma_wait3A_2339 = arith.constant 0 : i32
        %dma_wait3A_2340 = tpu.memref_slice %arg9[%dma_wait3A_2339] : memref<51200xf32, #tpu.memory_space<vmem>> -> memref<1024xf32, #tpu.memory_space<vmem>>
        tpu.wait_dma2 semaphore(%arg14 : memref<!tpu.dma_semaphore, #tpu.memory_space<semaphore_mem>>) src(%dma_wait3A_2340 : memref<1024xf32, #tpu.memory_space<vmem>>) dst(%dma_wait3A_2338 : memref<1024xf32, #tpu.memory_space<hbm>>)
        %dma_wait3A_2341 = arith.constant 0 : i32
        %dma_wait3A_2342 = arith.constant 0 : i32
        %dma_wait3A_2343 = arith.constant 0 : i32
        %dma_wait3A_2344 = tpu.memref_slice %arg9[%dma_wait3A_2343] : memref<51200xf32, #tpu.memory_space<vmem>> -> memref<1024xf32, #tpu.memory_space<vmem>>
        %dma_wait3A_2345 = arith.constant 0 : i32
        %dma_wait3A_2346 = tpu.memref_slice %arg4[%dma_wait3A_2341, %dma_wait3A_2342, %dma_wait3A_2345] : memref<50x200x16384xf32, #tpu.memory_space<hbm>> -> memref<1x1x1024xf32, #tpu.memory_space<hbm>>
        %dma_wait3A_2347 = tpu.memref_squeeze %dma_wait3A_2346 : memref<1x1x1024xf32, #tpu.memory_space<hbm>> -> memref<1024xf32, #tpu.memory_space<hbm>>
        %dma_wait3A_2348 = arith.constant 0 : i32
        %dma_wait3A_2349 = tpu.memref_slice %arg4[%dma_wait3A_2341, %dma_wait3A_2342, %dma_wait3A_2348] : memref<50x200x16384xf32, #tpu.memory_space<hbm>> -> memref<1x1x1024xf32, #tpu.memory_space<hbm>>
        %dma_wait3A_2350 = tpu.memref_squeeze %dma_wait3A_2349 : memref<1x1x1024xf32, #tpu.memory_space<hbm>> -> memref<1024xf32, #tpu.memory_space<hbm>>
        %dma_wait3A_2351 = arith.constant 0 : i32
        %dma_wait3A_2352 = tpu.memref_slice %arg9[%dma_wait3A_2351] : memref<51200xf32, #tpu.memory_space<vmem>> -> memref<1024xf32, #tpu.memory_space<vmem>>
        tpu.wait_dma2 semaphore(%arg14 : memref<!tpu.dma_semaphore, #tpu.memory_space<semaphore_mem>>) src(%dma_wait3A_2352 : memref<1024xf32, #tpu.memory_space<vmem>>) dst(%dma_wait3A_2350 : memref<1024xf32, #tpu.memory_space<hbm>>)
        %dma_wait3A_2353 = arith.constant 0 : i32
        %dma_wait3A_2354 = arith.constant 0 : i32
        %dma_wait3A_2355 = arith.constant 0 : i32
        %dma_wait3A_2356 = tpu.memref_slice %arg9[%dma_wait3A_2355] : memref<51200xf32, #tpu.memory_space<vmem>> -> memref<1024xf32, #tpu.memory_space<vmem>>
        %dma_wait3A_2357 = arith.constant 0 : i32
        %dma_wait3A_2358 = tpu.memref_slice %arg4[%dma_wait3A_2353, %dma_wait3A_2354, %dma_wait3A_2357] : memref<50x200x16384xf32, #tpu.memory_space<hbm>> -> memref<1x1x1024xf32, #tpu.memory_space<hbm>>
        %dma_wait3A_2359 = tpu.memref_squeeze %dma_wait3A_2358 : memref<1x1x1024xf32, #tpu.memory_space<hbm>> -> memref<1024xf32, #tpu.memory_space<hbm>>
        %dma_wait3A_2360 = arith.constant 0 : i32
        %dma_wait3A_2361 = tpu.memref_slice %arg4[%dma_wait3A_2353, %dma_wait3A_2354, %dma_wait3A_2360] : memref<50x200x16384xf32, #tpu.memory_space<hbm>> -> memref<1x1x1024xf32, #tpu.memory_space<hbm>>
        %dma_wait3A_2362 = tpu.memref_squeeze %dma_wait3A_2361 : memref<1x1x1024xf32, #tpu.memory_space<hbm>> -> memref<1024xf32, #tpu.memory_space<hbm>>
        %dma_wait3A_2363 = arith.constant 0 : i32
        %dma_wait3A_2364 = tpu.memref_slice %arg9[%dma_wait3A_2363] : memref<51200xf32, #tpu.memory_space<vmem>> -> memref<1024xf32, #tpu.memory_space<vmem>>
        tpu.wait_dma2 semaphore(%arg14 : memref<!tpu.dma_semaphore, #tpu.memory_space<semaphore_mem>>) src(%dma_wait3A_2364 : memref<1024xf32, #tpu.memory_space<vmem>>) dst(%dma_wait3A_2362 : memref<1024xf32, #tpu.memory_space<hbm>>)
        %dma_wait3A_2365 = arith.constant 0 : i32
        %dma_wait3A_2366 = arith.constant 0 : i32
        %dma_wait3A_2367 = arith.constant 0 : i32
        %dma_wait3A_2368 = tpu.memref_slice %arg9[%dma_wait3A_2367] : memref<51200xf32, #tpu.memory_space<vmem>> -> memref<1024xf32, #tpu.memory_space<vmem>>
        %dma_wait3A_2369 = arith.constant 0 : i32
        %dma_wait3A_2370 = tpu.memref_slice %arg4[%dma_wait3A_2365, %dma_wait3A_2366, %dma_wait3A_2369] : memref<50x200x16384xf32, #tpu.memory_space<hbm>> -> memref<1x1x1024xf32, #tpu.memory_space<hbm>>
        %dma_wait3A_2371 = tpu.memref_squeeze %dma_wait3A_2370 : memref<1x1x1024xf32, #tpu.memory_space<hbm>> -> memref<1024xf32, #tpu.memory_space<hbm>>
        %dma_wait3A_2372 = arith.constant 0 : i32
        %dma_wait3A_2373 = tpu.memref_slice %arg4[%dma_wait3A_2365, %dma_wait3A_2366, %dma_wait3A_2372] : memref<50x200x16384xf32, #tpu.memory_space<hbm>> -> memref<1x1x1024xf32, #tpu.memory_space<hbm>>
        %dma_wait3A_2374 = tpu.memref_squeeze %dma_wait3A_2373 : memref<1x1x1024xf32, #tpu.memory_space<hbm>> -> memref<1024xf32, #tpu.memory_space<hbm>>
        %dma_wait3A_2375 = arith.constant 0 : i32
        %dma_wait3A_2376 = tpu.memref_slice %arg9[%dma_wait3A_2375] : memref<51200xf32, #tpu.memory_space<vmem>> -> memref<1024xf32, #tpu.memory_space<vmem>>
        tpu.wait_dma2 semaphore(%arg14 : memref<!tpu.dma_semaphore, #tpu.memory_space<semaphore_mem>>) src(%dma_wait3A_2376 : memref<1024xf32, #tpu.memory_space<vmem>>) dst(%dma_wait3A_2374 : memref<1024xf32, #tpu.memory_space<hbm>>)
        %dma_wait3A_2377 = arith.constant 0 : i32
        %dma_wait3A_2378 = arith.constant 0 : i32
        %dma_wait3A_2379 = arith.constant 0 : i32
        %dma_wait3A_2380 = tpu.memref_slice %arg9[%dma_wait3A_2379] : memref<51200xf32, #tpu.memory_space<vmem>> -> memref<1024xf32, #tpu.memory_space<vmem>>
        %dma_wait3A_2381 = arith.constant 0 : i32
        %dma_wait3A_2382 = tpu.memref_slice %arg4[%dma_wait3A_2377, %dma_wait3A_2378, %dma_wait3A_2381] : memref<50x200x16384xf32, #tpu.memory_space<hbm>> -> memref<1x1x1024xf32, #tpu.memory_space<hbm>>
        %dma_wait3A_2383 = tpu.memref_squeeze %dma_wait3A_2382 : memref<1x1x1024xf32, #tpu.memory_space<hbm>> -> memref<1024xf32, #tpu.memory_space<hbm>>
        %dma_wait3A_2384 = arith.constant 0 : i32
        %dma_wait3A_2385 = tpu.memref_slice %arg4[%dma_wait3A_2377, %dma_wait3A_2378, %dma_wait3A_2384] : memref<50x200x16384xf32, #tpu.memory_space<hbm>> -> memref<1x1x1024xf32, #tpu.memory_space<hbm>>
        %dma_wait3A_2386 = tpu.memref_squeeze %dma_wait3A_2385 : memref<1x1x1024xf32, #tpu.memory_space<hbm>> -> memref<1024xf32, #tpu.memory_space<hbm>>
        %dma_wait3A_2387 = arith.constant 0 : i32
        %dma_wait3A_2388 = tpu.memref_slice %arg9[%dma_wait3A_2387] : memref<51200xf32, #tpu.memory_space<vmem>> -> memref<1024xf32, #tpu.memory_space<vmem>>
        tpu.wait_dma2 semaphore(%arg14 : memref<!tpu.dma_semaphore, #tpu.memory_space<semaphore_mem>>) src(%dma_wait3A_2388 : memref<1024xf32, #tpu.memory_space<vmem>>) dst(%dma_wait3A_2386 : memref<1024xf32, #tpu.memory_space<hbm>>)
        %dma_wait3A_2389 = arith.constant 0 : i32
        %dma_wait3A_2390 = arith.constant 0 : i32
        %dma_wait3A_2391 = arith.constant 0 : i32
        %dma_wait3A_2392 = tpu.memref_slice %arg9[%dma_wait3A_2391] : memref<51200xf32, #tpu.memory_space<vmem>> -> memref<1024xf32, #tpu.memory_space<vmem>>
        %dma_wait3A_2393 = arith.constant 0 : i32
        %dma_wait3A_2394 = tpu.memref_slice %arg4[%dma_wait3A_2389, %dma_wait3A_2390, %dma_wait3A_2393] : memref<50x200x16384xf32, #tpu.memory_space<hbm>> -> memref<1x1x1024xf32, #tpu.memory_space<hbm>>
        %dma_wait3A_2395 = tpu.memref_squeeze %dma_wait3A_2394 : memref<1x1x1024xf32, #tpu.memory_space<hbm>> -> memref<1024xf32, #tpu.memory_space<hbm>>
        %dma_wait3A_2396 = arith.constant 0 : i32
        %dma_wait3A_2397 = tpu.memref_slice %arg4[%dma_wait3A_2389, %dma_wait3A_2390, %dma_wait3A_2396] : memref<50x200x16384xf32, #tpu.memory_space<hbm>> -> memref<1x1x1024xf32, #tpu.memory_space<hbm>>
        %dma_wait3A_2398 = tpu.memref_squeeze %dma_wait3A_2397 : memref<1x1x1024xf32, #tpu.memory_space<hbm>> -> memref<1024xf32, #tpu.memory_space<hbm>>
        %dma_wait3A_2399 = arith.constant 0 : i32
        %dma_wait3A_2400 = tpu.memref_slice %arg9[%dma_wait3A_2399] : memref<51200xf32, #tpu.memory_space<vmem>> -> memref<1024xf32, #tpu.memory_space<vmem>>
        tpu.wait_dma2 semaphore(%arg14 : memref<!tpu.dma_semaphore, #tpu.memory_space<semaphore_mem>>) src(%dma_wait3A_2400 : memref<1024xf32, #tpu.memory_space<vmem>>) dst(%dma_wait3A_2398 : memref<1024xf32, #tpu.memory_space<hbm>>)
        %dma_wait3A_2401 = arith.constant 0 : i32
        %dma_wait3A_2402 = arith.constant 0 : i32
        %dma_wait3A_2403 = arith.constant 0 : i32
        %dma_wait3A_2404 = tpu.memref_slice %arg9[%dma_wait3A_2403] : memref<51200xf32, #tpu.memory_space<vmem>> -> memref<1024xf32, #tpu.memory_space<vmem>>
        %dma_wait3A_2405 = arith.constant 0 : i32
        %dma_wait3A_2406 = tpu.memref_slice %arg4[%dma_wait3A_2401, %dma_wait3A_2402, %dma_wait3A_2405] : memref<50x200x16384xf32, #tpu.memory_space<hbm>> -> memref<1x1x1024xf32, #tpu.memory_space<hbm>>
        %dma_wait3A_2407 = tpu.memref_squeeze %dma_wait3A_2406 : memref<1x1x1024xf32, #tpu.memory_space<hbm>> -> memref<1024xf32, #tpu.memory_space<hbm>>
        %dma_wait3A_2408 = arith.constant 0 : i32
        %dma_wait3A_2409 = tpu.memref_slice %arg4[%dma_wait3A_2401, %dma_wait3A_2402, %dma_wait3A_2408] : memref<50x200x16384xf32, #tpu.memory_space<hbm>> -> memref<1x1x1024xf32, #tpu.memory_space<hbm>>
        %dma_wait3A_2410 = tpu.memref_squeeze %dma_wait3A_2409 : memref<1x1x1024xf32, #tpu.memory_space<hbm>> -> memref<1024xf32, #tpu.memory_space<hbm>>
        %dma_wait3A_2411 = arith.constant 0 : i32
        %dma_wait3A_2412 = tpu.memref_slice %arg9[%dma_wait3A_2411] : memref<51200xf32, #tpu.memory_space<vmem>> -> memref<1024xf32, #tpu.memory_space<vmem>>
        tpu.wait_dma2 semaphore(%arg14 : memref<!tpu.dma_semaphore, #tpu.memory_space<semaphore_mem>>) src(%dma_wait3A_2412 : memref<1024xf32, #tpu.memory_space<vmem>>) dst(%dma_wait3A_2410 : memref<1024xf32, #tpu.memory_space<hbm>>)
        %dma_wait3A_2413 = arith.constant 0 : i32
        %dma_wait3A_2414 = arith.constant 0 : i32
        %dma_wait3A_2415 = arith.constant 0 : i32
        %dma_wait3A_2416 = tpu.memref_slice %arg9[%dma_wait3A_2415] : memref<51200xf32, #tpu.memory_space<vmem>> -> memref<1024xf32, #tpu.memory_space<vmem>>
        %dma_wait3A_2417 = arith.constant 0 : i32
        %dma_wait3A_2418 = tpu.memref_slice %arg4[%dma_wait3A_2413, %dma_wait3A_2414, %dma_wait3A_2417] : memref<50x200x16384xf32, #tpu.memory_space<hbm>> -> memref<1x1x1024xf32, #tpu.memory_space<hbm>>
        %dma_wait3A_2419 = tpu.memref_squeeze %dma_wait3A_2418 : memref<1x1x1024xf32, #tpu.memory_space<hbm>> -> memref<1024xf32, #tpu.memory_space<hbm>>
        %dma_wait3A_2420 = arith.constant 0 : i32
        %dma_wait3A_2421 = tpu.memref_slice %arg4[%dma_wait3A_2413, %dma_wait3A_2414, %dma_wait3A_2420] : memref<50x200x16384xf32, #tpu.memory_space<hbm>> -> memref<1x1x1024xf32, #tpu.memory_space<hbm>>
        %dma_wait3A_2422 = tpu.memref_squeeze %dma_wait3A_2421 : memref<1x1x1024xf32, #tpu.memory_space<hbm>> -> memref<1024xf32, #tpu.memory_space<hbm>>
        %dma_wait3A_2423 = arith.constant 0 : i32
        %dma_wait3A_2424 = tpu.memref_slice %arg9[%dma_wait3A_2423] : memref<51200xf32, #tpu.memory_space<vmem>> -> memref<1024xf32, #tpu.memory_space<vmem>>
        tpu.wait_dma2 semaphore(%arg14 : memref<!tpu.dma_semaphore, #tpu.memory_space<semaphore_mem>>) src(%dma_wait3A_2424 : memref<1024xf32, #tpu.memory_space<vmem>>) dst(%dma_wait3A_2422 : memref<1024xf32, #tpu.memory_space<hbm>>)
        %dma_wait3A_2425 = arith.constant 0 : i32
        %dma_wait3A_2426 = arith.constant 0 : i32
        %dma_wait3A_2427 = arith.constant 0 : i32
        %dma_wait3A_2428 = tpu.memref_slice %arg9[%dma_wait3A_2427] : memref<51200xf32, #tpu.memory_space<vmem>> -> memref<1024xf32, #tpu.memory_space<vmem>>
        %dma_wait3A_2429 = arith.constant 0 : i32
        %dma_wait3A_2430 = tpu.memref_slice %arg4[%dma_wait3A_2425, %dma_wait3A_2426, %dma_wait3A_2429] : memref<50x200x16384xf32, #tpu.memory_space<hbm>> -> memref<1x1x1024xf32, #tpu.memory_space<hbm>>
        %dma_wait3A_2431 = tpu.memref_squeeze %dma_wait3A_2430 : memref<1x1x1024xf32, #tpu.memory_space<hbm>> -> memref<1024xf32, #tpu.memory_space<hbm>>
        %dma_wait3A_2432 = arith.constant 0 : i32
        %dma_wait3A_2433 = tpu.memref_slice %arg4[%dma_wait3A_2425, %dma_wait3A_2426, %dma_wait3A_2432] : memref<50x200x16384xf32, #tpu.memory_space<hbm>> -> memref<1x1x1024xf32, #tpu.memory_space<hbm>>
        %dma_wait3A_2434 = tpu.memref_squeeze %dma_wait3A_2433 : memref<1x1x1024xf32, #tpu.memory_space<hbm>> -> memref<1024xf32, #tpu.memory_space<hbm>>
        %dma_wait3A_2435 = arith.constant 0 : i32
        %dma_wait3A_2436 = tpu.memref_slice %arg9[%dma_wait3A_2435] : memref<51200xf32, #tpu.memory_space<vmem>> -> memref<1024xf32, #tpu.memory_space<vmem>>
        tpu.wait_dma2 semaphore(%arg14 : memref<!tpu.dma_semaphore, #tpu.memory_space<semaphore_mem>>) src(%dma_wait3A_2436 : memref<1024xf32, #tpu.memory_space<vmem>>) dst(%dma_wait3A_2434 : memref<1024xf32, #tpu.memory_space<hbm>>)
        %dma_wait3A_2437 = arith.constant 0 : i32
        %dma_wait3A_2438 = arith.constant 0 : i32
        %dma_wait3A_2439 = arith.constant 0 : i32
        %dma_wait3A_2440 = tpu.memref_slice %arg9[%dma_wait3A_2439] : memref<51200xf32, #tpu.memory_space<vmem>> -> memref<1024xf32, #tpu.memory_space<vmem>>
        %dma_wait3A_2441 = arith.constant 0 : i32
        %dma_wait3A_2442 = tpu.memref_slice %arg4[%dma_wait3A_2437, %dma_wait3A_2438, %dma_wait3A_2441] : memref<50x200x16384xf32, #tpu.memory_space<hbm>> -> memref<1x1x1024xf32, #tpu.memory_space<hbm>>
        %dma_wait3A_2443 = tpu.memref_squeeze %dma_wait3A_2442 : memref<1x1x1024xf32, #tpu.memory_space<hbm>> -> memref<1024xf32, #tpu.memory_space<hbm>>
        %dma_wait3A_2444 = arith.constant 0 : i32
        %dma_wait3A_2445 = tpu.memref_slice %arg4[%dma_wait3A_2437, %dma_wait3A_2438, %dma_wait3A_2444] : memref<50x200x16384xf32, #tpu.memory_space<hbm>> -> memref<1x1x1024xf32, #tpu.memory_space<hbm>>
        %dma_wait3A_2446 = tpu.memref_squeeze %dma_wait3A_2445 : memref<1x1x1024xf32, #tpu.memory_space<hbm>> -> memref<1024xf32, #tpu.memory_space<hbm>>
        %dma_wait3A_2447 = arith.constant 0 : i32
        %dma_wait3A_2448 = tpu.memref_slice %arg9[%dma_wait3A_2447] : memref<51200xf32, #tpu.memory_space<vmem>> -> memref<1024xf32, #tpu.memory_space<vmem>>
        tpu.wait_dma2 semaphore(%arg14 : memref<!tpu.dma_semaphore, #tpu.memory_space<semaphore_mem>>) src(%dma_wait3A_2448 : memref<1024xf32, #tpu.memory_space<vmem>>) dst(%dma_wait3A_2446 : memref<1024xf32, #tpu.memory_space<hbm>>)
        %dma_wait3A_2449 = arith.constant 0 : i32
        %dma_wait3A_2450 = arith.constant 0 : i32
        %dma_wait3A_2451 = arith.constant 0 : i32
        %dma_wait3A_2452 = tpu.memref_slice %arg9[%dma_wait3A_2451] : memref<51200xf32, #tpu.memory_space<vmem>> -> memref<1024xf32, #tpu.memory_space<vmem>>
        %dma_wait3A_2453 = arith.constant 0 : i32
        %dma_wait3A_2454 = tpu.memref_slice %arg4[%dma_wait3A_2449, %dma_wait3A_2450, %dma_wait3A_2453] : memref<50x200x16384xf32, #tpu.memory_space<hbm>> -> memref<1x1x1024xf32, #tpu.memory_space<hbm>>
        %dma_wait3A_2455 = tpu.memref_squeeze %dma_wait3A_2454 : memref<1x1x1024xf32, #tpu.memory_space<hbm>> -> memref<1024xf32, #tpu.memory_space<hbm>>
        %dma_wait3A_2456 = arith.constant 0 : i32
        %dma_wait3A_2457 = tpu.memref_slice %arg4[%dma_wait3A_2449, %dma_wait3A_2450, %dma_wait3A_2456] : memref<50x200x16384xf32, #tpu.memory_space<hbm>> -> memref<1x1x1024xf32, #tpu.memory_space<hbm>>
        %dma_wait3A_2458 = tpu.memref_squeeze %dma_wait3A_2457 : memref<1x1x1024xf32, #tpu.memory_space<hbm>> -> memref<1024xf32, #tpu.memory_space<hbm>>
        %dma_wait3A_2459 = arith.constant 0 : i32
        %dma_wait3A_2460 = tpu.memref_slice %arg9[%dma_wait3A_2459] : memref<51200xf32, #tpu.memory_space<vmem>> -> memref<1024xf32, #tpu.memory_space<vmem>>
        tpu.wait_dma2 semaphore(%arg14 : memref<!tpu.dma_semaphore, #tpu.memory_space<semaphore_mem>>) src(%dma_wait3A_2460 : memref<1024xf32, #tpu.memory_space<vmem>>) dst(%dma_wait3A_2458 : memref<1024xf32, #tpu.memory_space<hbm>>)
        %dma_wait3A_2461 = arith.constant 0 : i32
        %dma_wait3A_2462 = arith.constant 0 : i32
        %dma_wait3A_2463 = arith.constant 0 : i32
        %dma_wait3A_2464 = tpu.memref_slice %arg9[%dma_wait3A_2463] : memref<51200xf32, #tpu.memory_space<vmem>> -> memref<1024xf32, #tpu.memory_space<vmem>>
        %dma_wait3A_2465 = arith.constant 0 : i32
        %dma_wait3A_2466 = tpu.memref_slice %arg4[%dma_wait3A_2461, %dma_wait3A_2462, %dma_wait3A_2465] : memref<50x200x16384xf32, #tpu.memory_space<hbm>> -> memref<1x1x1024xf32, #tpu.memory_space<hbm>>
        %dma_wait3A_2467 = tpu.memref_squeeze %dma_wait3A_2466 : memref<1x1x1024xf32, #tpu.memory_space<hbm>> -> memref<1024xf32, #tpu.memory_space<hbm>>
        %dma_wait3A_2468 = arith.constant 0 : i32
        %dma_wait3A_2469 = tpu.memref_slice %arg4[%dma_wait3A_2461, %dma_wait3A_2462, %dma_wait3A_2468] : memref<50x200x16384xf32, #tpu.memory_space<hbm>> -> memref<1x1x1024xf32, #tpu.memory_space<hbm>>
        %dma_wait3A_2470 = tpu.memref_squeeze %dma_wait3A_2469 : memref<1x1x1024xf32, #tpu.memory_space<hbm>> -> memref<1024xf32, #tpu.memory_space<hbm>>
        %dma_wait3A_2471 = arith.constant 0 : i32
        %dma_wait3A_2472 = tpu.memref_slice %arg9[%dma_wait3A_2471] : memref<51200xf32, #tpu.memory_space<vmem>> -> memref<1024xf32, #tpu.memory_space<vmem>>
        tpu.wait_dma2 semaphore(%arg14 : memref<!tpu.dma_semaphore, #tpu.memory_space<semaphore_mem>>) src(%dma_wait3A_2472 : memref<1024xf32, #tpu.memory_space<vmem>>) dst(%dma_wait3A_2470 : memref<1024xf32, #tpu.memory_space<hbm>>)
      } else {
      }
      %add3A_684 = arith.constant 1 : i32
      %add3A_685 = arith.addi %mul3A_681, %add3A_684 : i32
      %lt3A_686 = arith.constant 100 : i32
      %lt3A_687 = arith.cmpi slt, %add3A_685, %lt3A_686 : i32
      %convert_element_type3A_688 = arith.extui %lt3A_687 : i1 to i32
      %cond3A_689 = arith.constant 0 : i32
      %cond3A_690 = arith.cmpi ne, %convert_element_type3A_688, %cond3A_689 : i32
      scf.if %cond3A_690 {
        %add3A_1873 = arith.constant 1 : i32
        %add3A_1874 = arith.addi %mul3A_681, %add3A_1873 : i32
        %add3A_1875 = arith.addi %mul3A_2, %add3A_1874 : i32
        %jit3A_1876 = arith.constant 16 : i32
        %div3A_1877 = arith.divsi %add3A_1875, %jit3A_1876 : i32
        %sign3A_1878 = arith.constant 0 : i32
        %sign3A_1879 = arith.cmpi sgt, %add3A_1875, %sign3A_1878 : i32
        %sign3A_1880 = arith.extui %sign3A_1879 : i1 to i32
        %sign3A_1881 = arith.constant 0 : i32
        %sign3A_1882 = arith.cmpi slt, %add3A_1875, %sign3A_1881 : i32
        %sign3A_1883 = arith.extui %sign3A_1882 : i1 to i32
        %sign3A_1884 = arith.subi %sign3A_1880, %sign3A_1883 : i32
        %sign3A_1885 = arith.constant 0 : i32
        %sign3A_1886 = arith.cmpi sgt, %jit3A_1876, %sign3A_1885 : i32
        %sign3A_1887 = arith.extui %sign3A_1886 : i1 to i32
        %sign3A_1888 = arith.constant 0 : i32
        %sign3A_1889 = arith.cmpi slt, %jit3A_1876, %sign3A_1888 : i32
        %sign3A_1890 = arith.extui %sign3A_1889 : i1 to i32
        %sign3A_1891 = arith.subi %sign3A_1887, %sign3A_1890 : i32
        %ne3A_1892 = arith.cmpi ne, %sign3A_1884, %sign3A_1891 : i32
        %rem3A_1893 = arith.remsi %add3A_1875, %jit3A_1876 : i32
        %ne3A_1894 = arith.constant 0 : i32
        %ne3A_1895 = arith.cmpi ne, %rem3A_1893, %ne3A_1894 : i32
        %and3A_1896 = arith.andi %ne3A_1892, %ne3A_1895 : i1
        %sub3A_1897 = arith.constant 1 : i32
        %sub3A_1898 = arith.subi %div3A_1877, %sub3A_1897 : i32
        %select_n3A_1899 = arith.select %and3A_1896, %sub3A_1898, %div3A_1877 : i32
        %jit3A_1900 = arith.constant 16 : i32
        %eq3A_1901 = arith.constant 0 : i32
        %eq3A_1902 = arith.cmpi eq, %jit3A_1900, %eq3A_1901 : i32
        %jit3A_1903 = arith.constant 1 : i32
        %select_n3A_1904 = arith.select %eq3A_1902, %jit3A_1903, %jit3A_1900 : i32
        %rem3A_1905 = arith.remsi %add3A_1875, %select_n3A_1904 : i32
        %ne3A_1906 = arith.constant 0 : i32
        %ne3A_1907 = arith.cmpi ne, %rem3A_1905, %ne3A_1906 : i32
        %lt3A_1908 = arith.constant 0 : i32
        %lt3A_1909 = arith.cmpi slt, %rem3A_1905, %lt3A_1908 : i32
        %lt3A_1910 = arith.constant 0 : i32
        %lt3A_1911 = arith.cmpi slt, %select_n3A_1904, %lt3A_1910 : i32
        %ne3A_1912 = arith.xori %lt3A_1909, %lt3A_1911 : i1
        %and3A_1913 = arith.andi %ne3A_1912, %ne3A_1907 : i1
        %add3A_1914 = arith.addi %rem3A_1905, %select_n3A_1904 : i32
        %select_n3A_1915 = arith.select %and3A_1913, %add3A_1914, %rem3A_1905 : i32
        %mul3A_1916 = arith.constant 1024 : i32
        %mul3A_1917 = arith.muli %select_n3A_1915, %mul3A_1916 : i32
        %dma_start3A_1918 = tpu.memref_slice %arg2[%select_n3A_1899, %mul3A_1917] : memref<200x16384xi32, #tpu.memory_space<hbm>> -> memref<1x1024xi32, #tpu.memory_space<hbm>>
        %dma_start3A_1919 = tpu.memref_squeeze %dma_start3A_1918 : memref<1x1024xi32, #tpu.memory_space<hbm>> -> memref<1024xi32, #tpu.memory_space<hbm>>
        %dma_start3A_1920 = tpu.memref_slice %arg2[%select_n3A_1899, %mul3A_1917] : memref<200x16384xi32, #tpu.memory_space<hbm>> -> memref<1x1024xi32, #tpu.memory_space<hbm>>
        %dma_start3A_1921 = tpu.memref_squeeze %dma_start3A_1920 : memref<1x1024xi32, #tpu.memory_space<hbm>> -> memref<1024xi32, #tpu.memory_space<hbm>>
        tpu.enqueue_dma source(%dma_start3A_1921 : memref<1024xi32, #tpu.memory_space<hbm>>) target(%arg6 : memref<1024xi32, #tpu.memory_space<vmem>>) target_semaphore(%arg11 : memref<!tpu.dma_semaphore, #tpu.memory_space<semaphore_mem>>)
      } else {
      }
      %dma_wait3A_691 = arith.constant 0 : i32
      %dma_wait3A_692 = arith.constant 0 : i32
      %dma_wait3A_693 = tpu.memref_slice %arg3[%dma_wait3A_691, %dma_wait3A_692] : memref<1000000x128xf32, #tpu.memory_space<hbm>> -> memref<128x128xf32, #tpu.memory_space<hbm>>
      %dma_wait3A_694 = arith.constant 0 : i32
      %dma_wait3A_695 = arith.constant 0 : i32
      %dma_wait3A_696 = tpu.memref_slice %arg3[%dma_wait3A_694, %dma_wait3A_695] : memref<1000000x128xf32, #tpu.memory_space<hbm>> -> memref<128x128xf32, #tpu.memory_space<hbm>>
      tpu.wait_dma2 semaphore(%arg12 : memref<!tpu.dma_semaphore, #tpu.memory_space<semaphore_mem>>) src(%dma_wait3A_696 : memref<128x128xf32, #tpu.memory_space<hbm>>) dst(%arg7 : memref<128x128xf32, #tpu.memory_space<vmem>>)
      %dma_start3A_697 = arith.constant 128 : i32
      %dma_start3A_698 = tpu.memref_slice %arg5[%dma_start3A_697] : memref<1024xi32, #tpu.memory_space<vmem>> -> memref<128xi32, #tpu.memory_space<vmem>>
      %dma_start3A_699 = arith.constant 0 : i32
      %dma_start3A_700 = arith.constant 0 : i32
      %dma_start3A_701 = tpu.memref_slice %arg3[%dma_start3A_699, %dma_start3A_700] : memref<1000000x128xf32, #tpu.memory_space<hbm>> -> memref<1000000x128xf32, #tpu.memory_space<hbm>>
      tpu.enqueue_indirect_dma source(%dma_start3A_701 : memref<1000000x128xf32, #tpu.memory_space<hbm>>) target(%arg8 : memref<128x128xf32, #tpu.memory_space<vmem>>) offsets(%dma_start3A_698 : memref<128xi32, #tpu.memory_space<vmem>>) semaphore(%arg13 : memref<!tpu.dma_semaphore, #tpu.memory_space<semaphore_mem>>)
      %dma_wait3A_702 = arith.constant 0 : i32
      %dma_wait3A_703 = arith.constant 0 : i32
      %dma_wait3A_704 = tpu.memref_slice %arg3[%dma_wait3A_702, %dma_wait3A_703] : memref<1000000x128xf32, #tpu.memory_space<hbm>> -> memref<128x128xf32, #tpu.memory_space<hbm>>
      %dma_wait3A_705 = arith.constant 0 : i32
      %dma_wait3A_706 = arith.constant 0 : i32
      %dma_wait3A_707 = tpu.memref_slice %arg3[%dma_wait3A_705, %dma_wait3A_706] : memref<1000000x128xf32, #tpu.memory_space<hbm>> -> memref<128x128xf32, #tpu.memory_space<hbm>>
      tpu.wait_dma2 semaphore(%arg13 : memref<!tpu.dma_semaphore, #tpu.memory_space<semaphore_mem>>) src(%dma_wait3A_707 : memref<128x128xf32, #tpu.memory_space<hbm>>) dst(%arg8 : memref<128x128xf32, #tpu.memory_space<vmem>>)
      %dma_start3A_708 = arith.constant 256 : i32
      %dma_start3A_709 = tpu.memref_slice %arg5[%dma_start3A_708] : memref<1024xi32, #tpu.memory_space<vmem>> -> memref<128xi32, #tpu.memory_space<vmem>>
      %dma_start3A_710 = arith.constant 0 : i32
      %dma_start3A_711 = arith.constant 0 : i32
      %dma_start3A_712 = tpu.memref_slice %arg3[%dma_start3A_710, %dma_start3A_711] : memref<1000000x128xf32, #tpu.memory_space<hbm>> -> memref<1000000x128xf32, #tpu.memory_space<hbm>>
      tpu.enqueue_indirect_dma source(%dma_start3A_712 : memref<1000000x128xf32, #tpu.memory_space<hbm>>) target(%arg7 : memref<128x128xf32, #tpu.memory_space<vmem>>) offsets(%dma_start3A_709 : memref<128xi32, #tpu.memory_space<vmem>>) semaphore(%arg12 : memref<!tpu.dma_semaphore, #tpu.memory_space<semaphore_mem>>)
      %dma_wait3A_713 = arith.constant 0 : i32
      %dma_wait3A_714 = arith.constant 0 : i32
      %dma_wait3A_715 = tpu.memref_slice %arg3[%dma_wait3A_713, %dma_wait3A_714] : memref<1000000x128xf32, #tpu.memory_space<hbm>> -> memref<128x128xf32, #tpu.memory_space<hbm>>
      %dma_wait3A_716 = arith.constant 0 : i32
      %dma_wait3A_717 = arith.constant 0 : i32
      %dma_wait3A_718 = tpu.memref_slice %arg3[%dma_wait3A_716, %dma_wait3A_717] : memref<1000000x128xf32, #tpu.memory_space<hbm>> -> memref<128x128xf32, #tpu.memory_space<hbm>>
      tpu.wait_dma2 semaphore(%arg12 : memref<!tpu.dma_semaphore, #tpu.memory_space<semaphore_mem>>) src(%dma_wait3A_718 : memref<128x128xf32, #tpu.memory_space<hbm>>) dst(%arg7 : memref<128x128xf32, #tpu.memory_space<vmem>>)
      %dma_start3A_719 = arith.constant 384 : i32
      %dma_start3A_720 = tpu.memref_slice %arg5[%dma_start3A_719] : memref<1024xi32, #tpu.memory_space<vmem>> -> memref<128xi32, #tpu.memory_space<vmem>>
      %dma_start3A_721 = arith.constant 0 : i32
      %dma_start3A_722 = arith.constant 0 : i32
      %dma_start3A_723 = tpu.memref_slice %arg3[%dma_start3A_721, %dma_start3A_722] : memref<1000000x128xf32, #tpu.memory_space<hbm>> -> memref<1000000x128xf32, #tpu.memory_space<hbm>>
      tpu.enqueue_indirect_dma source(%dma_start3A_723 : memref<1000000x128xf32, #tpu.memory_space<hbm>>) target(%arg8 : memref<128x128xf32, #tpu.memory_space<vmem>>) offsets(%dma_start3A_720 : memref<128xi32, #tpu.memory_space<vmem>>) semaphore(%arg13 : memref<!tpu.dma_semaphore, #tpu.memory_space<semaphore_mem>>)
      %dma_wait3A_724 = arith.constant 0 : i32
      %dma_wait3A_725 = arith.constant 0 : i32
      %dma_wait3A_726 = tpu.memref_slice %arg3[%dma_wait3A_724, %dma_wait3A_725] : memref<1000000x128xf32, #tpu.memory_space<hbm>> -> memref<128x128xf32, #tpu.memory_space<hbm>>
      %dma_wait3A_727 = arith.constant 0 : i32
      %dma_wait3A_728 = arith.constant 0 : i32
      %dma_wait3A_729 = tpu.memref_slice %arg3[%dma_wait3A_727, %dma_wait3A_728] : memref<1000000x128xf32, #tpu.memory_space<hbm>> -> memref<128x128xf32, #tpu.memory_space<hbm>>
      tpu.wait_dma2 semaphore(%arg13 : memref<!tpu.dma_semaphore, #tpu.memory_space<semaphore_mem>>) src(%dma_wait3A_729 : memref<128x128xf32, #tpu.memory_space<hbm>>) dst(%arg8 : memref<128x128xf32, #tpu.memory_space<vmem>>)
      %dma_start3A_730 = arith.constant 512 : i32
      %dma_start3A_731 = tpu.memref_slice %arg5[%dma_start3A_730] : memref<1024xi32, #tpu.memory_space<vmem>> -> memref<128xi32, #tpu.memory_space<vmem>>
      %dma_start3A_732 = arith.constant 0 : i32
      %dma_start3A_733 = arith.constant 0 : i32
      %dma_start3A_734 = tpu.memref_slice %arg3[%dma_start3A_732, %dma_start3A_733] : memref<1000000x128xf32, #tpu.memory_space<hbm>> -> memref<1000000x128xf32, #tpu.memory_space<hbm>>
      tpu.enqueue_indirect_dma source(%dma_start3A_734 : memref<1000000x128xf32, #tpu.memory_space<hbm>>) target(%arg7 : memref<128x128xf32, #tpu.memory_space<vmem>>) offsets(%dma_start3A_731 : memref<128xi32, #tpu.memory_space<vmem>>) semaphore(%arg12 : memref<!tpu.dma_semaphore, #tpu.memory_space<semaphore_mem>>)
      %dma_wait3A_735 = arith.constant 0 : i32
      %dma_wait3A_736 = arith.constant 0 : i32
      %dma_wait3A_737 = tpu.memref_slice %arg3[%dma_wait3A_735, %dma_wait3A_736] : memref<1000000x128xf32, #tpu.memory_space<hbm>> -> memref<128x128xf32, #tpu.memory_space<hbm>>
      %dma_wait3A_738 = arith.constant 0 : i32
      %dma_wait3A_739 = arith.constant 0 : i32
      %dma_wait3A_740 = tpu.memref_slice %arg3[%dma_wait3A_738, %dma_wait3A_739] : memref<1000000x128xf32, #tpu.memory_space<hbm>> -> memref<128x128xf32, #tpu.memory_space<hbm>>
      tpu.wait_dma2 semaphore(%arg12 : memref<!tpu.dma_semaphore, #tpu.memory_space<semaphore_mem>>) src(%dma_wait3A_740 : memref<128x128xf32, #tpu.memory_space<hbm>>) dst(%arg7 : memref<128x128xf32, #tpu.memory_space<vmem>>)
      %dma_start3A_741 = arith.constant 640 : i32
      %dma_start3A_742 = tpu.memref_slice %arg5[%dma_start3A_741] : memref<1024xi32, #tpu.memory_space<vmem>> -> memref<128xi32, #tpu.memory_space<vmem>>
      %dma_start3A_743 = arith.constant 0 : i32
      %dma_start3A_744 = arith.constant 0 : i32
      %dma_start3A_745 = tpu.memref_slice %arg3[%dma_start3A_743, %dma_start3A_744] : memref<1000000x128xf32, #tpu.memory_space<hbm>> -> memref<1000000x128xf32, #tpu.memory_space<hbm>>
      tpu.enqueue_indirect_dma source(%dma_start3A_745 : memref<1000000x128xf32, #tpu.memory_space<hbm>>) target(%arg8 : memref<128x128xf32, #tpu.memory_space<vmem>>) offsets(%dma_start3A_742 : memref<128xi32, #tpu.memory_space<vmem>>) semaphore(%arg13 : memref<!tpu.dma_semaphore, #tpu.memory_space<semaphore_mem>>)
      %dma_wait3A_746 = arith.constant 0 : i32
      %dma_wait3A_747 = arith.constant 0 : i32
      %dma_wait3A_748 = tpu.memref_slice %arg3[%dma_wait3A_746, %dma_wait3A_747] : memref<1000000x128xf32, #tpu.memory_space<hbm>> -> memref<128x128xf32, #tpu.memory_space<hbm>>
      %dma_wait3A_749 = arith.constant 0 : i32
      %dma_wait3A_750 = arith.constant 0 : i32
      %dma_wait3A_751 = tpu.memref_slice %arg3[%dma_wait3A_749, %dma_wait3A_750] : memref<1000000x128xf32, #tpu.memory_space<hbm>> -> memref<128x128xf32, #tpu.memory_space<hbm>>
      tpu.wait_dma2 semaphore(%arg13 : memref<!tpu.dma_semaphore, #tpu.memory_space<semaphore_mem>>) src(%dma_wait3A_751 : memref<128x128xf32, #tpu.memory_space<hbm>>) dst(%arg8 : memref<128x128xf32, #tpu.memory_space<vmem>>)
      %dma_start3A_752 = arith.constant 768 : i32
      %dma_start3A_753 = tpu.memref_slice %arg5[%dma_start3A_752] : memref<1024xi32, #tpu.memory_space<vmem>> -> memref<128xi32, #tpu.memory_space<vmem>>
      %dma_start3A_754 = arith.constant 0 : i32
      %dma_start3A_755 = arith.constant 0 : i32
      %dma_start3A_756 = tpu.memref_slice %arg3[%dma_start3A_754, %dma_start3A_755] : memref<1000000x128xf32, #tpu.memory_space<hbm>> -> memref<1000000x128xf32, #tpu.memory_space<hbm>>
      tpu.enqueue_indirect_dma source(%dma_start3A_756 : memref<1000000x128xf32, #tpu.memory_space<hbm>>) target(%arg7 : memref<128x128xf32, #tpu.memory_space<vmem>>) offsets(%dma_start3A_753 : memref<128xi32, #tpu.memory_space<vmem>>) semaphore(%arg12 : memref<!tpu.dma_semaphore, #tpu.memory_space<semaphore_mem>>)
      %dma_wait3A_757 = arith.constant 0 : i32
      %dma_wait3A_758 = arith.constant 0 : i32
      %dma_wait3A_759 = tpu.memref_slice %arg3[%dma_wait3A_757, %dma_wait3A_758] : memref<1000000x128xf32, #tpu.memory_space<hbm>> -> memref<128x128xf32, #tpu.memory_space<hbm>>
      %dma_wait3A_760 = arith.constant 0 : i32
      %dma_wait3A_761 = arith.constant 0 : i32
      %dma_wait3A_762 = tpu.memref_slice %arg3[%dma_wait3A_760, %dma_wait3A_761] : memref<1000000x128xf32, #tpu.memory_space<hbm>> -> memref<128x128xf32, #tpu.memory_space<hbm>>
      tpu.wait_dma2 semaphore(%arg12 : memref<!tpu.dma_semaphore, #tpu.memory_space<semaphore_mem>>) src(%dma_wait3A_762 : memref<128x128xf32, #tpu.memory_space<hbm>>) dst(%arg7 : memref<128x128xf32, #tpu.memory_space<vmem>>)
      %dma_start3A_763 = arith.constant 896 : i32
      %dma_start3A_764 = tpu.memref_slice %arg5[%dma_start3A_763] : memref<1024xi32, #tpu.memory_space<vmem>> -> memref<128xi32, #tpu.memory_space<vmem>>
      %dma_start3A_765 = arith.constant 0 : i32
      %dma_start3A_766 = arith.constant 0 : i32
      %dma_start3A_767 = tpu.memref_slice %arg3[%dma_start3A_765, %dma_start3A_766] : memref<1000000x128xf32, #tpu.memory_space<hbm>> -> memref<1000000x128xf32, #tpu.memory_space<hbm>>
      tpu.enqueue_indirect_dma source(%dma_start3A_767 : memref<1000000x128xf32, #tpu.memory_space<hbm>>) target(%arg8 : memref<128x128xf32, #tpu.memory_space<vmem>>) offsets(%dma_start3A_764 : memref<128xi32, #tpu.memory_space<vmem>>) semaphore(%arg13 : memref<!tpu.dma_semaphore, #tpu.memory_space<semaphore_mem>>)
      %dma_wait3A_768 = arith.constant 0 : i32
      %dma_wait3A_769 = arith.constant 0 : i32
      %dma_wait3A_770 = tpu.memref_slice %arg3[%dma_wait3A_768, %dma_wait3A_769] : memref<1000000x128xf32, #tpu.memory_space<hbm>> -> memref<128x128xf32, #tpu.memory_space<hbm>>
      %dma_wait3A_771 = arith.constant 0 : i32
      %dma_wait3A_772 = arith.constant 0 : i32
      %dma_wait3A_773 = tpu.memref_slice %arg3[%dma_wait3A_771, %dma_wait3A_772] : memref<1000000x128xf32, #tpu.memory_space<hbm>> -> memref<128x128xf32, #tpu.memory_space<hbm>>
      tpu.wait_dma2 semaphore(%arg13 : memref<!tpu.dma_semaphore, #tpu.memory_space<semaphore_mem>>) src(%dma_wait3A_773 : memref<128x128xf32, #tpu.memory_space<hbm>>) dst(%arg8 : memref<128x128xf32, #tpu.memory_space<vmem>>)
      %add3A_774 = arith.constant 1 : i32
      %add3A_775 = arith.addi %mul3A_681, %add3A_774 : i32
      %lt3A_776 = arith.constant 100 : i32
      %lt3A_777 = arith.cmpi slt, %add3A_775, %lt3A_776 : i32
      %convert_element_type3A_778 = arith.extui %lt3A_777 : i1 to i32
      %cond3A_779 = arith.constant 0 : i32
      %cond3A_780 = arith.cmpi ne, %convert_element_type3A_778, %cond3A_779 : i32
      scf.if %cond3A_780 {
        %dma_wait3A_1873 = arith.constant 0 : i32
        %dma_wait3A_1874 = arith.constant 0 : i32
        %dma_wait3A_1875 = tpu.memref_slice %arg2[%dma_wait3A_1873, %dma_wait3A_1874] : memref<200x16384xi32, #tpu.memory_space<hbm>> -> memref<1x1024xi32, #tpu.memory_space<hbm>>
        %dma_wait3A_1876 = tpu.memref_squeeze %dma_wait3A_1875 : memref<1x1024xi32, #tpu.memory_space<hbm>> -> memref<1024xi32, #tpu.memory_space<hbm>>
        %dma_wait3A_1877 = arith.constant 0 : i32
        %dma_wait3A_1878 = tpu.memref_slice %arg2[%dma_wait3A_1873, %dma_wait3A_1877] : memref<200x16384xi32, #tpu.memory_space<hbm>> -> memref<1x1024xi32, #tpu.memory_space<hbm>>
        %dma_wait3A_1879 = tpu.memref_squeeze %dma_wait3A_1878 : memref<1x1024xi32, #tpu.memory_space<hbm>> -> memref<1024xi32, #tpu.memory_space<hbm>>
        tpu.wait_dma2 semaphore(%arg11 : memref<!tpu.dma_semaphore, #tpu.memory_space<semaphore_mem>>) src(%dma_wait3A_1879 : memref<1024xi32, #tpu.memory_space<hbm>>) dst(%arg6 : memref<1024xi32, #tpu.memory_space<vmem>>)
        %dma_start3A_1880 = arith.constant 0 : i32
        %dma_start3A_1881 = tpu.memref_slice %arg6[%dma_start3A_1880] : memref<1024xi32, #tpu.memory_space<vmem>> -> memref<128xi32, #tpu.memory_space<vmem>>
        %dma_start3A_1882 = arith.constant 0 : i32
        %dma_start3A_1883 = arith.constant 0 : i32
        %dma_start3A_1884 = tpu.memref_slice %arg3[%dma_start3A_1882, %dma_start3A_1883] : memref<1000000x128xf32, #tpu.memory_space<hbm>> -> memref<1000000x128xf32, #tpu.memory_space<hbm>>
        tpu.enqueue_indirect_dma source(%dma_start3A_1884 : memref<1000000x128xf32, #tpu.memory_space<hbm>>) target(%arg7 : memref<128x128xf32, #tpu.memory_space<vmem>>) offsets(%dma_start3A_1881 : memref<128xi32, #tpu.memory_space<vmem>>) semaphore(%arg12 : memref<!tpu.dma_semaphore, #tpu.memory_space<semaphore_mem>>)
      } else {
      }
      %add3A_781 = arith.addi %mul3A_2, %mul3A_681 : i32
      %jit3A_782 = arith.constant 16 : i32
      %div3A_783 = arith.divsi %add3A_781, %jit3A_782 : i32
      %sign3A_784 = arith.constant 0 : i32
      %sign3A_785 = arith.cmpi sgt, %add3A_781, %sign3A_784 : i32
      %sign3A_786 = arith.extui %sign3A_785 : i1 to i32
      %sign3A_787 = arith.constant 0 : i32
      %sign3A_788 = arith.cmpi slt, %add3A_781, %sign3A_787 : i32
      %sign3A_789 = arith.extui %sign3A_788 : i1 to i32
      %sign3A_790 = arith.subi %sign3A_786, %sign3A_789 : i32
      %sign3A_791 = arith.constant 0 : i32
      %sign3A_792 = arith.cmpi sgt, %jit3A_782, %sign3A_791 : i32
      %sign3A_793 = arith.extui %sign3A_792 : i1 to i32
      %sign3A_794 = arith.constant 0 : i32
      %sign3A_795 = arith.cmpi slt, %jit3A_782, %sign3A_794 : i32
      %sign3A_796 = arith.extui %sign3A_795 : i1 to i32
      %sign3A_797 = arith.subi %sign3A_793, %sign3A_796 : i32
      %ne3A_798 = arith.cmpi ne, %sign3A_790, %sign3A_797 : i32
      %rem3A_799 = arith.remsi %add3A_781, %jit3A_782 : i32
      %ne3A_800 = arith.constant 0 : i32
      %ne3A_801 = arith.cmpi ne, %rem3A_799, %ne3A_800 : i32
      %and3A_802 = arith.andi %ne3A_798, %ne3A_801 : i1
      %sub3A_803 = arith.constant 1 : i32
      %sub3A_804 = arith.subi %div3A_783, %sub3A_803 : i32
      %select_n3A_805 = arith.select %and3A_802, %sub3A_804, %div3A_783 : i32
      %jit3A_806 = arith.constant 16 : i32
      %eq3A_807 = arith.constant 0 : i32
      %eq3A_808 = arith.cmpi eq, %jit3A_806, %eq3A_807 : i32
      %jit3A_809 = arith.constant 1 : i32
      %select_n3A_810 = arith.select %eq3A_808, %jit3A_809, %jit3A_806 : i32
      %rem3A_811 = arith.remsi %add3A_781, %select_n3A_810 : i32
      %ne3A_812 = arith.constant 0 : i32
      %ne3A_813 = arith.cmpi ne, %rem3A_811, %ne3A_812 : i32
      %lt3A_814 = arith.constant 0 : i32
      %lt3A_815 = arith.cmpi slt, %rem3A_811, %lt3A_814 : i32
      %lt3A_816 = arith.constant 0 : i32
      %lt3A_817 = arith.cmpi slt, %select_n3A_810, %lt3A_816 : i32
      %ne3A_818 = arith.xori %lt3A_815, %lt3A_817 : i1
      %and3A_819 = arith.andi %ne3A_818, %ne3A_813 : i1
      %add3A_820 = arith.addi %rem3A_811, %select_n3A_810 : i32
      %select_n3A_821 = arith.select %and3A_819, %add3A_820, %rem3A_811 : i32
      %mul3A_822 = arith.constant 1024 : i32
      %mul3A_823 = arith.muli %select_n3A_821, %mul3A_822 : i32
      %dma_start3A_824 = arith.constant 0 : i32
      %dma_start3A_825 = arith.constant 0 : i32
      %dma_start3A_826 = tpu.memref_slice %arg9[%dma_start3A_825] : memref<51200xf32, #tpu.memory_space<vmem>> -> memref<1024xf32, #tpu.memory_space<vmem>>
      %dma_start3A_827 = tpu.memref_slice %arg4[%dma_start3A_824, %select_n3A_805, %mul3A_823] : memref<50x200x16384xf32, #tpu.memory_space<hbm>> -> memref<1x1x1024xf32, #tpu.memory_space<hbm>>
      %dma_start3A_828 = tpu.memref_squeeze %dma_start3A_827 : memref<1x1x1024xf32, #tpu.memory_space<hbm>> -> memref<1024xf32, #tpu.memory_space<hbm>>
      %dma_start3A_829 = tpu.memref_slice %arg4[%dma_start3A_824, %select_n3A_805, %mul3A_823] : memref<50x200x16384xf32, #tpu.memory_space<hbm>> -> memref<1x1x1024xf32, #tpu.memory_space<hbm>>
      %dma_start3A_830 = tpu.memref_squeeze %dma_start3A_829 : memref<1x1x1024xf32, #tpu.memory_space<hbm>> -> memref<1024xf32, #tpu.memory_space<hbm>>
      %dma_start3A_831 = arith.constant 0 : i32
      %dma_start3A_832 = tpu.memref_slice %arg9[%dma_start3A_831] : memref<51200xf32, #tpu.memory_space<vmem>> -> memref<1024xf32, #tpu.memory_space<vmem>>
      tpu.enqueue_dma source(%dma_start3A_832 : memref<1024xf32, #tpu.memory_space<vmem>>) target(%dma_start3A_830 : memref<1024xf32, #tpu.memory_space<hbm>>) target_semaphore(%arg14 : memref<!tpu.dma_semaphore, #tpu.memory_space<semaphore_mem>>)
      %dma_start3A_833 = arith.constant 1 : i32
      %dma_start3A_834 = arith.constant 1024 : i32
      %dma_start3A_835 = tpu.memref_slice %arg9[%dma_start3A_834] : memref<51200xf32, #tpu.memory_space<vmem>> -> memref<1024xf32, #tpu.memory_space<vmem>>
      %dma_start3A_836 = tpu.memref_slice %arg4[%dma_start3A_833, %select_n3A_805, %mul3A_823] : memref<50x200x16384xf32, #tpu.memory_space<hbm>> -> memref<1x1x1024xf32, #tpu.memory_space<hbm>>
      %dma_start3A_837 = tpu.memref_squeeze %dma_start3A_836 : memref<1x1x1024xf32, #tpu.memory_space<hbm>> -> memref<1024xf32, #tpu.memory_space<hbm>>
      %dma_start3A_838 = tpu.memref_slice %arg4[%dma_start3A_833, %select_n3A_805, %mul3A_823] : memref<50x200x16384xf32, #tpu.memory_space<hbm>> -> memref<1x1x1024xf32, #tpu.memory_space<hbm>>
      %dma_start3A_839 = tpu.memref_squeeze %dma_start3A_838 : memref<1x1x1024xf32, #tpu.memory_space<hbm>> -> memref<1024xf32, #tpu.memory_space<hbm>>
      %dma_start3A_840 = arith.constant 1024 : i32
      %dma_start3A_841 = tpu.memref_slice %arg9[%dma_start3A_840] : memref<51200xf32, #tpu.memory_space<vmem>> -> memref<1024xf32, #tpu.memory_space<vmem>>
      tpu.enqueue_dma source(%dma_start3A_841 : memref<1024xf32, #tpu.memory_space<vmem>>) target(%dma_start3A_839 : memref<1024xf32, #tpu.memory_space<hbm>>) target_semaphore(%arg14 : memref<!tpu.dma_semaphore, #tpu.memory_space<semaphore_mem>>)
      %dma_start3A_842 = arith.constant 2 : i32
      %dma_start3A_843 = arith.constant 2048 : i32
      %dma_start3A_844 = tpu.memref_slice %arg9[%dma_start3A_843] : memref<51200xf32, #tpu.memory_space<vmem>> -> memref<1024xf32, #tpu.memory_space<vmem>>
      %dma_start3A_845 = tpu.memref_slice %arg4[%dma_start3A_842, %select_n3A_805, %mul3A_823] : memref<50x200x16384xf32, #tpu.memory_space<hbm>> -> memref<1x1x1024xf32, #tpu.memory_space<hbm>>
      %dma_start3A_846 = tpu.memref_squeeze %dma_start3A_845 : memref<1x1x1024xf32, #tpu.memory_space<hbm>> -> memref<1024xf32, #tpu.memory_space<hbm>>
      %dma_start3A_847 = tpu.memref_slice %arg4[%dma_start3A_842, %select_n3A_805, %mul3A_823] : memref<50x200x16384xf32, #tpu.memory_space<hbm>> -> memref<1x1x1024xf32, #tpu.memory_space<hbm>>
      %dma_start3A_848 = tpu.memref_squeeze %dma_start3A_847 : memref<1x1x1024xf32, #tpu.memory_space<hbm>> -> memref<1024xf32, #tpu.memory_space<hbm>>
      %dma_start3A_849 = arith.constant 2048 : i32
      %dma_start3A_850 = tpu.memref_slice %arg9[%dma_start3A_849] : memref<51200xf32, #tpu.memory_space<vmem>> -> memref<1024xf32, #tpu.memory_space<vmem>>
      tpu.enqueue_dma source(%dma_start3A_850 : memref<1024xf32, #tpu.memory_space<vmem>>) target(%dma_start3A_848 : memref<1024xf32, #tpu.memory_space<hbm>>) target_semaphore(%arg14 : memref<!tpu.dma_semaphore, #tpu.memory_space<semaphore_mem>>)
      %dma_start3A_851 = arith.constant 3 : i32
      %dma_start3A_852 = arith.constant 3072 : i32
      %dma_start3A_853 = tpu.memref_slice %arg9[%dma_start3A_852] : memref<51200xf32, #tpu.memory_space<vmem>> -> memref<1024xf32, #tpu.memory_space<vmem>>
      %dma_start3A_854 = tpu.memref_slice %arg4[%dma_start3A_851, %select_n3A_805, %mul3A_823] : memref<50x200x16384xf32, #tpu.memory_space<hbm>> -> memref<1x1x1024xf32, #tpu.memory_space<hbm>>
      %dma_start3A_855 = tpu.memref_squeeze %dma_start3A_854 : memref<1x1x1024xf32, #tpu.memory_space<hbm>> -> memref<1024xf32, #tpu.memory_space<hbm>>
      %dma_start3A_856 = tpu.memref_slice %arg4[%dma_start3A_851, %select_n3A_805, %mul3A_823] : memref<50x200x16384xf32, #tpu.memory_space<hbm>> -> memref<1x1x1024xf32, #tpu.memory_space<hbm>>
      %dma_start3A_857 = tpu.memref_squeeze %dma_start3A_856 : memref<1x1x1024xf32, #tpu.memory_space<hbm>> -> memref<1024xf32, #tpu.memory_space<hbm>>
      %dma_start3A_858 = arith.constant 3072 : i32
      %dma_start3A_859 = tpu.memref_slice %arg9[%dma_start3A_858] : memref<51200xf32, #tpu.memory_space<vmem>> -> memref<1024xf32, #tpu.memory_space<vmem>>
      tpu.enqueue_dma source(%dma_start3A_859 : memref<1024xf32, #tpu.memory_space<vmem>>) target(%dma_start3A_857 : memref<1024xf32, #tpu.memory_space<hbm>>) target_semaphore(%arg14 : memref<!tpu.dma_semaphore, #tpu.memory_space<semaphore_mem>>)
      %dma_start3A_860 = arith.constant 4 : i32
      %dma_start3A_861 = arith.constant 4096 : i32
      %dma_start3A_862 = tpu.memref_slice %arg9[%dma_start3A_861] : memref<51200xf32, #tpu.memory_space<vmem>> -> memref<1024xf32, #tpu.memory_space<vmem>>
      %dma_start3A_863 = tpu.memref_slice %arg4[%dma_start3A_860, %select_n3A_805, %mul3A_823] : memref<50x200x16384xf32, #tpu.memory_space<hbm>> -> memref<1x1x1024xf32, #tpu.memory_space<hbm>>
      %dma_start3A_864 = tpu.memref_squeeze %dma_start3A_863 : memref<1x1x1024xf32, #tpu.memory_space<hbm>> -> memref<1024xf32, #tpu.memory_space<hbm>>
      %dma_start3A_865 = tpu.memref_slice %arg4[%dma_start3A_860, %select_n3A_805, %mul3A_823] : memref<50x200x16384xf32, #tpu.memory_space<hbm>> -> memref<1x1x1024xf32, #tpu.memory_space<hbm>>
      %dma_start3A_866 = tpu.memref_squeeze %dma_start3A_865 : memref<1x1x1024xf32, #tpu.memory_space<hbm>> -> memref<1024xf32, #tpu.memory_space<hbm>>
      %dma_start3A_867 = arith.constant 4096 : i32
      %dma_start3A_868 = tpu.memref_slice %arg9[%dma_start3A_867] : memref<51200xf32, #tpu.memory_space<vmem>> -> memref<1024xf32, #tpu.memory_space<vmem>>
      tpu.enqueue_dma source(%dma_start3A_868 : memref<1024xf32, #tpu.memory_space<vmem>>) target(%dma_start3A_866 : memref<1024xf32, #tpu.memory_space<hbm>>) target_semaphore(%arg14 : memref<!tpu.dma_semaphore, #tpu.memory_space<semaphore_mem>>)
      %dma_start3A_869 = arith.constant 5 : i32
      %dma_start3A_870 = arith.constant 5120 : i32
      %dma_start3A_871 = tpu.memref_slice %arg9[%dma_start3A_870] : memref<51200xf32, #tpu.memory_space<vmem>> -> memref<1024xf32, #tpu.memory_space<vmem>>
      %dma_start3A_872 = tpu.memref_slice %arg4[%dma_start3A_869, %select_n3A_805, %mul3A_823] : memref<50x200x16384xf32, #tpu.memory_space<hbm>> -> memref<1x1x1024xf32, #tpu.memory_space<hbm>>
      %dma_start3A_873 = tpu.memref_squeeze %dma_start3A_872 : memref<1x1x1024xf32, #tpu.memory_space<hbm>> -> memref<1024xf32, #tpu.memory_space<hbm>>
      %dma_start3A_874 = tpu.memref_slice %arg4[%dma_start3A_869, %select_n3A_805, %mul3A_823] : memref<50x200x16384xf32, #tpu.memory_space<hbm>> -> memref<1x1x1024xf32, #tpu.memory_space<hbm>>
      %dma_start3A_875 = tpu.memref_squeeze %dma_start3A_874 : memref<1x1x1024xf32, #tpu.memory_space<hbm>> -> memref<1024xf32, #tpu.memory_space<hbm>>
      %dma_start3A_876 = arith.constant 5120 : i32
      %dma_start3A_877 = tpu.memref_slice %arg9[%dma_start3A_876] : memref<51200xf32, #tpu.memory_space<vmem>> -> memref<1024xf32, #tpu.memory_space<vmem>>
      tpu.enqueue_dma source(%dma_start3A_877 : memref<1024xf32, #tpu.memory_space<vmem>>) target(%dma_start3A_875 : memref<1024xf32, #tpu.memory_space<hbm>>) target_semaphore(%arg14 : memref<!tpu.dma_semaphore, #tpu.memory_space<semaphore_mem>>)
      %dma_start3A_878 = arith.constant 6 : i32
      %dma_start3A_879 = arith.constant 6144 : i32
      %dma_start3A_880 = tpu.memref_slice %arg9[%dma_start3A_879] : memref<51200xf32, #tpu.memory_space<vmem>> -> memref<1024xf32, #tpu.memory_space<vmem>>
      %dma_start3A_881 = tpu.memref_slice %arg4[%dma_start3A_878, %select_n3A_805, %mul3A_823] : memref<50x200x16384xf32, #tpu.memory_space<hbm>> -> memref<1x1x1024xf32, #tpu.memory_space<hbm>>
      %dma_start3A_882 = tpu.memref_squeeze %dma_start3A_881 : memref<1x1x1024xf32, #tpu.memory_space<hbm>> -> memref<1024xf32, #tpu.memory_space<hbm>>
      %dma_start3A_883 = tpu.memref_slice %arg4[%dma_start3A_878, %select_n3A_805, %mul3A_823] : memref<50x200x16384xf32, #tpu.memory_space<hbm>> -> memref<1x1x1024xf32, #tpu.memory_space<hbm>>
      %dma_start3A_884 = tpu.memref_squeeze %dma_start3A_883 : memref<1x1x1024xf32, #tpu.memory_space<hbm>> -> memref<1024xf32, #tpu.memory_space<hbm>>
      %dma_start3A_885 = arith.constant 6144 : i32
      %dma_start3A_886 = tpu.memref_slice %arg9[%dma_start3A_885] : memref<51200xf32, #tpu.memory_space<vmem>> -> memref<1024xf32, #tpu.memory_space<vmem>>
      tpu.enqueue_dma source(%dma_start3A_886 : memref<1024xf32, #tpu.memory_space<vmem>>) target(%dma_start3A_884 : memref<1024xf32, #tpu.memory_space<hbm>>) target_semaphore(%arg14 : memref<!tpu.dma_semaphore, #tpu.memory_space<semaphore_mem>>)
      %dma_start3A_887 = arith.constant 7 : i32
      %dma_start3A_888 = arith.constant 7168 : i32
      %dma_start3A_889 = tpu.memref_slice %arg9[%dma_start3A_888] : memref<51200xf32, #tpu.memory_space<vmem>> -> memref<1024xf32, #tpu.memory_space<vmem>>
      %dma_start3A_890 = tpu.memref_slice %arg4[%dma_start3A_887, %select_n3A_805, %mul3A_823] : memref<50x200x16384xf32, #tpu.memory_space<hbm>> -> memref<1x1x1024xf32, #tpu.memory_space<hbm>>
      %dma_start3A_891 = tpu.memref_squeeze %dma_start3A_890 : memref<1x1x1024xf32, #tpu.memory_space<hbm>> -> memref<1024xf32, #tpu.memory_space<hbm>>
      %dma_start3A_892 = tpu.memref_slice %arg4[%dma_start3A_887, %select_n3A_805, %mul3A_823] : memref<50x200x16384xf32, #tpu.memory_space<hbm>> -> memref<1x1x1024xf32, #tpu.memory_space<hbm>>
      %dma_start3A_893 = tpu.memref_squeeze %dma_start3A_892 : memref<1x1x1024xf32, #tpu.memory_space<hbm>> -> memref<1024xf32, #tpu.memory_space<hbm>>
      %dma_start3A_894 = arith.constant 7168 : i32
      %dma_start3A_895 = tpu.memref_slice %arg9[%dma_start3A_894] : memref<51200xf32, #tpu.memory_space<vmem>> -> memref<1024xf32, #tpu.memory_space<vmem>>
      tpu.enqueue_dma source(%dma_start3A_895 : memref<1024xf32, #tpu.memory_space<vmem>>) target(%dma_start3A_893 : memref<1024xf32, #tpu.memory_space<hbm>>) target_semaphore(%arg14 : memref<!tpu.dma_semaphore, #tpu.memory_space<semaphore_mem>>)
      %dma_start3A_896 = arith.constant 8 : i32
      %dma_start3A_897 = arith.constant 8192 : i32
      %dma_start3A_898 = tpu.memref_slice %arg9[%dma_start3A_897] : memref<51200xf32, #tpu.memory_space<vmem>> -> memref<1024xf32, #tpu.memory_space<vmem>>
      %dma_start3A_899 = tpu.memref_slice %arg4[%dma_start3A_896, %select_n3A_805, %mul3A_823] : memref<50x200x16384xf32, #tpu.memory_space<hbm>> -> memref<1x1x1024xf32, #tpu.memory_space<hbm>>
      %dma_start3A_900 = tpu.memref_squeeze %dma_start3A_899 : memref<1x1x1024xf32, #tpu.memory_space<hbm>> -> memref<1024xf32, #tpu.memory_space<hbm>>
      %dma_start3A_901 = tpu.memref_slice %arg4[%dma_start3A_896, %select_n3A_805, %mul3A_823] : memref<50x200x16384xf32, #tpu.memory_space<hbm>> -> memref<1x1x1024xf32, #tpu.memory_space<hbm>>
      %dma_start3A_902 = tpu.memref_squeeze %dma_start3A_901 : memref<1x1x1024xf32, #tpu.memory_space<hbm>> -> memref<1024xf32, #tpu.memory_space<hbm>>
      %dma_start3A_903 = arith.constant 8192 : i32
      %dma_start3A_904 = tpu.memref_slice %arg9[%dma_start3A_903] : memref<51200xf32, #tpu.memory_space<vmem>> -> memref<1024xf32, #tpu.memory_space<vmem>>
      tpu.enqueue_dma source(%dma_start3A_904 : memref<1024xf32, #tpu.memory_space<vmem>>) target(%dma_start3A_902 : memref<1024xf32, #tpu.memory_space<hbm>>) target_semaphore(%arg14 : memref<!tpu.dma_semaphore, #tpu.memory_space<semaphore_mem>>)
      %dma_start3A_905 = arith.constant 9 : i32
      %dma_start3A_906 = arith.constant 9216 : i32
      %dma_start3A_907 = tpu.memref_slice %arg9[%dma_start3A_906] : memref<51200xf32, #tpu.memory_space<vmem>> -> memref<1024xf32, #tpu.memory_space<vmem>>
      %dma_start3A_908 = tpu.memref_slice %arg4[%dma_start3A_905, %select_n3A_805, %mul3A_823] : memref<50x200x16384xf32, #tpu.memory_space<hbm>> -> memref<1x1x1024xf32, #tpu.memory_space<hbm>>
      %dma_start3A_909 = tpu.memref_squeeze %dma_start3A_908 : memref<1x1x1024xf32, #tpu.memory_space<hbm>> -> memref<1024xf32, #tpu.memory_space<hbm>>
      %dma_start3A_910 = tpu.memref_slice %arg4[%dma_start3A_905, %select_n3A_805, %mul3A_823] : memref<50x200x16384xf32, #tpu.memory_space<hbm>> -> memref<1x1x1024xf32, #tpu.memory_space<hbm>>
      %dma_start3A_911 = tpu.memref_squeeze %dma_start3A_910 : memref<1x1x1024xf32, #tpu.memory_space<hbm>> -> memref<1024xf32, #tpu.memory_space<hbm>>
      %dma_start3A_912 = arith.constant 9216 : i32
      %dma_start3A_913 = tpu.memref_slice %arg9[%dma_start3A_912] : memref<51200xf32, #tpu.memory_space<vmem>> -> memref<1024xf32, #tpu.memory_space<vmem>>
      tpu.enqueue_dma source(%dma_start3A_913 : memref<1024xf32, #tpu.memory_space<vmem>>) target(%dma_start3A_911 : memref<1024xf32, #tpu.memory_space<hbm>>) target_semaphore(%arg14 : memref<!tpu.dma_semaphore, #tpu.memory_space<semaphore_mem>>)
      %dma_start3A_914 = arith.constant 10 : i32
      %dma_start3A_915 = arith.constant 10240 : i32
      %dma_start3A_916 = tpu.memref_slice %arg9[%dma_start3A_915] : memref<51200xf32, #tpu.memory_space<vmem>> -> memref<1024xf32, #tpu.memory_space<vmem>>
      %dma_start3A_917 = tpu.memref_slice %arg4[%dma_start3A_914, %select_n3A_805, %mul3A_823] : memref<50x200x16384xf32, #tpu.memory_space<hbm>> -> memref<1x1x1024xf32, #tpu.memory_space<hbm>>
      %dma_start3A_918 = tpu.memref_squeeze %dma_start3A_917 : memref<1x1x1024xf32, #tpu.memory_space<hbm>> -> memref<1024xf32, #tpu.memory_space<hbm>>
      %dma_start3A_919 = tpu.memref_slice %arg4[%dma_start3A_914, %select_n3A_805, %mul3A_823] : memref<50x200x16384xf32, #tpu.memory_space<hbm>> -> memref<1x1x1024xf32, #tpu.memory_space<hbm>>
      %dma_start3A_920 = tpu.memref_squeeze %dma_start3A_919 : memref<1x1x1024xf32, #tpu.memory_space<hbm>> -> memref<1024xf32, #tpu.memory_space<hbm>>
      %dma_start3A_921 = arith.constant 10240 : i32
      %dma_start3A_922 = tpu.memref_slice %arg9[%dma_start3A_921] : memref<51200xf32, #tpu.memory_space<vmem>> -> memref<1024xf32, #tpu.memory_space<vmem>>
      tpu.enqueue_dma source(%dma_start3A_922 : memref<1024xf32, #tpu.memory_space<vmem>>) target(%dma_start3A_920 : memref<1024xf32, #tpu.memory_space<hbm>>) target_semaphore(%arg14 : memref<!tpu.dma_semaphore, #tpu.memory_space<semaphore_mem>>)
      %dma_start3A_923 = arith.constant 11 : i32
      %dma_start3A_924 = arith.constant 11264 : i32
      %dma_start3A_925 = tpu.memref_slice %arg9[%dma_start3A_924] : memref<51200xf32, #tpu.memory_space<vmem>> -> memref<1024xf32, #tpu.memory_space<vmem>>
      %dma_start3A_926 = tpu.memref_slice %arg4[%dma_start3A_923, %select_n3A_805, %mul3A_823] : memref<50x200x16384xf32, #tpu.memory_space<hbm>> -> memref<1x1x1024xf32, #tpu.memory_space<hbm>>
      %dma_start3A_927 = tpu.memref_squeeze %dma_start3A_926 : memref<1x1x1024xf32, #tpu.memory_space<hbm>> -> memref<1024xf32, #tpu.memory_space<hbm>>
      %dma_start3A_928 = tpu.memref_slice %arg4[%dma_start3A_923, %select_n3A_805, %mul3A_823] : memref<50x200x16384xf32, #tpu.memory_space<hbm>> -> memref<1x1x1024xf32, #tpu.memory_space<hbm>>
      %dma_start3A_929 = tpu.memref_squeeze %dma_start3A_928 : memref<1x1x1024xf32, #tpu.memory_space<hbm>> -> memref<1024xf32, #tpu.memory_space<hbm>>
      %dma_start3A_930 = arith.constant 11264 : i32
      %dma_start3A_931 = tpu.memref_slice %arg9[%dma_start3A_930] : memref<51200xf32, #tpu.memory_space<vmem>> -> memref<1024xf32, #tpu.memory_space<vmem>>
      tpu.enqueue_dma source(%dma_start3A_931 : memref<1024xf32, #tpu.memory_space<vmem>>) target(%dma_start3A_929 : memref<1024xf32, #tpu.memory_space<hbm>>) target_semaphore(%arg14 : memref<!tpu.dma_semaphore, #tpu.memory_space<semaphore_mem>>)
      %dma_start3A_932 = arith.constant 12 : i32
      %dma_start3A_933 = arith.constant 12288 : i32
      %dma_start3A_934 = tpu.memref_slice %arg9[%dma_start3A_933] : memref<51200xf32, #tpu.memory_space<vmem>> -> memref<1024xf32, #tpu.memory_space<vmem>>
      %dma_start3A_935 = tpu.memref_slice %arg4[%dma_start3A_932, %select_n3A_805, %mul3A_823] : memref<50x200x16384xf32, #tpu.memory_space<hbm>> -> memref<1x1x1024xf32, #tpu.memory_space<hbm>>
      %dma_start3A_936 = tpu.memref_squeeze %dma_start3A_935 : memref<1x1x1024xf32, #tpu.memory_space<hbm>> -> memref<1024xf32, #tpu.memory_space<hbm>>
      %dma_start3A_937 = tpu.memref_slice %arg4[%dma_start3A_932, %select_n3A_805, %mul3A_823] : memref<50x200x16384xf32, #tpu.memory_space<hbm>> -> memref<1x1x1024xf32, #tpu.memory_space<hbm>>
      %dma_start3A_938 = tpu.memref_squeeze %dma_start3A_937 : memref<1x1x1024xf32, #tpu.memory_space<hbm>> -> memref<1024xf32, #tpu.memory_space<hbm>>
      %dma_start3A_939 = arith.constant 12288 : i32
      %dma_start3A_940 = tpu.memref_slice %arg9[%dma_start3A_939] : memref<51200xf32, #tpu.memory_space<vmem>> -> memref<1024xf32, #tpu.memory_space<vmem>>
      tpu.enqueue_dma source(%dma_start3A_940 : memref<1024xf32, #tpu.memory_space<vmem>>) target(%dma_start3A_938 : memref<1024xf32, #tpu.memory_space<hbm>>) target_semaphore(%arg14 : memref<!tpu.dma_semaphore, #tpu.memory_space<semaphore_mem>>)
      %dma_start3A_941 = arith.constant 13 : i32
      %dma_start3A_942 = arith.constant 13312 : i32
      %dma_start3A_943 = tpu.memref_slice %arg9[%dma_start3A_942] : memref<51200xf32, #tpu.memory_space<vmem>> -> memref<1024xf32, #tpu.memory_space<vmem>>
      %dma_start3A_944 = tpu.memref_slice %arg4[%dma_start3A_941, %select_n3A_805, %mul3A_823] : memref<50x200x16384xf32, #tpu.memory_space<hbm>> -> memref<1x1x1024xf32, #tpu.memory_space<hbm>>
      %dma_start3A_945 = tpu.memref_squeeze %dma_start3A_944 : memref<1x1x1024xf32, #tpu.memory_space<hbm>> -> memref<1024xf32, #tpu.memory_space<hbm>>
      %dma_start3A_946 = tpu.memref_slice %arg4[%dma_start3A_941, %select_n3A_805, %mul3A_823] : memref<50x200x16384xf32, #tpu.memory_space<hbm>> -> memref<1x1x1024xf32, #tpu.memory_space<hbm>>
      %dma_start3A_947 = tpu.memref_squeeze %dma_start3A_946 : memref<1x1x1024xf32, #tpu.memory_space<hbm>> -> memref<1024xf32, #tpu.memory_space<hbm>>
      %dma_start3A_948 = arith.constant 13312 : i32
      %dma_start3A_949 = tpu.memref_slice %arg9[%dma_start3A_948] : memref<51200xf32, #tpu.memory_space<vmem>> -> memref<1024xf32, #tpu.memory_space<vmem>>
      tpu.enqueue_dma source(%dma_start3A_949 : memref<1024xf32, #tpu.memory_space<vmem>>) target(%dma_start3A_947 : memref<1024xf32, #tpu.memory_space<hbm>>) target_semaphore(%arg14 : memref<!tpu.dma_semaphore, #tpu.memory_space<semaphore_mem>>)
      %dma_start3A_950 = arith.constant 14 : i32
      %dma_start3A_951 = arith.constant 14336 : i32
      %dma_start3A_952 = tpu.memref_slice %arg9[%dma_start3A_951] : memref<51200xf32, #tpu.memory_space<vmem>> -> memref<1024xf32, #tpu.memory_space<vmem>>
      %dma_start3A_953 = tpu.memref_slice %arg4[%dma_start3A_950, %select_n3A_805, %mul3A_823] : memref<50x200x16384xf32, #tpu.memory_space<hbm>> -> memref<1x1x1024xf32, #tpu.memory_space<hbm>>
      %dma_start3A_954 = tpu.memref_squeeze %dma_start3A_953 : memref<1x1x1024xf32, #tpu.memory_space<hbm>> -> memref<1024xf32, #tpu.memory_space<hbm>>
      %dma_start3A_955 = tpu.memref_slice %arg4[%dma_start3A_950, %select_n3A_805, %mul3A_823] : memref<50x200x16384xf32, #tpu.memory_space<hbm>> -> memref<1x1x1024xf32, #tpu.memory_space<hbm>>
      %dma_start3A_956 = tpu.memref_squeeze %dma_start3A_955 : memref<1x1x1024xf32, #tpu.memory_space<hbm>> -> memref<1024xf32, #tpu.memory_space<hbm>>
      %dma_start3A_957 = arith.constant 14336 : i32
      %dma_start3A_958 = tpu.memref_slice %arg9[%dma_start3A_957] : memref<51200xf32, #tpu.memory_space<vmem>> -> memref<1024xf32, #tpu.memory_space<vmem>>
      tpu.enqueue_dma source(%dma_start3A_958 : memref<1024xf32, #tpu.memory_space<vmem>>) target(%dma_start3A_956 : memref<1024xf32, #tpu.memory_space<hbm>>) target_semaphore(%arg14 : memref<!tpu.dma_semaphore, #tpu.memory_space<semaphore_mem>>)
      %dma_start3A_959 = arith.constant 15 : i32
      %dma_start3A_960 = arith.constant 15360 : i32
      %dma_start3A_961 = tpu.memref_slice %arg9[%dma_start3A_960] : memref<51200xf32, #tpu.memory_space<vmem>> -> memref<1024xf32, #tpu.memory_space<vmem>>
      %dma_start3A_962 = tpu.memref_slice %arg4[%dma_start3A_959, %select_n3A_805, %mul3A_823] : memref<50x200x16384xf32, #tpu.memory_space<hbm>> -> memref<1x1x1024xf32, #tpu.memory_space<hbm>>
      %dma_start3A_963 = tpu.memref_squeeze %dma_start3A_962 : memref<1x1x1024xf32, #tpu.memory_space<hbm>> -> memref<1024xf32, #tpu.memory_space<hbm>>
      %dma_start3A_964 = tpu.memref_slice %arg4[%dma_start3A_959, %select_n3A_805, %mul3A_823] : memref<50x200x16384xf32, #tpu.memory_space<hbm>> -> memref<1x1x1024xf32, #tpu.memory_space<hbm>>
      %dma_start3A_965 = tpu.memref_squeeze %dma_start3A_964 : memref<1x1x1024xf32, #tpu.memory_space<hbm>> -> memref<1024xf32, #tpu.memory_space<hbm>>
      %dma_start3A_966 = arith.constant 15360 : i32
      %dma_start3A_967 = tpu.memref_slice %arg9[%dma_start3A_966] : memref<51200xf32, #tpu.memory_space<vmem>> -> memref<1024xf32, #tpu.memory_space<vmem>>
      tpu.enqueue_dma source(%dma_start3A_967 : memref<1024xf32, #tpu.memory_space<vmem>>) target(%dma_start3A_965 : memref<1024xf32, #tpu.memory_space<hbm>>) target_semaphore(%arg14 : memref<!tpu.dma_semaphore, #tpu.memory_space<semaphore_mem>>)
      %dma_start3A_968 = arith.constant 16 : i32
      %dma_start3A_969 = arith.constant 16384 : i32
      %dma_start3A_970 = tpu.memref_slice %arg9[%dma_start3A_969] : memref<51200xf32, #tpu.memory_space<vmem>> -> memref<1024xf32, #tpu.memory_space<vmem>>
      %dma_start3A_971 = tpu.memref_slice %arg4[%dma_start3A_968, %select_n3A_805, %mul3A_823] : memref<50x200x16384xf32, #tpu.memory_space<hbm>> -> memref<1x1x1024xf32, #tpu.memory_space<hbm>>
      %dma_start3A_972 = tpu.memref_squeeze %dma_start3A_971 : memref<1x1x1024xf32, #tpu.memory_space<hbm>> -> memref<1024xf32, #tpu.memory_space<hbm>>
      %dma_start3A_973 = tpu.memref_slice %arg4[%dma_start3A_968, %select_n3A_805, %mul3A_823] : memref<50x200x16384xf32, #tpu.memory_space<hbm>> -> memref<1x1x1024xf32, #tpu.memory_space<hbm>>
      %dma_start3A_974 = tpu.memref_squeeze %dma_start3A_973 : memref<1x1x1024xf32, #tpu.memory_space<hbm>> -> memref<1024xf32, #tpu.memory_space<hbm>>
      %dma_start3A_975 = arith.constant 16384 : i32
      %dma_start3A_976 = tpu.memref_slice %arg9[%dma_start3A_975] : memref<51200xf32, #tpu.memory_space<vmem>> -> memref<1024xf32, #tpu.memory_space<vmem>>
      tpu.enqueue_dma source(%dma_start3A_976 : memref<1024xf32, #tpu.memory_space<vmem>>) target(%dma_start3A_974 : memref<1024xf32, #tpu.memory_space<hbm>>) target_semaphore(%arg14 : memref<!tpu.dma_semaphore, #tpu.memory_space<semaphore_mem>>)
      %dma_start3A_977 = arith.constant 17 : i32
      %dma_start3A_978 = arith.constant 17408 : i32
      %dma_start3A_979 = tpu.memref_slice %arg9[%dma_start3A_978] : memref<51200xf32, #tpu.memory_space<vmem>> -> memref<1024xf32, #tpu.memory_space<vmem>>
      %dma_start3A_980 = tpu.memref_slice %arg4[%dma_start3A_977, %select_n3A_805, %mul3A_823] : memref<50x200x16384xf32, #tpu.memory_space<hbm>> -> memref<1x1x1024xf32, #tpu.memory_space<hbm>>
      %dma_start3A_981 = tpu.memref_squeeze %dma_start3A_980 : memref<1x1x1024xf32, #tpu.memory_space<hbm>> -> memref<1024xf32, #tpu.memory_space<hbm>>
      %dma_start3A_982 = tpu.memref_slice %arg4[%dma_start3A_977, %select_n3A_805, %mul3A_823] : memref<50x200x16384xf32, #tpu.memory_space<hbm>> -> memref<1x1x1024xf32, #tpu.memory_space<hbm>>
      %dma_start3A_983 = tpu.memref_squeeze %dma_start3A_982 : memref<1x1x1024xf32, #tpu.memory_space<hbm>> -> memref<1024xf32, #tpu.memory_space<hbm>>
      %dma_start3A_984 = arith.constant 17408 : i32
      %dma_start3A_985 = tpu.memref_slice %arg9[%dma_start3A_984] : memref<51200xf32, #tpu.memory_space<vmem>> -> memref<1024xf32, #tpu.memory_space<vmem>>
      tpu.enqueue_dma source(%dma_start3A_985 : memref<1024xf32, #tpu.memory_space<vmem>>) target(%dma_start3A_983 : memref<1024xf32, #tpu.memory_space<hbm>>) target_semaphore(%arg14 : memref<!tpu.dma_semaphore, #tpu.memory_space<semaphore_mem>>)
      %dma_start3A_986 = arith.constant 18 : i32
      %dma_start3A_987 = arith.constant 18432 : i32
      %dma_start3A_988 = tpu.memref_slice %arg9[%dma_start3A_987] : memref<51200xf32, #tpu.memory_space<vmem>> -> memref<1024xf32, #tpu.memory_space<vmem>>
      %dma_start3A_989 = tpu.memref_slice %arg4[%dma_start3A_986, %select_n3A_805, %mul3A_823] : memref<50x200x16384xf32, #tpu.memory_space<hbm>> -> memref<1x1x1024xf32, #tpu.memory_space<hbm>>
      %dma_start3A_990 = tpu.memref_squeeze %dma_start3A_989 : memref<1x1x1024xf32, #tpu.memory_space<hbm>> -> memref<1024xf32, #tpu.memory_space<hbm>>
      %dma_start3A_991 = tpu.memref_slice %arg4[%dma_start3A_986, %select_n3A_805, %mul3A_823] : memref<50x200x16384xf32, #tpu.memory_space<hbm>> -> memref<1x1x1024xf32, #tpu.memory_space<hbm>>
      %dma_start3A_992 = tpu.memref_squeeze %dma_start3A_991 : memref<1x1x1024xf32, #tpu.memory_space<hbm>> -> memref<1024xf32, #tpu.memory_space<hbm>>
      %dma_start3A_993 = arith.constant 18432 : i32
      %dma_start3A_994 = tpu.memref_slice %arg9[%dma_start3A_993] : memref<51200xf32, #tpu.memory_space<vmem>> -> memref<1024xf32, #tpu.memory_space<vmem>>
      tpu.enqueue_dma source(%dma_start3A_994 : memref<1024xf32, #tpu.memory_space<vmem>>) target(%dma_start3A_992 : memref<1024xf32, #tpu.memory_space<hbm>>) target_semaphore(%arg14 : memref<!tpu.dma_semaphore, #tpu.memory_space<semaphore_mem>>)
      %dma_start3A_995 = arith.constant 19 : i32
      %dma_start3A_996 = arith.constant 19456 : i32
      %dma_start3A_997 = tpu.memref_slice %arg9[%dma_start3A_996] : memref<51200xf32, #tpu.memory_space<vmem>> -> memref<1024xf32, #tpu.memory_space<vmem>>
      %dma_start3A_998 = tpu.memref_slice %arg4[%dma_start3A_995, %select_n3A_805, %mul3A_823] : memref<50x200x16384xf32, #tpu.memory_space<hbm>> -> memref<1x1x1024xf32, #tpu.memory_space<hbm>>
      %dma_start3A_999 = tpu.memref_squeeze %dma_start3A_998 : memref<1x1x1024xf32, #tpu.memory_space<hbm>> -> memref<1024xf32, #tpu.memory_space<hbm>>
      %dma_start3A_1000 = tpu.memref_slice %arg4[%dma_start3A_995, %select_n3A_805, %mul3A_823] : memref<50x200x16384xf32, #tpu.memory_space<hbm>> -> memref<1x1x1024xf32, #tpu.memory_space<hbm>>
      %dma_start3A_1001 = tpu.memref_squeeze %dma_start3A_1000 : memref<1x1x1024xf32, #tpu.memory_space<hbm>> -> memref<1024xf32, #tpu.memory_space<hbm>>
      %dma_start3A_1002 = arith.constant 19456 : i32
      %dma_start3A_1003 = tpu.memref_slice %arg9[%dma_start3A_1002] : memref<51200xf32, #tpu.memory_space<vmem>> -> memref<1024xf32, #tpu.memory_space<vmem>>
      tpu.enqueue_dma source(%dma_start3A_1003 : memref<1024xf32, #tpu.memory_space<vmem>>) target(%dma_start3A_1001 : memref<1024xf32, #tpu.memory_space<hbm>>) target_semaphore(%arg14 : memref<!tpu.dma_semaphore, #tpu.memory_space<semaphore_mem>>)
      %dma_start3A_1004 = arith.constant 20 : i32
      %dma_start3A_1005 = arith.constant 20480 : i32
      %dma_start3A_1006 = tpu.memref_slice %arg9[%dma_start3A_1005] : memref<51200xf32, #tpu.memory_space<vmem>> -> memref<1024xf32, #tpu.memory_space<vmem>>
      %dma_start3A_1007 = tpu.memref_slice %arg4[%dma_start3A_1004, %select_n3A_805, %mul3A_823] : memref<50x200x16384xf32, #tpu.memory_space<hbm>> -> memref<1x1x1024xf32, #tpu.memory_space<hbm>>
      %dma_start3A_1008 = tpu.memref_squeeze %dma_start3A_1007 : memref<1x1x1024xf32, #tpu.memory_space<hbm>> -> memref<1024xf32, #tpu.memory_space<hbm>>
      %dma_start3A_1009 = tpu.memref_slice %arg4[%dma_start3A_1004, %select_n3A_805, %mul3A_823] : memref<50x200x16384xf32, #tpu.memory_space<hbm>> -> memref<1x1x1024xf32, #tpu.memory_space<hbm>>
      %dma_start3A_1010 = tpu.memref_squeeze %dma_start3A_1009 : memref<1x1x1024xf32, #tpu.memory_space<hbm>> -> memref<1024xf32, #tpu.memory_space<hbm>>
      %dma_start3A_1011 = arith.constant 20480 : i32
      %dma_start3A_1012 = tpu.memref_slice %arg9[%dma_start3A_1011] : memref<51200xf32, #tpu.memory_space<vmem>> -> memref<1024xf32, #tpu.memory_space<vmem>>
      tpu.enqueue_dma source(%dma_start3A_1012 : memref<1024xf32, #tpu.memory_space<vmem>>) target(%dma_start3A_1010 : memref<1024xf32, #tpu.memory_space<hbm>>) target_semaphore(%arg14 : memref<!tpu.dma_semaphore, #tpu.memory_space<semaphore_mem>>)
      %dma_start3A_1013 = arith.constant 21 : i32
      %dma_start3A_1014 = arith.constant 21504 : i32
      %dma_start3A_1015 = tpu.memref_slice %arg9[%dma_start3A_1014] : memref<51200xf32, #tpu.memory_space<vmem>> -> memref<1024xf32, #tpu.memory_space<vmem>>
      %dma_start3A_1016 = tpu.memref_slice %arg4[%dma_start3A_1013, %select_n3A_805, %mul3A_823] : memref<50x200x16384xf32, #tpu.memory_space<hbm>> -> memref<1x1x1024xf32, #tpu.memory_space<hbm>>
      %dma_start3A_1017 = tpu.memref_squeeze %dma_start3A_1016 : memref<1x1x1024xf32, #tpu.memory_space<hbm>> -> memref<1024xf32, #tpu.memory_space<hbm>>
      %dma_start3A_1018 = tpu.memref_slice %arg4[%dma_start3A_1013, %select_n3A_805, %mul3A_823] : memref<50x200x16384xf32, #tpu.memory_space<hbm>> -> memref<1x1x1024xf32, #tpu.memory_space<hbm>>
      %dma_start3A_1019 = tpu.memref_squeeze %dma_start3A_1018 : memref<1x1x1024xf32, #tpu.memory_space<hbm>> -> memref<1024xf32, #tpu.memory_space<hbm>>
      %dma_start3A_1020 = arith.constant 21504 : i32
      %dma_start3A_1021 = tpu.memref_slice %arg9[%dma_start3A_1020] : memref<51200xf32, #tpu.memory_space<vmem>> -> memref<1024xf32, #tpu.memory_space<vmem>>
      tpu.enqueue_dma source(%dma_start3A_1021 : memref<1024xf32, #tpu.memory_space<vmem>>) target(%dma_start3A_1019 : memref<1024xf32, #tpu.memory_space<hbm>>) target_semaphore(%arg14 : memref<!tpu.dma_semaphore, #tpu.memory_space<semaphore_mem>>)
      %dma_start3A_1022 = arith.constant 22 : i32
      %dma_start3A_1023 = arith.constant 22528 : i32
      %dma_start3A_1024 = tpu.memref_slice %arg9[%dma_start3A_1023] : memref<51200xf32, #tpu.memory_space<vmem>> -> memref<1024xf32, #tpu.memory_space<vmem>>
      %dma_start3A_1025 = tpu.memref_slice %arg4[%dma_start3A_1022, %select_n3A_805, %mul3A_823] : memref<50x200x16384xf32, #tpu.memory_space<hbm>> -> memref<1x1x1024xf32, #tpu.memory_space<hbm>>
      %dma_start3A_1026 = tpu.memref_squeeze %dma_start3A_1025 : memref<1x1x1024xf32, #tpu.memory_space<hbm>> -> memref<1024xf32, #tpu.memory_space<hbm>>
      %dma_start3A_1027 = tpu.memref_slice %arg4[%dma_start3A_1022, %select_n3A_805, %mul3A_823] : memref<50x200x16384xf32, #tpu.memory_space<hbm>> -> memref<1x1x1024xf32, #tpu.memory_space<hbm>>
      %dma_start3A_1028 = tpu.memref_squeeze %dma_start3A_1027 : memref<1x1x1024xf32, #tpu.memory_space<hbm>> -> memref<1024xf32, #tpu.memory_space<hbm>>
      %dma_start3A_1029 = arith.constant 22528 : i32
      %dma_start3A_1030 = tpu.memref_slice %arg9[%dma_start3A_1029] : memref<51200xf32, #tpu.memory_space<vmem>> -> memref<1024xf32, #tpu.memory_space<vmem>>
      tpu.enqueue_dma source(%dma_start3A_1030 : memref<1024xf32, #tpu.memory_space<vmem>>) target(%dma_start3A_1028 : memref<1024xf32, #tpu.memory_space<hbm>>) target_semaphore(%arg14 : memref<!tpu.dma_semaphore, #tpu.memory_space<semaphore_mem>>)
      %dma_start3A_1031 = arith.constant 23 : i32
      %dma_start3A_1032 = arith.constant 23552 : i32
      %dma_start3A_1033 = tpu.memref_slice %arg9[%dma_start3A_1032] : memref<51200xf32, #tpu.memory_space<vmem>> -> memref<1024xf32, #tpu.memory_space<vmem>>
      %dma_start3A_1034 = tpu.memref_slice %arg4[%dma_start3A_1031, %select_n3A_805, %mul3A_823] : memref<50x200x16384xf32, #tpu.memory_space<hbm>> -> memref<1x1x1024xf32, #tpu.memory_space<hbm>>
      %dma_start3A_1035 = tpu.memref_squeeze %dma_start3A_1034 : memref<1x1x1024xf32, #tpu.memory_space<hbm>> -> memref<1024xf32, #tpu.memory_space<hbm>>
      %dma_start3A_1036 = tpu.memref_slice %arg4[%dma_start3A_1031, %select_n3A_805, %mul3A_823] : memref<50x200x16384xf32, #tpu.memory_space<hbm>> -> memref<1x1x1024xf32, #tpu.memory_space<hbm>>
      %dma_start3A_1037 = tpu.memref_squeeze %dma_start3A_1036 : memref<1x1x1024xf32, #tpu.memory_space<hbm>> -> memref<1024xf32, #tpu.memory_space<hbm>>
      %dma_start3A_1038 = arith.constant 23552 : i32
      %dma_start3A_1039 = tpu.memref_slice %arg9[%dma_start3A_1038] : memref<51200xf32, #tpu.memory_space<vmem>> -> memref<1024xf32, #tpu.memory_space<vmem>>
      tpu.enqueue_dma source(%dma_start3A_1039 : memref<1024xf32, #tpu.memory_space<vmem>>) target(%dma_start3A_1037 : memref<1024xf32, #tpu.memory_space<hbm>>) target_semaphore(%arg14 : memref<!tpu.dma_semaphore, #tpu.memory_space<semaphore_mem>>)
      %dma_start3A_1040 = arith.constant 24 : i32
      %dma_start3A_1041 = arith.constant 24576 : i32
      %dma_start3A_1042 = tpu.memref_slice %arg9[%dma_start3A_1041] : memref<51200xf32, #tpu.memory_space<vmem>> -> memref<1024xf32, #tpu.memory_space<vmem>>
      %dma_start3A_1043 = tpu.memref_slice %arg4[%dma_start3A_1040, %select_n3A_805, %mul3A_823] : memref<50x200x16384xf32, #tpu.memory_space<hbm>> -> memref<1x1x1024xf32, #tpu.memory_space<hbm>>
      %dma_start3A_1044 = tpu.memref_squeeze %dma_start3A_1043 : memref<1x1x1024xf32, #tpu.memory_space<hbm>> -> memref<1024xf32, #tpu.memory_space<hbm>>
      %dma_start3A_1045 = tpu.memref_slice %arg4[%dma_start3A_1040, %select_n3A_805, %mul3A_823] : memref<50x200x16384xf32, #tpu.memory_space<hbm>> -> memref<1x1x1024xf32, #tpu.memory_space<hbm>>
      %dma_start3A_1046 = tpu.memref_squeeze %dma_start3A_1045 : memref<1x1x1024xf32, #tpu.memory_space<hbm>> -> memref<1024xf32, #tpu.memory_space<hbm>>
      %dma_start3A_1047 = arith.constant 24576 : i32
      %dma_start3A_1048 = tpu.memref_slice %arg9[%dma_start3A_1047] : memref<51200xf32, #tpu.memory_space<vmem>> -> memref<1024xf32, #tpu.memory_space<vmem>>
      tpu.enqueue_dma source(%dma_start3A_1048 : memref<1024xf32, #tpu.memory_space<vmem>>) target(%dma_start3A_1046 : memref<1024xf32, #tpu.memory_space<hbm>>) target_semaphore(%arg14 : memref<!tpu.dma_semaphore, #tpu.memory_space<semaphore_mem>>)
      %dma_start3A_1049 = arith.constant 25 : i32
      %dma_start3A_1050 = arith.constant 25600 : i32
      %dma_start3A_1051 = tpu.memref_slice %arg9[%dma_start3A_1050] : memref<51200xf32, #tpu.memory_space<vmem>> -> memref<1024xf32, #tpu.memory_space<vmem>>
      %dma_start3A_1052 = tpu.memref_slice %arg4[%dma_start3A_1049, %select_n3A_805, %mul3A_823] : memref<50x200x16384xf32, #tpu.memory_space<hbm>> -> memref<1x1x1024xf32, #tpu.memory_space<hbm>>
      %dma_start3A_1053 = tpu.memref_squeeze %dma_start3A_1052 : memref<1x1x1024xf32, #tpu.memory_space<hbm>> -> memref<1024xf32, #tpu.memory_space<hbm>>
      %dma_start3A_1054 = tpu.memref_slice %arg4[%dma_start3A_1049, %select_n3A_805, %mul3A_823] : memref<50x200x16384xf32, #tpu.memory_space<hbm>> -> memref<1x1x1024xf32, #tpu.memory_space<hbm>>
      %dma_start3A_1055 = tpu.memref_squeeze %dma_start3A_1054 : memref<1x1x1024xf32, #tpu.memory_space<hbm>> -> memref<1024xf32, #tpu.memory_space<hbm>>
      %dma_start3A_1056 = arith.constant 25600 : i32
      %dma_start3A_1057 = tpu.memref_slice %arg9[%dma_start3A_1056] : memref<51200xf32, #tpu.memory_space<vmem>> -> memref<1024xf32, #tpu.memory_space<vmem>>
      tpu.enqueue_dma source(%dma_start3A_1057 : memref<1024xf32, #tpu.memory_space<vmem>>) target(%dma_start3A_1055 : memref<1024xf32, #tpu.memory_space<hbm>>) target_semaphore(%arg14 : memref<!tpu.dma_semaphore, #tpu.memory_space<semaphore_mem>>)
      %dma_start3A_1058 = arith.constant 26 : i32
      %dma_start3A_1059 = arith.constant 26624 : i32
      %dma_start3A_1060 = tpu.memref_slice %arg9[%dma_start3A_1059] : memref<51200xf32, #tpu.memory_space<vmem>> -> memref<1024xf32, #tpu.memory_space<vmem>>
      %dma_start3A_1061 = tpu.memref_slice %arg4[%dma_start3A_1058, %select_n3A_805, %mul3A_823] : memref<50x200x16384xf32, #tpu.memory_space<hbm>> -> memref<1x1x1024xf32, #tpu.memory_space<hbm>>
      %dma_start3A_1062 = tpu.memref_squeeze %dma_start3A_1061 : memref<1x1x1024xf32, #tpu.memory_space<hbm>> -> memref<1024xf32, #tpu.memory_space<hbm>>
      %dma_start3A_1063 = tpu.memref_slice %arg4[%dma_start3A_1058, %select_n3A_805, %mul3A_823] : memref<50x200x16384xf32, #tpu.memory_space<hbm>> -> memref<1x1x1024xf32, #tpu.memory_space<hbm>>
      %dma_start3A_1064 = tpu.memref_squeeze %dma_start3A_1063 : memref<1x1x1024xf32, #tpu.memory_space<hbm>> -> memref<1024xf32, #tpu.memory_space<hbm>>
      %dma_start3A_1065 = arith.constant 26624 : i32
      %dma_start3A_1066 = tpu.memref_slice %arg9[%dma_start3A_1065] : memref<51200xf32, #tpu.memory_space<vmem>> -> memref<1024xf32, #tpu.memory_space<vmem>>
      tpu.enqueue_dma source(%dma_start3A_1066 : memref<1024xf32, #tpu.memory_space<vmem>>) target(%dma_start3A_1064 : memref<1024xf32, #tpu.memory_space<hbm>>) target_semaphore(%arg14 : memref<!tpu.dma_semaphore, #tpu.memory_space<semaphore_mem>>)
      %dma_start3A_1067 = arith.constant 27 : i32
      %dma_start3A_1068 = arith.constant 27648 : i32
      %dma_start3A_1069 = tpu.memref_slice %arg9[%dma_start3A_1068] : memref<51200xf32, #tpu.memory_space<vmem>> -> memref<1024xf32, #tpu.memory_space<vmem>>
      %dma_start3A_1070 = tpu.memref_slice %arg4[%dma_start3A_1067, %select_n3A_805, %mul3A_823] : memref<50x200x16384xf32, #tpu.memory_space<hbm>> -> memref<1x1x1024xf32, #tpu.memory_space<hbm>>
      %dma_start3A_1071 = tpu.memref_squeeze %dma_start3A_1070 : memref<1x1x1024xf32, #tpu.memory_space<hbm>> -> memref<1024xf32, #tpu.memory_space<hbm>>
      %dma_start3A_1072 = tpu.memref_slice %arg4[%dma_start3A_1067, %select_n3A_805, %mul3A_823] : memref<50x200x16384xf32, #tpu.memory_space<hbm>> -> memref<1x1x1024xf32, #tpu.memory_space<hbm>>
      %dma_start3A_1073 = tpu.memref_squeeze %dma_start3A_1072 : memref<1x1x1024xf32, #tpu.memory_space<hbm>> -> memref<1024xf32, #tpu.memory_space<hbm>>
      %dma_start3A_1074 = arith.constant 27648 : i32
      %dma_start3A_1075 = tpu.memref_slice %arg9[%dma_start3A_1074] : memref<51200xf32, #tpu.memory_space<vmem>> -> memref<1024xf32, #tpu.memory_space<vmem>>
      tpu.enqueue_dma source(%dma_start3A_1075 : memref<1024xf32, #tpu.memory_space<vmem>>) target(%dma_start3A_1073 : memref<1024xf32, #tpu.memory_space<hbm>>) target_semaphore(%arg14 : memref<!tpu.dma_semaphore, #tpu.memory_space<semaphore_mem>>)
      %dma_start3A_1076 = arith.constant 28 : i32
      %dma_start3A_1077 = arith.constant 28672 : i32
      %dma_start3A_1078 = tpu.memref_slice %arg9[%dma_start3A_1077] : memref<51200xf32, #tpu.memory_space<vmem>> -> memref<1024xf32, #tpu.memory_space<vmem>>
      %dma_start3A_1079 = tpu.memref_slice %arg4[%dma_start3A_1076, %select_n3A_805, %mul3A_823] : memref<50x200x16384xf32, #tpu.memory_space<hbm>> -> memref<1x1x1024xf32, #tpu.memory_space<hbm>>
      %dma_start3A_1080 = tpu.memref_squeeze %dma_start3A_1079 : memref<1x1x1024xf32, #tpu.memory_space<hbm>> -> memref<1024xf32, #tpu.memory_space<hbm>>
      %dma_start3A_1081 = tpu.memref_slice %arg4[%dma_start3A_1076, %select_n3A_805, %mul3A_823] : memref<50x200x16384xf32, #tpu.memory_space<hbm>> -> memref<1x1x1024xf32, #tpu.memory_space<hbm>>
      %dma_start3A_1082 = tpu.memref_squeeze %dma_start3A_1081 : memref<1x1x1024xf32, #tpu.memory_space<hbm>> -> memref<1024xf32, #tpu.memory_space<hbm>>
      %dma_start3A_1083 = arith.constant 28672 : i32
      %dma_start3A_1084 = tpu.memref_slice %arg9[%dma_start3A_1083] : memref<51200xf32, #tpu.memory_space<vmem>> -> memref<1024xf32, #tpu.memory_space<vmem>>
      tpu.enqueue_dma source(%dma_start3A_1084 : memref<1024xf32, #tpu.memory_space<vmem>>) target(%dma_start3A_1082 : memref<1024xf32, #tpu.memory_space<hbm>>) target_semaphore(%arg14 : memref<!tpu.dma_semaphore, #tpu.memory_space<semaphore_mem>>)
      %dma_start3A_1085 = arith.constant 29 : i32
      %dma_start3A_1086 = arith.constant 29696 : i32
      %dma_start3A_1087 = tpu.memref_slice %arg9[%dma_start3A_1086] : memref<51200xf32, #tpu.memory_space<vmem>> -> memref<1024xf32, #tpu.memory_space<vmem>>
      %dma_start3A_1088 = tpu.memref_slice %arg4[%dma_start3A_1085, %select_n3A_805, %mul3A_823] : memref<50x200x16384xf32, #tpu.memory_space<hbm>> -> memref<1x1x1024xf32, #tpu.memory_space<hbm>>
      %dma_start3A_1089 = tpu.memref_squeeze %dma_start3A_1088 : memref<1x1x1024xf32, #tpu.memory_space<hbm>> -> memref<1024xf32, #tpu.memory_space<hbm>>
      %dma_start3A_1090 = tpu.memref_slice %arg4[%dma_start3A_1085, %select_n3A_805, %mul3A_823] : memref<50x200x16384xf32, #tpu.memory_space<hbm>> -> memref<1x1x1024xf32, #tpu.memory_space<hbm>>
      %dma_start3A_1091 = tpu.memref_squeeze %dma_start3A_1090 : memref<1x1x1024xf32, #tpu.memory_space<hbm>> -> memref<1024xf32, #tpu.memory_space<hbm>>
      %dma_start3A_1092 = arith.constant 29696 : i32
      %dma_start3A_1093 = tpu.memref_slice %arg9[%dma_start3A_1092] : memref<51200xf32, #tpu.memory_space<vmem>> -> memref<1024xf32, #tpu.memory_space<vmem>>
      tpu.enqueue_dma source(%dma_start3A_1093 : memref<1024xf32, #tpu.memory_space<vmem>>) target(%dma_start3A_1091 : memref<1024xf32, #tpu.memory_space<hbm>>) target_semaphore(%arg14 : memref<!tpu.dma_semaphore, #tpu.memory_space<semaphore_mem>>)
      %dma_start3A_1094 = arith.constant 30 : i32
      %dma_start3A_1095 = arith.constant 30720 : i32
      %dma_start3A_1096 = tpu.memref_slice %arg9[%dma_start3A_1095] : memref<51200xf32, #tpu.memory_space<vmem>> -> memref<1024xf32, #tpu.memory_space<vmem>>
      %dma_start3A_1097 = tpu.memref_slice %arg4[%dma_start3A_1094, %select_n3A_805, %mul3A_823] : memref<50x200x16384xf32, #tpu.memory_space<hbm>> -> memref<1x1x1024xf32, #tpu.memory_space<hbm>>
      %dma_start3A_1098 = tpu.memref_squeeze %dma_start3A_1097 : memref<1x1x1024xf32, #tpu.memory_space<hbm>> -> memref<1024xf32, #tpu.memory_space<hbm>>
      %dma_start3A_1099 = tpu.memref_slice %arg4[%dma_start3A_1094, %select_n3A_805, %mul3A_823] : memref<50x200x16384xf32, #tpu.memory_space<hbm>> -> memref<1x1x1024xf32, #tpu.memory_space<hbm>>
      %dma_start3A_1100 = tpu.memref_squeeze %dma_start3A_1099 : memref<1x1x1024xf32, #tpu.memory_space<hbm>> -> memref<1024xf32, #tpu.memory_space<hbm>>
      %dma_start3A_1101 = arith.constant 30720 : i32
      %dma_start3A_1102 = tpu.memref_slice %arg9[%dma_start3A_1101] : memref<51200xf32, #tpu.memory_space<vmem>> -> memref<1024xf32, #tpu.memory_space<vmem>>
      tpu.enqueue_dma source(%dma_start3A_1102 : memref<1024xf32, #tpu.memory_space<vmem>>) target(%dma_start3A_1100 : memref<1024xf32, #tpu.memory_space<hbm>>) target_semaphore(%arg14 : memref<!tpu.dma_semaphore, #tpu.memory_space<semaphore_mem>>)
      %dma_start3A_1103 = arith.constant 31 : i32
      %dma_start3A_1104 = arith.constant 31744 : i32
      %dma_start3A_1105 = tpu.memref_slice %arg9[%dma_start3A_1104] : memref<51200xf32, #tpu.memory_space<vmem>> -> memref<1024xf32, #tpu.memory_space<vmem>>
      %dma_start3A_1106 = tpu.memref_slice %arg4[%dma_start3A_1103, %select_n3A_805, %mul3A_823] : memref<50x200x16384xf32, #tpu.memory_space<hbm>> -> memref<1x1x1024xf32, #tpu.memory_space<hbm>>
      %dma_start3A_1107 = tpu.memref_squeeze %dma_start3A_1106 : memref<1x1x1024xf32, #tpu.memory_space<hbm>> -> memref<1024xf32, #tpu.memory_space<hbm>>
      %dma_start3A_1108 = tpu.memref_slice %arg4[%dma_start3A_1103, %select_n3A_805, %mul3A_823] : memref<50x200x16384xf32, #tpu.memory_space<hbm>> -> memref<1x1x1024xf32, #tpu.memory_space<hbm>>
      %dma_start3A_1109 = tpu.memref_squeeze %dma_start3A_1108 : memref<1x1x1024xf32, #tpu.memory_space<hbm>> -> memref<1024xf32, #tpu.memory_space<hbm>>
      %dma_start3A_1110 = arith.constant 31744 : i32
      %dma_start3A_1111 = tpu.memref_slice %arg9[%dma_start3A_1110] : memref<51200xf32, #tpu.memory_space<vmem>> -> memref<1024xf32, #tpu.memory_space<vmem>>
      tpu.enqueue_dma source(%dma_start3A_1111 : memref<1024xf32, #tpu.memory_space<vmem>>) target(%dma_start3A_1109 : memref<1024xf32, #tpu.memory_space<hbm>>) target_semaphore(%arg14 : memref<!tpu.dma_semaphore, #tpu.memory_space<semaphore_mem>>)
      %dma_start3A_1112 = arith.constant 32 : i32
      %dma_start3A_1113 = arith.constant 32768 : i32
      %dma_start3A_1114 = tpu.memref_slice %arg9[%dma_start3A_1113] : memref<51200xf32, #tpu.memory_space<vmem>> -> memref<1024xf32, #tpu.memory_space<vmem>>
      %dma_start3A_1115 = tpu.memref_slice %arg4[%dma_start3A_1112, %select_n3A_805, %mul3A_823] : memref<50x200x16384xf32, #tpu.memory_space<hbm>> -> memref<1x1x1024xf32, #tpu.memory_space<hbm>>
      %dma_start3A_1116 = tpu.memref_squeeze %dma_start3A_1115 : memref<1x1x1024xf32, #tpu.memory_space<hbm>> -> memref<1024xf32, #tpu.memory_space<hbm>>
      %dma_start3A_1117 = tpu.memref_slice %arg4[%dma_start3A_1112, %select_n3A_805, %mul3A_823] : memref<50x200x16384xf32, #tpu.memory_space<hbm>> -> memref<1x1x1024xf32, #tpu.memory_space<hbm>>
      %dma_start3A_1118 = tpu.memref_squeeze %dma_start3A_1117 : memref<1x1x1024xf32, #tpu.memory_space<hbm>> -> memref<1024xf32, #tpu.memory_space<hbm>>
      %dma_start3A_1119 = arith.constant 32768 : i32
      %dma_start3A_1120 = tpu.memref_slice %arg9[%dma_start3A_1119] : memref<51200xf32, #tpu.memory_space<vmem>> -> memref<1024xf32, #tpu.memory_space<vmem>>
      tpu.enqueue_dma source(%dma_start3A_1120 : memref<1024xf32, #tpu.memory_space<vmem>>) target(%dma_start3A_1118 : memref<1024xf32, #tpu.memory_space<hbm>>) target_semaphore(%arg14 : memref<!tpu.dma_semaphore, #tpu.memory_space<semaphore_mem>>)
      %dma_start3A_1121 = arith.constant 33 : i32
      %dma_start3A_1122 = arith.constant 33792 : i32
      %dma_start3A_1123 = tpu.memref_slice %arg9[%dma_start3A_1122] : memref<51200xf32, #tpu.memory_space<vmem>> -> memref<1024xf32, #tpu.memory_space<vmem>>
      %dma_start3A_1124 = tpu.memref_slice %arg4[%dma_start3A_1121, %select_n3A_805, %mul3A_823] : memref<50x200x16384xf32, #tpu.memory_space<hbm>> -> memref<1x1x1024xf32, #tpu.memory_space<hbm>>
      %dma_start3A_1125 = tpu.memref_squeeze %dma_start3A_1124 : memref<1x1x1024xf32, #tpu.memory_space<hbm>> -> memref<1024xf32, #tpu.memory_space<hbm>>
      %dma_start3A_1126 = tpu.memref_slice %arg4[%dma_start3A_1121, %select_n3A_805, %mul3A_823] : memref<50x200x16384xf32, #tpu.memory_space<hbm>> -> memref<1x1x1024xf32, #tpu.memory_space<hbm>>
      %dma_start3A_1127 = tpu.memref_squeeze %dma_start3A_1126 : memref<1x1x1024xf32, #tpu.memory_space<hbm>> -> memref<1024xf32, #tpu.memory_space<hbm>>
      %dma_start3A_1128 = arith.constant 33792 : i32
      %dma_start3A_1129 = tpu.memref_slice %arg9[%dma_start3A_1128] : memref<51200xf32, #tpu.memory_space<vmem>> -> memref<1024xf32, #tpu.memory_space<vmem>>
      tpu.enqueue_dma source(%dma_start3A_1129 : memref<1024xf32, #tpu.memory_space<vmem>>) target(%dma_start3A_1127 : memref<1024xf32, #tpu.memory_space<hbm>>) target_semaphore(%arg14 : memref<!tpu.dma_semaphore, #tpu.memory_space<semaphore_mem>>)
      %dma_start3A_1130 = arith.constant 34 : i32
      %dma_start3A_1131 = arith.constant 34816 : i32
      %dma_start3A_1132 = tpu.memref_slice %arg9[%dma_start3A_1131] : memref<51200xf32, #tpu.memory_space<vmem>> -> memref<1024xf32, #tpu.memory_space<vmem>>
      %dma_start3A_1133 = tpu.memref_slice %arg4[%dma_start3A_1130, %select_n3A_805, %mul3A_823] : memref<50x200x16384xf32, #tpu.memory_space<hbm>> -> memref<1x1x1024xf32, #tpu.memory_space<hbm>>
      %dma_start3A_1134 = tpu.memref_squeeze %dma_start3A_1133 : memref<1x1x1024xf32, #tpu.memory_space<hbm>> -> memref<1024xf32, #tpu.memory_space<hbm>>
      %dma_start3A_1135 = tpu.memref_slice %arg4[%dma_start3A_1130, %select_n3A_805, %mul3A_823] : memref<50x200x16384xf32, #tpu.memory_space<hbm>> -> memref<1x1x1024xf32, #tpu.memory_space<hbm>>
      %dma_start3A_1136 = tpu.memref_squeeze %dma_start3A_1135 : memref<1x1x1024xf32, #tpu.memory_space<hbm>> -> memref<1024xf32, #tpu.memory_space<hbm>>
      %dma_start3A_1137 = arith.constant 34816 : i32
      %dma_start3A_1138 = tpu.memref_slice %arg9[%dma_start3A_1137] : memref<51200xf32, #tpu.memory_space<vmem>> -> memref<1024xf32, #tpu.memory_space<vmem>>
      tpu.enqueue_dma source(%dma_start3A_1138 : memref<1024xf32, #tpu.memory_space<vmem>>) target(%dma_start3A_1136 : memref<1024xf32, #tpu.memory_space<hbm>>) target_semaphore(%arg14 : memref<!tpu.dma_semaphore, #tpu.memory_space<semaphore_mem>>)
      %dma_start3A_1139 = arith.constant 35 : i32
      %dma_start3A_1140 = arith.constant 35840 : i32
      %dma_start3A_1141 = tpu.memref_slice %arg9[%dma_start3A_1140] : memref<51200xf32, #tpu.memory_space<vmem>> -> memref<1024xf32, #tpu.memory_space<vmem>>
      %dma_start3A_1142 = tpu.memref_slice %arg4[%dma_start3A_1139, %select_n3A_805, %mul3A_823] : memref<50x200x16384xf32, #tpu.memory_space<hbm>> -> memref<1x1x1024xf32, #tpu.memory_space<hbm>>
      %dma_start3A_1143 = tpu.memref_squeeze %dma_start3A_1142 : memref<1x1x1024xf32, #tpu.memory_space<hbm>> -> memref<1024xf32, #tpu.memory_space<hbm>>
      %dma_start3A_1144 = tpu.memref_slice %arg4[%dma_start3A_1139, %select_n3A_805, %mul3A_823] : memref<50x200x16384xf32, #tpu.memory_space<hbm>> -> memref<1x1x1024xf32, #tpu.memory_space<hbm>>
      %dma_start3A_1145 = tpu.memref_squeeze %dma_start3A_1144 : memref<1x1x1024xf32, #tpu.memory_space<hbm>> -> memref<1024xf32, #tpu.memory_space<hbm>>
      %dma_start3A_1146 = arith.constant 35840 : i32
      %dma_start3A_1147 = tpu.memref_slice %arg9[%dma_start3A_1146] : memref<51200xf32, #tpu.memory_space<vmem>> -> memref<1024xf32, #tpu.memory_space<vmem>>
      tpu.enqueue_dma source(%dma_start3A_1147 : memref<1024xf32, #tpu.memory_space<vmem>>) target(%dma_start3A_1145 : memref<1024xf32, #tpu.memory_space<hbm>>) target_semaphore(%arg14 : memref<!tpu.dma_semaphore, #tpu.memory_space<semaphore_mem>>)
      %dma_start3A_1148 = arith.constant 36 : i32
      %dma_start3A_1149 = arith.constant 36864 : i32
      %dma_start3A_1150 = tpu.memref_slice %arg9[%dma_start3A_1149] : memref<51200xf32, #tpu.memory_space<vmem>> -> memref<1024xf32, #tpu.memory_space<vmem>>
      %dma_start3A_1151 = tpu.memref_slice %arg4[%dma_start3A_1148, %select_n3A_805, %mul3A_823] : memref<50x200x16384xf32, #tpu.memory_space<hbm>> -> memref<1x1x1024xf32, #tpu.memory_space<hbm>>
      %dma_start3A_1152 = tpu.memref_squeeze %dma_start3A_1151 : memref<1x1x1024xf32, #tpu.memory_space<hbm>> -> memref<1024xf32, #tpu.memory_space<hbm>>
      %dma_start3A_1153 = tpu.memref_slice %arg4[%dma_start3A_1148, %select_n3A_805, %mul3A_823] : memref<50x200x16384xf32, #tpu.memory_space<hbm>> -> memref<1x1x1024xf32, #tpu.memory_space<hbm>>
      %dma_start3A_1154 = tpu.memref_squeeze %dma_start3A_1153 : memref<1x1x1024xf32, #tpu.memory_space<hbm>> -> memref<1024xf32, #tpu.memory_space<hbm>>
      %dma_start3A_1155 = arith.constant 36864 : i32
      %dma_start3A_1156 = tpu.memref_slice %arg9[%dma_start3A_1155] : memref<51200xf32, #tpu.memory_space<vmem>> -> memref<1024xf32, #tpu.memory_space<vmem>>
      tpu.enqueue_dma source(%dma_start3A_1156 : memref<1024xf32, #tpu.memory_space<vmem>>) target(%dma_start3A_1154 : memref<1024xf32, #tpu.memory_space<hbm>>) target_semaphore(%arg14 : memref<!tpu.dma_semaphore, #tpu.memory_space<semaphore_mem>>)
      %dma_start3A_1157 = arith.constant 37 : i32
      %dma_start3A_1158 = arith.constant 37888 : i32
      %dma_start3A_1159 = tpu.memref_slice %arg9[%dma_start3A_1158] : memref<51200xf32, #tpu.memory_space<vmem>> -> memref<1024xf32, #tpu.memory_space<vmem>>
      %dma_start3A_1160 = tpu.memref_slice %arg4[%dma_start3A_1157, %select_n3A_805, %mul3A_823] : memref<50x200x16384xf32, #tpu.memory_space<hbm>> -> memref<1x1x1024xf32, #tpu.memory_space<hbm>>
      %dma_start3A_1161 = tpu.memref_squeeze %dma_start3A_1160 : memref<1x1x1024xf32, #tpu.memory_space<hbm>> -> memref<1024xf32, #tpu.memory_space<hbm>>
      %dma_start3A_1162 = tpu.memref_slice %arg4[%dma_start3A_1157, %select_n3A_805, %mul3A_823] : memref<50x200x16384xf32, #tpu.memory_space<hbm>> -> memref<1x1x1024xf32, #tpu.memory_space<hbm>>
      %dma_start3A_1163 = tpu.memref_squeeze %dma_start3A_1162 : memref<1x1x1024xf32, #tpu.memory_space<hbm>> -> memref<1024xf32, #tpu.memory_space<hbm>>
      %dma_start3A_1164 = arith.constant 37888 : i32
      %dma_start3A_1165 = tpu.memref_slice %arg9[%dma_start3A_1164] : memref<51200xf32, #tpu.memory_space<vmem>> -> memref<1024xf32, #tpu.memory_space<vmem>>
      tpu.enqueue_dma source(%dma_start3A_1165 : memref<1024xf32, #tpu.memory_space<vmem>>) target(%dma_start3A_1163 : memref<1024xf32, #tpu.memory_space<hbm>>) target_semaphore(%arg14 : memref<!tpu.dma_semaphore, #tpu.memory_space<semaphore_mem>>)
      %dma_start3A_1166 = arith.constant 38 : i32
      %dma_start3A_1167 = arith.constant 38912 : i32
      %dma_start3A_1168 = tpu.memref_slice %arg9[%dma_start3A_1167] : memref<51200xf32, #tpu.memory_space<vmem>> -> memref<1024xf32, #tpu.memory_space<vmem>>
      %dma_start3A_1169 = tpu.memref_slice %arg4[%dma_start3A_1166, %select_n3A_805, %mul3A_823] : memref<50x200x16384xf32, #tpu.memory_space<hbm>> -> memref<1x1x1024xf32, #tpu.memory_space<hbm>>
      %dma_start3A_1170 = tpu.memref_squeeze %dma_start3A_1169 : memref<1x1x1024xf32, #tpu.memory_space<hbm>> -> memref<1024xf32, #tpu.memory_space<hbm>>
      %dma_start3A_1171 = tpu.memref_slice %arg4[%dma_start3A_1166, %select_n3A_805, %mul3A_823] : memref<50x200x16384xf32, #tpu.memory_space<hbm>> -> memref<1x1x1024xf32, #tpu.memory_space<hbm>>
      %dma_start3A_1172 = tpu.memref_squeeze %dma_start3A_1171 : memref<1x1x1024xf32, #tpu.memory_space<hbm>> -> memref<1024xf32, #tpu.memory_space<hbm>>
      %dma_start3A_1173 = arith.constant 38912 : i32
      %dma_start3A_1174 = tpu.memref_slice %arg9[%dma_start3A_1173] : memref<51200xf32, #tpu.memory_space<vmem>> -> memref<1024xf32, #tpu.memory_space<vmem>>
      tpu.enqueue_dma source(%dma_start3A_1174 : memref<1024xf32, #tpu.memory_space<vmem>>) target(%dma_start3A_1172 : memref<1024xf32, #tpu.memory_space<hbm>>) target_semaphore(%arg14 : memref<!tpu.dma_semaphore, #tpu.memory_space<semaphore_mem>>)
      %dma_start3A_1175 = arith.constant 39 : i32
      %dma_start3A_1176 = arith.constant 39936 : i32
      %dma_start3A_1177 = tpu.memref_slice %arg9[%dma_start3A_1176] : memref<51200xf32, #tpu.memory_space<vmem>> -> memref<1024xf32, #tpu.memory_space<vmem>>
      %dma_start3A_1178 = tpu.memref_slice %arg4[%dma_start3A_1175, %select_n3A_805, %mul3A_823] : memref<50x200x16384xf32, #tpu.memory_space<hbm>> -> memref<1x1x1024xf32, #tpu.memory_space<hbm>>
      %dma_start3A_1179 = tpu.memref_squeeze %dma_start3A_1178 : memref<1x1x1024xf32, #tpu.memory_space<hbm>> -> memref<1024xf32, #tpu.memory_space<hbm>>
      %dma_start3A_1180 = tpu.memref_slice %arg4[%dma_start3A_1175, %select_n3A_805, %mul3A_823] : memref<50x200x16384xf32, #tpu.memory_space<hbm>> -> memref<1x1x1024xf32, #tpu.memory_space<hbm>>
      %dma_start3A_1181 = tpu.memref_squeeze %dma_start3A_1180 : memref<1x1x1024xf32, #tpu.memory_space<hbm>> -> memref<1024xf32, #tpu.memory_space<hbm>>
      %dma_start3A_1182 = arith.constant 39936 : i32
      %dma_start3A_1183 = tpu.memref_slice %arg9[%dma_start3A_1182] : memref<51200xf32, #tpu.memory_space<vmem>> -> memref<1024xf32, #tpu.memory_space<vmem>>
      tpu.enqueue_dma source(%dma_start3A_1183 : memref<1024xf32, #tpu.memory_space<vmem>>) target(%dma_start3A_1181 : memref<1024xf32, #tpu.memory_space<hbm>>) target_semaphore(%arg14 : memref<!tpu.dma_semaphore, #tpu.memory_space<semaphore_mem>>)
      %dma_start3A_1184 = arith.constant 40 : i32
      %dma_start3A_1185 = arith.constant 40960 : i32
      %dma_start3A_1186 = tpu.memref_slice %arg9[%dma_start3A_1185] : memref<51200xf32, #tpu.memory_space<vmem>> -> memref<1024xf32, #tpu.memory_space<vmem>>
      %dma_start3A_1187 = tpu.memref_slice %arg4[%dma_start3A_1184, %select_n3A_805, %mul3A_823] : memref<50x200x16384xf32, #tpu.memory_space<hbm>> -> memref<1x1x1024xf32, #tpu.memory_space<hbm>>
      %dma_start3A_1188 = tpu.memref_squeeze %dma_start3A_1187 : memref<1x1x1024xf32, #tpu.memory_space<hbm>> -> memref<1024xf32, #tpu.memory_space<hbm>>
      %dma_start3A_1189 = tpu.memref_slice %arg4[%dma_start3A_1184, %select_n3A_805, %mul3A_823] : memref<50x200x16384xf32, #tpu.memory_space<hbm>> -> memref<1x1x1024xf32, #tpu.memory_space<hbm>>
      %dma_start3A_1190 = tpu.memref_squeeze %dma_start3A_1189 : memref<1x1x1024xf32, #tpu.memory_space<hbm>> -> memref<1024xf32, #tpu.memory_space<hbm>>
      %dma_start3A_1191 = arith.constant 40960 : i32
      %dma_start3A_1192 = tpu.memref_slice %arg9[%dma_start3A_1191] : memref<51200xf32, #tpu.memory_space<vmem>> -> memref<1024xf32, #tpu.memory_space<vmem>>
      tpu.enqueue_dma source(%dma_start3A_1192 : memref<1024xf32, #tpu.memory_space<vmem>>) target(%dma_start3A_1190 : memref<1024xf32, #tpu.memory_space<hbm>>) target_semaphore(%arg14 : memref<!tpu.dma_semaphore, #tpu.memory_space<semaphore_mem>>)
      %dma_start3A_1193 = arith.constant 41 : i32
      %dma_start3A_1194 = arith.constant 41984 : i32
      %dma_start3A_1195 = tpu.memref_slice %arg9[%dma_start3A_1194] : memref<51200xf32, #tpu.memory_space<vmem>> -> memref<1024xf32, #tpu.memory_space<vmem>>
      %dma_start3A_1196 = tpu.memref_slice %arg4[%dma_start3A_1193, %select_n3A_805, %mul3A_823] : memref<50x200x16384xf32, #tpu.memory_space<hbm>> -> memref<1x1x1024xf32, #tpu.memory_space<hbm>>
      %dma_start3A_1197 = tpu.memref_squeeze %dma_start3A_1196 : memref<1x1x1024xf32, #tpu.memory_space<hbm>> -> memref<1024xf32, #tpu.memory_space<hbm>>
      %dma_start3A_1198 = tpu.memref_slice %arg4[%dma_start3A_1193, %select_n3A_805, %mul3A_823] : memref<50x200x16384xf32, #tpu.memory_space<hbm>> -> memref<1x1x1024xf32, #tpu.memory_space<hbm>>
      %dma_start3A_1199 = tpu.memref_squeeze %dma_start3A_1198 : memref<1x1x1024xf32, #tpu.memory_space<hbm>> -> memref<1024xf32, #tpu.memory_space<hbm>>
      %dma_start3A_1200 = arith.constant 41984 : i32
      %dma_start3A_1201 = tpu.memref_slice %arg9[%dma_start3A_1200] : memref<51200xf32, #tpu.memory_space<vmem>> -> memref<1024xf32, #tpu.memory_space<vmem>>
      tpu.enqueue_dma source(%dma_start3A_1201 : memref<1024xf32, #tpu.memory_space<vmem>>) target(%dma_start3A_1199 : memref<1024xf32, #tpu.memory_space<hbm>>) target_semaphore(%arg14 : memref<!tpu.dma_semaphore, #tpu.memory_space<semaphore_mem>>)
      %dma_start3A_1202 = arith.constant 42 : i32
      %dma_start3A_1203 = arith.constant 43008 : i32
      %dma_start3A_1204 = tpu.memref_slice %arg9[%dma_start3A_1203] : memref<51200xf32, #tpu.memory_space<vmem>> -> memref<1024xf32, #tpu.memory_space<vmem>>
      %dma_start3A_1205 = tpu.memref_slice %arg4[%dma_start3A_1202, %select_n3A_805, %mul3A_823] : memref<50x200x16384xf32, #tpu.memory_space<hbm>> -> memref<1x1x1024xf32, #tpu.memory_space<hbm>>
      %dma_start3A_1206 = tpu.memref_squeeze %dma_start3A_1205 : memref<1x1x1024xf32, #tpu.memory_space<hbm>> -> memref<1024xf32, #tpu.memory_space<hbm>>
      %dma_start3A_1207 = tpu.memref_slice %arg4[%dma_start3A_1202, %select_n3A_805, %mul3A_823] : memref<50x200x16384xf32, #tpu.memory_space<hbm>> -> memref<1x1x1024xf32, #tpu.memory_space<hbm>>
      %dma_start3A_1208 = tpu.memref_squeeze %dma_start3A_1207 : memref<1x1x1024xf32, #tpu.memory_space<hbm>> -> memref<1024xf32, #tpu.memory_space<hbm>>
      %dma_start3A_1209 = arith.constant 43008 : i32
      %dma_start3A_1210 = tpu.memref_slice %arg9[%dma_start3A_1209] : memref<51200xf32, #tpu.memory_space<vmem>> -> memref<1024xf32, #tpu.memory_space<vmem>>
      tpu.enqueue_dma source(%dma_start3A_1210 : memref<1024xf32, #tpu.memory_space<vmem>>) target(%dma_start3A_1208 : memref<1024xf32, #tpu.memory_space<hbm>>) target_semaphore(%arg14 : memref<!tpu.dma_semaphore, #tpu.memory_space<semaphore_mem>>)
      %dma_start3A_1211 = arith.constant 43 : i32
      %dma_start3A_1212 = arith.constant 44032 : i32
      %dma_start3A_1213 = tpu.memref_slice %arg9[%dma_start3A_1212] : memref<51200xf32, #tpu.memory_space<vmem>> -> memref<1024xf32, #tpu.memory_space<vmem>>
      %dma_start3A_1214 = tpu.memref_slice %arg4[%dma_start3A_1211, %select_n3A_805, %mul3A_823] : memref<50x200x16384xf32, #tpu.memory_space<hbm>> -> memref<1x1x1024xf32, #tpu.memory_space<hbm>>
      %dma_start3A_1215 = tpu.memref_squeeze %dma_start3A_1214 : memref<1x1x1024xf32, #tpu.memory_space<hbm>> -> memref<1024xf32, #tpu.memory_space<hbm>>
      %dma_start3A_1216 = tpu.memref_slice %arg4[%dma_start3A_1211, %select_n3A_805, %mul3A_823] : memref<50x200x16384xf32, #tpu.memory_space<hbm>> -> memref<1x1x1024xf32, #tpu.memory_space<hbm>>
      %dma_start3A_1217 = tpu.memref_squeeze %dma_start3A_1216 : memref<1x1x1024xf32, #tpu.memory_space<hbm>> -> memref<1024xf32, #tpu.memory_space<hbm>>
      %dma_start3A_1218 = arith.constant 44032 : i32
      %dma_start3A_1219 = tpu.memref_slice %arg9[%dma_start3A_1218] : memref<51200xf32, #tpu.memory_space<vmem>> -> memref<1024xf32, #tpu.memory_space<vmem>>
      tpu.enqueue_dma source(%dma_start3A_1219 : memref<1024xf32, #tpu.memory_space<vmem>>) target(%dma_start3A_1217 : memref<1024xf32, #tpu.memory_space<hbm>>) target_semaphore(%arg14 : memref<!tpu.dma_semaphore, #tpu.memory_space<semaphore_mem>>)
      %dma_start3A_1220 = arith.constant 44 : i32
      %dma_start3A_1221 = arith.constant 45056 : i32
      %dma_start3A_1222 = tpu.memref_slice %arg9[%dma_start3A_1221] : memref<51200xf32, #tpu.memory_space<vmem>> -> memref<1024xf32, #tpu.memory_space<vmem>>
      %dma_start3A_1223 = tpu.memref_slice %arg4[%dma_start3A_1220, %select_n3A_805, %mul3A_823] : memref<50x200x16384xf32, #tpu.memory_space<hbm>> -> memref<1x1x1024xf32, #tpu.memory_space<hbm>>
      %dma_start3A_1224 = tpu.memref_squeeze %dma_start3A_1223 : memref<1x1x1024xf32, #tpu.memory_space<hbm>> -> memref<1024xf32, #tpu.memory_space<hbm>>
      %dma_start3A_1225 = tpu.memref_slice %arg4[%dma_start3A_1220, %select_n3A_805, %mul3A_823] : memref<50x200x16384xf32, #tpu.memory_space<hbm>> -> memref<1x1x1024xf32, #tpu.memory_space<hbm>>
      %dma_start3A_1226 = tpu.memref_squeeze %dma_start3A_1225 : memref<1x1x1024xf32, #tpu.memory_space<hbm>> -> memref<1024xf32, #tpu.memory_space<hbm>>
      %dma_start3A_1227 = arith.constant 45056 : i32
      %dma_start3A_1228 = tpu.memref_slice %arg9[%dma_start3A_1227] : memref<51200xf32, #tpu.memory_space<vmem>> -> memref<1024xf32, #tpu.memory_space<vmem>>
      tpu.enqueue_dma source(%dma_start3A_1228 : memref<1024xf32, #tpu.memory_space<vmem>>) target(%dma_start3A_1226 : memref<1024xf32, #tpu.memory_space<hbm>>) target_semaphore(%arg14 : memref<!tpu.dma_semaphore, #tpu.memory_space<semaphore_mem>>)
      %dma_start3A_1229 = arith.constant 45 : i32
      %dma_start3A_1230 = arith.constant 46080 : i32
      %dma_start3A_1231 = tpu.memref_slice %arg9[%dma_start3A_1230] : memref<51200xf32, #tpu.memory_space<vmem>> -> memref<1024xf32, #tpu.memory_space<vmem>>
      %dma_start3A_1232 = tpu.memref_slice %arg4[%dma_start3A_1229, %select_n3A_805, %mul3A_823] : memref<50x200x16384xf32, #tpu.memory_space<hbm>> -> memref<1x1x1024xf32, #tpu.memory_space<hbm>>
      %dma_start3A_1233 = tpu.memref_squeeze %dma_start3A_1232 : memref<1x1x1024xf32, #tpu.memory_space<hbm>> -> memref<1024xf32, #tpu.memory_space<hbm>>
      %dma_start3A_1234 = tpu.memref_slice %arg4[%dma_start3A_1229, %select_n3A_805, %mul3A_823] : memref<50x200x16384xf32, #tpu.memory_space<hbm>> -> memref<1x1x1024xf32, #tpu.memory_space<hbm>>
      %dma_start3A_1235 = tpu.memref_squeeze %dma_start3A_1234 : memref<1x1x1024xf32, #tpu.memory_space<hbm>> -> memref<1024xf32, #tpu.memory_space<hbm>>
      %dma_start3A_1236 = arith.constant 46080 : i32
      %dma_start3A_1237 = tpu.memref_slice %arg9[%dma_start3A_1236] : memref<51200xf32, #tpu.memory_space<vmem>> -> memref<1024xf32, #tpu.memory_space<vmem>>
      tpu.enqueue_dma source(%dma_start3A_1237 : memref<1024xf32, #tpu.memory_space<vmem>>) target(%dma_start3A_1235 : memref<1024xf32, #tpu.memory_space<hbm>>) target_semaphore(%arg14 : memref<!tpu.dma_semaphore, #tpu.memory_space<semaphore_mem>>)
      %dma_start3A_1238 = arith.constant 46 : i32
      %dma_start3A_1239 = arith.constant 47104 : i32
      %dma_start3A_1240 = tpu.memref_slice %arg9[%dma_start3A_1239] : memref<51200xf32, #tpu.memory_space<vmem>> -> memref<1024xf32, #tpu.memory_space<vmem>>
      %dma_start3A_1241 = tpu.memref_slice %arg4[%dma_start3A_1238, %select_n3A_805, %mul3A_823] : memref<50x200x16384xf32, #tpu.memory_space<hbm>> -> memref<1x1x1024xf32, #tpu.memory_space<hbm>>
      %dma_start3A_1242 = tpu.memref_squeeze %dma_start3A_1241 : memref<1x1x1024xf32, #tpu.memory_space<hbm>> -> memref<1024xf32, #tpu.memory_space<hbm>>
      %dma_start3A_1243 = tpu.memref_slice %arg4[%dma_start3A_1238, %select_n3A_805, %mul3A_823] : memref<50x200x16384xf32, #tpu.memory_space<hbm>> -> memref<1x1x1024xf32, #tpu.memory_space<hbm>>
      %dma_start3A_1244 = tpu.memref_squeeze %dma_start3A_1243 : memref<1x1x1024xf32, #tpu.memory_space<hbm>> -> memref<1024xf32, #tpu.memory_space<hbm>>
      %dma_start3A_1245 = arith.constant 47104 : i32
      %dma_start3A_1246 = tpu.memref_slice %arg9[%dma_start3A_1245] : memref<51200xf32, #tpu.memory_space<vmem>> -> memref<1024xf32, #tpu.memory_space<vmem>>
      tpu.enqueue_dma source(%dma_start3A_1246 : memref<1024xf32, #tpu.memory_space<vmem>>) target(%dma_start3A_1244 : memref<1024xf32, #tpu.memory_space<hbm>>) target_semaphore(%arg14 : memref<!tpu.dma_semaphore, #tpu.memory_space<semaphore_mem>>)
      %dma_start3A_1247 = arith.constant 47 : i32
      %dma_start3A_1248 = arith.constant 48128 : i32
      %dma_start3A_1249 = tpu.memref_slice %arg9[%dma_start3A_1248] : memref<51200xf32, #tpu.memory_space<vmem>> -> memref<1024xf32, #tpu.memory_space<vmem>>
      %dma_start3A_1250 = tpu.memref_slice %arg4[%dma_start3A_1247, %select_n3A_805, %mul3A_823] : memref<50x200x16384xf32, #tpu.memory_space<hbm>> -> memref<1x1x1024xf32, #tpu.memory_space<hbm>>
      %dma_start3A_1251 = tpu.memref_squeeze %dma_start3A_1250 : memref<1x1x1024xf32, #tpu.memory_space<hbm>> -> memref<1024xf32, #tpu.memory_space<hbm>>
      %dma_start3A_1252 = tpu.memref_slice %arg4[%dma_start3A_1247, %select_n3A_805, %mul3A_823] : memref<50x200x16384xf32, #tpu.memory_space<hbm>> -> memref<1x1x1024xf32, #tpu.memory_space<hbm>>
      %dma_start3A_1253 = tpu.memref_squeeze %dma_start3A_1252 : memref<1x1x1024xf32, #tpu.memory_space<hbm>> -> memref<1024xf32, #tpu.memory_space<hbm>>
      %dma_start3A_1254 = arith.constant 48128 : i32
      %dma_start3A_1255 = tpu.memref_slice %arg9[%dma_start3A_1254] : memref<51200xf32, #tpu.memory_space<vmem>> -> memref<1024xf32, #tpu.memory_space<vmem>>
      tpu.enqueue_dma source(%dma_start3A_1255 : memref<1024xf32, #tpu.memory_space<vmem>>) target(%dma_start3A_1253 : memref<1024xf32, #tpu.memory_space<hbm>>) target_semaphore(%arg14 : memref<!tpu.dma_semaphore, #tpu.memory_space<semaphore_mem>>)
      %dma_start3A_1256 = arith.constant 48 : i32
      %dma_start3A_1257 = arith.constant 49152 : i32
      %dma_start3A_1258 = tpu.memref_slice %arg9[%dma_start3A_1257] : memref<51200xf32, #tpu.memory_space<vmem>> -> memref<1024xf32, #tpu.memory_space<vmem>>
      %dma_start3A_1259 = tpu.memref_slice %arg4[%dma_start3A_1256, %select_n3A_805, %mul3A_823] : memref<50x200x16384xf32, #tpu.memory_space<hbm>> -> memref<1x1x1024xf32, #tpu.memory_space<hbm>>
      %dma_start3A_1260 = tpu.memref_squeeze %dma_start3A_1259 : memref<1x1x1024xf32, #tpu.memory_space<hbm>> -> memref<1024xf32, #tpu.memory_space<hbm>>
      %dma_start3A_1261 = tpu.memref_slice %arg4[%dma_start3A_1256, %select_n3A_805, %mul3A_823] : memref<50x200x16384xf32, #tpu.memory_space<hbm>> -> memref<1x1x1024xf32, #tpu.memory_space<hbm>>
      %dma_start3A_1262 = tpu.memref_squeeze %dma_start3A_1261 : memref<1x1x1024xf32, #tpu.memory_space<hbm>> -> memref<1024xf32, #tpu.memory_space<hbm>>
      %dma_start3A_1263 = arith.constant 49152 : i32
      %dma_start3A_1264 = tpu.memref_slice %arg9[%dma_start3A_1263] : memref<51200xf32, #tpu.memory_space<vmem>> -> memref<1024xf32, #tpu.memory_space<vmem>>
      tpu.enqueue_dma source(%dma_start3A_1264 : memref<1024xf32, #tpu.memory_space<vmem>>) target(%dma_start3A_1262 : memref<1024xf32, #tpu.memory_space<hbm>>) target_semaphore(%arg14 : memref<!tpu.dma_semaphore, #tpu.memory_space<semaphore_mem>>)
      %dma_start3A_1265 = arith.constant 49 : i32
      %dma_start3A_1266 = arith.constant 50176 : i32
      %dma_start3A_1267 = tpu.memref_slice %arg9[%dma_start3A_1266] : memref<51200xf32, #tpu.memory_space<vmem>> -> memref<1024xf32, #tpu.memory_space<vmem>>
      %dma_start3A_1268 = tpu.memref_slice %arg4[%dma_start3A_1265, %select_n3A_805, %mul3A_823] : memref<50x200x16384xf32, #tpu.memory_space<hbm>> -> memref<1x1x1024xf32, #tpu.memory_space<hbm>>
      %dma_start3A_1269 = tpu.memref_squeeze %dma_start3A_1268 : memref<1x1x1024xf32, #tpu.memory_space<hbm>> -> memref<1024xf32, #tpu.memory_space<hbm>>
      %dma_start3A_1270 = tpu.memref_slice %arg4[%dma_start3A_1265, %select_n3A_805, %mul3A_823] : memref<50x200x16384xf32, #tpu.memory_space<hbm>> -> memref<1x1x1024xf32, #tpu.memory_space<hbm>>
      %dma_start3A_1271 = tpu.memref_squeeze %dma_start3A_1270 : memref<1x1x1024xf32, #tpu.memory_space<hbm>> -> memref<1024xf32, #tpu.memory_space<hbm>>
      %dma_start3A_1272 = arith.constant 50176 : i32
      %dma_start3A_1273 = tpu.memref_slice %arg9[%dma_start3A_1272] : memref<51200xf32, #tpu.memory_space<vmem>> -> memref<1024xf32, #tpu.memory_space<vmem>>
      tpu.enqueue_dma source(%dma_start3A_1273 : memref<1024xf32, #tpu.memory_space<vmem>>) target(%dma_start3A_1271 : memref<1024xf32, #tpu.memory_space<hbm>>) target_semaphore(%arg14 : memref<!tpu.dma_semaphore, #tpu.memory_space<semaphore_mem>>)
      %mul3A_1274 = arith.constant 2 : i32
      %mul3A_1275 = arith.muli %scan3A_679, %mul3A_1274 : i32
      %add3A_1276 = arith.constant 1 : i32
      %add3A_1277 = arith.addi %mul3A_1275, %add3A_1276 : i32
      %gt3A_1278 = arith.constant 0 : i32
      %gt3A_1279 = arith.cmpi sgt, %add3A_1277, %gt3A_1278 : i32
      %convert_element_type3A_1280 = arith.extui %gt3A_1279 : i1 to i32
      %cond3A_1281 = arith.constant 0 : i32
      %cond3A_1282 = arith.cmpi ne, %convert_element_type3A_1280, %cond3A_1281 : i32
      scf.if %cond3A_1282 {
        %dma_wait3A_1873 = arith.constant 0 : i32
        %dma_wait3A_1874 = arith.constant 0 : i32
        %dma_wait3A_1875 = arith.constant 0 : i32
        %dma_wait3A_1876 = tpu.memref_slice %arg9[%dma_wait3A_1875] : memref<51200xf32, #tpu.memory_space<vmem>> -> memref<1024xf32, #tpu.memory_space<vmem>>
        %dma_wait3A_1877 = arith.constant 0 : i32
        %dma_wait3A_1878 = tpu.memref_slice %arg4[%dma_wait3A_1873, %dma_wait3A_1874, %dma_wait3A_1877] : memref<50x200x16384xf32, #tpu.memory_space<hbm>> -> memref<1x1x1024xf32, #tpu.memory_space<hbm>>
        %dma_wait3A_1879 = tpu.memref_squeeze %dma_wait3A_1878 : memref<1x1x1024xf32, #tpu.memory_space<hbm>> -> memref<1024xf32, #tpu.memory_space<hbm>>
        %dma_wait3A_1880 = arith.constant 0 : i32
        %dma_wait3A_1881 = tpu.memref_slice %arg4[%dma_wait3A_1873, %dma_wait3A_1874, %dma_wait3A_1880] : memref<50x200x16384xf32, #tpu.memory_space<hbm>> -> memref<1x1x1024xf32, #tpu.memory_space<hbm>>
        %dma_wait3A_1882 = tpu.memref_squeeze %dma_wait3A_1881 : memref<1x1x1024xf32, #tpu.memory_space<hbm>> -> memref<1024xf32, #tpu.memory_space<hbm>>
        %dma_wait3A_1883 = arith.constant 0 : i32
        %dma_wait3A_1884 = tpu.memref_slice %arg9[%dma_wait3A_1883] : memref<51200xf32, #tpu.memory_space<vmem>> -> memref<1024xf32, #tpu.memory_space<vmem>>
        tpu.wait_dma2 semaphore(%arg14 : memref<!tpu.dma_semaphore, #tpu.memory_space<semaphore_mem>>) src(%dma_wait3A_1884 : memref<1024xf32, #tpu.memory_space<vmem>>) dst(%dma_wait3A_1882 : memref<1024xf32, #tpu.memory_space<hbm>>)
        %dma_wait3A_1885 = arith.constant 0 : i32
        %dma_wait3A_1886 = arith.constant 0 : i32
        %dma_wait3A_1887 = arith.constant 0 : i32
        %dma_wait3A_1888 = tpu.memref_slice %arg9[%dma_wait3A_1887] : memref<51200xf32, #tpu.memory_space<vmem>> -> memref<1024xf32, #tpu.memory_space<vmem>>
        %dma_wait3A_1889 = arith.constant 0 : i32
        %dma_wait3A_1890 = tpu.memref_slice %arg4[%dma_wait3A_1885, %dma_wait3A_1886, %dma_wait3A_1889] : memref<50x200x16384xf32, #tpu.memory_space<hbm>> -> memref<1x1x1024xf32, #tpu.memory_space<hbm>>
        %dma_wait3A_1891 = tpu.memref_squeeze %dma_wait3A_1890 : memref<1x1x1024xf32, #tpu.memory_space<hbm>> -> memref<1024xf32, #tpu.memory_space<hbm>>
        %dma_wait3A_1892 = arith.constant 0 : i32
        %dma_wait3A_1893 = tpu.memref_slice %arg4[%dma_wait3A_1885, %dma_wait3A_1886, %dma_wait3A_1892] : memref<50x200x16384xf32, #tpu.memory_space<hbm>> -> memref<1x1x1024xf32, #tpu.memory_space<hbm>>
        %dma_wait3A_1894 = tpu.memref_squeeze %dma_wait3A_1893 : memref<1x1x1024xf32, #tpu.memory_space<hbm>> -> memref<1024xf32, #tpu.memory_space<hbm>>
        %dma_wait3A_1895 = arith.constant 0 : i32
        %dma_wait3A_1896 = tpu.memref_slice %arg9[%dma_wait3A_1895] : memref<51200xf32, #tpu.memory_space<vmem>> -> memref<1024xf32, #tpu.memory_space<vmem>>
        tpu.wait_dma2 semaphore(%arg14 : memref<!tpu.dma_semaphore, #tpu.memory_space<semaphore_mem>>) src(%dma_wait3A_1896 : memref<1024xf32, #tpu.memory_space<vmem>>) dst(%dma_wait3A_1894 : memref<1024xf32, #tpu.memory_space<hbm>>)
        %dma_wait3A_1897 = arith.constant 0 : i32
        %dma_wait3A_1898 = arith.constant 0 : i32
        %dma_wait3A_1899 = arith.constant 0 : i32
        %dma_wait3A_1900 = tpu.memref_slice %arg9[%dma_wait3A_1899] : memref<51200xf32, #tpu.memory_space<vmem>> -> memref<1024xf32, #tpu.memory_space<vmem>>
        %dma_wait3A_1901 = arith.constant 0 : i32
        %dma_wait3A_1902 = tpu.memref_slice %arg4[%dma_wait3A_1897, %dma_wait3A_1898, %dma_wait3A_1901] : memref<50x200x16384xf32, #tpu.memory_space<hbm>> -> memref<1x1x1024xf32, #tpu.memory_space<hbm>>
        %dma_wait3A_1903 = tpu.memref_squeeze %dma_wait3A_1902 : memref<1x1x1024xf32, #tpu.memory_space<hbm>> -> memref<1024xf32, #tpu.memory_space<hbm>>
        %dma_wait3A_1904 = arith.constant 0 : i32
        %dma_wait3A_1905 = tpu.memref_slice %arg4[%dma_wait3A_1897, %dma_wait3A_1898, %dma_wait3A_1904] : memref<50x200x16384xf32, #tpu.memory_space<hbm>> -> memref<1x1x1024xf32, #tpu.memory_space<hbm>>
        %dma_wait3A_1906 = tpu.memref_squeeze %dma_wait3A_1905 : memref<1x1x1024xf32, #tpu.memory_space<hbm>> -> memref<1024xf32, #tpu.memory_space<hbm>>
        %dma_wait3A_1907 = arith.constant 0 : i32
        %dma_wait3A_1908 = tpu.memref_slice %arg9[%dma_wait3A_1907] : memref<51200xf32, #tpu.memory_space<vmem>> -> memref<1024xf32, #tpu.memory_space<vmem>>
        tpu.wait_dma2 semaphore(%arg14 : memref<!tpu.dma_semaphore, #tpu.memory_space<semaphore_mem>>) src(%dma_wait3A_1908 : memref<1024xf32, #tpu.memory_space<vmem>>) dst(%dma_wait3A_1906 : memref<1024xf32, #tpu.memory_space<hbm>>)
        %dma_wait3A_1909 = arith.constant 0 : i32
        %dma_wait3A_1910 = arith.constant 0 : i32
        %dma_wait3A_1911 = arith.constant 0 : i32
        %dma_wait3A_1912 = tpu.memref_slice %arg9[%dma_wait3A_1911] : memref<51200xf32, #tpu.memory_space<vmem>> -> memref<1024xf32, #tpu.memory_space<vmem>>
        %dma_wait3A_1913 = arith.constant 0 : i32
        %dma_wait3A_1914 = tpu.memref_slice %arg4[%dma_wait3A_1909, %dma_wait3A_1910, %dma_wait3A_1913] : memref<50x200x16384xf32, #tpu.memory_space<hbm>> -> memref<1x1x1024xf32, #tpu.memory_space<hbm>>
        %dma_wait3A_1915 = tpu.memref_squeeze %dma_wait3A_1914 : memref<1x1x1024xf32, #tpu.memory_space<hbm>> -> memref<1024xf32, #tpu.memory_space<hbm>>
        %dma_wait3A_1916 = arith.constant 0 : i32
        %dma_wait3A_1917 = tpu.memref_slice %arg4[%dma_wait3A_1909, %dma_wait3A_1910, %dma_wait3A_1916] : memref<50x200x16384xf32, #tpu.memory_space<hbm>> -> memref<1x1x1024xf32, #tpu.memory_space<hbm>>
        %dma_wait3A_1918 = tpu.memref_squeeze %dma_wait3A_1917 : memref<1x1x1024xf32, #tpu.memory_space<hbm>> -> memref<1024xf32, #tpu.memory_space<hbm>>
        %dma_wait3A_1919 = arith.constant 0 : i32
        %dma_wait3A_1920 = tpu.memref_slice %arg9[%dma_wait3A_1919] : memref<51200xf32, #tpu.memory_space<vmem>> -> memref<1024xf32, #tpu.memory_space<vmem>>
        tpu.wait_dma2 semaphore(%arg14 : memref<!tpu.dma_semaphore, #tpu.memory_space<semaphore_mem>>) src(%dma_wait3A_1920 : memref<1024xf32, #tpu.memory_space<vmem>>) dst(%dma_wait3A_1918 : memref<1024xf32, #tpu.memory_space<hbm>>)
        %dma_wait3A_1921 = arith.constant 0 : i32
        %dma_wait3A_1922 = arith.constant 0 : i32
        %dma_wait3A_1923 = arith.constant 0 : i32
        %dma_wait3A_1924 = tpu.memref_slice %arg9[%dma_wait3A_1923] : memref<51200xf32, #tpu.memory_space<vmem>> -> memref<1024xf32, #tpu.memory_space<vmem>>
        %dma_wait3A_1925 = arith.constant 0 : i32
        %dma_wait3A_1926 = tpu.memref_slice %arg4[%dma_wait3A_1921, %dma_wait3A_1922, %dma_wait3A_1925] : memref<50x200x16384xf32, #tpu.memory_space<hbm>> -> memref<1x1x1024xf32, #tpu.memory_space<hbm>>
        %dma_wait3A_1927 = tpu.memref_squeeze %dma_wait3A_1926 : memref<1x1x1024xf32, #tpu.memory_space<hbm>> -> memref<1024xf32, #tpu.memory_space<hbm>>
        %dma_wait3A_1928 = arith.constant 0 : i32
        %dma_wait3A_1929 = tpu.memref_slice %arg4[%dma_wait3A_1921, %dma_wait3A_1922, %dma_wait3A_1928] : memref<50x200x16384xf32, #tpu.memory_space<hbm>> -> memref<1x1x1024xf32, #tpu.memory_space<hbm>>
        %dma_wait3A_1930 = tpu.memref_squeeze %dma_wait3A_1929 : memref<1x1x1024xf32, #tpu.memory_space<hbm>> -> memref<1024xf32, #tpu.memory_space<hbm>>
        %dma_wait3A_1931 = arith.constant 0 : i32
        %dma_wait3A_1932 = tpu.memref_slice %arg9[%dma_wait3A_1931] : memref<51200xf32, #tpu.memory_space<vmem>> -> memref<1024xf32, #tpu.memory_space<vmem>>
        tpu.wait_dma2 semaphore(%arg14 : memref<!tpu.dma_semaphore, #tpu.memory_space<semaphore_mem>>) src(%dma_wait3A_1932 : memref<1024xf32, #tpu.memory_space<vmem>>) dst(%dma_wait3A_1930 : memref<1024xf32, #tpu.memory_space<hbm>>)
        %dma_wait3A_1933 = arith.constant 0 : i32
        %dma_wait3A_1934 = arith.constant 0 : i32
        %dma_wait3A_1935 = arith.constant 0 : i32
        %dma_wait3A_1936 = tpu.memref_slice %arg9[%dma_wait3A_1935] : memref<51200xf32, #tpu.memory_space<vmem>> -> memref<1024xf32, #tpu.memory_space<vmem>>
        %dma_wait3A_1937 = arith.constant 0 : i32
        %dma_wait3A_1938 = tpu.memref_slice %arg4[%dma_wait3A_1933, %dma_wait3A_1934, %dma_wait3A_1937] : memref<50x200x16384xf32, #tpu.memory_space<hbm>> -> memref<1x1x1024xf32, #tpu.memory_space<hbm>>
        %dma_wait3A_1939 = tpu.memref_squeeze %dma_wait3A_1938 : memref<1x1x1024xf32, #tpu.memory_space<hbm>> -> memref<1024xf32, #tpu.memory_space<hbm>>
        %dma_wait3A_1940 = arith.constant 0 : i32
        %dma_wait3A_1941 = tpu.memref_slice %arg4[%dma_wait3A_1933, %dma_wait3A_1934, %dma_wait3A_1940] : memref<50x200x16384xf32, #tpu.memory_space<hbm>> -> memref<1x1x1024xf32, #tpu.memory_space<hbm>>
        %dma_wait3A_1942 = tpu.memref_squeeze %dma_wait3A_1941 : memref<1x1x1024xf32, #tpu.memory_space<hbm>> -> memref<1024xf32, #tpu.memory_space<hbm>>
        %dma_wait3A_1943 = arith.constant 0 : i32
        %dma_wait3A_1944 = tpu.memref_slice %arg9[%dma_wait3A_1943] : memref<51200xf32, #tpu.memory_space<vmem>> -> memref<1024xf32, #tpu.memory_space<vmem>>
        tpu.wait_dma2 semaphore(%arg14 : memref<!tpu.dma_semaphore, #tpu.memory_space<semaphore_mem>>) src(%dma_wait3A_1944 : memref<1024xf32, #tpu.memory_space<vmem>>) dst(%dma_wait3A_1942 : memref<1024xf32, #tpu.memory_space<hbm>>)
        %dma_wait3A_1945 = arith.constant 0 : i32
        %dma_wait3A_1946 = arith.constant 0 : i32
        %dma_wait3A_1947 = arith.constant 0 : i32
        %dma_wait3A_1948 = tpu.memref_slice %arg9[%dma_wait3A_1947] : memref<51200xf32, #tpu.memory_space<vmem>> -> memref<1024xf32, #tpu.memory_space<vmem>>
        %dma_wait3A_1949 = arith.constant 0 : i32
        %dma_wait3A_1950 = tpu.memref_slice %arg4[%dma_wait3A_1945, %dma_wait3A_1946, %dma_wait3A_1949] : memref<50x200x16384xf32, #tpu.memory_space<hbm>> -> memref<1x1x1024xf32, #tpu.memory_space<hbm>>
        %dma_wait3A_1951 = tpu.memref_squeeze %dma_wait3A_1950 : memref<1x1x1024xf32, #tpu.memory_space<hbm>> -> memref<1024xf32, #tpu.memory_space<hbm>>
        %dma_wait3A_1952 = arith.constant 0 : i32
        %dma_wait3A_1953 = tpu.memref_slice %arg4[%dma_wait3A_1945, %dma_wait3A_1946, %dma_wait3A_1952] : memref<50x200x16384xf32, #tpu.memory_space<hbm>> -> memref<1x1x1024xf32, #tpu.memory_space<hbm>>
        %dma_wait3A_1954 = tpu.memref_squeeze %dma_wait3A_1953 : memref<1x1x1024xf32, #tpu.memory_space<hbm>> -> memref<1024xf32, #tpu.memory_space<hbm>>
        %dma_wait3A_1955 = arith.constant 0 : i32
        %dma_wait3A_1956 = tpu.memref_slice %arg9[%dma_wait3A_1955] : memref<51200xf32, #tpu.memory_space<vmem>> -> memref<1024xf32, #tpu.memory_space<vmem>>
        tpu.wait_dma2 semaphore(%arg14 : memref<!tpu.dma_semaphore, #tpu.memory_space<semaphore_mem>>) src(%dma_wait3A_1956 : memref<1024xf32, #tpu.memory_space<vmem>>) dst(%dma_wait3A_1954 : memref<1024xf32, #tpu.memory_space<hbm>>)
        %dma_wait3A_1957 = arith.constant 0 : i32
        %dma_wait3A_1958 = arith.constant 0 : i32
        %dma_wait3A_1959 = arith.constant 0 : i32
        %dma_wait3A_1960 = tpu.memref_slice %arg9[%dma_wait3A_1959] : memref<51200xf32, #tpu.memory_space<vmem>> -> memref<1024xf32, #tpu.memory_space<vmem>>
        %dma_wait3A_1961 = arith.constant 0 : i32
        %dma_wait3A_1962 = tpu.memref_slice %arg4[%dma_wait3A_1957, %dma_wait3A_1958, %dma_wait3A_1961] : memref<50x200x16384xf32, #tpu.memory_space<hbm>> -> memref<1x1x1024xf32, #tpu.memory_space<hbm>>
        %dma_wait3A_1963 = tpu.memref_squeeze %dma_wait3A_1962 : memref<1x1x1024xf32, #tpu.memory_space<hbm>> -> memref<1024xf32, #tpu.memory_space<hbm>>
        %dma_wait3A_1964 = arith.constant 0 : i32
        %dma_wait3A_1965 = tpu.memref_slice %arg4[%dma_wait3A_1957, %dma_wait3A_1958, %dma_wait3A_1964] : memref<50x200x16384xf32, #tpu.memory_space<hbm>> -> memref<1x1x1024xf32, #tpu.memory_space<hbm>>
        %dma_wait3A_1966 = tpu.memref_squeeze %dma_wait3A_1965 : memref<1x1x1024xf32, #tpu.memory_space<hbm>> -> memref<1024xf32, #tpu.memory_space<hbm>>
        %dma_wait3A_1967 = arith.constant 0 : i32
        %dma_wait3A_1968 = tpu.memref_slice %arg9[%dma_wait3A_1967] : memref<51200xf32, #tpu.memory_space<vmem>> -> memref<1024xf32, #tpu.memory_space<vmem>>
        tpu.wait_dma2 semaphore(%arg14 : memref<!tpu.dma_semaphore, #tpu.memory_space<semaphore_mem>>) src(%dma_wait3A_1968 : memref<1024xf32, #tpu.memory_space<vmem>>) dst(%dma_wait3A_1966 : memref<1024xf32, #tpu.memory_space<hbm>>)
        %dma_wait3A_1969 = arith.constant 0 : i32
        %dma_wait3A_1970 = arith.constant 0 : i32
        %dma_wait3A_1971 = arith.constant 0 : i32
        %dma_wait3A_1972 = tpu.memref_slice %arg9[%dma_wait3A_1971] : memref<51200xf32, #tpu.memory_space<vmem>> -> memref<1024xf32, #tpu.memory_space<vmem>>
        %dma_wait3A_1973 = arith.constant 0 : i32
        %dma_wait3A_1974 = tpu.memref_slice %arg4[%dma_wait3A_1969, %dma_wait3A_1970, %dma_wait3A_1973] : memref<50x200x16384xf32, #tpu.memory_space<hbm>> -> memref<1x1x1024xf32, #tpu.memory_space<hbm>>
        %dma_wait3A_1975 = tpu.memref_squeeze %dma_wait3A_1974 : memref<1x1x1024xf32, #tpu.memory_space<hbm>> -> memref<1024xf32, #tpu.memory_space<hbm>>
        %dma_wait3A_1976 = arith.constant 0 : i32
        %dma_wait3A_1977 = tpu.memref_slice %arg4[%dma_wait3A_1969, %dma_wait3A_1970, %dma_wait3A_1976] : memref<50x200x16384xf32, #tpu.memory_space<hbm>> -> memref<1x1x1024xf32, #tpu.memory_space<hbm>>
        %dma_wait3A_1978 = tpu.memref_squeeze %dma_wait3A_1977 : memref<1x1x1024xf32, #tpu.memory_space<hbm>> -> memref<1024xf32, #tpu.memory_space<hbm>>
        %dma_wait3A_1979 = arith.constant 0 : i32
        %dma_wait3A_1980 = tpu.memref_slice %arg9[%dma_wait3A_1979] : memref<51200xf32, #tpu.memory_space<vmem>> -> memref<1024xf32, #tpu.memory_space<vmem>>
        tpu.wait_dma2 semaphore(%arg14 : memref<!tpu.dma_semaphore, #tpu.memory_space<semaphore_mem>>) src(%dma_wait3A_1980 : memref<1024xf32, #tpu.memory_space<vmem>>) dst(%dma_wait3A_1978 : memref<1024xf32, #tpu.memory_space<hbm>>)
        %dma_wait3A_1981 = arith.constant 0 : i32
        %dma_wait3A_1982 = arith.constant 0 : i32
        %dma_wait3A_1983 = arith.constant 0 : i32
        %dma_wait3A_1984 = tpu.memref_slice %arg9[%dma_wait3A_1983] : memref<51200xf32, #tpu.memory_space<vmem>> -> memref<1024xf32, #tpu.memory_space<vmem>>
        %dma_wait3A_1985 = arith.constant 0 : i32
        %dma_wait3A_1986 = tpu.memref_slice %arg4[%dma_wait3A_1981, %dma_wait3A_1982, %dma_wait3A_1985] : memref<50x200x16384xf32, #tpu.memory_space<hbm>> -> memref<1x1x1024xf32, #tpu.memory_space<hbm>>
        %dma_wait3A_1987 = tpu.memref_squeeze %dma_wait3A_1986 : memref<1x1x1024xf32, #tpu.memory_space<hbm>> -> memref<1024xf32, #tpu.memory_space<hbm>>
        %dma_wait3A_1988 = arith.constant 0 : i32
        %dma_wait3A_1989 = tpu.memref_slice %arg4[%dma_wait3A_1981, %dma_wait3A_1982, %dma_wait3A_1988] : memref<50x200x16384xf32, #tpu.memory_space<hbm>> -> memref<1x1x1024xf32, #tpu.memory_space<hbm>>
        %dma_wait3A_1990 = tpu.memref_squeeze %dma_wait3A_1989 : memref<1x1x1024xf32, #tpu.memory_space<hbm>> -> memref<1024xf32, #tpu.memory_space<hbm>>
        %dma_wait3A_1991 = arith.constant 0 : i32
        %dma_wait3A_1992 = tpu.memref_slice %arg9[%dma_wait3A_1991] : memref<51200xf32, #tpu.memory_space<vmem>> -> memref<1024xf32, #tpu.memory_space<vmem>>
        tpu.wait_dma2 semaphore(%arg14 : memref<!tpu.dma_semaphore, #tpu.memory_space<semaphore_mem>>) src(%dma_wait3A_1992 : memref<1024xf32, #tpu.memory_space<vmem>>) dst(%dma_wait3A_1990 : memref<1024xf32, #tpu.memory_space<hbm>>)
        %dma_wait3A_1993 = arith.constant 0 : i32
        %dma_wait3A_1994 = arith.constant 0 : i32
        %dma_wait3A_1995 = arith.constant 0 : i32
        %dma_wait3A_1996 = tpu.memref_slice %arg9[%dma_wait3A_1995] : memref<51200xf32, #tpu.memory_space<vmem>> -> memref<1024xf32, #tpu.memory_space<vmem>>
        %dma_wait3A_1997 = arith.constant 0 : i32
        %dma_wait3A_1998 = tpu.memref_slice %arg4[%dma_wait3A_1993, %dma_wait3A_1994, %dma_wait3A_1997] : memref<50x200x16384xf32, #tpu.memory_space<hbm>> -> memref<1x1x1024xf32, #tpu.memory_space<hbm>>
        %dma_wait3A_1999 = tpu.memref_squeeze %dma_wait3A_1998 : memref<1x1x1024xf32, #tpu.memory_space<hbm>> -> memref<1024xf32, #tpu.memory_space<hbm>>
        %dma_wait3A_2000 = arith.constant 0 : i32
        %dma_wait3A_2001 = tpu.memref_slice %arg4[%dma_wait3A_1993, %dma_wait3A_1994, %dma_wait3A_2000] : memref<50x200x16384xf32, #tpu.memory_space<hbm>> -> memref<1x1x1024xf32, #tpu.memory_space<hbm>>
        %dma_wait3A_2002 = tpu.memref_squeeze %dma_wait3A_2001 : memref<1x1x1024xf32, #tpu.memory_space<hbm>> -> memref<1024xf32, #tpu.memory_space<hbm>>
        %dma_wait3A_2003 = arith.constant 0 : i32
        %dma_wait3A_2004 = tpu.memref_slice %arg9[%dma_wait3A_2003] : memref<51200xf32, #tpu.memory_space<vmem>> -> memref<1024xf32, #tpu.memory_space<vmem>>
        tpu.wait_dma2 semaphore(%arg14 : memref<!tpu.dma_semaphore, #tpu.memory_space<semaphore_mem>>) src(%dma_wait3A_2004 : memref<1024xf32, #tpu.memory_space<vmem>>) dst(%dma_wait3A_2002 : memref<1024xf32, #tpu.memory_space<hbm>>)
        %dma_wait3A_2005 = arith.constant 0 : i32
        %dma_wait3A_2006 = arith.constant 0 : i32
        %dma_wait3A_2007 = arith.constant 0 : i32
        %dma_wait3A_2008 = tpu.memref_slice %arg9[%dma_wait3A_2007] : memref<51200xf32, #tpu.memory_space<vmem>> -> memref<1024xf32, #tpu.memory_space<vmem>>
        %dma_wait3A_2009 = arith.constant 0 : i32
        %dma_wait3A_2010 = tpu.memref_slice %arg4[%dma_wait3A_2005, %dma_wait3A_2006, %dma_wait3A_2009] : memref<50x200x16384xf32, #tpu.memory_space<hbm>> -> memref<1x1x1024xf32, #tpu.memory_space<hbm>>
        %dma_wait3A_2011 = tpu.memref_squeeze %dma_wait3A_2010 : memref<1x1x1024xf32, #tpu.memory_space<hbm>> -> memref<1024xf32, #tpu.memory_space<hbm>>
        %dma_wait3A_2012 = arith.constant 0 : i32
        %dma_wait3A_2013 = tpu.memref_slice %arg4[%dma_wait3A_2005, %dma_wait3A_2006, %dma_wait3A_2012] : memref<50x200x16384xf32, #tpu.memory_space<hbm>> -> memref<1x1x1024xf32, #tpu.memory_space<hbm>>
        %dma_wait3A_2014 = tpu.memref_squeeze %dma_wait3A_2013 : memref<1x1x1024xf32, #tpu.memory_space<hbm>> -> memref<1024xf32, #tpu.memory_space<hbm>>
        %dma_wait3A_2015 = arith.constant 0 : i32
        %dma_wait3A_2016 = tpu.memref_slice %arg9[%dma_wait3A_2015] : memref<51200xf32, #tpu.memory_space<vmem>> -> memref<1024xf32, #tpu.memory_space<vmem>>
        tpu.wait_dma2 semaphore(%arg14 : memref<!tpu.dma_semaphore, #tpu.memory_space<semaphore_mem>>) src(%dma_wait3A_2016 : memref<1024xf32, #tpu.memory_space<vmem>>) dst(%dma_wait3A_2014 : memref<1024xf32, #tpu.memory_space<hbm>>)
        %dma_wait3A_2017 = arith.constant 0 : i32
        %dma_wait3A_2018 = arith.constant 0 : i32
        %dma_wait3A_2019 = arith.constant 0 : i32
        %dma_wait3A_2020 = tpu.memref_slice %arg9[%dma_wait3A_2019] : memref<51200xf32, #tpu.memory_space<vmem>> -> memref<1024xf32, #tpu.memory_space<vmem>>
        %dma_wait3A_2021 = arith.constant 0 : i32
        %dma_wait3A_2022 = tpu.memref_slice %arg4[%dma_wait3A_2017, %dma_wait3A_2018, %dma_wait3A_2021] : memref<50x200x16384xf32, #tpu.memory_space<hbm>> -> memref<1x1x1024xf32, #tpu.memory_space<hbm>>
        %dma_wait3A_2023 = tpu.memref_squeeze %dma_wait3A_2022 : memref<1x1x1024xf32, #tpu.memory_space<hbm>> -> memref<1024xf32, #tpu.memory_space<hbm>>
        %dma_wait3A_2024 = arith.constant 0 : i32
        %dma_wait3A_2025 = tpu.memref_slice %arg4[%dma_wait3A_2017, %dma_wait3A_2018, %dma_wait3A_2024] : memref<50x200x16384xf32, #tpu.memory_space<hbm>> -> memref<1x1x1024xf32, #tpu.memory_space<hbm>>
        %dma_wait3A_2026 = tpu.memref_squeeze %dma_wait3A_2025 : memref<1x1x1024xf32, #tpu.memory_space<hbm>> -> memref<1024xf32, #tpu.memory_space<hbm>>
        %dma_wait3A_2027 = arith.constant 0 : i32
        %dma_wait3A_2028 = tpu.memref_slice %arg9[%dma_wait3A_2027] : memref<51200xf32, #tpu.memory_space<vmem>> -> memref<1024xf32, #tpu.memory_space<vmem>>
        tpu.wait_dma2 semaphore(%arg14 : memref<!tpu.dma_semaphore, #tpu.memory_space<semaphore_mem>>) src(%dma_wait3A_2028 : memref<1024xf32, #tpu.memory_space<vmem>>) dst(%dma_wait3A_2026 : memref<1024xf32, #tpu.memory_space<hbm>>)
        %dma_wait3A_2029 = arith.constant 0 : i32
        %dma_wait3A_2030 = arith.constant 0 : i32
        %dma_wait3A_2031 = arith.constant 0 : i32
        %dma_wait3A_2032 = tpu.memref_slice %arg9[%dma_wait3A_2031] : memref<51200xf32, #tpu.memory_space<vmem>> -> memref<1024xf32, #tpu.memory_space<vmem>>
        %dma_wait3A_2033 = arith.constant 0 : i32
        %dma_wait3A_2034 = tpu.memref_slice %arg4[%dma_wait3A_2029, %dma_wait3A_2030, %dma_wait3A_2033] : memref<50x200x16384xf32, #tpu.memory_space<hbm>> -> memref<1x1x1024xf32, #tpu.memory_space<hbm>>
        %dma_wait3A_2035 = tpu.memref_squeeze %dma_wait3A_2034 : memref<1x1x1024xf32, #tpu.memory_space<hbm>> -> memref<1024xf32, #tpu.memory_space<hbm>>
        %dma_wait3A_2036 = arith.constant 0 : i32
        %dma_wait3A_2037 = tpu.memref_slice %arg4[%dma_wait3A_2029, %dma_wait3A_2030, %dma_wait3A_2036] : memref<50x200x16384xf32, #tpu.memory_space<hbm>> -> memref<1x1x1024xf32, #tpu.memory_space<hbm>>
        %dma_wait3A_2038 = tpu.memref_squeeze %dma_wait3A_2037 : memref<1x1x1024xf32, #tpu.memory_space<hbm>> -> memref<1024xf32, #tpu.memory_space<hbm>>
        %dma_wait3A_2039 = arith.constant 0 : i32
        %dma_wait3A_2040 = tpu.memref_slice %arg9[%dma_wait3A_2039] : memref<51200xf32, #tpu.memory_space<vmem>> -> memref<1024xf32, #tpu.memory_space<vmem>>
        tpu.wait_dma2 semaphore(%arg14 : memref<!tpu.dma_semaphore, #tpu.memory_space<semaphore_mem>>) src(%dma_wait3A_2040 : memref<1024xf32, #tpu.memory_space<vmem>>) dst(%dma_wait3A_2038 : memref<1024xf32, #tpu.memory_space<hbm>>)
        %dma_wait3A_2041 = arith.constant 0 : i32
        %dma_wait3A_2042 = arith.constant 0 : i32
        %dma_wait3A_2043 = arith.constant 0 : i32
        %dma_wait3A_2044 = tpu.memref_slice %arg9[%dma_wait3A_2043] : memref<51200xf32, #tpu.memory_space<vmem>> -> memref<1024xf32, #tpu.memory_space<vmem>>
        %dma_wait3A_2045 = arith.constant 0 : i32
        %dma_wait3A_2046 = tpu.memref_slice %arg4[%dma_wait3A_2041, %dma_wait3A_2042, %dma_wait3A_2045] : memref<50x200x16384xf32, #tpu.memory_space<hbm>> -> memref<1x1x1024xf32, #tpu.memory_space<hbm>>
        %dma_wait3A_2047 = tpu.memref_squeeze %dma_wait3A_2046 : memref<1x1x1024xf32, #tpu.memory_space<hbm>> -> memref<1024xf32, #tpu.memory_space<hbm>>
        %dma_wait3A_2048 = arith.constant 0 : i32
        %dma_wait3A_2049 = tpu.memref_slice %arg4[%dma_wait3A_2041, %dma_wait3A_2042, %dma_wait3A_2048] : memref<50x200x16384xf32, #tpu.memory_space<hbm>> -> memref<1x1x1024xf32, #tpu.memory_space<hbm>>
        %dma_wait3A_2050 = tpu.memref_squeeze %dma_wait3A_2049 : memref<1x1x1024xf32, #tpu.memory_space<hbm>> -> memref<1024xf32, #tpu.memory_space<hbm>>
        %dma_wait3A_2051 = arith.constant 0 : i32
        %dma_wait3A_2052 = tpu.memref_slice %arg9[%dma_wait3A_2051] : memref<51200xf32, #tpu.memory_space<vmem>> -> memref<1024xf32, #tpu.memory_space<vmem>>
        tpu.wait_dma2 semaphore(%arg14 : memref<!tpu.dma_semaphore, #tpu.memory_space<semaphore_mem>>) src(%dma_wait3A_2052 : memref<1024xf32, #tpu.memory_space<vmem>>) dst(%dma_wait3A_2050 : memref<1024xf32, #tpu.memory_space<hbm>>)
        %dma_wait3A_2053 = arith.constant 0 : i32
        %dma_wait3A_2054 = arith.constant 0 : i32
        %dma_wait3A_2055 = arith.constant 0 : i32
        %dma_wait3A_2056 = tpu.memref_slice %arg9[%dma_wait3A_2055] : memref<51200xf32, #tpu.memory_space<vmem>> -> memref<1024xf32, #tpu.memory_space<vmem>>
        %dma_wait3A_2057 = arith.constant 0 : i32
        %dma_wait3A_2058 = tpu.memref_slice %arg4[%dma_wait3A_2053, %dma_wait3A_2054, %dma_wait3A_2057] : memref<50x200x16384xf32, #tpu.memory_space<hbm>> -> memref<1x1x1024xf32, #tpu.memory_space<hbm>>
        %dma_wait3A_2059 = tpu.memref_squeeze %dma_wait3A_2058 : memref<1x1x1024xf32, #tpu.memory_space<hbm>> -> memref<1024xf32, #tpu.memory_space<hbm>>
        %dma_wait3A_2060 = arith.constant 0 : i32
        %dma_wait3A_2061 = tpu.memref_slice %arg4[%dma_wait3A_2053, %dma_wait3A_2054, %dma_wait3A_2060] : memref<50x200x16384xf32, #tpu.memory_space<hbm>> -> memref<1x1x1024xf32, #tpu.memory_space<hbm>>
        %dma_wait3A_2062 = tpu.memref_squeeze %dma_wait3A_2061 : memref<1x1x1024xf32, #tpu.memory_space<hbm>> -> memref<1024xf32, #tpu.memory_space<hbm>>
        %dma_wait3A_2063 = arith.constant 0 : i32
        %dma_wait3A_2064 = tpu.memref_slice %arg9[%dma_wait3A_2063] : memref<51200xf32, #tpu.memory_space<vmem>> -> memref<1024xf32, #tpu.memory_space<vmem>>
        tpu.wait_dma2 semaphore(%arg14 : memref<!tpu.dma_semaphore, #tpu.memory_space<semaphore_mem>>) src(%dma_wait3A_2064 : memref<1024xf32, #tpu.memory_space<vmem>>) dst(%dma_wait3A_2062 : memref<1024xf32, #tpu.memory_space<hbm>>)
        %dma_wait3A_2065 = arith.constant 0 : i32
        %dma_wait3A_2066 = arith.constant 0 : i32
        %dma_wait3A_2067 = arith.constant 0 : i32
        %dma_wait3A_2068 = tpu.memref_slice %arg9[%dma_wait3A_2067] : memref<51200xf32, #tpu.memory_space<vmem>> -> memref<1024xf32, #tpu.memory_space<vmem>>
        %dma_wait3A_2069 = arith.constant 0 : i32
        %dma_wait3A_2070 = tpu.memref_slice %arg4[%dma_wait3A_2065, %dma_wait3A_2066, %dma_wait3A_2069] : memref<50x200x16384xf32, #tpu.memory_space<hbm>> -> memref<1x1x1024xf32, #tpu.memory_space<hbm>>
        %dma_wait3A_2071 = tpu.memref_squeeze %dma_wait3A_2070 : memref<1x1x1024xf32, #tpu.memory_space<hbm>> -> memref<1024xf32, #tpu.memory_space<hbm>>
        %dma_wait3A_2072 = arith.constant 0 : i32
        %dma_wait3A_2073 = tpu.memref_slice %arg4[%dma_wait3A_2065, %dma_wait3A_2066, %dma_wait3A_2072] : memref<50x200x16384xf32, #tpu.memory_space<hbm>> -> memref<1x1x1024xf32, #tpu.memory_space<hbm>>
        %dma_wait3A_2074 = tpu.memref_squeeze %dma_wait3A_2073 : memref<1x1x1024xf32, #tpu.memory_space<hbm>> -> memref<1024xf32, #tpu.memory_space<hbm>>
        %dma_wait3A_2075 = arith.constant 0 : i32
        %dma_wait3A_2076 = tpu.memref_slice %arg9[%dma_wait3A_2075] : memref<51200xf32, #tpu.memory_space<vmem>> -> memref<1024xf32, #tpu.memory_space<vmem>>
        tpu.wait_dma2 semaphore(%arg14 : memref<!tpu.dma_semaphore, #tpu.memory_space<semaphore_mem>>) src(%dma_wait3A_2076 : memref<1024xf32, #tpu.memory_space<vmem>>) dst(%dma_wait3A_2074 : memref<1024xf32, #tpu.memory_space<hbm>>)
        %dma_wait3A_2077 = arith.constant 0 : i32
        %dma_wait3A_2078 = arith.constant 0 : i32
        %dma_wait3A_2079 = arith.constant 0 : i32
        %dma_wait3A_2080 = tpu.memref_slice %arg9[%dma_wait3A_2079] : memref<51200xf32, #tpu.memory_space<vmem>> -> memref<1024xf32, #tpu.memory_space<vmem>>
        %dma_wait3A_2081 = arith.constant 0 : i32
        %dma_wait3A_2082 = tpu.memref_slice %arg4[%dma_wait3A_2077, %dma_wait3A_2078, %dma_wait3A_2081] : memref<50x200x16384xf32, #tpu.memory_space<hbm>> -> memref<1x1x1024xf32, #tpu.memory_space<hbm>>
        %dma_wait3A_2083 = tpu.memref_squeeze %dma_wait3A_2082 : memref<1x1x1024xf32, #tpu.memory_space<hbm>> -> memref<1024xf32, #tpu.memory_space<hbm>>
        %dma_wait3A_2084 = arith.constant 0 : i32
        %dma_wait3A_2085 = tpu.memref_slice %arg4[%dma_wait3A_2077, %dma_wait3A_2078, %dma_wait3A_2084] : memref<50x200x16384xf32, #tpu.memory_space<hbm>> -> memref<1x1x1024xf32, #tpu.memory_space<hbm>>
        %dma_wait3A_2086 = tpu.memref_squeeze %dma_wait3A_2085 : memref<1x1x1024xf32, #tpu.memory_space<hbm>> -> memref<1024xf32, #tpu.memory_space<hbm>>
        %dma_wait3A_2087 = arith.constant 0 : i32
        %dma_wait3A_2088 = tpu.memref_slice %arg9[%dma_wait3A_2087] : memref<51200xf32, #tpu.memory_space<vmem>> -> memref<1024xf32, #tpu.memory_space<vmem>>
        tpu.wait_dma2 semaphore(%arg14 : memref<!tpu.dma_semaphore, #tpu.memory_space<semaphore_mem>>) src(%dma_wait3A_2088 : memref<1024xf32, #tpu.memory_space<vmem>>) dst(%dma_wait3A_2086 : memref<1024xf32, #tpu.memory_space<hbm>>)
        %dma_wait3A_2089 = arith.constant 0 : i32
        %dma_wait3A_2090 = arith.constant 0 : i32
        %dma_wait3A_2091 = arith.constant 0 : i32
        %dma_wait3A_2092 = tpu.memref_slice %arg9[%dma_wait3A_2091] : memref<51200xf32, #tpu.memory_space<vmem>> -> memref<1024xf32, #tpu.memory_space<vmem>>
        %dma_wait3A_2093 = arith.constant 0 : i32
        %dma_wait3A_2094 = tpu.memref_slice %arg4[%dma_wait3A_2089, %dma_wait3A_2090, %dma_wait3A_2093] : memref<50x200x16384xf32, #tpu.memory_space<hbm>> -> memref<1x1x1024xf32, #tpu.memory_space<hbm>>
        %dma_wait3A_2095 = tpu.memref_squeeze %dma_wait3A_2094 : memref<1x1x1024xf32, #tpu.memory_space<hbm>> -> memref<1024xf32, #tpu.memory_space<hbm>>
        %dma_wait3A_2096 = arith.constant 0 : i32
        %dma_wait3A_2097 = tpu.memref_slice %arg4[%dma_wait3A_2089, %dma_wait3A_2090, %dma_wait3A_2096] : memref<50x200x16384xf32, #tpu.memory_space<hbm>> -> memref<1x1x1024xf32, #tpu.memory_space<hbm>>
        %dma_wait3A_2098 = tpu.memref_squeeze %dma_wait3A_2097 : memref<1x1x1024xf32, #tpu.memory_space<hbm>> -> memref<1024xf32, #tpu.memory_space<hbm>>
        %dma_wait3A_2099 = arith.constant 0 : i32
        %dma_wait3A_2100 = tpu.memref_slice %arg9[%dma_wait3A_2099] : memref<51200xf32, #tpu.memory_space<vmem>> -> memref<1024xf32, #tpu.memory_space<vmem>>
        tpu.wait_dma2 semaphore(%arg14 : memref<!tpu.dma_semaphore, #tpu.memory_space<semaphore_mem>>) src(%dma_wait3A_2100 : memref<1024xf32, #tpu.memory_space<vmem>>) dst(%dma_wait3A_2098 : memref<1024xf32, #tpu.memory_space<hbm>>)
        %dma_wait3A_2101 = arith.constant 0 : i32
        %dma_wait3A_2102 = arith.constant 0 : i32
        %dma_wait3A_2103 = arith.constant 0 : i32
        %dma_wait3A_2104 = tpu.memref_slice %arg9[%dma_wait3A_2103] : memref<51200xf32, #tpu.memory_space<vmem>> -> memref<1024xf32, #tpu.memory_space<vmem>>
        %dma_wait3A_2105 = arith.constant 0 : i32
        %dma_wait3A_2106 = tpu.memref_slice %arg4[%dma_wait3A_2101, %dma_wait3A_2102, %dma_wait3A_2105] : memref<50x200x16384xf32, #tpu.memory_space<hbm>> -> memref<1x1x1024xf32, #tpu.memory_space<hbm>>
        %dma_wait3A_2107 = tpu.memref_squeeze %dma_wait3A_2106 : memref<1x1x1024xf32, #tpu.memory_space<hbm>> -> memref<1024xf32, #tpu.memory_space<hbm>>
        %dma_wait3A_2108 = arith.constant 0 : i32
        %dma_wait3A_2109 = tpu.memref_slice %arg4[%dma_wait3A_2101, %dma_wait3A_2102, %dma_wait3A_2108] : memref<50x200x16384xf32, #tpu.memory_space<hbm>> -> memref<1x1x1024xf32, #tpu.memory_space<hbm>>
        %dma_wait3A_2110 = tpu.memref_squeeze %dma_wait3A_2109 : memref<1x1x1024xf32, #tpu.memory_space<hbm>> -> memref<1024xf32, #tpu.memory_space<hbm>>
        %dma_wait3A_2111 = arith.constant 0 : i32
        %dma_wait3A_2112 = tpu.memref_slice %arg9[%dma_wait3A_2111] : memref<51200xf32, #tpu.memory_space<vmem>> -> memref<1024xf32, #tpu.memory_space<vmem>>
        tpu.wait_dma2 semaphore(%arg14 : memref<!tpu.dma_semaphore, #tpu.memory_space<semaphore_mem>>) src(%dma_wait3A_2112 : memref<1024xf32, #tpu.memory_space<vmem>>) dst(%dma_wait3A_2110 : memref<1024xf32, #tpu.memory_space<hbm>>)
        %dma_wait3A_2113 = arith.constant 0 : i32
        %dma_wait3A_2114 = arith.constant 0 : i32
        %dma_wait3A_2115 = arith.constant 0 : i32
        %dma_wait3A_2116 = tpu.memref_slice %arg9[%dma_wait3A_2115] : memref<51200xf32, #tpu.memory_space<vmem>> -> memref<1024xf32, #tpu.memory_space<vmem>>
        %dma_wait3A_2117 = arith.constant 0 : i32
        %dma_wait3A_2118 = tpu.memref_slice %arg4[%dma_wait3A_2113, %dma_wait3A_2114, %dma_wait3A_2117] : memref<50x200x16384xf32, #tpu.memory_space<hbm>> -> memref<1x1x1024xf32, #tpu.memory_space<hbm>>
        %dma_wait3A_2119 = tpu.memref_squeeze %dma_wait3A_2118 : memref<1x1x1024xf32, #tpu.memory_space<hbm>> -> memref<1024xf32, #tpu.memory_space<hbm>>
        %dma_wait3A_2120 = arith.constant 0 : i32
        %dma_wait3A_2121 = tpu.memref_slice %arg4[%dma_wait3A_2113, %dma_wait3A_2114, %dma_wait3A_2120] : memref<50x200x16384xf32, #tpu.memory_space<hbm>> -> memref<1x1x1024xf32, #tpu.memory_space<hbm>>
        %dma_wait3A_2122 = tpu.memref_squeeze %dma_wait3A_2121 : memref<1x1x1024xf32, #tpu.memory_space<hbm>> -> memref<1024xf32, #tpu.memory_space<hbm>>
        %dma_wait3A_2123 = arith.constant 0 : i32
        %dma_wait3A_2124 = tpu.memref_slice %arg9[%dma_wait3A_2123] : memref<51200xf32, #tpu.memory_space<vmem>> -> memref<1024xf32, #tpu.memory_space<vmem>>
        tpu.wait_dma2 semaphore(%arg14 : memref<!tpu.dma_semaphore, #tpu.memory_space<semaphore_mem>>) src(%dma_wait3A_2124 : memref<1024xf32, #tpu.memory_space<vmem>>) dst(%dma_wait3A_2122 : memref<1024xf32, #tpu.memory_space<hbm>>)
        %dma_wait3A_2125 = arith.constant 0 : i32
        %dma_wait3A_2126 = arith.constant 0 : i32
        %dma_wait3A_2127 = arith.constant 0 : i32
        %dma_wait3A_2128 = tpu.memref_slice %arg9[%dma_wait3A_2127] : memref<51200xf32, #tpu.memory_space<vmem>> -> memref<1024xf32, #tpu.memory_space<vmem>>
        %dma_wait3A_2129 = arith.constant 0 : i32
        %dma_wait3A_2130 = tpu.memref_slice %arg4[%dma_wait3A_2125, %dma_wait3A_2126, %dma_wait3A_2129] : memref<50x200x16384xf32, #tpu.memory_space<hbm>> -> memref<1x1x1024xf32, #tpu.memory_space<hbm>>
        %dma_wait3A_2131 = tpu.memref_squeeze %dma_wait3A_2130 : memref<1x1x1024xf32, #tpu.memory_space<hbm>> -> memref<1024xf32, #tpu.memory_space<hbm>>
        %dma_wait3A_2132 = arith.constant 0 : i32
        %dma_wait3A_2133 = tpu.memref_slice %arg4[%dma_wait3A_2125, %dma_wait3A_2126, %dma_wait3A_2132] : memref<50x200x16384xf32, #tpu.memory_space<hbm>> -> memref<1x1x1024xf32, #tpu.memory_space<hbm>>
        %dma_wait3A_2134 = tpu.memref_squeeze %dma_wait3A_2133 : memref<1x1x1024xf32, #tpu.memory_space<hbm>> -> memref<1024xf32, #tpu.memory_space<hbm>>
        %dma_wait3A_2135 = arith.constant 0 : i32
        %dma_wait3A_2136 = tpu.memref_slice %arg9[%dma_wait3A_2135] : memref<51200xf32, #tpu.memory_space<vmem>> -> memref<1024xf32, #tpu.memory_space<vmem>>
        tpu.wait_dma2 semaphore(%arg14 : memref<!tpu.dma_semaphore, #tpu.memory_space<semaphore_mem>>) src(%dma_wait3A_2136 : memref<1024xf32, #tpu.memory_space<vmem>>) dst(%dma_wait3A_2134 : memref<1024xf32, #tpu.memory_space<hbm>>)
        %dma_wait3A_2137 = arith.constant 0 : i32
        %dma_wait3A_2138 = arith.constant 0 : i32
        %dma_wait3A_2139 = arith.constant 0 : i32
        %dma_wait3A_2140 = tpu.memref_slice %arg9[%dma_wait3A_2139] : memref<51200xf32, #tpu.memory_space<vmem>> -> memref<1024xf32, #tpu.memory_space<vmem>>
        %dma_wait3A_2141 = arith.constant 0 : i32
        %dma_wait3A_2142 = tpu.memref_slice %arg4[%dma_wait3A_2137, %dma_wait3A_2138, %dma_wait3A_2141] : memref<50x200x16384xf32, #tpu.memory_space<hbm>> -> memref<1x1x1024xf32, #tpu.memory_space<hbm>>
        %dma_wait3A_2143 = tpu.memref_squeeze %dma_wait3A_2142 : memref<1x1x1024xf32, #tpu.memory_space<hbm>> -> memref<1024xf32, #tpu.memory_space<hbm>>
        %dma_wait3A_2144 = arith.constant 0 : i32
        %dma_wait3A_2145 = tpu.memref_slice %arg4[%dma_wait3A_2137, %dma_wait3A_2138, %dma_wait3A_2144] : memref<50x200x16384xf32, #tpu.memory_space<hbm>> -> memref<1x1x1024xf32, #tpu.memory_space<hbm>>
        %dma_wait3A_2146 = tpu.memref_squeeze %dma_wait3A_2145 : memref<1x1x1024xf32, #tpu.memory_space<hbm>> -> memref<1024xf32, #tpu.memory_space<hbm>>
        %dma_wait3A_2147 = arith.constant 0 : i32
        %dma_wait3A_2148 = tpu.memref_slice %arg9[%dma_wait3A_2147] : memref<51200xf32, #tpu.memory_space<vmem>> -> memref<1024xf32, #tpu.memory_space<vmem>>
        tpu.wait_dma2 semaphore(%arg14 : memref<!tpu.dma_semaphore, #tpu.memory_space<semaphore_mem>>) src(%dma_wait3A_2148 : memref<1024xf32, #tpu.memory_space<vmem>>) dst(%dma_wait3A_2146 : memref<1024xf32, #tpu.memory_space<hbm>>)
        %dma_wait3A_2149 = arith.constant 0 : i32
        %dma_wait3A_2150 = arith.constant 0 : i32
        %dma_wait3A_2151 = arith.constant 0 : i32
        %dma_wait3A_2152 = tpu.memref_slice %arg9[%dma_wait3A_2151] : memref<51200xf32, #tpu.memory_space<vmem>> -> memref<1024xf32, #tpu.memory_space<vmem>>
        %dma_wait3A_2153 = arith.constant 0 : i32
        %dma_wait3A_2154 = tpu.memref_slice %arg4[%dma_wait3A_2149, %dma_wait3A_2150, %dma_wait3A_2153] : memref<50x200x16384xf32, #tpu.memory_space<hbm>> -> memref<1x1x1024xf32, #tpu.memory_space<hbm>>
        %dma_wait3A_2155 = tpu.memref_squeeze %dma_wait3A_2154 : memref<1x1x1024xf32, #tpu.memory_space<hbm>> -> memref<1024xf32, #tpu.memory_space<hbm>>
        %dma_wait3A_2156 = arith.constant 0 : i32
        %dma_wait3A_2157 = tpu.memref_slice %arg4[%dma_wait3A_2149, %dma_wait3A_2150, %dma_wait3A_2156] : memref<50x200x16384xf32, #tpu.memory_space<hbm>> -> memref<1x1x1024xf32, #tpu.memory_space<hbm>>
        %dma_wait3A_2158 = tpu.memref_squeeze %dma_wait3A_2157 : memref<1x1x1024xf32, #tpu.memory_space<hbm>> -> memref<1024xf32, #tpu.memory_space<hbm>>
        %dma_wait3A_2159 = arith.constant 0 : i32
        %dma_wait3A_2160 = tpu.memref_slice %arg9[%dma_wait3A_2159] : memref<51200xf32, #tpu.memory_space<vmem>> -> memref<1024xf32, #tpu.memory_space<vmem>>
        tpu.wait_dma2 semaphore(%arg14 : memref<!tpu.dma_semaphore, #tpu.memory_space<semaphore_mem>>) src(%dma_wait3A_2160 : memref<1024xf32, #tpu.memory_space<vmem>>) dst(%dma_wait3A_2158 : memref<1024xf32, #tpu.memory_space<hbm>>)
        %dma_wait3A_2161 = arith.constant 0 : i32
        %dma_wait3A_2162 = arith.constant 0 : i32
        %dma_wait3A_2163 = arith.constant 0 : i32
        %dma_wait3A_2164 = tpu.memref_slice %arg9[%dma_wait3A_2163] : memref<51200xf32, #tpu.memory_space<vmem>> -> memref<1024xf32, #tpu.memory_space<vmem>>
        %dma_wait3A_2165 = arith.constant 0 : i32
        %dma_wait3A_2166 = tpu.memref_slice %arg4[%dma_wait3A_2161, %dma_wait3A_2162, %dma_wait3A_2165] : memref<50x200x16384xf32, #tpu.memory_space<hbm>> -> memref<1x1x1024xf32, #tpu.memory_space<hbm>>
        %dma_wait3A_2167 = tpu.memref_squeeze %dma_wait3A_2166 : memref<1x1x1024xf32, #tpu.memory_space<hbm>> -> memref<1024xf32, #tpu.memory_space<hbm>>
        %dma_wait3A_2168 = arith.constant 0 : i32
        %dma_wait3A_2169 = tpu.memref_slice %arg4[%dma_wait3A_2161, %dma_wait3A_2162, %dma_wait3A_2168] : memref<50x200x16384xf32, #tpu.memory_space<hbm>> -> memref<1x1x1024xf32, #tpu.memory_space<hbm>>
        %dma_wait3A_2170 = tpu.memref_squeeze %dma_wait3A_2169 : memref<1x1x1024xf32, #tpu.memory_space<hbm>> -> memref<1024xf32, #tpu.memory_space<hbm>>
        %dma_wait3A_2171 = arith.constant 0 : i32
        %dma_wait3A_2172 = tpu.memref_slice %arg9[%dma_wait3A_2171] : memref<51200xf32, #tpu.memory_space<vmem>> -> memref<1024xf32, #tpu.memory_space<vmem>>
        tpu.wait_dma2 semaphore(%arg14 : memref<!tpu.dma_semaphore, #tpu.memory_space<semaphore_mem>>) src(%dma_wait3A_2172 : memref<1024xf32, #tpu.memory_space<vmem>>) dst(%dma_wait3A_2170 : memref<1024xf32, #tpu.memory_space<hbm>>)
        %dma_wait3A_2173 = arith.constant 0 : i32
        %dma_wait3A_2174 = arith.constant 0 : i32
        %dma_wait3A_2175 = arith.constant 0 : i32
        %dma_wait3A_2176 = tpu.memref_slice %arg9[%dma_wait3A_2175] : memref<51200xf32, #tpu.memory_space<vmem>> -> memref<1024xf32, #tpu.memory_space<vmem>>
        %dma_wait3A_2177 = arith.constant 0 : i32
        %dma_wait3A_2178 = tpu.memref_slice %arg4[%dma_wait3A_2173, %dma_wait3A_2174, %dma_wait3A_2177] : memref<50x200x16384xf32, #tpu.memory_space<hbm>> -> memref<1x1x1024xf32, #tpu.memory_space<hbm>>
        %dma_wait3A_2179 = tpu.memref_squeeze %dma_wait3A_2178 : memref<1x1x1024xf32, #tpu.memory_space<hbm>> -> memref<1024xf32, #tpu.memory_space<hbm>>
        %dma_wait3A_2180 = arith.constant 0 : i32
        %dma_wait3A_2181 = tpu.memref_slice %arg4[%dma_wait3A_2173, %dma_wait3A_2174, %dma_wait3A_2180] : memref<50x200x16384xf32, #tpu.memory_space<hbm>> -> memref<1x1x1024xf32, #tpu.memory_space<hbm>>
        %dma_wait3A_2182 = tpu.memref_squeeze %dma_wait3A_2181 : memref<1x1x1024xf32, #tpu.memory_space<hbm>> -> memref<1024xf32, #tpu.memory_space<hbm>>
        %dma_wait3A_2183 = arith.constant 0 : i32
        %dma_wait3A_2184 = tpu.memref_slice %arg9[%dma_wait3A_2183] : memref<51200xf32, #tpu.memory_space<vmem>> -> memref<1024xf32, #tpu.memory_space<vmem>>
        tpu.wait_dma2 semaphore(%arg14 : memref<!tpu.dma_semaphore, #tpu.memory_space<semaphore_mem>>) src(%dma_wait3A_2184 : memref<1024xf32, #tpu.memory_space<vmem>>) dst(%dma_wait3A_2182 : memref<1024xf32, #tpu.memory_space<hbm>>)
        %dma_wait3A_2185 = arith.constant 0 : i32
        %dma_wait3A_2186 = arith.constant 0 : i32
        %dma_wait3A_2187 = arith.constant 0 : i32
        %dma_wait3A_2188 = tpu.memref_slice %arg9[%dma_wait3A_2187] : memref<51200xf32, #tpu.memory_space<vmem>> -> memref<1024xf32, #tpu.memory_space<vmem>>
        %dma_wait3A_2189 = arith.constant 0 : i32
        %dma_wait3A_2190 = tpu.memref_slice %arg4[%dma_wait3A_2185, %dma_wait3A_2186, %dma_wait3A_2189] : memref<50x200x16384xf32, #tpu.memory_space<hbm>> -> memref<1x1x1024xf32, #tpu.memory_space<hbm>>
        %dma_wait3A_2191 = tpu.memref_squeeze %dma_wait3A_2190 : memref<1x1x1024xf32, #tpu.memory_space<hbm>> -> memref<1024xf32, #tpu.memory_space<hbm>>
        %dma_wait3A_2192 = arith.constant 0 : i32
        %dma_wait3A_2193 = tpu.memref_slice %arg4[%dma_wait3A_2185, %dma_wait3A_2186, %dma_wait3A_2192] : memref<50x200x16384xf32, #tpu.memory_space<hbm>> -> memref<1x1x1024xf32, #tpu.memory_space<hbm>>
        %dma_wait3A_2194 = tpu.memref_squeeze %dma_wait3A_2193 : memref<1x1x1024xf32, #tpu.memory_space<hbm>> -> memref<1024xf32, #tpu.memory_space<hbm>>
        %dma_wait3A_2195 = arith.constant 0 : i32
        %dma_wait3A_2196 = tpu.memref_slice %arg9[%dma_wait3A_2195] : memref<51200xf32, #tpu.memory_space<vmem>> -> memref<1024xf32, #tpu.memory_space<vmem>>
        tpu.wait_dma2 semaphore(%arg14 : memref<!tpu.dma_semaphore, #tpu.memory_space<semaphore_mem>>) src(%dma_wait3A_2196 : memref<1024xf32, #tpu.memory_space<vmem>>) dst(%dma_wait3A_2194 : memref<1024xf32, #tpu.memory_space<hbm>>)
        %dma_wait3A_2197 = arith.constant 0 : i32
        %dma_wait3A_2198 = arith.constant 0 : i32
        %dma_wait3A_2199 = arith.constant 0 : i32
        %dma_wait3A_2200 = tpu.memref_slice %arg9[%dma_wait3A_2199] : memref<51200xf32, #tpu.memory_space<vmem>> -> memref<1024xf32, #tpu.memory_space<vmem>>
        %dma_wait3A_2201 = arith.constant 0 : i32
        %dma_wait3A_2202 = tpu.memref_slice %arg4[%dma_wait3A_2197, %dma_wait3A_2198, %dma_wait3A_2201] : memref<50x200x16384xf32, #tpu.memory_space<hbm>> -> memref<1x1x1024xf32, #tpu.memory_space<hbm>>
        %dma_wait3A_2203 = tpu.memref_squeeze %dma_wait3A_2202 : memref<1x1x1024xf32, #tpu.memory_space<hbm>> -> memref<1024xf32, #tpu.memory_space<hbm>>
        %dma_wait3A_2204 = arith.constant 0 : i32
        %dma_wait3A_2205 = tpu.memref_slice %arg4[%dma_wait3A_2197, %dma_wait3A_2198, %dma_wait3A_2204] : memref<50x200x16384xf32, #tpu.memory_space<hbm>> -> memref<1x1x1024xf32, #tpu.memory_space<hbm>>
        %dma_wait3A_2206 = tpu.memref_squeeze %dma_wait3A_2205 : memref<1x1x1024xf32, #tpu.memory_space<hbm>> -> memref<1024xf32, #tpu.memory_space<hbm>>
        %dma_wait3A_2207 = arith.constant 0 : i32
        %dma_wait3A_2208 = tpu.memref_slice %arg9[%dma_wait3A_2207] : memref<51200xf32, #tpu.memory_space<vmem>> -> memref<1024xf32, #tpu.memory_space<vmem>>
        tpu.wait_dma2 semaphore(%arg14 : memref<!tpu.dma_semaphore, #tpu.memory_space<semaphore_mem>>) src(%dma_wait3A_2208 : memref<1024xf32, #tpu.memory_space<vmem>>) dst(%dma_wait3A_2206 : memref<1024xf32, #tpu.memory_space<hbm>>)
        %dma_wait3A_2209 = arith.constant 0 : i32
        %dma_wait3A_2210 = arith.constant 0 : i32
        %dma_wait3A_2211 = arith.constant 0 : i32
        %dma_wait3A_2212 = tpu.memref_slice %arg9[%dma_wait3A_2211] : memref<51200xf32, #tpu.memory_space<vmem>> -> memref<1024xf32, #tpu.memory_space<vmem>>
        %dma_wait3A_2213 = arith.constant 0 : i32
        %dma_wait3A_2214 = tpu.memref_slice %arg4[%dma_wait3A_2209, %dma_wait3A_2210, %dma_wait3A_2213] : memref<50x200x16384xf32, #tpu.memory_space<hbm>> -> memref<1x1x1024xf32, #tpu.memory_space<hbm>>
        %dma_wait3A_2215 = tpu.memref_squeeze %dma_wait3A_2214 : memref<1x1x1024xf32, #tpu.memory_space<hbm>> -> memref<1024xf32, #tpu.memory_space<hbm>>
        %dma_wait3A_2216 = arith.constant 0 : i32
        %dma_wait3A_2217 = tpu.memref_slice %arg4[%dma_wait3A_2209, %dma_wait3A_2210, %dma_wait3A_2216] : memref<50x200x16384xf32, #tpu.memory_space<hbm>> -> memref<1x1x1024xf32, #tpu.memory_space<hbm>>
        %dma_wait3A_2218 = tpu.memref_squeeze %dma_wait3A_2217 : memref<1x1x1024xf32, #tpu.memory_space<hbm>> -> memref<1024xf32, #tpu.memory_space<hbm>>
        %dma_wait3A_2219 = arith.constant 0 : i32
        %dma_wait3A_2220 = tpu.memref_slice %arg9[%dma_wait3A_2219] : memref<51200xf32, #tpu.memory_space<vmem>> -> memref<1024xf32, #tpu.memory_space<vmem>>
        tpu.wait_dma2 semaphore(%arg14 : memref<!tpu.dma_semaphore, #tpu.memory_space<semaphore_mem>>) src(%dma_wait3A_2220 : memref<1024xf32, #tpu.memory_space<vmem>>) dst(%dma_wait3A_2218 : memref<1024xf32, #tpu.memory_space<hbm>>)
        %dma_wait3A_2221 = arith.constant 0 : i32
        %dma_wait3A_2222 = arith.constant 0 : i32
        %dma_wait3A_2223 = arith.constant 0 : i32
        %dma_wait3A_2224 = tpu.memref_slice %arg9[%dma_wait3A_2223] : memref<51200xf32, #tpu.memory_space<vmem>> -> memref<1024xf32, #tpu.memory_space<vmem>>
        %dma_wait3A_2225 = arith.constant 0 : i32
        %dma_wait3A_2226 = tpu.memref_slice %arg4[%dma_wait3A_2221, %dma_wait3A_2222, %dma_wait3A_2225] : memref<50x200x16384xf32, #tpu.memory_space<hbm>> -> memref<1x1x1024xf32, #tpu.memory_space<hbm>>
        %dma_wait3A_2227 = tpu.memref_squeeze %dma_wait3A_2226 : memref<1x1x1024xf32, #tpu.memory_space<hbm>> -> memref<1024xf32, #tpu.memory_space<hbm>>
        %dma_wait3A_2228 = arith.constant 0 : i32
        %dma_wait3A_2229 = tpu.memref_slice %arg4[%dma_wait3A_2221, %dma_wait3A_2222, %dma_wait3A_2228] : memref<50x200x16384xf32, #tpu.memory_space<hbm>> -> memref<1x1x1024xf32, #tpu.memory_space<hbm>>
        %dma_wait3A_2230 = tpu.memref_squeeze %dma_wait3A_2229 : memref<1x1x1024xf32, #tpu.memory_space<hbm>> -> memref<1024xf32, #tpu.memory_space<hbm>>
        %dma_wait3A_2231 = arith.constant 0 : i32
        %dma_wait3A_2232 = tpu.memref_slice %arg9[%dma_wait3A_2231] : memref<51200xf32, #tpu.memory_space<vmem>> -> memref<1024xf32, #tpu.memory_space<vmem>>
        tpu.wait_dma2 semaphore(%arg14 : memref<!tpu.dma_semaphore, #tpu.memory_space<semaphore_mem>>) src(%dma_wait3A_2232 : memref<1024xf32, #tpu.memory_space<vmem>>) dst(%dma_wait3A_2230 : memref<1024xf32, #tpu.memory_space<hbm>>)
        %dma_wait3A_2233 = arith.constant 0 : i32
        %dma_wait3A_2234 = arith.constant 0 : i32
        %dma_wait3A_2235 = arith.constant 0 : i32
        %dma_wait3A_2236 = tpu.memref_slice %arg9[%dma_wait3A_2235] : memref<51200xf32, #tpu.memory_space<vmem>> -> memref<1024xf32, #tpu.memory_space<vmem>>
        %dma_wait3A_2237 = arith.constant 0 : i32
        %dma_wait3A_2238 = tpu.memref_slice %arg4[%dma_wait3A_2233, %dma_wait3A_2234, %dma_wait3A_2237] : memref<50x200x16384xf32, #tpu.memory_space<hbm>> -> memref<1x1x1024xf32, #tpu.memory_space<hbm>>
        %dma_wait3A_2239 = tpu.memref_squeeze %dma_wait3A_2238 : memref<1x1x1024xf32, #tpu.memory_space<hbm>> -> memref<1024xf32, #tpu.memory_space<hbm>>
        %dma_wait3A_2240 = arith.constant 0 : i32
        %dma_wait3A_2241 = tpu.memref_slice %arg4[%dma_wait3A_2233, %dma_wait3A_2234, %dma_wait3A_2240] : memref<50x200x16384xf32, #tpu.memory_space<hbm>> -> memref<1x1x1024xf32, #tpu.memory_space<hbm>>
        %dma_wait3A_2242 = tpu.memref_squeeze %dma_wait3A_2241 : memref<1x1x1024xf32, #tpu.memory_space<hbm>> -> memref<1024xf32, #tpu.memory_space<hbm>>
        %dma_wait3A_2243 = arith.constant 0 : i32
        %dma_wait3A_2244 = tpu.memref_slice %arg9[%dma_wait3A_2243] : memref<51200xf32, #tpu.memory_space<vmem>> -> memref<1024xf32, #tpu.memory_space<vmem>>
        tpu.wait_dma2 semaphore(%arg14 : memref<!tpu.dma_semaphore, #tpu.memory_space<semaphore_mem>>) src(%dma_wait3A_2244 : memref<1024xf32, #tpu.memory_space<vmem>>) dst(%dma_wait3A_2242 : memref<1024xf32, #tpu.memory_space<hbm>>)
        %dma_wait3A_2245 = arith.constant 0 : i32
        %dma_wait3A_2246 = arith.constant 0 : i32
        %dma_wait3A_2247 = arith.constant 0 : i32
        %dma_wait3A_2248 = tpu.memref_slice %arg9[%dma_wait3A_2247] : memref<51200xf32, #tpu.memory_space<vmem>> -> memref<1024xf32, #tpu.memory_space<vmem>>
        %dma_wait3A_2249 = arith.constant 0 : i32
        %dma_wait3A_2250 = tpu.memref_slice %arg4[%dma_wait3A_2245, %dma_wait3A_2246, %dma_wait3A_2249] : memref<50x200x16384xf32, #tpu.memory_space<hbm>> -> memref<1x1x1024xf32, #tpu.memory_space<hbm>>
        %dma_wait3A_2251 = tpu.memref_squeeze %dma_wait3A_2250 : memref<1x1x1024xf32, #tpu.memory_space<hbm>> -> memref<1024xf32, #tpu.memory_space<hbm>>
        %dma_wait3A_2252 = arith.constant 0 : i32
        %dma_wait3A_2253 = tpu.memref_slice %arg4[%dma_wait3A_2245, %dma_wait3A_2246, %dma_wait3A_2252] : memref<50x200x16384xf32, #tpu.memory_space<hbm>> -> memref<1x1x1024xf32, #tpu.memory_space<hbm>>
        %dma_wait3A_2254 = tpu.memref_squeeze %dma_wait3A_2253 : memref<1x1x1024xf32, #tpu.memory_space<hbm>> -> memref<1024xf32, #tpu.memory_space<hbm>>
        %dma_wait3A_2255 = arith.constant 0 : i32
        %dma_wait3A_2256 = tpu.memref_slice %arg9[%dma_wait3A_2255] : memref<51200xf32, #tpu.memory_space<vmem>> -> memref<1024xf32, #tpu.memory_space<vmem>>
        tpu.wait_dma2 semaphore(%arg14 : memref<!tpu.dma_semaphore, #tpu.memory_space<semaphore_mem>>) src(%dma_wait3A_2256 : memref<1024xf32, #tpu.memory_space<vmem>>) dst(%dma_wait3A_2254 : memref<1024xf32, #tpu.memory_space<hbm>>)
        %dma_wait3A_2257 = arith.constant 0 : i32
        %dma_wait3A_2258 = arith.constant 0 : i32
        %dma_wait3A_2259 = arith.constant 0 : i32
        %dma_wait3A_2260 = tpu.memref_slice %arg9[%dma_wait3A_2259] : memref<51200xf32, #tpu.memory_space<vmem>> -> memref<1024xf32, #tpu.memory_space<vmem>>
        %dma_wait3A_2261 = arith.constant 0 : i32
        %dma_wait3A_2262 = tpu.memref_slice %arg4[%dma_wait3A_2257, %dma_wait3A_2258, %dma_wait3A_2261] : memref<50x200x16384xf32, #tpu.memory_space<hbm>> -> memref<1x1x1024xf32, #tpu.memory_space<hbm>>
        %dma_wait3A_2263 = tpu.memref_squeeze %dma_wait3A_2262 : memref<1x1x1024xf32, #tpu.memory_space<hbm>> -> memref<1024xf32, #tpu.memory_space<hbm>>
        %dma_wait3A_2264 = arith.constant 0 : i32
        %dma_wait3A_2265 = tpu.memref_slice %arg4[%dma_wait3A_2257, %dma_wait3A_2258, %dma_wait3A_2264] : memref<50x200x16384xf32, #tpu.memory_space<hbm>> -> memref<1x1x1024xf32, #tpu.memory_space<hbm>>
        %dma_wait3A_2266 = tpu.memref_squeeze %dma_wait3A_2265 : memref<1x1x1024xf32, #tpu.memory_space<hbm>> -> memref<1024xf32, #tpu.memory_space<hbm>>
        %dma_wait3A_2267 = arith.constant 0 : i32
        %dma_wait3A_2268 = tpu.memref_slice %arg9[%dma_wait3A_2267] : memref<51200xf32, #tpu.memory_space<vmem>> -> memref<1024xf32, #tpu.memory_space<vmem>>
        tpu.wait_dma2 semaphore(%arg14 : memref<!tpu.dma_semaphore, #tpu.memory_space<semaphore_mem>>) src(%dma_wait3A_2268 : memref<1024xf32, #tpu.memory_space<vmem>>) dst(%dma_wait3A_2266 : memref<1024xf32, #tpu.memory_space<hbm>>)
        %dma_wait3A_2269 = arith.constant 0 : i32
        %dma_wait3A_2270 = arith.constant 0 : i32
        %dma_wait3A_2271 = arith.constant 0 : i32
        %dma_wait3A_2272 = tpu.memref_slice %arg9[%dma_wait3A_2271] : memref<51200xf32, #tpu.memory_space<vmem>> -> memref<1024xf32, #tpu.memory_space<vmem>>
        %dma_wait3A_2273 = arith.constant 0 : i32
        %dma_wait3A_2274 = tpu.memref_slice %arg4[%dma_wait3A_2269, %dma_wait3A_2270, %dma_wait3A_2273] : memref<50x200x16384xf32, #tpu.memory_space<hbm>> -> memref<1x1x1024xf32, #tpu.memory_space<hbm>>
        %dma_wait3A_2275 = tpu.memref_squeeze %dma_wait3A_2274 : memref<1x1x1024xf32, #tpu.memory_space<hbm>> -> memref<1024xf32, #tpu.memory_space<hbm>>
        %dma_wait3A_2276 = arith.constant 0 : i32
        %dma_wait3A_2277 = tpu.memref_slice %arg4[%dma_wait3A_2269, %dma_wait3A_2270, %dma_wait3A_2276] : memref<50x200x16384xf32, #tpu.memory_space<hbm>> -> memref<1x1x1024xf32, #tpu.memory_space<hbm>>
        %dma_wait3A_2278 = tpu.memref_squeeze %dma_wait3A_2277 : memref<1x1x1024xf32, #tpu.memory_space<hbm>> -> memref<1024xf32, #tpu.memory_space<hbm>>
        %dma_wait3A_2279 = arith.constant 0 : i32
        %dma_wait3A_2280 = tpu.memref_slice %arg9[%dma_wait3A_2279] : memref<51200xf32, #tpu.memory_space<vmem>> -> memref<1024xf32, #tpu.memory_space<vmem>>
        tpu.wait_dma2 semaphore(%arg14 : memref<!tpu.dma_semaphore, #tpu.memory_space<semaphore_mem>>) src(%dma_wait3A_2280 : memref<1024xf32, #tpu.memory_space<vmem>>) dst(%dma_wait3A_2278 : memref<1024xf32, #tpu.memory_space<hbm>>)
        %dma_wait3A_2281 = arith.constant 0 : i32
        %dma_wait3A_2282 = arith.constant 0 : i32
        %dma_wait3A_2283 = arith.constant 0 : i32
        %dma_wait3A_2284 = tpu.memref_slice %arg9[%dma_wait3A_2283] : memref<51200xf32, #tpu.memory_space<vmem>> -> memref<1024xf32, #tpu.memory_space<vmem>>
        %dma_wait3A_2285 = arith.constant 0 : i32
        %dma_wait3A_2286 = tpu.memref_slice %arg4[%dma_wait3A_2281, %dma_wait3A_2282, %dma_wait3A_2285] : memref<50x200x16384xf32, #tpu.memory_space<hbm>> -> memref<1x1x1024xf32, #tpu.memory_space<hbm>>
        %dma_wait3A_2287 = tpu.memref_squeeze %dma_wait3A_2286 : memref<1x1x1024xf32, #tpu.memory_space<hbm>> -> memref<1024xf32, #tpu.memory_space<hbm>>
        %dma_wait3A_2288 = arith.constant 0 : i32
        %dma_wait3A_2289 = tpu.memref_slice %arg4[%dma_wait3A_2281, %dma_wait3A_2282, %dma_wait3A_2288] : memref<50x200x16384xf32, #tpu.memory_space<hbm>> -> memref<1x1x1024xf32, #tpu.memory_space<hbm>>
        %dma_wait3A_2290 = tpu.memref_squeeze %dma_wait3A_2289 : memref<1x1x1024xf32, #tpu.memory_space<hbm>> -> memref<1024xf32, #tpu.memory_space<hbm>>
        %dma_wait3A_2291 = arith.constant 0 : i32
        %dma_wait3A_2292 = tpu.memref_slice %arg9[%dma_wait3A_2291] : memref<51200xf32, #tpu.memory_space<vmem>> -> memref<1024xf32, #tpu.memory_space<vmem>>
        tpu.wait_dma2 semaphore(%arg14 : memref<!tpu.dma_semaphore, #tpu.memory_space<semaphore_mem>>) src(%dma_wait3A_2292 : memref<1024xf32, #tpu.memory_space<vmem>>) dst(%dma_wait3A_2290 : memref<1024xf32, #tpu.memory_space<hbm>>)
        %dma_wait3A_2293 = arith.constant 0 : i32
        %dma_wait3A_2294 = arith.constant 0 : i32
        %dma_wait3A_2295 = arith.constant 0 : i32
        %dma_wait3A_2296 = tpu.memref_slice %arg9[%dma_wait3A_2295] : memref<51200xf32, #tpu.memory_space<vmem>> -> memref<1024xf32, #tpu.memory_space<vmem>>
        %dma_wait3A_2297 = arith.constant 0 : i32
        %dma_wait3A_2298 = tpu.memref_slice %arg4[%dma_wait3A_2293, %dma_wait3A_2294, %dma_wait3A_2297] : memref<50x200x16384xf32, #tpu.memory_space<hbm>> -> memref<1x1x1024xf32, #tpu.memory_space<hbm>>
        %dma_wait3A_2299 = tpu.memref_squeeze %dma_wait3A_2298 : memref<1x1x1024xf32, #tpu.memory_space<hbm>> -> memref<1024xf32, #tpu.memory_space<hbm>>
        %dma_wait3A_2300 = arith.constant 0 : i32
        %dma_wait3A_2301 = tpu.memref_slice %arg4[%dma_wait3A_2293, %dma_wait3A_2294, %dma_wait3A_2300] : memref<50x200x16384xf32, #tpu.memory_space<hbm>> -> memref<1x1x1024xf32, #tpu.memory_space<hbm>>
        %dma_wait3A_2302 = tpu.memref_squeeze %dma_wait3A_2301 : memref<1x1x1024xf32, #tpu.memory_space<hbm>> -> memref<1024xf32, #tpu.memory_space<hbm>>
        %dma_wait3A_2303 = arith.constant 0 : i32
        %dma_wait3A_2304 = tpu.memref_slice %arg9[%dma_wait3A_2303] : memref<51200xf32, #tpu.memory_space<vmem>> -> memref<1024xf32, #tpu.memory_space<vmem>>
        tpu.wait_dma2 semaphore(%arg14 : memref<!tpu.dma_semaphore, #tpu.memory_space<semaphore_mem>>) src(%dma_wait3A_2304 : memref<1024xf32, #tpu.memory_space<vmem>>) dst(%dma_wait3A_2302 : memref<1024xf32, #tpu.memory_space<hbm>>)
        %dma_wait3A_2305 = arith.constant 0 : i32
        %dma_wait3A_2306 = arith.constant 0 : i32
        %dma_wait3A_2307 = arith.constant 0 : i32
        %dma_wait3A_2308 = tpu.memref_slice %arg9[%dma_wait3A_2307] : memref<51200xf32, #tpu.memory_space<vmem>> -> memref<1024xf32, #tpu.memory_space<vmem>>
        %dma_wait3A_2309 = arith.constant 0 : i32
        %dma_wait3A_2310 = tpu.memref_slice %arg4[%dma_wait3A_2305, %dma_wait3A_2306, %dma_wait3A_2309] : memref<50x200x16384xf32, #tpu.memory_space<hbm>> -> memref<1x1x1024xf32, #tpu.memory_space<hbm>>
        %dma_wait3A_2311 = tpu.memref_squeeze %dma_wait3A_2310 : memref<1x1x1024xf32, #tpu.memory_space<hbm>> -> memref<1024xf32, #tpu.memory_space<hbm>>
        %dma_wait3A_2312 = arith.constant 0 : i32
        %dma_wait3A_2313 = tpu.memref_slice %arg4[%dma_wait3A_2305, %dma_wait3A_2306, %dma_wait3A_2312] : memref<50x200x16384xf32, #tpu.memory_space<hbm>> -> memref<1x1x1024xf32, #tpu.memory_space<hbm>>
        %dma_wait3A_2314 = tpu.memref_squeeze %dma_wait3A_2313 : memref<1x1x1024xf32, #tpu.memory_space<hbm>> -> memref<1024xf32, #tpu.memory_space<hbm>>
        %dma_wait3A_2315 = arith.constant 0 : i32
        %dma_wait3A_2316 = tpu.memref_slice %arg9[%dma_wait3A_2315] : memref<51200xf32, #tpu.memory_space<vmem>> -> memref<1024xf32, #tpu.memory_space<vmem>>
        tpu.wait_dma2 semaphore(%arg14 : memref<!tpu.dma_semaphore, #tpu.memory_space<semaphore_mem>>) src(%dma_wait3A_2316 : memref<1024xf32, #tpu.memory_space<vmem>>) dst(%dma_wait3A_2314 : memref<1024xf32, #tpu.memory_space<hbm>>)
        %dma_wait3A_2317 = arith.constant 0 : i32
        %dma_wait3A_2318 = arith.constant 0 : i32
        %dma_wait3A_2319 = arith.constant 0 : i32
        %dma_wait3A_2320 = tpu.memref_slice %arg9[%dma_wait3A_2319] : memref<51200xf32, #tpu.memory_space<vmem>> -> memref<1024xf32, #tpu.memory_space<vmem>>
        %dma_wait3A_2321 = arith.constant 0 : i32
        %dma_wait3A_2322 = tpu.memref_slice %arg4[%dma_wait3A_2317, %dma_wait3A_2318, %dma_wait3A_2321] : memref<50x200x16384xf32, #tpu.memory_space<hbm>> -> memref<1x1x1024xf32, #tpu.memory_space<hbm>>
        %dma_wait3A_2323 = tpu.memref_squeeze %dma_wait3A_2322 : memref<1x1x1024xf32, #tpu.memory_space<hbm>> -> memref<1024xf32, #tpu.memory_space<hbm>>
        %dma_wait3A_2324 = arith.constant 0 : i32
        %dma_wait3A_2325 = tpu.memref_slice %arg4[%dma_wait3A_2317, %dma_wait3A_2318, %dma_wait3A_2324] : memref<50x200x16384xf32, #tpu.memory_space<hbm>> -> memref<1x1x1024xf32, #tpu.memory_space<hbm>>
        %dma_wait3A_2326 = tpu.memref_squeeze %dma_wait3A_2325 : memref<1x1x1024xf32, #tpu.memory_space<hbm>> -> memref<1024xf32, #tpu.memory_space<hbm>>
        %dma_wait3A_2327 = arith.constant 0 : i32
        %dma_wait3A_2328 = tpu.memref_slice %arg9[%dma_wait3A_2327] : memref<51200xf32, #tpu.memory_space<vmem>> -> memref<1024xf32, #tpu.memory_space<vmem>>
        tpu.wait_dma2 semaphore(%arg14 : memref<!tpu.dma_semaphore, #tpu.memory_space<semaphore_mem>>) src(%dma_wait3A_2328 : memref<1024xf32, #tpu.memory_space<vmem>>) dst(%dma_wait3A_2326 : memref<1024xf32, #tpu.memory_space<hbm>>)
        %dma_wait3A_2329 = arith.constant 0 : i32
        %dma_wait3A_2330 = arith.constant 0 : i32
        %dma_wait3A_2331 = arith.constant 0 : i32
        %dma_wait3A_2332 = tpu.memref_slice %arg9[%dma_wait3A_2331] : memref<51200xf32, #tpu.memory_space<vmem>> -> memref<1024xf32, #tpu.memory_space<vmem>>
        %dma_wait3A_2333 = arith.constant 0 : i32
        %dma_wait3A_2334 = tpu.memref_slice %arg4[%dma_wait3A_2329, %dma_wait3A_2330, %dma_wait3A_2333] : memref<50x200x16384xf32, #tpu.memory_space<hbm>> -> memref<1x1x1024xf32, #tpu.memory_space<hbm>>
        %dma_wait3A_2335 = tpu.memref_squeeze %dma_wait3A_2334 : memref<1x1x1024xf32, #tpu.memory_space<hbm>> -> memref<1024xf32, #tpu.memory_space<hbm>>
        %dma_wait3A_2336 = arith.constant 0 : i32
        %dma_wait3A_2337 = tpu.memref_slice %arg4[%dma_wait3A_2329, %dma_wait3A_2330, %dma_wait3A_2336] : memref<50x200x16384xf32, #tpu.memory_space<hbm>> -> memref<1x1x1024xf32, #tpu.memory_space<hbm>>
        %dma_wait3A_2338 = tpu.memref_squeeze %dma_wait3A_2337 : memref<1x1x1024xf32, #tpu.memory_space<hbm>> -> memref<1024xf32, #tpu.memory_space<hbm>>
        %dma_wait3A_2339 = arith.constant 0 : i32
        %dma_wait3A_2340 = tpu.memref_slice %arg9[%dma_wait3A_2339] : memref<51200xf32, #tpu.memory_space<vmem>> -> memref<1024xf32, #tpu.memory_space<vmem>>
        tpu.wait_dma2 semaphore(%arg14 : memref<!tpu.dma_semaphore, #tpu.memory_space<semaphore_mem>>) src(%dma_wait3A_2340 : memref<1024xf32, #tpu.memory_space<vmem>>) dst(%dma_wait3A_2338 : memref<1024xf32, #tpu.memory_space<hbm>>)
        %dma_wait3A_2341 = arith.constant 0 : i32
        %dma_wait3A_2342 = arith.constant 0 : i32
        %dma_wait3A_2343 = arith.constant 0 : i32
        %dma_wait3A_2344 = tpu.memref_slice %arg9[%dma_wait3A_2343] : memref<51200xf32, #tpu.memory_space<vmem>> -> memref<1024xf32, #tpu.memory_space<vmem>>
        %dma_wait3A_2345 = arith.constant 0 : i32
        %dma_wait3A_2346 = tpu.memref_slice %arg4[%dma_wait3A_2341, %dma_wait3A_2342, %dma_wait3A_2345] : memref<50x200x16384xf32, #tpu.memory_space<hbm>> -> memref<1x1x1024xf32, #tpu.memory_space<hbm>>
        %dma_wait3A_2347 = tpu.memref_squeeze %dma_wait3A_2346 : memref<1x1x1024xf32, #tpu.memory_space<hbm>> -> memref<1024xf32, #tpu.memory_space<hbm>>
        %dma_wait3A_2348 = arith.constant 0 : i32
        %dma_wait3A_2349 = tpu.memref_slice %arg4[%dma_wait3A_2341, %dma_wait3A_2342, %dma_wait3A_2348] : memref<50x200x16384xf32, #tpu.memory_space<hbm>> -> memref<1x1x1024xf32, #tpu.memory_space<hbm>>
        %dma_wait3A_2350 = tpu.memref_squeeze %dma_wait3A_2349 : memref<1x1x1024xf32, #tpu.memory_space<hbm>> -> memref<1024xf32, #tpu.memory_space<hbm>>
        %dma_wait3A_2351 = arith.constant 0 : i32
        %dma_wait3A_2352 = tpu.memref_slice %arg9[%dma_wait3A_2351] : memref<51200xf32, #tpu.memory_space<vmem>> -> memref<1024xf32, #tpu.memory_space<vmem>>
        tpu.wait_dma2 semaphore(%arg14 : memref<!tpu.dma_semaphore, #tpu.memory_space<semaphore_mem>>) src(%dma_wait3A_2352 : memref<1024xf32, #tpu.memory_space<vmem>>) dst(%dma_wait3A_2350 : memref<1024xf32, #tpu.memory_space<hbm>>)
        %dma_wait3A_2353 = arith.constant 0 : i32
        %dma_wait3A_2354 = arith.constant 0 : i32
        %dma_wait3A_2355 = arith.constant 0 : i32
        %dma_wait3A_2356 = tpu.memref_slice %arg9[%dma_wait3A_2355] : memref<51200xf32, #tpu.memory_space<vmem>> -> memref<1024xf32, #tpu.memory_space<vmem>>
        %dma_wait3A_2357 = arith.constant 0 : i32
        %dma_wait3A_2358 = tpu.memref_slice %arg4[%dma_wait3A_2353, %dma_wait3A_2354, %dma_wait3A_2357] : memref<50x200x16384xf32, #tpu.memory_space<hbm>> -> memref<1x1x1024xf32, #tpu.memory_space<hbm>>
        %dma_wait3A_2359 = tpu.memref_squeeze %dma_wait3A_2358 : memref<1x1x1024xf32, #tpu.memory_space<hbm>> -> memref<1024xf32, #tpu.memory_space<hbm>>
        %dma_wait3A_2360 = arith.constant 0 : i32
        %dma_wait3A_2361 = tpu.memref_slice %arg4[%dma_wait3A_2353, %dma_wait3A_2354, %dma_wait3A_2360] : memref<50x200x16384xf32, #tpu.memory_space<hbm>> -> memref<1x1x1024xf32, #tpu.memory_space<hbm>>
        %dma_wait3A_2362 = tpu.memref_squeeze %dma_wait3A_2361 : memref<1x1x1024xf32, #tpu.memory_space<hbm>> -> memref<1024xf32, #tpu.memory_space<hbm>>
        %dma_wait3A_2363 = arith.constant 0 : i32
        %dma_wait3A_2364 = tpu.memref_slice %arg9[%dma_wait3A_2363] : memref<51200xf32, #tpu.memory_space<vmem>> -> memref<1024xf32, #tpu.memory_space<vmem>>
        tpu.wait_dma2 semaphore(%arg14 : memref<!tpu.dma_semaphore, #tpu.memory_space<semaphore_mem>>) src(%dma_wait3A_2364 : memref<1024xf32, #tpu.memory_space<vmem>>) dst(%dma_wait3A_2362 : memref<1024xf32, #tpu.memory_space<hbm>>)
        %dma_wait3A_2365 = arith.constant 0 : i32
        %dma_wait3A_2366 = arith.constant 0 : i32
        %dma_wait3A_2367 = arith.constant 0 : i32
        %dma_wait3A_2368 = tpu.memref_slice %arg9[%dma_wait3A_2367] : memref<51200xf32, #tpu.memory_space<vmem>> -> memref<1024xf32, #tpu.memory_space<vmem>>
        %dma_wait3A_2369 = arith.constant 0 : i32
        %dma_wait3A_2370 = tpu.memref_slice %arg4[%dma_wait3A_2365, %dma_wait3A_2366, %dma_wait3A_2369] : memref<50x200x16384xf32, #tpu.memory_space<hbm>> -> memref<1x1x1024xf32, #tpu.memory_space<hbm>>
        %dma_wait3A_2371 = tpu.memref_squeeze %dma_wait3A_2370 : memref<1x1x1024xf32, #tpu.memory_space<hbm>> -> memref<1024xf32, #tpu.memory_space<hbm>>
        %dma_wait3A_2372 = arith.constant 0 : i32
        %dma_wait3A_2373 = tpu.memref_slice %arg4[%dma_wait3A_2365, %dma_wait3A_2366, %dma_wait3A_2372] : memref<50x200x16384xf32, #tpu.memory_space<hbm>> -> memref<1x1x1024xf32, #tpu.memory_space<hbm>>
        %dma_wait3A_2374 = tpu.memref_squeeze %dma_wait3A_2373 : memref<1x1x1024xf32, #tpu.memory_space<hbm>> -> memref<1024xf32, #tpu.memory_space<hbm>>
        %dma_wait3A_2375 = arith.constant 0 : i32
        %dma_wait3A_2376 = tpu.memref_slice %arg9[%dma_wait3A_2375] : memref<51200xf32, #tpu.memory_space<vmem>> -> memref<1024xf32, #tpu.memory_space<vmem>>
        tpu.wait_dma2 semaphore(%arg14 : memref<!tpu.dma_semaphore, #tpu.memory_space<semaphore_mem>>) src(%dma_wait3A_2376 : memref<1024xf32, #tpu.memory_space<vmem>>) dst(%dma_wait3A_2374 : memref<1024xf32, #tpu.memory_space<hbm>>)
        %dma_wait3A_2377 = arith.constant 0 : i32
        %dma_wait3A_2378 = arith.constant 0 : i32
        %dma_wait3A_2379 = arith.constant 0 : i32
        %dma_wait3A_2380 = tpu.memref_slice %arg9[%dma_wait3A_2379] : memref<51200xf32, #tpu.memory_space<vmem>> -> memref<1024xf32, #tpu.memory_space<vmem>>
        %dma_wait3A_2381 = arith.constant 0 : i32
        %dma_wait3A_2382 = tpu.memref_slice %arg4[%dma_wait3A_2377, %dma_wait3A_2378, %dma_wait3A_2381] : memref<50x200x16384xf32, #tpu.memory_space<hbm>> -> memref<1x1x1024xf32, #tpu.memory_space<hbm>>
        %dma_wait3A_2383 = tpu.memref_squeeze %dma_wait3A_2382 : memref<1x1x1024xf32, #tpu.memory_space<hbm>> -> memref<1024xf32, #tpu.memory_space<hbm>>
        %dma_wait3A_2384 = arith.constant 0 : i32
        %dma_wait3A_2385 = tpu.memref_slice %arg4[%dma_wait3A_2377, %dma_wait3A_2378, %dma_wait3A_2384] : memref<50x200x16384xf32, #tpu.memory_space<hbm>> -> memref<1x1x1024xf32, #tpu.memory_space<hbm>>
        %dma_wait3A_2386 = tpu.memref_squeeze %dma_wait3A_2385 : memref<1x1x1024xf32, #tpu.memory_space<hbm>> -> memref<1024xf32, #tpu.memory_space<hbm>>
        %dma_wait3A_2387 = arith.constant 0 : i32
        %dma_wait3A_2388 = tpu.memref_slice %arg9[%dma_wait3A_2387] : memref<51200xf32, #tpu.memory_space<vmem>> -> memref<1024xf32, #tpu.memory_space<vmem>>
        tpu.wait_dma2 semaphore(%arg14 : memref<!tpu.dma_semaphore, #tpu.memory_space<semaphore_mem>>) src(%dma_wait3A_2388 : memref<1024xf32, #tpu.memory_space<vmem>>) dst(%dma_wait3A_2386 : memref<1024xf32, #tpu.memory_space<hbm>>)
        %dma_wait3A_2389 = arith.constant 0 : i32
        %dma_wait3A_2390 = arith.constant 0 : i32
        %dma_wait3A_2391 = arith.constant 0 : i32
        %dma_wait3A_2392 = tpu.memref_slice %arg9[%dma_wait3A_2391] : memref<51200xf32, #tpu.memory_space<vmem>> -> memref<1024xf32, #tpu.memory_space<vmem>>
        %dma_wait3A_2393 = arith.constant 0 : i32
        %dma_wait3A_2394 = tpu.memref_slice %arg4[%dma_wait3A_2389, %dma_wait3A_2390, %dma_wait3A_2393] : memref<50x200x16384xf32, #tpu.memory_space<hbm>> -> memref<1x1x1024xf32, #tpu.memory_space<hbm>>
        %dma_wait3A_2395 = tpu.memref_squeeze %dma_wait3A_2394 : memref<1x1x1024xf32, #tpu.memory_space<hbm>> -> memref<1024xf32, #tpu.memory_space<hbm>>
        %dma_wait3A_2396 = arith.constant 0 : i32
        %dma_wait3A_2397 = tpu.memref_slice %arg4[%dma_wait3A_2389, %dma_wait3A_2390, %dma_wait3A_2396] : memref<50x200x16384xf32, #tpu.memory_space<hbm>> -> memref<1x1x1024xf32, #tpu.memory_space<hbm>>
        %dma_wait3A_2398 = tpu.memref_squeeze %dma_wait3A_2397 : memref<1x1x1024xf32, #tpu.memory_space<hbm>> -> memref<1024xf32, #tpu.memory_space<hbm>>
        %dma_wait3A_2399 = arith.constant 0 : i32
        %dma_wait3A_2400 = tpu.memref_slice %arg9[%dma_wait3A_2399] : memref<51200xf32, #tpu.memory_space<vmem>> -> memref<1024xf32, #tpu.memory_space<vmem>>
        tpu.wait_dma2 semaphore(%arg14 : memref<!tpu.dma_semaphore, #tpu.memory_space<semaphore_mem>>) src(%dma_wait3A_2400 : memref<1024xf32, #tpu.memory_space<vmem>>) dst(%dma_wait3A_2398 : memref<1024xf32, #tpu.memory_space<hbm>>)
        %dma_wait3A_2401 = arith.constant 0 : i32
        %dma_wait3A_2402 = arith.constant 0 : i32
        %dma_wait3A_2403 = arith.constant 0 : i32
        %dma_wait3A_2404 = tpu.memref_slice %arg9[%dma_wait3A_2403] : memref<51200xf32, #tpu.memory_space<vmem>> -> memref<1024xf32, #tpu.memory_space<vmem>>
        %dma_wait3A_2405 = arith.constant 0 : i32
        %dma_wait3A_2406 = tpu.memref_slice %arg4[%dma_wait3A_2401, %dma_wait3A_2402, %dma_wait3A_2405] : memref<50x200x16384xf32, #tpu.memory_space<hbm>> -> memref<1x1x1024xf32, #tpu.memory_space<hbm>>
        %dma_wait3A_2407 = tpu.memref_squeeze %dma_wait3A_2406 : memref<1x1x1024xf32, #tpu.memory_space<hbm>> -> memref<1024xf32, #tpu.memory_space<hbm>>
        %dma_wait3A_2408 = arith.constant 0 : i32
        %dma_wait3A_2409 = tpu.memref_slice %arg4[%dma_wait3A_2401, %dma_wait3A_2402, %dma_wait3A_2408] : memref<50x200x16384xf32, #tpu.memory_space<hbm>> -> memref<1x1x1024xf32, #tpu.memory_space<hbm>>
        %dma_wait3A_2410 = tpu.memref_squeeze %dma_wait3A_2409 : memref<1x1x1024xf32, #tpu.memory_space<hbm>> -> memref<1024xf32, #tpu.memory_space<hbm>>
        %dma_wait3A_2411 = arith.constant 0 : i32
        %dma_wait3A_2412 = tpu.memref_slice %arg9[%dma_wait3A_2411] : memref<51200xf32, #tpu.memory_space<vmem>> -> memref<1024xf32, #tpu.memory_space<vmem>>
        tpu.wait_dma2 semaphore(%arg14 : memref<!tpu.dma_semaphore, #tpu.memory_space<semaphore_mem>>) src(%dma_wait3A_2412 : memref<1024xf32, #tpu.memory_space<vmem>>) dst(%dma_wait3A_2410 : memref<1024xf32, #tpu.memory_space<hbm>>)
        %dma_wait3A_2413 = arith.constant 0 : i32
        %dma_wait3A_2414 = arith.constant 0 : i32
        %dma_wait3A_2415 = arith.constant 0 : i32
        %dma_wait3A_2416 = tpu.memref_slice %arg9[%dma_wait3A_2415] : memref<51200xf32, #tpu.memory_space<vmem>> -> memref<1024xf32, #tpu.memory_space<vmem>>
        %dma_wait3A_2417 = arith.constant 0 : i32
        %dma_wait3A_2418 = tpu.memref_slice %arg4[%dma_wait3A_2413, %dma_wait3A_2414, %dma_wait3A_2417] : memref<50x200x16384xf32, #tpu.memory_space<hbm>> -> memref<1x1x1024xf32, #tpu.memory_space<hbm>>
        %dma_wait3A_2419 = tpu.memref_squeeze %dma_wait3A_2418 : memref<1x1x1024xf32, #tpu.memory_space<hbm>> -> memref<1024xf32, #tpu.memory_space<hbm>>
        %dma_wait3A_2420 = arith.constant 0 : i32
        %dma_wait3A_2421 = tpu.memref_slice %arg4[%dma_wait3A_2413, %dma_wait3A_2414, %dma_wait3A_2420] : memref<50x200x16384xf32, #tpu.memory_space<hbm>> -> memref<1x1x1024xf32, #tpu.memory_space<hbm>>
        %dma_wait3A_2422 = tpu.memref_squeeze %dma_wait3A_2421 : memref<1x1x1024xf32, #tpu.memory_space<hbm>> -> memref<1024xf32, #tpu.memory_space<hbm>>
        %dma_wait3A_2423 = arith.constant 0 : i32
        %dma_wait3A_2424 = tpu.memref_slice %arg9[%dma_wait3A_2423] : memref<51200xf32, #tpu.memory_space<vmem>> -> memref<1024xf32, #tpu.memory_space<vmem>>
        tpu.wait_dma2 semaphore(%arg14 : memref<!tpu.dma_semaphore, #tpu.memory_space<semaphore_mem>>) src(%dma_wait3A_2424 : memref<1024xf32, #tpu.memory_space<vmem>>) dst(%dma_wait3A_2422 : memref<1024xf32, #tpu.memory_space<hbm>>)
        %dma_wait3A_2425 = arith.constant 0 : i32
        %dma_wait3A_2426 = arith.constant 0 : i32
        %dma_wait3A_2427 = arith.constant 0 : i32
        %dma_wait3A_2428 = tpu.memref_slice %arg9[%dma_wait3A_2427] : memref<51200xf32, #tpu.memory_space<vmem>> -> memref<1024xf32, #tpu.memory_space<vmem>>
        %dma_wait3A_2429 = arith.constant 0 : i32
        %dma_wait3A_2430 = tpu.memref_slice %arg4[%dma_wait3A_2425, %dma_wait3A_2426, %dma_wait3A_2429] : memref<50x200x16384xf32, #tpu.memory_space<hbm>> -> memref<1x1x1024xf32, #tpu.memory_space<hbm>>
        %dma_wait3A_2431 = tpu.memref_squeeze %dma_wait3A_2430 : memref<1x1x1024xf32, #tpu.memory_space<hbm>> -> memref<1024xf32, #tpu.memory_space<hbm>>
        %dma_wait3A_2432 = arith.constant 0 : i32
        %dma_wait3A_2433 = tpu.memref_slice %arg4[%dma_wait3A_2425, %dma_wait3A_2426, %dma_wait3A_2432] : memref<50x200x16384xf32, #tpu.memory_space<hbm>> -> memref<1x1x1024xf32, #tpu.memory_space<hbm>>
        %dma_wait3A_2434 = tpu.memref_squeeze %dma_wait3A_2433 : memref<1x1x1024xf32, #tpu.memory_space<hbm>> -> memref<1024xf32, #tpu.memory_space<hbm>>
        %dma_wait3A_2435 = arith.constant 0 : i32
        %dma_wait3A_2436 = tpu.memref_slice %arg9[%dma_wait3A_2435] : memref<51200xf32, #tpu.memory_space<vmem>> -> memref<1024xf32, #tpu.memory_space<vmem>>
        tpu.wait_dma2 semaphore(%arg14 : memref<!tpu.dma_semaphore, #tpu.memory_space<semaphore_mem>>) src(%dma_wait3A_2436 : memref<1024xf32, #tpu.memory_space<vmem>>) dst(%dma_wait3A_2434 : memref<1024xf32, #tpu.memory_space<hbm>>)
        %dma_wait3A_2437 = arith.constant 0 : i32
        %dma_wait3A_2438 = arith.constant 0 : i32
        %dma_wait3A_2439 = arith.constant 0 : i32
        %dma_wait3A_2440 = tpu.memref_slice %arg9[%dma_wait3A_2439] : memref<51200xf32, #tpu.memory_space<vmem>> -> memref<1024xf32, #tpu.memory_space<vmem>>
        %dma_wait3A_2441 = arith.constant 0 : i32
        %dma_wait3A_2442 = tpu.memref_slice %arg4[%dma_wait3A_2437, %dma_wait3A_2438, %dma_wait3A_2441] : memref<50x200x16384xf32, #tpu.memory_space<hbm>> -> memref<1x1x1024xf32, #tpu.memory_space<hbm>>
        %dma_wait3A_2443 = tpu.memref_squeeze %dma_wait3A_2442 : memref<1x1x1024xf32, #tpu.memory_space<hbm>> -> memref<1024xf32, #tpu.memory_space<hbm>>
        %dma_wait3A_2444 = arith.constant 0 : i32
        %dma_wait3A_2445 = tpu.memref_slice %arg4[%dma_wait3A_2437, %dma_wait3A_2438, %dma_wait3A_2444] : memref<50x200x16384xf32, #tpu.memory_space<hbm>> -> memref<1x1x1024xf32, #tpu.memory_space<hbm>>
        %dma_wait3A_2446 = tpu.memref_squeeze %dma_wait3A_2445 : memref<1x1x1024xf32, #tpu.memory_space<hbm>> -> memref<1024xf32, #tpu.memory_space<hbm>>
        %dma_wait3A_2447 = arith.constant 0 : i32
        %dma_wait3A_2448 = tpu.memref_slice %arg9[%dma_wait3A_2447] : memref<51200xf32, #tpu.memory_space<vmem>> -> memref<1024xf32, #tpu.memory_space<vmem>>
        tpu.wait_dma2 semaphore(%arg14 : memref<!tpu.dma_semaphore, #tpu.memory_space<semaphore_mem>>) src(%dma_wait3A_2448 : memref<1024xf32, #tpu.memory_space<vmem>>) dst(%dma_wait3A_2446 : memref<1024xf32, #tpu.memory_space<hbm>>)
        %dma_wait3A_2449 = arith.constant 0 : i32
        %dma_wait3A_2450 = arith.constant 0 : i32
        %dma_wait3A_2451 = arith.constant 0 : i32
        %dma_wait3A_2452 = tpu.memref_slice %arg9[%dma_wait3A_2451] : memref<51200xf32, #tpu.memory_space<vmem>> -> memref<1024xf32, #tpu.memory_space<vmem>>
        %dma_wait3A_2453 = arith.constant 0 : i32
        %dma_wait3A_2454 = tpu.memref_slice %arg4[%dma_wait3A_2449, %dma_wait3A_2450, %dma_wait3A_2453] : memref<50x200x16384xf32, #tpu.memory_space<hbm>> -> memref<1x1x1024xf32, #tpu.memory_space<hbm>>
        %dma_wait3A_2455 = tpu.memref_squeeze %dma_wait3A_2454 : memref<1x1x1024xf32, #tpu.memory_space<hbm>> -> memref<1024xf32, #tpu.memory_space<hbm>>
        %dma_wait3A_2456 = arith.constant 0 : i32
        %dma_wait3A_2457 = tpu.memref_slice %arg4[%dma_wait3A_2449, %dma_wait3A_2450, %dma_wait3A_2456] : memref<50x200x16384xf32, #tpu.memory_space<hbm>> -> memref<1x1x1024xf32, #tpu.memory_space<hbm>>
        %dma_wait3A_2458 = tpu.memref_squeeze %dma_wait3A_2457 : memref<1x1x1024xf32, #tpu.memory_space<hbm>> -> memref<1024xf32, #tpu.memory_space<hbm>>
        %dma_wait3A_2459 = arith.constant 0 : i32
        %dma_wait3A_2460 = tpu.memref_slice %arg9[%dma_wait3A_2459] : memref<51200xf32, #tpu.memory_space<vmem>> -> memref<1024xf32, #tpu.memory_space<vmem>>
        tpu.wait_dma2 semaphore(%arg14 : memref<!tpu.dma_semaphore, #tpu.memory_space<semaphore_mem>>) src(%dma_wait3A_2460 : memref<1024xf32, #tpu.memory_space<vmem>>) dst(%dma_wait3A_2458 : memref<1024xf32, #tpu.memory_space<hbm>>)
        %dma_wait3A_2461 = arith.constant 0 : i32
        %dma_wait3A_2462 = arith.constant 0 : i32
        %dma_wait3A_2463 = arith.constant 0 : i32
        %dma_wait3A_2464 = tpu.memref_slice %arg9[%dma_wait3A_2463] : memref<51200xf32, #tpu.memory_space<vmem>> -> memref<1024xf32, #tpu.memory_space<vmem>>
        %dma_wait3A_2465 = arith.constant 0 : i32
        %dma_wait3A_2466 = tpu.memref_slice %arg4[%dma_wait3A_2461, %dma_wait3A_2462, %dma_wait3A_2465] : memref<50x200x16384xf32, #tpu.memory_space<hbm>> -> memref<1x1x1024xf32, #tpu.memory_space<hbm>>
        %dma_wait3A_2467 = tpu.memref_squeeze %dma_wait3A_2466 : memref<1x1x1024xf32, #tpu.memory_space<hbm>> -> memref<1024xf32, #tpu.memory_space<hbm>>
        %dma_wait3A_2468 = arith.constant 0 : i32
        %dma_wait3A_2469 = tpu.memref_slice %arg4[%dma_wait3A_2461, %dma_wait3A_2462, %dma_wait3A_2468] : memref<50x200x16384xf32, #tpu.memory_space<hbm>> -> memref<1x1x1024xf32, #tpu.memory_space<hbm>>
        %dma_wait3A_2470 = tpu.memref_squeeze %dma_wait3A_2469 : memref<1x1x1024xf32, #tpu.memory_space<hbm>> -> memref<1024xf32, #tpu.memory_space<hbm>>
        %dma_wait3A_2471 = arith.constant 0 : i32
        %dma_wait3A_2472 = tpu.memref_slice %arg9[%dma_wait3A_2471] : memref<51200xf32, #tpu.memory_space<vmem>> -> memref<1024xf32, #tpu.memory_space<vmem>>
        tpu.wait_dma2 semaphore(%arg14 : memref<!tpu.dma_semaphore, #tpu.memory_space<semaphore_mem>>) src(%dma_wait3A_2472 : memref<1024xf32, #tpu.memory_space<vmem>>) dst(%dma_wait3A_2470 : memref<1024xf32, #tpu.memory_space<hbm>>)
      } else {
      }
      %add3A_1283 = arith.constant 1 : i32
      %add3A_1284 = arith.addi %add3A_1277, %add3A_1283 : i32
      %lt3A_1285 = arith.constant 100 : i32
      %lt3A_1286 = arith.cmpi slt, %add3A_1284, %lt3A_1285 : i32
      %convert_element_type3A_1287 = arith.extui %lt3A_1286 : i1 to i32
      %cond3A_1288 = arith.constant 0 : i32
      %cond3A_1289 = arith.cmpi ne, %convert_element_type3A_1287, %cond3A_1288 : i32
      scf.if %cond3A_1289 {
        %add3A_1873 = arith.constant 1 : i32
        %add3A_1874 = arith.addi %add3A_1277, %add3A_1873 : i32
        %add3A_1875 = arith.addi %mul3A_2, %add3A_1874 : i32
        %jit3A_1876 = arith.constant 16 : i32
        %div3A_1877 = arith.divsi %add3A_1875, %jit3A_1876 : i32
        %sign3A_1878 = arith.constant 0 : i32
        %sign3A_1879 = arith.cmpi sgt, %add3A_1875, %sign3A_1878 : i32
        %sign3A_1880 = arith.extui %sign3A_1879 : i1 to i32
        %sign3A_1881 = arith.constant 0 : i32
        %sign3A_1882 = arith.cmpi slt, %add3A_1875, %sign3A_1881 : i32
        %sign3A_1883 = arith.extui %sign3A_1882 : i1 to i32
        %sign3A_1884 = arith.subi %sign3A_1880, %sign3A_1883 : i32
        %sign3A_1885 = arith.constant 0 : i32
        %sign3A_1886 = arith.cmpi sgt, %jit3A_1876, %sign3A_1885 : i32
        %sign3A_1887 = arith.extui %sign3A_1886 : i1 to i32
        %sign3A_1888 = arith.constant 0 : i32
        %sign3A_1889 = arith.cmpi slt, %jit3A_1876, %sign3A_1888 : i32
        %sign3A_1890 = arith.extui %sign3A_1889 : i1 to i32
        %sign3A_1891 = arith.subi %sign3A_1887, %sign3A_1890 : i32
        %ne3A_1892 = arith.cmpi ne, %sign3A_1884, %sign3A_1891 : i32
        %rem3A_1893 = arith.remsi %add3A_1875, %jit3A_1876 : i32
        %ne3A_1894 = arith.constant 0 : i32
        %ne3A_1895 = arith.cmpi ne, %rem3A_1893, %ne3A_1894 : i32
        %and3A_1896 = arith.andi %ne3A_1892, %ne3A_1895 : i1
        %sub3A_1897 = arith.constant 1 : i32
        %sub3A_1898 = arith.subi %div3A_1877, %sub3A_1897 : i32
        %select_n3A_1899 = arith.select %and3A_1896, %sub3A_1898, %div3A_1877 : i32
        %jit3A_1900 = arith.constant 16 : i32
        %eq3A_1901 = arith.constant 0 : i32
        %eq3A_1902 = arith.cmpi eq, %jit3A_1900, %eq3A_1901 : i32
        %jit3A_1903 = arith.constant 1 : i32
        %select_n3A_1904 = arith.select %eq3A_1902, %jit3A_1903, %jit3A_1900 : i32
        %rem3A_1905 = arith.remsi %add3A_1875, %select_n3A_1904 : i32
        %ne3A_1906 = arith.constant 0 : i32
        %ne3A_1907 = arith.cmpi ne, %rem3A_1905, %ne3A_1906 : i32
        %lt3A_1908 = arith.constant 0 : i32
        %lt3A_1909 = arith.cmpi slt, %rem3A_1905, %lt3A_1908 : i32
        %lt3A_1910 = arith.constant 0 : i32
        %lt3A_1911 = arith.cmpi slt, %select_n3A_1904, %lt3A_1910 : i32
        %ne3A_1912 = arith.xori %lt3A_1909, %lt3A_1911 : i1
        %and3A_1913 = arith.andi %ne3A_1912, %ne3A_1907 : i1
        %add3A_1914 = arith.addi %rem3A_1905, %select_n3A_1904 : i32
        %select_n3A_1915 = arith.select %and3A_1913, %add3A_1914, %rem3A_1905 : i32
        %mul3A_1916 = arith.constant 1024 : i32
        %mul3A_1917 = arith.muli %select_n3A_1915, %mul3A_1916 : i32
        %dma_start3A_1918 = tpu.memref_slice %arg2[%select_n3A_1899, %mul3A_1917] : memref<200x16384xi32, #tpu.memory_space<hbm>> -> memref<1x1024xi32, #tpu.memory_space<hbm>>
        %dma_start3A_1919 = tpu.memref_squeeze %dma_start3A_1918 : memref<1x1024xi32, #tpu.memory_space<hbm>> -> memref<1024xi32, #tpu.memory_space<hbm>>
        %dma_start3A_1920 = tpu.memref_slice %arg2[%select_n3A_1899, %mul3A_1917] : memref<200x16384xi32, #tpu.memory_space<hbm>> -> memref<1x1024xi32, #tpu.memory_space<hbm>>
        %dma_start3A_1921 = tpu.memref_squeeze %dma_start3A_1920 : memref<1x1024xi32, #tpu.memory_space<hbm>> -> memref<1024xi32, #tpu.memory_space<hbm>>
        tpu.enqueue_dma source(%dma_start3A_1921 : memref<1024xi32, #tpu.memory_space<hbm>>) target(%arg5 : memref<1024xi32, #tpu.memory_space<vmem>>) target_semaphore(%arg10 : memref<!tpu.dma_semaphore, #tpu.memory_space<semaphore_mem>>)
      } else {
      }
      %dma_wait3A_1290 = arith.constant 0 : i32
      %dma_wait3A_1291 = arith.constant 0 : i32
      %dma_wait3A_1292 = tpu.memref_slice %arg3[%dma_wait3A_1290, %dma_wait3A_1291] : memref<1000000x128xf32, #tpu.memory_space<hbm>> -> memref<128x128xf32, #tpu.memory_space<hbm>>
      %dma_wait3A_1293 = arith.constant 0 : i32
      %dma_wait3A_1294 = arith.constant 0 : i32
      %dma_wait3A_1295 = tpu.memref_slice %arg3[%dma_wait3A_1293, %dma_wait3A_1294] : memref<1000000x128xf32, #tpu.memory_space<hbm>> -> memref<128x128xf32, #tpu.memory_space<hbm>>
      tpu.wait_dma2 semaphore(%arg12 : memref<!tpu.dma_semaphore, #tpu.memory_space<semaphore_mem>>) src(%dma_wait3A_1295 : memref<128x128xf32, #tpu.memory_space<hbm>>) dst(%arg7 : memref<128x128xf32, #tpu.memory_space<vmem>>)
      %dma_start3A_1296 = arith.constant 128 : i32
      %dma_start3A_1297 = tpu.memref_slice %arg6[%dma_start3A_1296] : memref<1024xi32, #tpu.memory_space<vmem>> -> memref<128xi32, #tpu.memory_space<vmem>>
      %dma_start3A_1298 = arith.constant 0 : i32
      %dma_start3A_1299 = arith.constant 0 : i32
      %dma_start3A_1300 = tpu.memref_slice %arg3[%dma_start3A_1298, %dma_start3A_1299] : memref<1000000x128xf32, #tpu.memory_space<hbm>> -> memref<1000000x128xf32, #tpu.memory_space<hbm>>
      tpu.enqueue_indirect_dma source(%dma_start3A_1300 : memref<1000000x128xf32, #tpu.memory_space<hbm>>) target(%arg8 : memref<128x128xf32, #tpu.memory_space<vmem>>) offsets(%dma_start3A_1297 : memref<128xi32, #tpu.memory_space<vmem>>) semaphore(%arg13 : memref<!tpu.dma_semaphore, #tpu.memory_space<semaphore_mem>>)
      %dma_wait3A_1301 = arith.constant 0 : i32
      %dma_wait3A_1302 = arith.constant 0 : i32
      %dma_wait3A_1303 = tpu.memref_slice %arg3[%dma_wait3A_1301, %dma_wait3A_1302] : memref<1000000x128xf32, #tpu.memory_space<hbm>> -> memref<128x128xf32, #tpu.memory_space<hbm>>
      %dma_wait3A_1304 = arith.constant 0 : i32
      %dma_wait3A_1305 = arith.constant 0 : i32
      %dma_wait3A_1306 = tpu.memref_slice %arg3[%dma_wait3A_1304, %dma_wait3A_1305] : memref<1000000x128xf32, #tpu.memory_space<hbm>> -> memref<128x128xf32, #tpu.memory_space<hbm>>
      tpu.wait_dma2 semaphore(%arg13 : memref<!tpu.dma_semaphore, #tpu.memory_space<semaphore_mem>>) src(%dma_wait3A_1306 : memref<128x128xf32, #tpu.memory_space<hbm>>) dst(%arg8 : memref<128x128xf32, #tpu.memory_space<vmem>>)
      %dma_start3A_1307 = arith.constant 256 : i32
      %dma_start3A_1308 = tpu.memref_slice %arg6[%dma_start3A_1307] : memref<1024xi32, #tpu.memory_space<vmem>> -> memref<128xi32, #tpu.memory_space<vmem>>
      %dma_start3A_1309 = arith.constant 0 : i32
      %dma_start3A_1310 = arith.constant 0 : i32
      %dma_start3A_1311 = tpu.memref_slice %arg3[%dma_start3A_1309, %dma_start3A_1310] : memref<1000000x128xf32, #tpu.memory_space<hbm>> -> memref<1000000x128xf32, #tpu.memory_space<hbm>>
      tpu.enqueue_indirect_dma source(%dma_start3A_1311 : memref<1000000x128xf32, #tpu.memory_space<hbm>>) target(%arg7 : memref<128x128xf32, #tpu.memory_space<vmem>>) offsets(%dma_start3A_1308 : memref<128xi32, #tpu.memory_space<vmem>>) semaphore(%arg12 : memref<!tpu.dma_semaphore, #tpu.memory_space<semaphore_mem>>)
      %dma_wait3A_1312 = arith.constant 0 : i32
      %dma_wait3A_1313 = arith.constant 0 : i32
      %dma_wait3A_1314 = tpu.memref_slice %arg3[%dma_wait3A_1312, %dma_wait3A_1313] : memref<1000000x128xf32, #tpu.memory_space<hbm>> -> memref<128x128xf32, #tpu.memory_space<hbm>>
      %dma_wait3A_1315 = arith.constant 0 : i32
      %dma_wait3A_1316 = arith.constant 0 : i32
      %dma_wait3A_1317 = tpu.memref_slice %arg3[%dma_wait3A_1315, %dma_wait3A_1316] : memref<1000000x128xf32, #tpu.memory_space<hbm>> -> memref<128x128xf32, #tpu.memory_space<hbm>>
      tpu.wait_dma2 semaphore(%arg12 : memref<!tpu.dma_semaphore, #tpu.memory_space<semaphore_mem>>) src(%dma_wait3A_1317 : memref<128x128xf32, #tpu.memory_space<hbm>>) dst(%arg7 : memref<128x128xf32, #tpu.memory_space<vmem>>)
      %dma_start3A_1318 = arith.constant 384 : i32
      %dma_start3A_1319 = tpu.memref_slice %arg6[%dma_start3A_1318] : memref<1024xi32, #tpu.memory_space<vmem>> -> memref<128xi32, #tpu.memory_space<vmem>>
      %dma_start3A_1320 = arith.constant 0 : i32
      %dma_start3A_1321 = arith.constant 0 : i32
      %dma_start3A_1322 = tpu.memref_slice %arg3[%dma_start3A_1320, %dma_start3A_1321] : memref<1000000x128xf32, #tpu.memory_space<hbm>> -> memref<1000000x128xf32, #tpu.memory_space<hbm>>
      tpu.enqueue_indirect_dma source(%dma_start3A_1322 : memref<1000000x128xf32, #tpu.memory_space<hbm>>) target(%arg8 : memref<128x128xf32, #tpu.memory_space<vmem>>) offsets(%dma_start3A_1319 : memref<128xi32, #tpu.memory_space<vmem>>) semaphore(%arg13 : memref<!tpu.dma_semaphore, #tpu.memory_space<semaphore_mem>>)
      %dma_wait3A_1323 = arith.constant 0 : i32
      %dma_wait3A_1324 = arith.constant 0 : i32
      %dma_wait3A_1325 = tpu.memref_slice %arg3[%dma_wait3A_1323, %dma_wait3A_1324] : memref<1000000x128xf32, #tpu.memory_space<hbm>> -> memref<128x128xf32, #tpu.memory_space<hbm>>
      %dma_wait3A_1326 = arith.constant 0 : i32
      %dma_wait3A_1327 = arith.constant 0 : i32
      %dma_wait3A_1328 = tpu.memref_slice %arg3[%dma_wait3A_1326, %dma_wait3A_1327] : memref<1000000x128xf32, #tpu.memory_space<hbm>> -> memref<128x128xf32, #tpu.memory_space<hbm>>
      tpu.wait_dma2 semaphore(%arg13 : memref<!tpu.dma_semaphore, #tpu.memory_space<semaphore_mem>>) src(%dma_wait3A_1328 : memref<128x128xf32, #tpu.memory_space<hbm>>) dst(%arg8 : memref<128x128xf32, #tpu.memory_space<vmem>>)
      %dma_start3A_1329 = arith.constant 512 : i32
      %dma_start3A_1330 = tpu.memref_slice %arg6[%dma_start3A_1329] : memref<1024xi32, #tpu.memory_space<vmem>> -> memref<128xi32, #tpu.memory_space<vmem>>
      %dma_start3A_1331 = arith.constant 0 : i32
      %dma_start3A_1332 = arith.constant 0 : i32
      %dma_start3A_1333 = tpu.memref_slice %arg3[%dma_start3A_1331, %dma_start3A_1332] : memref<1000000x128xf32, #tpu.memory_space<hbm>> -> memref<1000000x128xf32, #tpu.memory_space<hbm>>
      tpu.enqueue_indirect_dma source(%dma_start3A_1333 : memref<1000000x128xf32, #tpu.memory_space<hbm>>) target(%arg7 : memref<128x128xf32, #tpu.memory_space<vmem>>) offsets(%dma_start3A_1330 : memref<128xi32, #tpu.memory_space<vmem>>) semaphore(%arg12 : memref<!tpu.dma_semaphore, #tpu.memory_space<semaphore_mem>>)
      %dma_wait3A_1334 = arith.constant 0 : i32
      %dma_wait3A_1335 = arith.constant 0 : i32
      %dma_wait3A_1336 = tpu.memref_slice %arg3[%dma_wait3A_1334, %dma_wait3A_1335] : memref<1000000x128xf32, #tpu.memory_space<hbm>> -> memref<128x128xf32, #tpu.memory_space<hbm>>
      %dma_wait3A_1337 = arith.constant 0 : i32
      %dma_wait3A_1338 = arith.constant 0 : i32
      %dma_wait3A_1339 = tpu.memref_slice %arg3[%dma_wait3A_1337, %dma_wait3A_1338] : memref<1000000x128xf32, #tpu.memory_space<hbm>> -> memref<128x128xf32, #tpu.memory_space<hbm>>
      tpu.wait_dma2 semaphore(%arg12 : memref<!tpu.dma_semaphore, #tpu.memory_space<semaphore_mem>>) src(%dma_wait3A_1339 : memref<128x128xf32, #tpu.memory_space<hbm>>) dst(%arg7 : memref<128x128xf32, #tpu.memory_space<vmem>>)
      %dma_start3A_1340 = arith.constant 640 : i32
      %dma_start3A_1341 = tpu.memref_slice %arg6[%dma_start3A_1340] : memref<1024xi32, #tpu.memory_space<vmem>> -> memref<128xi32, #tpu.memory_space<vmem>>
      %dma_start3A_1342 = arith.constant 0 : i32
      %dma_start3A_1343 = arith.constant 0 : i32
      %dma_start3A_1344 = tpu.memref_slice %arg3[%dma_start3A_1342, %dma_start3A_1343] : memref<1000000x128xf32, #tpu.memory_space<hbm>> -> memref<1000000x128xf32, #tpu.memory_space<hbm>>
      tpu.enqueue_indirect_dma source(%dma_start3A_1344 : memref<1000000x128xf32, #tpu.memory_space<hbm>>) target(%arg8 : memref<128x128xf32, #tpu.memory_space<vmem>>) offsets(%dma_start3A_1341 : memref<128xi32, #tpu.memory_space<vmem>>) semaphore(%arg13 : memref<!tpu.dma_semaphore, #tpu.memory_space<semaphore_mem>>)
      %dma_wait3A_1345 = arith.constant 0 : i32
      %dma_wait3A_1346 = arith.constant 0 : i32
      %dma_wait3A_1347 = tpu.memref_slice %arg3[%dma_wait3A_1345, %dma_wait3A_1346] : memref<1000000x128xf32, #tpu.memory_space<hbm>> -> memref<128x128xf32, #tpu.memory_space<hbm>>
      %dma_wait3A_1348 = arith.constant 0 : i32
      %dma_wait3A_1349 = arith.constant 0 : i32
      %dma_wait3A_1350 = tpu.memref_slice %arg3[%dma_wait3A_1348, %dma_wait3A_1349] : memref<1000000x128xf32, #tpu.memory_space<hbm>> -> memref<128x128xf32, #tpu.memory_space<hbm>>
      tpu.wait_dma2 semaphore(%arg13 : memref<!tpu.dma_semaphore, #tpu.memory_space<semaphore_mem>>) src(%dma_wait3A_1350 : memref<128x128xf32, #tpu.memory_space<hbm>>) dst(%arg8 : memref<128x128xf32, #tpu.memory_space<vmem>>)
      %dma_start3A_1351 = arith.constant 768 : i32
      %dma_start3A_1352 = tpu.memref_slice %arg6[%dma_start3A_1351] : memref<1024xi32, #tpu.memory_space<vmem>> -> memref<128xi32, #tpu.memory_space<vmem>>
      %dma_start3A_1353 = arith.constant 0 : i32
      %dma_start3A_1354 = arith.constant 0 : i32
      %dma_start3A_1355 = tpu.memref_slice %arg3[%dma_start3A_1353, %dma_start3A_1354] : memref<1000000x128xf32, #tpu.memory_space<hbm>> -> memref<1000000x128xf32, #tpu.memory_space<hbm>>
      tpu.enqueue_indirect_dma source(%dma_start3A_1355 : memref<1000000x128xf32, #tpu.memory_space<hbm>>) target(%arg7 : memref<128x128xf32, #tpu.memory_space<vmem>>) offsets(%dma_start3A_1352 : memref<128xi32, #tpu.memory_space<vmem>>) semaphore(%arg12 : memref<!tpu.dma_semaphore, #tpu.memory_space<semaphore_mem>>)
      %dma_wait3A_1356 = arith.constant 0 : i32
      %dma_wait3A_1357 = arith.constant 0 : i32
      %dma_wait3A_1358 = tpu.memref_slice %arg3[%dma_wait3A_1356, %dma_wait3A_1357] : memref<1000000x128xf32, #tpu.memory_space<hbm>> -> memref<128x128xf32, #tpu.memory_space<hbm>>
      %dma_wait3A_1359 = arith.constant 0 : i32
      %dma_wait3A_1360 = arith.constant 0 : i32
      %dma_wait3A_1361 = tpu.memref_slice %arg3[%dma_wait3A_1359, %dma_wait3A_1360] : memref<1000000x128xf32, #tpu.memory_space<hbm>> -> memref<128x128xf32, #tpu.memory_space<hbm>>
      tpu.wait_dma2 semaphore(%arg12 : memref<!tpu.dma_semaphore, #tpu.memory_space<semaphore_mem>>) src(%dma_wait3A_1361 : memref<128x128xf32, #tpu.memory_space<hbm>>) dst(%arg7 : memref<128x128xf32, #tpu.memory_space<vmem>>)
      %dma_start3A_1362 = arith.constant 896 : i32
      %dma_start3A_1363 = tpu.memref_slice %arg6[%dma_start3A_1362] : memref<1024xi32, #tpu.memory_space<vmem>> -> memref<128xi32, #tpu.memory_space<vmem>>
      %dma_start3A_1364 = arith.constant 0 : i32
      %dma_start3A_1365 = arith.constant 0 : i32
      %dma_start3A_1366 = tpu.memref_slice %arg3[%dma_start3A_1364, %dma_start3A_1365] : memref<1000000x128xf32, #tpu.memory_space<hbm>> -> memref<1000000x128xf32, #tpu.memory_space<hbm>>
      tpu.enqueue_indirect_dma source(%dma_start3A_1366 : memref<1000000x128xf32, #tpu.memory_space<hbm>>) target(%arg8 : memref<128x128xf32, #tpu.memory_space<vmem>>) offsets(%dma_start3A_1363 : memref<128xi32, #tpu.memory_space<vmem>>) semaphore(%arg13 : memref<!tpu.dma_semaphore, #tpu.memory_space<semaphore_mem>>)
      %dma_wait3A_1367 = arith.constant 0 : i32
      %dma_wait3A_1368 = arith.constant 0 : i32
      %dma_wait3A_1369 = tpu.memref_slice %arg3[%dma_wait3A_1367, %dma_wait3A_1368] : memref<1000000x128xf32, #tpu.memory_space<hbm>> -> memref<128x128xf32, #tpu.memory_space<hbm>>
      %dma_wait3A_1370 = arith.constant 0 : i32
      %dma_wait3A_1371 = arith.constant 0 : i32
      %dma_wait3A_1372 = tpu.memref_slice %arg3[%dma_wait3A_1370, %dma_wait3A_1371] : memref<1000000x128xf32, #tpu.memory_space<hbm>> -> memref<128x128xf32, #tpu.memory_space<hbm>>
      tpu.wait_dma2 semaphore(%arg13 : memref<!tpu.dma_semaphore, #tpu.memory_space<semaphore_mem>>) src(%dma_wait3A_1372 : memref<128x128xf32, #tpu.memory_space<hbm>>) dst(%arg8 : memref<128x128xf32, #tpu.memory_space<vmem>>)
      %add3A_1373 = arith.constant 1 : i32
      %add3A_1374 = arith.addi %add3A_1277, %add3A_1373 : i32
      %lt3A_1375 = arith.constant 100 : i32
      %lt3A_1376 = arith.cmpi slt, %add3A_1374, %lt3A_1375 : i32
      %convert_element_type3A_1377 = arith.extui %lt3A_1376 : i1 to i32
      %cond3A_1378 = arith.constant 0 : i32
      %cond3A_1379 = arith.cmpi ne, %convert_element_type3A_1377, %cond3A_1378 : i32
      scf.if %cond3A_1379 {
        %dma_wait3A_1873 = arith.constant 0 : i32
        %dma_wait3A_1874 = arith.constant 0 : i32
        %dma_wait3A_1875 = tpu.memref_slice %arg2[%dma_wait3A_1873, %dma_wait3A_1874] : memref<200x16384xi32, #tpu.memory_space<hbm>> -> memref<1x1024xi32, #tpu.memory_space<hbm>>
        %dma_wait3A_1876 = tpu.memref_squeeze %dma_wait3A_1875 : memref<1x1024xi32, #tpu.memory_space<hbm>> -> memref<1024xi32, #tpu.memory_space<hbm>>
        %dma_wait3A_1877 = arith.constant 0 : i32
        %dma_wait3A_1878 = tpu.memref_slice %arg2[%dma_wait3A_1873, %dma_wait3A_1877] : memref<200x16384xi32, #tpu.memory_space<hbm>> -> memref<1x1024xi32, #tpu.memory_space<hbm>>
        %dma_wait3A_1879 = tpu.memref_squeeze %dma_wait3A_1878 : memref<1x1024xi32, #tpu.memory_space<hbm>> -> memref<1024xi32, #tpu.memory_space<hbm>>
        tpu.wait_dma2 semaphore(%arg10 : memref<!tpu.dma_semaphore, #tpu.memory_space<semaphore_mem>>) src(%dma_wait3A_1879 : memref<1024xi32, #tpu.memory_space<hbm>>) dst(%arg5 : memref<1024xi32, #tpu.memory_space<vmem>>)
        %dma_start3A_1880 = arith.constant 0 : i32
        %dma_start3A_1881 = tpu.memref_slice %arg5[%dma_start3A_1880] : memref<1024xi32, #tpu.memory_space<vmem>> -> memref<128xi32, #tpu.memory_space<vmem>>
        %dma_start3A_1882 = arith.constant 0 : i32
        %dma_start3A_1883 = arith.constant 0 : i32
        %dma_start3A_1884 = tpu.memref_slice %arg3[%dma_start3A_1882, %dma_start3A_1883] : memref<1000000x128xf32, #tpu.memory_space<hbm>> -> memref<1000000x128xf32, #tpu.memory_space<hbm>>
        tpu.enqueue_indirect_dma source(%dma_start3A_1884 : memref<1000000x128xf32, #tpu.memory_space<hbm>>) target(%arg7 : memref<128x128xf32, #tpu.memory_space<vmem>>) offsets(%dma_start3A_1881 : memref<128xi32, #tpu.memory_space<vmem>>) semaphore(%arg12 : memref<!tpu.dma_semaphore, #tpu.memory_space<semaphore_mem>>)
      } else {
      }
      %add3A_1380 = arith.addi %mul3A_2, %add3A_1277 : i32
      %jit3A_1381 = arith.constant 16 : i32
      %div3A_1382 = arith.divsi %add3A_1380, %jit3A_1381 : i32
      %sign3A_1383 = arith.constant 0 : i32
      %sign3A_1384 = arith.cmpi sgt, %add3A_1380, %sign3A_1383 : i32
      %sign3A_1385 = arith.extui %sign3A_1384 : i1 to i32
      %sign3A_1386 = arith.constant 0 : i32
      %sign3A_1387 = arith.cmpi slt, %add3A_1380, %sign3A_1386 : i32
      %sign3A_1388 = arith.extui %sign3A_1387 : i1 to i32
      %sign3A_1389 = arith.subi %sign3A_1385, %sign3A_1388 : i32
      %sign3A_1390 = arith.constant 0 : i32
      %sign3A_1391 = arith.cmpi sgt, %jit3A_1381, %sign3A_1390 : i32
      %sign3A_1392 = arith.extui %sign3A_1391 : i1 to i32
      %sign3A_1393 = arith.constant 0 : i32
      %sign3A_1394 = arith.cmpi slt, %jit3A_1381, %sign3A_1393 : i32
      %sign3A_1395 = arith.extui %sign3A_1394 : i1 to i32
      %sign3A_1396 = arith.subi %sign3A_1392, %sign3A_1395 : i32
      %ne3A_1397 = arith.cmpi ne, %sign3A_1389, %sign3A_1396 : i32
      %rem3A_1398 = arith.remsi %add3A_1380, %jit3A_1381 : i32
      %ne3A_1399 = arith.constant 0 : i32
      %ne3A_1400 = arith.cmpi ne, %rem3A_1398, %ne3A_1399 : i32
      %and3A_1401 = arith.andi %ne3A_1397, %ne3A_1400 : i1
      %sub3A_1402 = arith.constant 1 : i32
      %sub3A_1403 = arith.subi %div3A_1382, %sub3A_1402 : i32
      %select_n3A_1404 = arith.select %and3A_1401, %sub3A_1403, %div3A_1382 : i32
      %jit3A_1405 = arith.constant 16 : i32
      %eq3A_1406 = arith.constant 0 : i32
      %eq3A_1407 = arith.cmpi eq, %jit3A_1405, %eq3A_1406 : i32
      %jit3A_1408 = arith.constant 1 : i32
      %select_n3A_1409 = arith.select %eq3A_1407, %jit3A_1408, %jit3A_1405 : i32
      %rem3A_1410 = arith.remsi %add3A_1380, %select_n3A_1409 : i32
      %ne3A_1411 = arith.constant 0 : i32
      %ne3A_1412 = arith.cmpi ne, %rem3A_1410, %ne3A_1411 : i32
      %lt3A_1413 = arith.constant 0 : i32
      %lt3A_1414 = arith.cmpi slt, %rem3A_1410, %lt3A_1413 : i32
      %lt3A_1415 = arith.constant 0 : i32
      %lt3A_1416 = arith.cmpi slt, %select_n3A_1409, %lt3A_1415 : i32
      %ne3A_1417 = arith.xori %lt3A_1414, %lt3A_1416 : i1
      %and3A_1418 = arith.andi %ne3A_1417, %ne3A_1412 : i1
      %add3A_1419 = arith.addi %rem3A_1410, %select_n3A_1409 : i32
      %select_n3A_1420 = arith.select %and3A_1418, %add3A_1419, %rem3A_1410 : i32
      %mul3A_1421 = arith.constant 1024 : i32
      %mul3A_1422 = arith.muli %select_n3A_1420, %mul3A_1421 : i32
      %dma_start3A_1423 = arith.constant 0 : i32
      %dma_start3A_1424 = arith.constant 0 : i32
      %dma_start3A_1425 = tpu.memref_slice %arg9[%dma_start3A_1424] : memref<51200xf32, #tpu.memory_space<vmem>> -> memref<1024xf32, #tpu.memory_space<vmem>>
      %dma_start3A_1426 = tpu.memref_slice %arg4[%dma_start3A_1423, %select_n3A_1404, %mul3A_1422] : memref<50x200x16384xf32, #tpu.memory_space<hbm>> -> memref<1x1x1024xf32, #tpu.memory_space<hbm>>
      %dma_start3A_1427 = tpu.memref_squeeze %dma_start3A_1426 : memref<1x1x1024xf32, #tpu.memory_space<hbm>> -> memref<1024xf32, #tpu.memory_space<hbm>>
      %dma_start3A_1428 = tpu.memref_slice %arg4[%dma_start3A_1423, %select_n3A_1404, %mul3A_1422] : memref<50x200x16384xf32, #tpu.memory_space<hbm>> -> memref<1x1x1024xf32, #tpu.memory_space<hbm>>
      %dma_start3A_1429 = tpu.memref_squeeze %dma_start3A_1428 : memref<1x1x1024xf32, #tpu.memory_space<hbm>> -> memref<1024xf32, #tpu.memory_space<hbm>>
      %dma_start3A_1430 = arith.constant 0 : i32
      %dma_start3A_1431 = tpu.memref_slice %arg9[%dma_start3A_1430] : memref<51200xf32, #tpu.memory_space<vmem>> -> memref<1024xf32, #tpu.memory_space<vmem>>
      tpu.enqueue_dma source(%dma_start3A_1431 : memref<1024xf32, #tpu.memory_space<vmem>>) target(%dma_start3A_1429 : memref<1024xf32, #tpu.memory_space<hbm>>) target_semaphore(%arg14 : memref<!tpu.dma_semaphore, #tpu.memory_space<semaphore_mem>>)
      %dma_start3A_1432 = arith.constant 1 : i32
      %dma_start3A_1433 = arith.constant 1024 : i32
      %dma_start3A_1434 = tpu.memref_slice %arg9[%dma_start3A_1433] : memref<51200xf32, #tpu.memory_space<vmem>> -> memref<1024xf32, #tpu.memory_space<vmem>>
      %dma_start3A_1435 = tpu.memref_slice %arg4[%dma_start3A_1432, %select_n3A_1404, %mul3A_1422] : memref<50x200x16384xf32, #tpu.memory_space<hbm>> -> memref<1x1x1024xf32, #tpu.memory_space<hbm>>
      %dma_start3A_1436 = tpu.memref_squeeze %dma_start3A_1435 : memref<1x1x1024xf32, #tpu.memory_space<hbm>> -> memref<1024xf32, #tpu.memory_space<hbm>>
      %dma_start3A_1437 = tpu.memref_slice %arg4[%dma_start3A_1432, %select_n3A_1404, %mul3A_1422] : memref<50x200x16384xf32, #tpu.memory_space<hbm>> -> memref<1x1x1024xf32, #tpu.memory_space<hbm>>
      %dma_start3A_1438 = tpu.memref_squeeze %dma_start3A_1437 : memref<1x1x1024xf32, #tpu.memory_space<hbm>> -> memref<1024xf32, #tpu.memory_space<hbm>>
      %dma_start3A_1439 = arith.constant 1024 : i32
      %dma_start3A_1440 = tpu.memref_slice %arg9[%dma_start3A_1439] : memref<51200xf32, #tpu.memory_space<vmem>> -> memref<1024xf32, #tpu.memory_space<vmem>>
      tpu.enqueue_dma source(%dma_start3A_1440 : memref<1024xf32, #tpu.memory_space<vmem>>) target(%dma_start3A_1438 : memref<1024xf32, #tpu.memory_space<hbm>>) target_semaphore(%arg14 : memref<!tpu.dma_semaphore, #tpu.memory_space<semaphore_mem>>)
      %dma_start3A_1441 = arith.constant 2 : i32
      %dma_start3A_1442 = arith.constant 2048 : i32
      %dma_start3A_1443 = tpu.memref_slice %arg9[%dma_start3A_1442] : memref<51200xf32, #tpu.memory_space<vmem>> -> memref<1024xf32, #tpu.memory_space<vmem>>
      %dma_start3A_1444 = tpu.memref_slice %arg4[%dma_start3A_1441, %select_n3A_1404, %mul3A_1422] : memref<50x200x16384xf32, #tpu.memory_space<hbm>> -> memref<1x1x1024xf32, #tpu.memory_space<hbm>>
      %dma_start3A_1445 = tpu.memref_squeeze %dma_start3A_1444 : memref<1x1x1024xf32, #tpu.memory_space<hbm>> -> memref<1024xf32, #tpu.memory_space<hbm>>
      %dma_start3A_1446 = tpu.memref_slice %arg4[%dma_start3A_1441, %select_n3A_1404, %mul3A_1422] : memref<50x200x16384xf32, #tpu.memory_space<hbm>> -> memref<1x1x1024xf32, #tpu.memory_space<hbm>>
      %dma_start3A_1447 = tpu.memref_squeeze %dma_start3A_1446 : memref<1x1x1024xf32, #tpu.memory_space<hbm>> -> memref<1024xf32, #tpu.memory_space<hbm>>
      %dma_start3A_1448 = arith.constant 2048 : i32
      %dma_start3A_1449 = tpu.memref_slice %arg9[%dma_start3A_1448] : memref<51200xf32, #tpu.memory_space<vmem>> -> memref<1024xf32, #tpu.memory_space<vmem>>
      tpu.enqueue_dma source(%dma_start3A_1449 : memref<1024xf32, #tpu.memory_space<vmem>>) target(%dma_start3A_1447 : memref<1024xf32, #tpu.memory_space<hbm>>) target_semaphore(%arg14 : memref<!tpu.dma_semaphore, #tpu.memory_space<semaphore_mem>>)
      %dma_start3A_1450 = arith.constant 3 : i32
      %dma_start3A_1451 = arith.constant 3072 : i32
      %dma_start3A_1452 = tpu.memref_slice %arg9[%dma_start3A_1451] : memref<51200xf32, #tpu.memory_space<vmem>> -> memref<1024xf32, #tpu.memory_space<vmem>>
      %dma_start3A_1453 = tpu.memref_slice %arg4[%dma_start3A_1450, %select_n3A_1404, %mul3A_1422] : memref<50x200x16384xf32, #tpu.memory_space<hbm>> -> memref<1x1x1024xf32, #tpu.memory_space<hbm>>
      %dma_start3A_1454 = tpu.memref_squeeze %dma_start3A_1453 : memref<1x1x1024xf32, #tpu.memory_space<hbm>> -> memref<1024xf32, #tpu.memory_space<hbm>>
      %dma_start3A_1455 = tpu.memref_slice %arg4[%dma_start3A_1450, %select_n3A_1404, %mul3A_1422] : memref<50x200x16384xf32, #tpu.memory_space<hbm>> -> memref<1x1x1024xf32, #tpu.memory_space<hbm>>
      %dma_start3A_1456 = tpu.memref_squeeze %dma_start3A_1455 : memref<1x1x1024xf32, #tpu.memory_space<hbm>> -> memref<1024xf32, #tpu.memory_space<hbm>>
      %dma_start3A_1457 = arith.constant 3072 : i32
      %dma_start3A_1458 = tpu.memref_slice %arg9[%dma_start3A_1457] : memref<51200xf32, #tpu.memory_space<vmem>> -> memref<1024xf32, #tpu.memory_space<vmem>>
      tpu.enqueue_dma source(%dma_start3A_1458 : memref<1024xf32, #tpu.memory_space<vmem>>) target(%dma_start3A_1456 : memref<1024xf32, #tpu.memory_space<hbm>>) target_semaphore(%arg14 : memref<!tpu.dma_semaphore, #tpu.memory_space<semaphore_mem>>)
      %dma_start3A_1459 = arith.constant 4 : i32
      %dma_start3A_1460 = arith.constant 4096 : i32
      %dma_start3A_1461 = tpu.memref_slice %arg9[%dma_start3A_1460] : memref<51200xf32, #tpu.memory_space<vmem>> -> memref<1024xf32, #tpu.memory_space<vmem>>
      %dma_start3A_1462 = tpu.memref_slice %arg4[%dma_start3A_1459, %select_n3A_1404, %mul3A_1422] : memref<50x200x16384xf32, #tpu.memory_space<hbm>> -> memref<1x1x1024xf32, #tpu.memory_space<hbm>>
      %dma_start3A_1463 = tpu.memref_squeeze %dma_start3A_1462 : memref<1x1x1024xf32, #tpu.memory_space<hbm>> -> memref<1024xf32, #tpu.memory_space<hbm>>
      %dma_start3A_1464 = tpu.memref_slice %arg4[%dma_start3A_1459, %select_n3A_1404, %mul3A_1422] : memref<50x200x16384xf32, #tpu.memory_space<hbm>> -> memref<1x1x1024xf32, #tpu.memory_space<hbm>>
      %dma_start3A_1465 = tpu.memref_squeeze %dma_start3A_1464 : memref<1x1x1024xf32, #tpu.memory_space<hbm>> -> memref<1024xf32, #tpu.memory_space<hbm>>
      %dma_start3A_1466 = arith.constant 4096 : i32
      %dma_start3A_1467 = tpu.memref_slice %arg9[%dma_start3A_1466] : memref<51200xf32, #tpu.memory_space<vmem>> -> memref<1024xf32, #tpu.memory_space<vmem>>
      tpu.enqueue_dma source(%dma_start3A_1467 : memref<1024xf32, #tpu.memory_space<vmem>>) target(%dma_start3A_1465 : memref<1024xf32, #tpu.memory_space<hbm>>) target_semaphore(%arg14 : memref<!tpu.dma_semaphore, #tpu.memory_space<semaphore_mem>>)
      %dma_start3A_1468 = arith.constant 5 : i32
      %dma_start3A_1469 = arith.constant 5120 : i32
      %dma_start3A_1470 = tpu.memref_slice %arg9[%dma_start3A_1469] : memref<51200xf32, #tpu.memory_space<vmem>> -> memref<1024xf32, #tpu.memory_space<vmem>>
      %dma_start3A_1471 = tpu.memref_slice %arg4[%dma_start3A_1468, %select_n3A_1404, %mul3A_1422] : memref<50x200x16384xf32, #tpu.memory_space<hbm>> -> memref<1x1x1024xf32, #tpu.memory_space<hbm>>
      %dma_start3A_1472 = tpu.memref_squeeze %dma_start3A_1471 : memref<1x1x1024xf32, #tpu.memory_space<hbm>> -> memref<1024xf32, #tpu.memory_space<hbm>>
      %dma_start3A_1473 = tpu.memref_slice %arg4[%dma_start3A_1468, %select_n3A_1404, %mul3A_1422] : memref<50x200x16384xf32, #tpu.memory_space<hbm>> -> memref<1x1x1024xf32, #tpu.memory_space<hbm>>
      %dma_start3A_1474 = tpu.memref_squeeze %dma_start3A_1473 : memref<1x1x1024xf32, #tpu.memory_space<hbm>> -> memref<1024xf32, #tpu.memory_space<hbm>>
      %dma_start3A_1475 = arith.constant 5120 : i32
      %dma_start3A_1476 = tpu.memref_slice %arg9[%dma_start3A_1475] : memref<51200xf32, #tpu.memory_space<vmem>> -> memref<1024xf32, #tpu.memory_space<vmem>>
      tpu.enqueue_dma source(%dma_start3A_1476 : memref<1024xf32, #tpu.memory_space<vmem>>) target(%dma_start3A_1474 : memref<1024xf32, #tpu.memory_space<hbm>>) target_semaphore(%arg14 : memref<!tpu.dma_semaphore, #tpu.memory_space<semaphore_mem>>)
      %dma_start3A_1477 = arith.constant 6 : i32
      %dma_start3A_1478 = arith.constant 6144 : i32
      %dma_start3A_1479 = tpu.memref_slice %arg9[%dma_start3A_1478] : memref<51200xf32, #tpu.memory_space<vmem>> -> memref<1024xf32, #tpu.memory_space<vmem>>
      %dma_start3A_1480 = tpu.memref_slice %arg4[%dma_start3A_1477, %select_n3A_1404, %mul3A_1422] : memref<50x200x16384xf32, #tpu.memory_space<hbm>> -> memref<1x1x1024xf32, #tpu.memory_space<hbm>>
      %dma_start3A_1481 = tpu.memref_squeeze %dma_start3A_1480 : memref<1x1x1024xf32, #tpu.memory_space<hbm>> -> memref<1024xf32, #tpu.memory_space<hbm>>
      %dma_start3A_1482 = tpu.memref_slice %arg4[%dma_start3A_1477, %select_n3A_1404, %mul3A_1422] : memref<50x200x16384xf32, #tpu.memory_space<hbm>> -> memref<1x1x1024xf32, #tpu.memory_space<hbm>>
      %dma_start3A_1483 = tpu.memref_squeeze %dma_start3A_1482 : memref<1x1x1024xf32, #tpu.memory_space<hbm>> -> memref<1024xf32, #tpu.memory_space<hbm>>
      %dma_start3A_1484 = arith.constant 6144 : i32
      %dma_start3A_1485 = tpu.memref_slice %arg9[%dma_start3A_1484] : memref<51200xf32, #tpu.memory_space<vmem>> -> memref<1024xf32, #tpu.memory_space<vmem>>
      tpu.enqueue_dma source(%dma_start3A_1485 : memref<1024xf32, #tpu.memory_space<vmem>>) target(%dma_start3A_1483 : memref<1024xf32, #tpu.memory_space<hbm>>) target_semaphore(%arg14 : memref<!tpu.dma_semaphore, #tpu.memory_space<semaphore_mem>>)
      %dma_start3A_1486 = arith.constant 7 : i32
      %dma_start3A_1487 = arith.constant 7168 : i32
      %dma_start3A_1488 = tpu.memref_slice %arg9[%dma_start3A_1487] : memref<51200xf32, #tpu.memory_space<vmem>> -> memref<1024xf32, #tpu.memory_space<vmem>>
      %dma_start3A_1489 = tpu.memref_slice %arg4[%dma_start3A_1486, %select_n3A_1404, %mul3A_1422] : memref<50x200x16384xf32, #tpu.memory_space<hbm>> -> memref<1x1x1024xf32, #tpu.memory_space<hbm>>
      %dma_start3A_1490 = tpu.memref_squeeze %dma_start3A_1489 : memref<1x1x1024xf32, #tpu.memory_space<hbm>> -> memref<1024xf32, #tpu.memory_space<hbm>>
      %dma_start3A_1491 = tpu.memref_slice %arg4[%dma_start3A_1486, %select_n3A_1404, %mul3A_1422] : memref<50x200x16384xf32, #tpu.memory_space<hbm>> -> memref<1x1x1024xf32, #tpu.memory_space<hbm>>
      %dma_start3A_1492 = tpu.memref_squeeze %dma_start3A_1491 : memref<1x1x1024xf32, #tpu.memory_space<hbm>> -> memref<1024xf32, #tpu.memory_space<hbm>>
      %dma_start3A_1493 = arith.constant 7168 : i32
      %dma_start3A_1494 = tpu.memref_slice %arg9[%dma_start3A_1493] : memref<51200xf32, #tpu.memory_space<vmem>> -> memref<1024xf32, #tpu.memory_space<vmem>>
      tpu.enqueue_dma source(%dma_start3A_1494 : memref<1024xf32, #tpu.memory_space<vmem>>) target(%dma_start3A_1492 : memref<1024xf32, #tpu.memory_space<hbm>>) target_semaphore(%arg14 : memref<!tpu.dma_semaphore, #tpu.memory_space<semaphore_mem>>)
      %dma_start3A_1495 = arith.constant 8 : i32
      %dma_start3A_1496 = arith.constant 8192 : i32
      %dma_start3A_1497 = tpu.memref_slice %arg9[%dma_start3A_1496] : memref<51200xf32, #tpu.memory_space<vmem>> -> memref<1024xf32, #tpu.memory_space<vmem>>
      %dma_start3A_1498 = tpu.memref_slice %arg4[%dma_start3A_1495, %select_n3A_1404, %mul3A_1422] : memref<50x200x16384xf32, #tpu.memory_space<hbm>> -> memref<1x1x1024xf32, #tpu.memory_space<hbm>>
      %dma_start3A_1499 = tpu.memref_squeeze %dma_start3A_1498 : memref<1x1x1024xf32, #tpu.memory_space<hbm>> -> memref<1024xf32, #tpu.memory_space<hbm>>
      %dma_start3A_1500 = tpu.memref_slice %arg4[%dma_start3A_1495, %select_n3A_1404, %mul3A_1422] : memref<50x200x16384xf32, #tpu.memory_space<hbm>> -> memref<1x1x1024xf32, #tpu.memory_space<hbm>>
      %dma_start3A_1501 = tpu.memref_squeeze %dma_start3A_1500 : memref<1x1x1024xf32, #tpu.memory_space<hbm>> -> memref<1024xf32, #tpu.memory_space<hbm>>
      %dma_start3A_1502 = arith.constant 8192 : i32
      %dma_start3A_1503 = tpu.memref_slice %arg9[%dma_start3A_1502] : memref<51200xf32, #tpu.memory_space<vmem>> -> memref<1024xf32, #tpu.memory_space<vmem>>
      tpu.enqueue_dma source(%dma_start3A_1503 : memref<1024xf32, #tpu.memory_space<vmem>>) target(%dma_start3A_1501 : memref<1024xf32, #tpu.memory_space<hbm>>) target_semaphore(%arg14 : memref<!tpu.dma_semaphore, #tpu.memory_space<semaphore_mem>>)
      %dma_start3A_1504 = arith.constant 9 : i32
      %dma_start3A_1505 = arith.constant 9216 : i32
      %dma_start3A_1506 = tpu.memref_slice %arg9[%dma_start3A_1505] : memref<51200xf32, #tpu.memory_space<vmem>> -> memref<1024xf32, #tpu.memory_space<vmem>>
      %dma_start3A_1507 = tpu.memref_slice %arg4[%dma_start3A_1504, %select_n3A_1404, %mul3A_1422] : memref<50x200x16384xf32, #tpu.memory_space<hbm>> -> memref<1x1x1024xf32, #tpu.memory_space<hbm>>
      %dma_start3A_1508 = tpu.memref_squeeze %dma_start3A_1507 : memref<1x1x1024xf32, #tpu.memory_space<hbm>> -> memref<1024xf32, #tpu.memory_space<hbm>>
      %dma_start3A_1509 = tpu.memref_slice %arg4[%dma_start3A_1504, %select_n3A_1404, %mul3A_1422] : memref<50x200x16384xf32, #tpu.memory_space<hbm>> -> memref<1x1x1024xf32, #tpu.memory_space<hbm>>
      %dma_start3A_1510 = tpu.memref_squeeze %dma_start3A_1509 : memref<1x1x1024xf32, #tpu.memory_space<hbm>> -> memref<1024xf32, #tpu.memory_space<hbm>>
      %dma_start3A_1511 = arith.constant 9216 : i32
      %dma_start3A_1512 = tpu.memref_slice %arg9[%dma_start3A_1511] : memref<51200xf32, #tpu.memory_space<vmem>> -> memref<1024xf32, #tpu.memory_space<vmem>>
      tpu.enqueue_dma source(%dma_start3A_1512 : memref<1024xf32, #tpu.memory_space<vmem>>) target(%dma_start3A_1510 : memref<1024xf32, #tpu.memory_space<hbm>>) target_semaphore(%arg14 : memref<!tpu.dma_semaphore, #tpu.memory_space<semaphore_mem>>)
      %dma_start3A_1513 = arith.constant 10 : i32
      %dma_start3A_1514 = arith.constant 10240 : i32
      %dma_start3A_1515 = tpu.memref_slice %arg9[%dma_start3A_1514] : memref<51200xf32, #tpu.memory_space<vmem>> -> memref<1024xf32, #tpu.memory_space<vmem>>
      %dma_start3A_1516 = tpu.memref_slice %arg4[%dma_start3A_1513, %select_n3A_1404, %mul3A_1422] : memref<50x200x16384xf32, #tpu.memory_space<hbm>> -> memref<1x1x1024xf32, #tpu.memory_space<hbm>>
      %dma_start3A_1517 = tpu.memref_squeeze %dma_start3A_1516 : memref<1x1x1024xf32, #tpu.memory_space<hbm>> -> memref<1024xf32, #tpu.memory_space<hbm>>
      %dma_start3A_1518 = tpu.memref_slice %arg4[%dma_start3A_1513, %select_n3A_1404, %mul3A_1422] : memref<50x200x16384xf32, #tpu.memory_space<hbm>> -> memref<1x1x1024xf32, #tpu.memory_space<hbm>>
      %dma_start3A_1519 = tpu.memref_squeeze %dma_start3A_1518 : memref<1x1x1024xf32, #tpu.memory_space<hbm>> -> memref<1024xf32, #tpu.memory_space<hbm>>
      %dma_start3A_1520 = arith.constant 10240 : i32
      %dma_start3A_1521 = tpu.memref_slice %arg9[%dma_start3A_1520] : memref<51200xf32, #tpu.memory_space<vmem>> -> memref<1024xf32, #tpu.memory_space<vmem>>
      tpu.enqueue_dma source(%dma_start3A_1521 : memref<1024xf32, #tpu.memory_space<vmem>>) target(%dma_start3A_1519 : memref<1024xf32, #tpu.memory_space<hbm>>) target_semaphore(%arg14 : memref<!tpu.dma_semaphore, #tpu.memory_space<semaphore_mem>>)
      %dma_start3A_1522 = arith.constant 11 : i32
      %dma_start3A_1523 = arith.constant 11264 : i32
      %dma_start3A_1524 = tpu.memref_slice %arg9[%dma_start3A_1523] : memref<51200xf32, #tpu.memory_space<vmem>> -> memref<1024xf32, #tpu.memory_space<vmem>>
      %dma_start3A_1525 = tpu.memref_slice %arg4[%dma_start3A_1522, %select_n3A_1404, %mul3A_1422] : memref<50x200x16384xf32, #tpu.memory_space<hbm>> -> memref<1x1x1024xf32, #tpu.memory_space<hbm>>
      %dma_start3A_1526 = tpu.memref_squeeze %dma_start3A_1525 : memref<1x1x1024xf32, #tpu.memory_space<hbm>> -> memref<1024xf32, #tpu.memory_space<hbm>>
      %dma_start3A_1527 = tpu.memref_slice %arg4[%dma_start3A_1522, %select_n3A_1404, %mul3A_1422] : memref<50x200x16384xf32, #tpu.memory_space<hbm>> -> memref<1x1x1024xf32, #tpu.memory_space<hbm>>
      %dma_start3A_1528 = tpu.memref_squeeze %dma_start3A_1527 : memref<1x1x1024xf32, #tpu.memory_space<hbm>> -> memref<1024xf32, #tpu.memory_space<hbm>>
      %dma_start3A_1529 = arith.constant 11264 : i32
      %dma_start3A_1530 = tpu.memref_slice %arg9[%dma_start3A_1529] : memref<51200xf32, #tpu.memory_space<vmem>> -> memref<1024xf32, #tpu.memory_space<vmem>>
      tpu.enqueue_dma source(%dma_start3A_1530 : memref<1024xf32, #tpu.memory_space<vmem>>) target(%dma_start3A_1528 : memref<1024xf32, #tpu.memory_space<hbm>>) target_semaphore(%arg14 : memref<!tpu.dma_semaphore, #tpu.memory_space<semaphore_mem>>)
      %dma_start3A_1531 = arith.constant 12 : i32
      %dma_start3A_1532 = arith.constant 12288 : i32
      %dma_start3A_1533 = tpu.memref_slice %arg9[%dma_start3A_1532] : memref<51200xf32, #tpu.memory_space<vmem>> -> memref<1024xf32, #tpu.memory_space<vmem>>
      %dma_start3A_1534 = tpu.memref_slice %arg4[%dma_start3A_1531, %select_n3A_1404, %mul3A_1422] : memref<50x200x16384xf32, #tpu.memory_space<hbm>> -> memref<1x1x1024xf32, #tpu.memory_space<hbm>>
      %dma_start3A_1535 = tpu.memref_squeeze %dma_start3A_1534 : memref<1x1x1024xf32, #tpu.memory_space<hbm>> -> memref<1024xf32, #tpu.memory_space<hbm>>
      %dma_start3A_1536 = tpu.memref_slice %arg4[%dma_start3A_1531, %select_n3A_1404, %mul3A_1422] : memref<50x200x16384xf32, #tpu.memory_space<hbm>> -> memref<1x1x1024xf32, #tpu.memory_space<hbm>>
      %dma_start3A_1537 = tpu.memref_squeeze %dma_start3A_1536 : memref<1x1x1024xf32, #tpu.memory_space<hbm>> -> memref<1024xf32, #tpu.memory_space<hbm>>
      %dma_start3A_1538 = arith.constant 12288 : i32
      %dma_start3A_1539 = tpu.memref_slice %arg9[%dma_start3A_1538] : memref<51200xf32, #tpu.memory_space<vmem>> -> memref<1024xf32, #tpu.memory_space<vmem>>
      tpu.enqueue_dma source(%dma_start3A_1539 : memref<1024xf32, #tpu.memory_space<vmem>>) target(%dma_start3A_1537 : memref<1024xf32, #tpu.memory_space<hbm>>) target_semaphore(%arg14 : memref<!tpu.dma_semaphore, #tpu.memory_space<semaphore_mem>>)
      %dma_start3A_1540 = arith.constant 13 : i32
      %dma_start3A_1541 = arith.constant 13312 : i32
      %dma_start3A_1542 = tpu.memref_slice %arg9[%dma_start3A_1541] : memref<51200xf32, #tpu.memory_space<vmem>> -> memref<1024xf32, #tpu.memory_space<vmem>>
      %dma_start3A_1543 = tpu.memref_slice %arg4[%dma_start3A_1540, %select_n3A_1404, %mul3A_1422] : memref<50x200x16384xf32, #tpu.memory_space<hbm>> -> memref<1x1x1024xf32, #tpu.memory_space<hbm>>
      %dma_start3A_1544 = tpu.memref_squeeze %dma_start3A_1543 : memref<1x1x1024xf32, #tpu.memory_space<hbm>> -> memref<1024xf32, #tpu.memory_space<hbm>>
      %dma_start3A_1545 = tpu.memref_slice %arg4[%dma_start3A_1540, %select_n3A_1404, %mul3A_1422] : memref<50x200x16384xf32, #tpu.memory_space<hbm>> -> memref<1x1x1024xf32, #tpu.memory_space<hbm>>
      %dma_start3A_1546 = tpu.memref_squeeze %dma_start3A_1545 : memref<1x1x1024xf32, #tpu.memory_space<hbm>> -> memref<1024xf32, #tpu.memory_space<hbm>>
      %dma_start3A_1547 = arith.constant 13312 : i32
      %dma_start3A_1548 = tpu.memref_slice %arg9[%dma_start3A_1547] : memref<51200xf32, #tpu.memory_space<vmem>> -> memref<1024xf32, #tpu.memory_space<vmem>>
      tpu.enqueue_dma source(%dma_start3A_1548 : memref<1024xf32, #tpu.memory_space<vmem>>) target(%dma_start3A_1546 : memref<1024xf32, #tpu.memory_space<hbm>>) target_semaphore(%arg14 : memref<!tpu.dma_semaphore, #tpu.memory_space<semaphore_mem>>)
      %dma_start3A_1549 = arith.constant 14 : i32
      %dma_start3A_1550 = arith.constant 14336 : i32
      %dma_start3A_1551 = tpu.memref_slice %arg9[%dma_start3A_1550] : memref<51200xf32, #tpu.memory_space<vmem>> -> memref<1024xf32, #tpu.memory_space<vmem>>
      %dma_start3A_1552 = tpu.memref_slice %arg4[%dma_start3A_1549, %select_n3A_1404, %mul3A_1422] : memref<50x200x16384xf32, #tpu.memory_space<hbm>> -> memref<1x1x1024xf32, #tpu.memory_space<hbm>>
      %dma_start3A_1553 = tpu.memref_squeeze %dma_start3A_1552 : memref<1x1x1024xf32, #tpu.memory_space<hbm>> -> memref<1024xf32, #tpu.memory_space<hbm>>
      %dma_start3A_1554 = tpu.memref_slice %arg4[%dma_start3A_1549, %select_n3A_1404, %mul3A_1422] : memref<50x200x16384xf32, #tpu.memory_space<hbm>> -> memref<1x1x1024xf32, #tpu.memory_space<hbm>>
      %dma_start3A_1555 = tpu.memref_squeeze %dma_start3A_1554 : memref<1x1x1024xf32, #tpu.memory_space<hbm>> -> memref<1024xf32, #tpu.memory_space<hbm>>
      %dma_start3A_1556 = arith.constant 14336 : i32
      %dma_start3A_1557 = tpu.memref_slice %arg9[%dma_start3A_1556] : memref<51200xf32, #tpu.memory_space<vmem>> -> memref<1024xf32, #tpu.memory_space<vmem>>
      tpu.enqueue_dma source(%dma_start3A_1557 : memref<1024xf32, #tpu.memory_space<vmem>>) target(%dma_start3A_1555 : memref<1024xf32, #tpu.memory_space<hbm>>) target_semaphore(%arg14 : memref<!tpu.dma_semaphore, #tpu.memory_space<semaphore_mem>>)
      %dma_start3A_1558 = arith.constant 15 : i32
      %dma_start3A_1559 = arith.constant 15360 : i32
      %dma_start3A_1560 = tpu.memref_slice %arg9[%dma_start3A_1559] : memref<51200xf32, #tpu.memory_space<vmem>> -> memref<1024xf32, #tpu.memory_space<vmem>>
      %dma_start3A_1561 = tpu.memref_slice %arg4[%dma_start3A_1558, %select_n3A_1404, %mul3A_1422] : memref<50x200x16384xf32, #tpu.memory_space<hbm>> -> memref<1x1x1024xf32, #tpu.memory_space<hbm>>
      %dma_start3A_1562 = tpu.memref_squeeze %dma_start3A_1561 : memref<1x1x1024xf32, #tpu.memory_space<hbm>> -> memref<1024xf32, #tpu.memory_space<hbm>>
      %dma_start3A_1563 = tpu.memref_slice %arg4[%dma_start3A_1558, %select_n3A_1404, %mul3A_1422] : memref<50x200x16384xf32, #tpu.memory_space<hbm>> -> memref<1x1x1024xf32, #tpu.memory_space<hbm>>
      %dma_start3A_1564 = tpu.memref_squeeze %dma_start3A_1563 : memref<1x1x1024xf32, #tpu.memory_space<hbm>> -> memref<1024xf32, #tpu.memory_space<hbm>>
      %dma_start3A_1565 = arith.constant 15360 : i32
      %dma_start3A_1566 = tpu.memref_slice %arg9[%dma_start3A_1565] : memref<51200xf32, #tpu.memory_space<vmem>> -> memref<1024xf32, #tpu.memory_space<vmem>>
      tpu.enqueue_dma source(%dma_start3A_1566 : memref<1024xf32, #tpu.memory_space<vmem>>) target(%dma_start3A_1564 : memref<1024xf32, #tpu.memory_space<hbm>>) target_semaphore(%arg14 : memref<!tpu.dma_semaphore, #tpu.memory_space<semaphore_mem>>)
      %dma_start3A_1567 = arith.constant 16 : i32
      %dma_start3A_1568 = arith.constant 16384 : i32
      %dma_start3A_1569 = tpu.memref_slice %arg9[%dma_start3A_1568] : memref<51200xf32, #tpu.memory_space<vmem>> -> memref<1024xf32, #tpu.memory_space<vmem>>
      %dma_start3A_1570 = tpu.memref_slice %arg4[%dma_start3A_1567, %select_n3A_1404, %mul3A_1422] : memref<50x200x16384xf32, #tpu.memory_space<hbm>> -> memref<1x1x1024xf32, #tpu.memory_space<hbm>>
      %dma_start3A_1571 = tpu.memref_squeeze %dma_start3A_1570 : memref<1x1x1024xf32, #tpu.memory_space<hbm>> -> memref<1024xf32, #tpu.memory_space<hbm>>
      %dma_start3A_1572 = tpu.memref_slice %arg4[%dma_start3A_1567, %select_n3A_1404, %mul3A_1422] : memref<50x200x16384xf32, #tpu.memory_space<hbm>> -> memref<1x1x1024xf32, #tpu.memory_space<hbm>>
      %dma_start3A_1573 = tpu.memref_squeeze %dma_start3A_1572 : memref<1x1x1024xf32, #tpu.memory_space<hbm>> -> memref<1024xf32, #tpu.memory_space<hbm>>
      %dma_start3A_1574 = arith.constant 16384 : i32
      %dma_start3A_1575 = tpu.memref_slice %arg9[%dma_start3A_1574] : memref<51200xf32, #tpu.memory_space<vmem>> -> memref<1024xf32, #tpu.memory_space<vmem>>
      tpu.enqueue_dma source(%dma_start3A_1575 : memref<1024xf32, #tpu.memory_space<vmem>>) target(%dma_start3A_1573 : memref<1024xf32, #tpu.memory_space<hbm>>) target_semaphore(%arg14 : memref<!tpu.dma_semaphore, #tpu.memory_space<semaphore_mem>>)
      %dma_start3A_1576 = arith.constant 17 : i32
      %dma_start3A_1577 = arith.constant 17408 : i32
      %dma_start3A_1578 = tpu.memref_slice %arg9[%dma_start3A_1577] : memref<51200xf32, #tpu.memory_space<vmem>> -> memref<1024xf32, #tpu.memory_space<vmem>>
      %dma_start3A_1579 = tpu.memref_slice %arg4[%dma_start3A_1576, %select_n3A_1404, %mul3A_1422] : memref<50x200x16384xf32, #tpu.memory_space<hbm>> -> memref<1x1x1024xf32, #tpu.memory_space<hbm>>
      %dma_start3A_1580 = tpu.memref_squeeze %dma_start3A_1579 : memref<1x1x1024xf32, #tpu.memory_space<hbm>> -> memref<1024xf32, #tpu.memory_space<hbm>>
      %dma_start3A_1581 = tpu.memref_slice %arg4[%dma_start3A_1576, %select_n3A_1404, %mul3A_1422] : memref<50x200x16384xf32, #tpu.memory_space<hbm>> -> memref<1x1x1024xf32, #tpu.memory_space<hbm>>
      %dma_start3A_1582 = tpu.memref_squeeze %dma_start3A_1581 : memref<1x1x1024xf32, #tpu.memory_space<hbm>> -> memref<1024xf32, #tpu.memory_space<hbm>>
      %dma_start3A_1583 = arith.constant 17408 : i32
      %dma_start3A_1584 = tpu.memref_slice %arg9[%dma_start3A_1583] : memref<51200xf32, #tpu.memory_space<vmem>> -> memref<1024xf32, #tpu.memory_space<vmem>>
      tpu.enqueue_dma source(%dma_start3A_1584 : memref<1024xf32, #tpu.memory_space<vmem>>) target(%dma_start3A_1582 : memref<1024xf32, #tpu.memory_space<hbm>>) target_semaphore(%arg14 : memref<!tpu.dma_semaphore, #tpu.memory_space<semaphore_mem>>)
      %dma_start3A_1585 = arith.constant 18 : i32
      %dma_start3A_1586 = arith.constant 18432 : i32
      %dma_start3A_1587 = tpu.memref_slice %arg9[%dma_start3A_1586] : memref<51200xf32, #tpu.memory_space<vmem>> -> memref<1024xf32, #tpu.memory_space<vmem>>
      %dma_start3A_1588 = tpu.memref_slice %arg4[%dma_start3A_1585, %select_n3A_1404, %mul3A_1422] : memref<50x200x16384xf32, #tpu.memory_space<hbm>> -> memref<1x1x1024xf32, #tpu.memory_space<hbm>>
      %dma_start3A_1589 = tpu.memref_squeeze %dma_start3A_1588 : memref<1x1x1024xf32, #tpu.memory_space<hbm>> -> memref<1024xf32, #tpu.memory_space<hbm>>
      %dma_start3A_1590 = tpu.memref_slice %arg4[%dma_start3A_1585, %select_n3A_1404, %mul3A_1422] : memref<50x200x16384xf32, #tpu.memory_space<hbm>> -> memref<1x1x1024xf32, #tpu.memory_space<hbm>>
      %dma_start3A_1591 = tpu.memref_squeeze %dma_start3A_1590 : memref<1x1x1024xf32, #tpu.memory_space<hbm>> -> memref<1024xf32, #tpu.memory_space<hbm>>
      %dma_start3A_1592 = arith.constant 18432 : i32
      %dma_start3A_1593 = tpu.memref_slice %arg9[%dma_start3A_1592] : memref<51200xf32, #tpu.memory_space<vmem>> -> memref<1024xf32, #tpu.memory_space<vmem>>
      tpu.enqueue_dma source(%dma_start3A_1593 : memref<1024xf32, #tpu.memory_space<vmem>>) target(%dma_start3A_1591 : memref<1024xf32, #tpu.memory_space<hbm>>) target_semaphore(%arg14 : memref<!tpu.dma_semaphore, #tpu.memory_space<semaphore_mem>>)
      %dma_start3A_1594 = arith.constant 19 : i32
      %dma_start3A_1595 = arith.constant 19456 : i32
      %dma_start3A_1596 = tpu.memref_slice %arg9[%dma_start3A_1595] : memref<51200xf32, #tpu.memory_space<vmem>> -> memref<1024xf32, #tpu.memory_space<vmem>>
      %dma_start3A_1597 = tpu.memref_slice %arg4[%dma_start3A_1594, %select_n3A_1404, %mul3A_1422] : memref<50x200x16384xf32, #tpu.memory_space<hbm>> -> memref<1x1x1024xf32, #tpu.memory_space<hbm>>
      %dma_start3A_1598 = tpu.memref_squeeze %dma_start3A_1597 : memref<1x1x1024xf32, #tpu.memory_space<hbm>> -> memref<1024xf32, #tpu.memory_space<hbm>>
      %dma_start3A_1599 = tpu.memref_slice %arg4[%dma_start3A_1594, %select_n3A_1404, %mul3A_1422] : memref<50x200x16384xf32, #tpu.memory_space<hbm>> -> memref<1x1x1024xf32, #tpu.memory_space<hbm>>
      %dma_start3A_1600 = tpu.memref_squeeze %dma_start3A_1599 : memref<1x1x1024xf32, #tpu.memory_space<hbm>> -> memref<1024xf32, #tpu.memory_space<hbm>>
      %dma_start3A_1601 = arith.constant 19456 : i32
      %dma_start3A_1602 = tpu.memref_slice %arg9[%dma_start3A_1601] : memref<51200xf32, #tpu.memory_space<vmem>> -> memref<1024xf32, #tpu.memory_space<vmem>>
      tpu.enqueue_dma source(%dma_start3A_1602 : memref<1024xf32, #tpu.memory_space<vmem>>) target(%dma_start3A_1600 : memref<1024xf32, #tpu.memory_space<hbm>>) target_semaphore(%arg14 : memref<!tpu.dma_semaphore, #tpu.memory_space<semaphore_mem>>)
      %dma_start3A_1603 = arith.constant 20 : i32
      %dma_start3A_1604 = arith.constant 20480 : i32
      %dma_start3A_1605 = tpu.memref_slice %arg9[%dma_start3A_1604] : memref<51200xf32, #tpu.memory_space<vmem>> -> memref<1024xf32, #tpu.memory_space<vmem>>
      %dma_start3A_1606 = tpu.memref_slice %arg4[%dma_start3A_1603, %select_n3A_1404, %mul3A_1422] : memref<50x200x16384xf32, #tpu.memory_space<hbm>> -> memref<1x1x1024xf32, #tpu.memory_space<hbm>>
      %dma_start3A_1607 = tpu.memref_squeeze %dma_start3A_1606 : memref<1x1x1024xf32, #tpu.memory_space<hbm>> -> memref<1024xf32, #tpu.memory_space<hbm>>
      %dma_start3A_1608 = tpu.memref_slice %arg4[%dma_start3A_1603, %select_n3A_1404, %mul3A_1422] : memref<50x200x16384xf32, #tpu.memory_space<hbm>> -> memref<1x1x1024xf32, #tpu.memory_space<hbm>>
      %dma_start3A_1609 = tpu.memref_squeeze %dma_start3A_1608 : memref<1x1x1024xf32, #tpu.memory_space<hbm>> -> memref<1024xf32, #tpu.memory_space<hbm>>
      %dma_start3A_1610 = arith.constant 20480 : i32
      %dma_start3A_1611 = tpu.memref_slice %arg9[%dma_start3A_1610] : memref<51200xf32, #tpu.memory_space<vmem>> -> memref<1024xf32, #tpu.memory_space<vmem>>
      tpu.enqueue_dma source(%dma_start3A_1611 : memref<1024xf32, #tpu.memory_space<vmem>>) target(%dma_start3A_1609 : memref<1024xf32, #tpu.memory_space<hbm>>) target_semaphore(%arg14 : memref<!tpu.dma_semaphore, #tpu.memory_space<semaphore_mem>>)
      %dma_start3A_1612 = arith.constant 21 : i32
      %dma_start3A_1613 = arith.constant 21504 : i32
      %dma_start3A_1614 = tpu.memref_slice %arg9[%dma_start3A_1613] : memref<51200xf32, #tpu.memory_space<vmem>> -> memref<1024xf32, #tpu.memory_space<vmem>>
      %dma_start3A_1615 = tpu.memref_slice %arg4[%dma_start3A_1612, %select_n3A_1404, %mul3A_1422] : memref<50x200x16384xf32, #tpu.memory_space<hbm>> -> memref<1x1x1024xf32, #tpu.memory_space<hbm>>
      %dma_start3A_1616 = tpu.memref_squeeze %dma_start3A_1615 : memref<1x1x1024xf32, #tpu.memory_space<hbm>> -> memref<1024xf32, #tpu.memory_space<hbm>>
      %dma_start3A_1617 = tpu.memref_slice %arg4[%dma_start3A_1612, %select_n3A_1404, %mul3A_1422] : memref<50x200x16384xf32, #tpu.memory_space<hbm>> -> memref<1x1x1024xf32, #tpu.memory_space<hbm>>
      %dma_start3A_1618 = tpu.memref_squeeze %dma_start3A_1617 : memref<1x1x1024xf32, #tpu.memory_space<hbm>> -> memref<1024xf32, #tpu.memory_space<hbm>>
      %dma_start3A_1619 = arith.constant 21504 : i32
      %dma_start3A_1620 = tpu.memref_slice %arg9[%dma_start3A_1619] : memref<51200xf32, #tpu.memory_space<vmem>> -> memref<1024xf32, #tpu.memory_space<vmem>>
      tpu.enqueue_dma source(%dma_start3A_1620 : memref<1024xf32, #tpu.memory_space<vmem>>) target(%dma_start3A_1618 : memref<1024xf32, #tpu.memory_space<hbm>>) target_semaphore(%arg14 : memref<!tpu.dma_semaphore, #tpu.memory_space<semaphore_mem>>)
      %dma_start3A_1621 = arith.constant 22 : i32
      %dma_start3A_1622 = arith.constant 22528 : i32
      %dma_start3A_1623 = tpu.memref_slice %arg9[%dma_start3A_1622] : memref<51200xf32, #tpu.memory_space<vmem>> -> memref<1024xf32, #tpu.memory_space<vmem>>
      %dma_start3A_1624 = tpu.memref_slice %arg4[%dma_start3A_1621, %select_n3A_1404, %mul3A_1422] : memref<50x200x16384xf32, #tpu.memory_space<hbm>> -> memref<1x1x1024xf32, #tpu.memory_space<hbm>>
      %dma_start3A_1625 = tpu.memref_squeeze %dma_start3A_1624 : memref<1x1x1024xf32, #tpu.memory_space<hbm>> -> memref<1024xf32, #tpu.memory_space<hbm>>
      %dma_start3A_1626 = tpu.memref_slice %arg4[%dma_start3A_1621, %select_n3A_1404, %mul3A_1422] : memref<50x200x16384xf32, #tpu.memory_space<hbm>> -> memref<1x1x1024xf32, #tpu.memory_space<hbm>>
      %dma_start3A_1627 = tpu.memref_squeeze %dma_start3A_1626 : memref<1x1x1024xf32, #tpu.memory_space<hbm>> -> memref<1024xf32, #tpu.memory_space<hbm>>
      %dma_start3A_1628 = arith.constant 22528 : i32
      %dma_start3A_1629 = tpu.memref_slice %arg9[%dma_start3A_1628] : memref<51200xf32, #tpu.memory_space<vmem>> -> memref<1024xf32, #tpu.memory_space<vmem>>
      tpu.enqueue_dma source(%dma_start3A_1629 : memref<1024xf32, #tpu.memory_space<vmem>>) target(%dma_start3A_1627 : memref<1024xf32, #tpu.memory_space<hbm>>) target_semaphore(%arg14 : memref<!tpu.dma_semaphore, #tpu.memory_space<semaphore_mem>>)
      %dma_start3A_1630 = arith.constant 23 : i32
      %dma_start3A_1631 = arith.constant 23552 : i32
      %dma_start3A_1632 = tpu.memref_slice %arg9[%dma_start3A_1631] : memref<51200xf32, #tpu.memory_space<vmem>> -> memref<1024xf32, #tpu.memory_space<vmem>>
      %dma_start3A_1633 = tpu.memref_slice %arg4[%dma_start3A_1630, %select_n3A_1404, %mul3A_1422] : memref<50x200x16384xf32, #tpu.memory_space<hbm>> -> memref<1x1x1024xf32, #tpu.memory_space<hbm>>
      %dma_start3A_1634 = tpu.memref_squeeze %dma_start3A_1633 : memref<1x1x1024xf32, #tpu.memory_space<hbm>> -> memref<1024xf32, #tpu.memory_space<hbm>>
      %dma_start3A_1635 = tpu.memref_slice %arg4[%dma_start3A_1630, %select_n3A_1404, %mul3A_1422] : memref<50x200x16384xf32, #tpu.memory_space<hbm>> -> memref<1x1x1024xf32, #tpu.memory_space<hbm>>
      %dma_start3A_1636 = tpu.memref_squeeze %dma_start3A_1635 : memref<1x1x1024xf32, #tpu.memory_space<hbm>> -> memref<1024xf32, #tpu.memory_space<hbm>>
      %dma_start3A_1637 = arith.constant 23552 : i32
      %dma_start3A_1638 = tpu.memref_slice %arg9[%dma_start3A_1637] : memref<51200xf32, #tpu.memory_space<vmem>> -> memref<1024xf32, #tpu.memory_space<vmem>>
      tpu.enqueue_dma source(%dma_start3A_1638 : memref<1024xf32, #tpu.memory_space<vmem>>) target(%dma_start3A_1636 : memref<1024xf32, #tpu.memory_space<hbm>>) target_semaphore(%arg14 : memref<!tpu.dma_semaphore, #tpu.memory_space<semaphore_mem>>)
      %dma_start3A_1639 = arith.constant 24 : i32
      %dma_start3A_1640 = arith.constant 24576 : i32
      %dma_start3A_1641 = tpu.memref_slice %arg9[%dma_start3A_1640] : memref<51200xf32, #tpu.memory_space<vmem>> -> memref<1024xf32, #tpu.memory_space<vmem>>
      %dma_start3A_1642 = tpu.memref_slice %arg4[%dma_start3A_1639, %select_n3A_1404, %mul3A_1422] : memref<50x200x16384xf32, #tpu.memory_space<hbm>> -> memref<1x1x1024xf32, #tpu.memory_space<hbm>>
      %dma_start3A_1643 = tpu.memref_squeeze %dma_start3A_1642 : memref<1x1x1024xf32, #tpu.memory_space<hbm>> -> memref<1024xf32, #tpu.memory_space<hbm>>
      %dma_start3A_1644 = tpu.memref_slice %arg4[%dma_start3A_1639, %select_n3A_1404, %mul3A_1422] : memref<50x200x16384xf32, #tpu.memory_space<hbm>> -> memref<1x1x1024xf32, #tpu.memory_space<hbm>>
      %dma_start3A_1645 = tpu.memref_squeeze %dma_start3A_1644 : memref<1x1x1024xf32, #tpu.memory_space<hbm>> -> memref<1024xf32, #tpu.memory_space<hbm>>
      %dma_start3A_1646 = arith.constant 24576 : i32
      %dma_start3A_1647 = tpu.memref_slice %arg9[%dma_start3A_1646] : memref<51200xf32, #tpu.memory_space<vmem>> -> memref<1024xf32, #tpu.memory_space<vmem>>
      tpu.enqueue_dma source(%dma_start3A_1647 : memref<1024xf32, #tpu.memory_space<vmem>>) target(%dma_start3A_1645 : memref<1024xf32, #tpu.memory_space<hbm>>) target_semaphore(%arg14 : memref<!tpu.dma_semaphore, #tpu.memory_space<semaphore_mem>>)
      %dma_start3A_1648 = arith.constant 25 : i32
      %dma_start3A_1649 = arith.constant 25600 : i32
      %dma_start3A_1650 = tpu.memref_slice %arg9[%dma_start3A_1649] : memref<51200xf32, #tpu.memory_space<vmem>> -> memref<1024xf32, #tpu.memory_space<vmem>>
      %dma_start3A_1651 = tpu.memref_slice %arg4[%dma_start3A_1648, %select_n3A_1404, %mul3A_1422] : memref<50x200x16384xf32, #tpu.memory_space<hbm>> -> memref<1x1x1024xf32, #tpu.memory_space<hbm>>
      %dma_start3A_1652 = tpu.memref_squeeze %dma_start3A_1651 : memref<1x1x1024xf32, #tpu.memory_space<hbm>> -> memref<1024xf32, #tpu.memory_space<hbm>>
      %dma_start3A_1653 = tpu.memref_slice %arg4[%dma_start3A_1648, %select_n3A_1404, %mul3A_1422] : memref<50x200x16384xf32, #tpu.memory_space<hbm>> -> memref<1x1x1024xf32, #tpu.memory_space<hbm>>
      %dma_start3A_1654 = tpu.memref_squeeze %dma_start3A_1653 : memref<1x1x1024xf32, #tpu.memory_space<hbm>> -> memref<1024xf32, #tpu.memory_space<hbm>>
      %dma_start3A_1655 = arith.constant 25600 : i32
      %dma_start3A_1656 = tpu.memref_slice %arg9[%dma_start3A_1655] : memref<51200xf32, #tpu.memory_space<vmem>> -> memref<1024xf32, #tpu.memory_space<vmem>>
      tpu.enqueue_dma source(%dma_start3A_1656 : memref<1024xf32, #tpu.memory_space<vmem>>) target(%dma_start3A_1654 : memref<1024xf32, #tpu.memory_space<hbm>>) target_semaphore(%arg14 : memref<!tpu.dma_semaphore, #tpu.memory_space<semaphore_mem>>)
      %dma_start3A_1657 = arith.constant 26 : i32
      %dma_start3A_1658 = arith.constant 26624 : i32
      %dma_start3A_1659 = tpu.memref_slice %arg9[%dma_start3A_1658] : memref<51200xf32, #tpu.memory_space<vmem>> -> memref<1024xf32, #tpu.memory_space<vmem>>
      %dma_start3A_1660 = tpu.memref_slice %arg4[%dma_start3A_1657, %select_n3A_1404, %mul3A_1422] : memref<50x200x16384xf32, #tpu.memory_space<hbm>> -> memref<1x1x1024xf32, #tpu.memory_space<hbm>>
      %dma_start3A_1661 = tpu.memref_squeeze %dma_start3A_1660 : memref<1x1x1024xf32, #tpu.memory_space<hbm>> -> memref<1024xf32, #tpu.memory_space<hbm>>
      %dma_start3A_1662 = tpu.memref_slice %arg4[%dma_start3A_1657, %select_n3A_1404, %mul3A_1422] : memref<50x200x16384xf32, #tpu.memory_space<hbm>> -> memref<1x1x1024xf32, #tpu.memory_space<hbm>>
      %dma_start3A_1663 = tpu.memref_squeeze %dma_start3A_1662 : memref<1x1x1024xf32, #tpu.memory_space<hbm>> -> memref<1024xf32, #tpu.memory_space<hbm>>
      %dma_start3A_1664 = arith.constant 26624 : i32
      %dma_start3A_1665 = tpu.memref_slice %arg9[%dma_start3A_1664] : memref<51200xf32, #tpu.memory_space<vmem>> -> memref<1024xf32, #tpu.memory_space<vmem>>
      tpu.enqueue_dma source(%dma_start3A_1665 : memref<1024xf32, #tpu.memory_space<vmem>>) target(%dma_start3A_1663 : memref<1024xf32, #tpu.memory_space<hbm>>) target_semaphore(%arg14 : memref<!tpu.dma_semaphore, #tpu.memory_space<semaphore_mem>>)
      %dma_start3A_1666 = arith.constant 27 : i32
      %dma_start3A_1667 = arith.constant 27648 : i32
      %dma_start3A_1668 = tpu.memref_slice %arg9[%dma_start3A_1667] : memref<51200xf32, #tpu.memory_space<vmem>> -> memref<1024xf32, #tpu.memory_space<vmem>>
      %dma_start3A_1669 = tpu.memref_slice %arg4[%dma_start3A_1666, %select_n3A_1404, %mul3A_1422] : memref<50x200x16384xf32, #tpu.memory_space<hbm>> -> memref<1x1x1024xf32, #tpu.memory_space<hbm>>
      %dma_start3A_1670 = tpu.memref_squeeze %dma_start3A_1669 : memref<1x1x1024xf32, #tpu.memory_space<hbm>> -> memref<1024xf32, #tpu.memory_space<hbm>>
      %dma_start3A_1671 = tpu.memref_slice %arg4[%dma_start3A_1666, %select_n3A_1404, %mul3A_1422] : memref<50x200x16384xf32, #tpu.memory_space<hbm>> -> memref<1x1x1024xf32, #tpu.memory_space<hbm>>
      %dma_start3A_1672 = tpu.memref_squeeze %dma_start3A_1671 : memref<1x1x1024xf32, #tpu.memory_space<hbm>> -> memref<1024xf32, #tpu.memory_space<hbm>>
      %dma_start3A_1673 = arith.constant 27648 : i32
      %dma_start3A_1674 = tpu.memref_slice %arg9[%dma_start3A_1673] : memref<51200xf32, #tpu.memory_space<vmem>> -> memref<1024xf32, #tpu.memory_space<vmem>>
      tpu.enqueue_dma source(%dma_start3A_1674 : memref<1024xf32, #tpu.memory_space<vmem>>) target(%dma_start3A_1672 : memref<1024xf32, #tpu.memory_space<hbm>>) target_semaphore(%arg14 : memref<!tpu.dma_semaphore, #tpu.memory_space<semaphore_mem>>)
      %dma_start3A_1675 = arith.constant 28 : i32
      %dma_start3A_1676 = arith.constant 28672 : i32
      %dma_start3A_1677 = tpu.memref_slice %arg9[%dma_start3A_1676] : memref<51200xf32, #tpu.memory_space<vmem>> -> memref<1024xf32, #tpu.memory_space<vmem>>
      %dma_start3A_1678 = tpu.memref_slice %arg4[%dma_start3A_1675, %select_n3A_1404, %mul3A_1422] : memref<50x200x16384xf32, #tpu.memory_space<hbm>> -> memref<1x1x1024xf32, #tpu.memory_space<hbm>>
      %dma_start3A_1679 = tpu.memref_squeeze %dma_start3A_1678 : memref<1x1x1024xf32, #tpu.memory_space<hbm>> -> memref<1024xf32, #tpu.memory_space<hbm>>
      %dma_start3A_1680 = tpu.memref_slice %arg4[%dma_start3A_1675, %select_n3A_1404, %mul3A_1422] : memref<50x200x16384xf32, #tpu.memory_space<hbm>> -> memref<1x1x1024xf32, #tpu.memory_space<hbm>>
      %dma_start3A_1681 = tpu.memref_squeeze %dma_start3A_1680 : memref<1x1x1024xf32, #tpu.memory_space<hbm>> -> memref<1024xf32, #tpu.memory_space<hbm>>
      %dma_start3A_1682 = arith.constant 28672 : i32
      %dma_start3A_1683 = tpu.memref_slice %arg9[%dma_start3A_1682] : memref<51200xf32, #tpu.memory_space<vmem>> -> memref<1024xf32, #tpu.memory_space<vmem>>
      tpu.enqueue_dma source(%dma_start3A_1683 : memref<1024xf32, #tpu.memory_space<vmem>>) target(%dma_start3A_1681 : memref<1024xf32, #tpu.memory_space<hbm>>) target_semaphore(%arg14 : memref<!tpu.dma_semaphore, #tpu.memory_space<semaphore_mem>>)
      %dma_start3A_1684 = arith.constant 29 : i32
      %dma_start3A_1685 = arith.constant 29696 : i32
      %dma_start3A_1686 = tpu.memref_slice %arg9[%dma_start3A_1685] : memref<51200xf32, #tpu.memory_space<vmem>> -> memref<1024xf32, #tpu.memory_space<vmem>>
      %dma_start3A_1687 = tpu.memref_slice %arg4[%dma_start3A_1684, %select_n3A_1404, %mul3A_1422] : memref<50x200x16384xf32, #tpu.memory_space<hbm>> -> memref<1x1x1024xf32, #tpu.memory_space<hbm>>
      %dma_start3A_1688 = tpu.memref_squeeze %dma_start3A_1687 : memref<1x1x1024xf32, #tpu.memory_space<hbm>> -> memref<1024xf32, #tpu.memory_space<hbm>>
      %dma_start3A_1689 = tpu.memref_slice %arg4[%dma_start3A_1684, %select_n3A_1404, %mul3A_1422] : memref<50x200x16384xf32, #tpu.memory_space<hbm>> -> memref<1x1x1024xf32, #tpu.memory_space<hbm>>
      %dma_start3A_1690 = tpu.memref_squeeze %dma_start3A_1689 : memref<1x1x1024xf32, #tpu.memory_space<hbm>> -> memref<1024xf32, #tpu.memory_space<hbm>>
      %dma_start3A_1691 = arith.constant 29696 : i32
      %dma_start3A_1692 = tpu.memref_slice %arg9[%dma_start3A_1691] : memref<51200xf32, #tpu.memory_space<vmem>> -> memref<1024xf32, #tpu.memory_space<vmem>>
      tpu.enqueue_dma source(%dma_start3A_1692 : memref<1024xf32, #tpu.memory_space<vmem>>) target(%dma_start3A_1690 : memref<1024xf32, #tpu.memory_space<hbm>>) target_semaphore(%arg14 : memref<!tpu.dma_semaphore, #tpu.memory_space<semaphore_mem>>)
      %dma_start3A_1693 = arith.constant 30 : i32
      %dma_start3A_1694 = arith.constant 30720 : i32
      %dma_start3A_1695 = tpu.memref_slice %arg9[%dma_start3A_1694] : memref<51200xf32, #tpu.memory_space<vmem>> -> memref<1024xf32, #tpu.memory_space<vmem>>
      %dma_start3A_1696 = tpu.memref_slice %arg4[%dma_start3A_1693, %select_n3A_1404, %mul3A_1422] : memref<50x200x16384xf32, #tpu.memory_space<hbm>> -> memref<1x1x1024xf32, #tpu.memory_space<hbm>>
      %dma_start3A_1697 = tpu.memref_squeeze %dma_start3A_1696 : memref<1x1x1024xf32, #tpu.memory_space<hbm>> -> memref<1024xf32, #tpu.memory_space<hbm>>
      %dma_start3A_1698 = tpu.memref_slice %arg4[%dma_start3A_1693, %select_n3A_1404, %mul3A_1422] : memref<50x200x16384xf32, #tpu.memory_space<hbm>> -> memref<1x1x1024xf32, #tpu.memory_space<hbm>>
      %dma_start3A_1699 = tpu.memref_squeeze %dma_start3A_1698 : memref<1x1x1024xf32, #tpu.memory_space<hbm>> -> memref<1024xf32, #tpu.memory_space<hbm>>
      %dma_start3A_1700 = arith.constant 30720 : i32
      %dma_start3A_1701 = tpu.memref_slice %arg9[%dma_start3A_1700] : memref<51200xf32, #tpu.memory_space<vmem>> -> memref<1024xf32, #tpu.memory_space<vmem>>
      tpu.enqueue_dma source(%dma_start3A_1701 : memref<1024xf32, #tpu.memory_space<vmem>>) target(%dma_start3A_1699 : memref<1024xf32, #tpu.memory_space<hbm>>) target_semaphore(%arg14 : memref<!tpu.dma_semaphore, #tpu.memory_space<semaphore_mem>>)
      %dma_start3A_1702 = arith.constant 31 : i32
      %dma_start3A_1703 = arith.constant 31744 : i32
      %dma_start3A_1704 = tpu.memref_slice %arg9[%dma_start3A_1703] : memref<51200xf32, #tpu.memory_space<vmem>> -> memref<1024xf32, #tpu.memory_space<vmem>>
      %dma_start3A_1705 = tpu.memref_slice %arg4[%dma_start3A_1702, %select_n3A_1404, %mul3A_1422] : memref<50x200x16384xf32, #tpu.memory_space<hbm>> -> memref<1x1x1024xf32, #tpu.memory_space<hbm>>
      %dma_start3A_1706 = tpu.memref_squeeze %dma_start3A_1705 : memref<1x1x1024xf32, #tpu.memory_space<hbm>> -> memref<1024xf32, #tpu.memory_space<hbm>>
      %dma_start3A_1707 = tpu.memref_slice %arg4[%dma_start3A_1702, %select_n3A_1404, %mul3A_1422] : memref<50x200x16384xf32, #tpu.memory_space<hbm>> -> memref<1x1x1024xf32, #tpu.memory_space<hbm>>
      %dma_start3A_1708 = tpu.memref_squeeze %dma_start3A_1707 : memref<1x1x1024xf32, #tpu.memory_space<hbm>> -> memref<1024xf32, #tpu.memory_space<hbm>>
      %dma_start3A_1709 = arith.constant 31744 : i32
      %dma_start3A_1710 = tpu.memref_slice %arg9[%dma_start3A_1709] : memref<51200xf32, #tpu.memory_space<vmem>> -> memref<1024xf32, #tpu.memory_space<vmem>>
      tpu.enqueue_dma source(%dma_start3A_1710 : memref<1024xf32, #tpu.memory_space<vmem>>) target(%dma_start3A_1708 : memref<1024xf32, #tpu.memory_space<hbm>>) target_semaphore(%arg14 : memref<!tpu.dma_semaphore, #tpu.memory_space<semaphore_mem>>)
      %dma_start3A_1711 = arith.constant 32 : i32
      %dma_start3A_1712 = arith.constant 32768 : i32
      %dma_start3A_1713 = tpu.memref_slice %arg9[%dma_start3A_1712] : memref<51200xf32, #tpu.memory_space<vmem>> -> memref<1024xf32, #tpu.memory_space<vmem>>
      %dma_start3A_1714 = tpu.memref_slice %arg4[%dma_start3A_1711, %select_n3A_1404, %mul3A_1422] : memref<50x200x16384xf32, #tpu.memory_space<hbm>> -> memref<1x1x1024xf32, #tpu.memory_space<hbm>>
      %dma_start3A_1715 = tpu.memref_squeeze %dma_start3A_1714 : memref<1x1x1024xf32, #tpu.memory_space<hbm>> -> memref<1024xf32, #tpu.memory_space<hbm>>
      %dma_start3A_1716 = tpu.memref_slice %arg4[%dma_start3A_1711, %select_n3A_1404, %mul3A_1422] : memref<50x200x16384xf32, #tpu.memory_space<hbm>> -> memref<1x1x1024xf32, #tpu.memory_space<hbm>>
      %dma_start3A_1717 = tpu.memref_squeeze %dma_start3A_1716 : memref<1x1x1024xf32, #tpu.memory_space<hbm>> -> memref<1024xf32, #tpu.memory_space<hbm>>
      %dma_start3A_1718 = arith.constant 32768 : i32
      %dma_start3A_1719 = tpu.memref_slice %arg9[%dma_start3A_1718] : memref<51200xf32, #tpu.memory_space<vmem>> -> memref<1024xf32, #tpu.memory_space<vmem>>
      tpu.enqueue_dma source(%dma_start3A_1719 : memref<1024xf32, #tpu.memory_space<vmem>>) target(%dma_start3A_1717 : memref<1024xf32, #tpu.memory_space<hbm>>) target_semaphore(%arg14 : memref<!tpu.dma_semaphore, #tpu.memory_space<semaphore_mem>>)
      %dma_start3A_1720 = arith.constant 33 : i32
      %dma_start3A_1721 = arith.constant 33792 : i32
      %dma_start3A_1722 = tpu.memref_slice %arg9[%dma_start3A_1721] : memref<51200xf32, #tpu.memory_space<vmem>> -> memref<1024xf32, #tpu.memory_space<vmem>>
      %dma_start3A_1723 = tpu.memref_slice %arg4[%dma_start3A_1720, %select_n3A_1404, %mul3A_1422] : memref<50x200x16384xf32, #tpu.memory_space<hbm>> -> memref<1x1x1024xf32, #tpu.memory_space<hbm>>
      %dma_start3A_1724 = tpu.memref_squeeze %dma_start3A_1723 : memref<1x1x1024xf32, #tpu.memory_space<hbm>> -> memref<1024xf32, #tpu.memory_space<hbm>>
      %dma_start3A_1725 = tpu.memref_slice %arg4[%dma_start3A_1720, %select_n3A_1404, %mul3A_1422] : memref<50x200x16384xf32, #tpu.memory_space<hbm>> -> memref<1x1x1024xf32, #tpu.memory_space<hbm>>
      %dma_start3A_1726 = tpu.memref_squeeze %dma_start3A_1725 : memref<1x1x1024xf32, #tpu.memory_space<hbm>> -> memref<1024xf32, #tpu.memory_space<hbm>>
      %dma_start3A_1727 = arith.constant 33792 : i32
      %dma_start3A_1728 = tpu.memref_slice %arg9[%dma_start3A_1727] : memref<51200xf32, #tpu.memory_space<vmem>> -> memref<1024xf32, #tpu.memory_space<vmem>>
      tpu.enqueue_dma source(%dma_start3A_1728 : memref<1024xf32, #tpu.memory_space<vmem>>) target(%dma_start3A_1726 : memref<1024xf32, #tpu.memory_space<hbm>>) target_semaphore(%arg14 : memref<!tpu.dma_semaphore, #tpu.memory_space<semaphore_mem>>)
      %dma_start3A_1729 = arith.constant 34 : i32
      %dma_start3A_1730 = arith.constant 34816 : i32
      %dma_start3A_1731 = tpu.memref_slice %arg9[%dma_start3A_1730] : memref<51200xf32, #tpu.memory_space<vmem>> -> memref<1024xf32, #tpu.memory_space<vmem>>
      %dma_start3A_1732 = tpu.memref_slice %arg4[%dma_start3A_1729, %select_n3A_1404, %mul3A_1422] : memref<50x200x16384xf32, #tpu.memory_space<hbm>> -> memref<1x1x1024xf32, #tpu.memory_space<hbm>>
      %dma_start3A_1733 = tpu.memref_squeeze %dma_start3A_1732 : memref<1x1x1024xf32, #tpu.memory_space<hbm>> -> memref<1024xf32, #tpu.memory_space<hbm>>
      %dma_start3A_1734 = tpu.memref_slice %arg4[%dma_start3A_1729, %select_n3A_1404, %mul3A_1422] : memref<50x200x16384xf32, #tpu.memory_space<hbm>> -> memref<1x1x1024xf32, #tpu.memory_space<hbm>>
      %dma_start3A_1735 = tpu.memref_squeeze %dma_start3A_1734 : memref<1x1x1024xf32, #tpu.memory_space<hbm>> -> memref<1024xf32, #tpu.memory_space<hbm>>
      %dma_start3A_1736 = arith.constant 34816 : i32
      %dma_start3A_1737 = tpu.memref_slice %arg9[%dma_start3A_1736] : memref<51200xf32, #tpu.memory_space<vmem>> -> memref<1024xf32, #tpu.memory_space<vmem>>
      tpu.enqueue_dma source(%dma_start3A_1737 : memref<1024xf32, #tpu.memory_space<vmem>>) target(%dma_start3A_1735 : memref<1024xf32, #tpu.memory_space<hbm>>) target_semaphore(%arg14 : memref<!tpu.dma_semaphore, #tpu.memory_space<semaphore_mem>>)
      %dma_start3A_1738 = arith.constant 35 : i32
      %dma_start3A_1739 = arith.constant 35840 : i32
      %dma_start3A_1740 = tpu.memref_slice %arg9[%dma_start3A_1739] : memref<51200xf32, #tpu.memory_space<vmem>> -> memref<1024xf32, #tpu.memory_space<vmem>>
      %dma_start3A_1741 = tpu.memref_slice %arg4[%dma_start3A_1738, %select_n3A_1404, %mul3A_1422] : memref<50x200x16384xf32, #tpu.memory_space<hbm>> -> memref<1x1x1024xf32, #tpu.memory_space<hbm>>
      %dma_start3A_1742 = tpu.memref_squeeze %dma_start3A_1741 : memref<1x1x1024xf32, #tpu.memory_space<hbm>> -> memref<1024xf32, #tpu.memory_space<hbm>>
      %dma_start3A_1743 = tpu.memref_slice %arg4[%dma_start3A_1738, %select_n3A_1404, %mul3A_1422] : memref<50x200x16384xf32, #tpu.memory_space<hbm>> -> memref<1x1x1024xf32, #tpu.memory_space<hbm>>
      %dma_start3A_1744 = tpu.memref_squeeze %dma_start3A_1743 : memref<1x1x1024xf32, #tpu.memory_space<hbm>> -> memref<1024xf32, #tpu.memory_space<hbm>>
      %dma_start3A_1745 = arith.constant 35840 : i32
      %dma_start3A_1746 = tpu.memref_slice %arg9[%dma_start3A_1745] : memref<51200xf32, #tpu.memory_space<vmem>> -> memref<1024xf32, #tpu.memory_space<vmem>>
      tpu.enqueue_dma source(%dma_start3A_1746 : memref<1024xf32, #tpu.memory_space<vmem>>) target(%dma_start3A_1744 : memref<1024xf32, #tpu.memory_space<hbm>>) target_semaphore(%arg14 : memref<!tpu.dma_semaphore, #tpu.memory_space<semaphore_mem>>)
      %dma_start3A_1747 = arith.constant 36 : i32
      %dma_start3A_1748 = arith.constant 36864 : i32
      %dma_start3A_1749 = tpu.memref_slice %arg9[%dma_start3A_1748] : memref<51200xf32, #tpu.memory_space<vmem>> -> memref<1024xf32, #tpu.memory_space<vmem>>
      %dma_start3A_1750 = tpu.memref_slice %arg4[%dma_start3A_1747, %select_n3A_1404, %mul3A_1422] : memref<50x200x16384xf32, #tpu.memory_space<hbm>> -> memref<1x1x1024xf32, #tpu.memory_space<hbm>>
      %dma_start3A_1751 = tpu.memref_squeeze %dma_start3A_1750 : memref<1x1x1024xf32, #tpu.memory_space<hbm>> -> memref<1024xf32, #tpu.memory_space<hbm>>
      %dma_start3A_1752 = tpu.memref_slice %arg4[%dma_start3A_1747, %select_n3A_1404, %mul3A_1422] : memref<50x200x16384xf32, #tpu.memory_space<hbm>> -> memref<1x1x1024xf32, #tpu.memory_space<hbm>>
      %dma_start3A_1753 = tpu.memref_squeeze %dma_start3A_1752 : memref<1x1x1024xf32, #tpu.memory_space<hbm>> -> memref<1024xf32, #tpu.memory_space<hbm>>
      %dma_start3A_1754 = arith.constant 36864 : i32
      %dma_start3A_1755 = tpu.memref_slice %arg9[%dma_start3A_1754] : memref<51200xf32, #tpu.memory_space<vmem>> -> memref<1024xf32, #tpu.memory_space<vmem>>
      tpu.enqueue_dma source(%dma_start3A_1755 : memref<1024xf32, #tpu.memory_space<vmem>>) target(%dma_start3A_1753 : memref<1024xf32, #tpu.memory_space<hbm>>) target_semaphore(%arg14 : memref<!tpu.dma_semaphore, #tpu.memory_space<semaphore_mem>>)
      %dma_start3A_1756 = arith.constant 37 : i32
      %dma_start3A_1757 = arith.constant 37888 : i32
      %dma_start3A_1758 = tpu.memref_slice %arg9[%dma_start3A_1757] : memref<51200xf32, #tpu.memory_space<vmem>> -> memref<1024xf32, #tpu.memory_space<vmem>>
      %dma_start3A_1759 = tpu.memref_slice %arg4[%dma_start3A_1756, %select_n3A_1404, %mul3A_1422] : memref<50x200x16384xf32, #tpu.memory_space<hbm>> -> memref<1x1x1024xf32, #tpu.memory_space<hbm>>
      %dma_start3A_1760 = tpu.memref_squeeze %dma_start3A_1759 : memref<1x1x1024xf32, #tpu.memory_space<hbm>> -> memref<1024xf32, #tpu.memory_space<hbm>>
      %dma_start3A_1761 = tpu.memref_slice %arg4[%dma_start3A_1756, %select_n3A_1404, %mul3A_1422] : memref<50x200x16384xf32, #tpu.memory_space<hbm>> -> memref<1x1x1024xf32, #tpu.memory_space<hbm>>
      %dma_start3A_1762 = tpu.memref_squeeze %dma_start3A_1761 : memref<1x1x1024xf32, #tpu.memory_space<hbm>> -> memref<1024xf32, #tpu.memory_space<hbm>>
      %dma_start3A_1763 = arith.constant 37888 : i32
      %dma_start3A_1764 = tpu.memref_slice %arg9[%dma_start3A_1763] : memref<51200xf32, #tpu.memory_space<vmem>> -> memref<1024xf32, #tpu.memory_space<vmem>>
      tpu.enqueue_dma source(%dma_start3A_1764 : memref<1024xf32, #tpu.memory_space<vmem>>) target(%dma_start3A_1762 : memref<1024xf32, #tpu.memory_space<hbm>>) target_semaphore(%arg14 : memref<!tpu.dma_semaphore, #tpu.memory_space<semaphore_mem>>)
      %dma_start3A_1765 = arith.constant 38 : i32
      %dma_start3A_1766 = arith.constant 38912 : i32
      %dma_start3A_1767 = tpu.memref_slice %arg9[%dma_start3A_1766] : memref<51200xf32, #tpu.memory_space<vmem>> -> memref<1024xf32, #tpu.memory_space<vmem>>
      %dma_start3A_1768 = tpu.memref_slice %arg4[%dma_start3A_1765, %select_n3A_1404, %mul3A_1422] : memref<50x200x16384xf32, #tpu.memory_space<hbm>> -> memref<1x1x1024xf32, #tpu.memory_space<hbm>>
      %dma_start3A_1769 = tpu.memref_squeeze %dma_start3A_1768 : memref<1x1x1024xf32, #tpu.memory_space<hbm>> -> memref<1024xf32, #tpu.memory_space<hbm>>
      %dma_start3A_1770 = tpu.memref_slice %arg4[%dma_start3A_1765, %select_n3A_1404, %mul3A_1422] : memref<50x200x16384xf32, #tpu.memory_space<hbm>> -> memref<1x1x1024xf32, #tpu.memory_space<hbm>>
      %dma_start3A_1771 = tpu.memref_squeeze %dma_start3A_1770 : memref<1x1x1024xf32, #tpu.memory_space<hbm>> -> memref<1024xf32, #tpu.memory_space<hbm>>
      %dma_start3A_1772 = arith.constant 38912 : i32
      %dma_start3A_1773 = tpu.memref_slice %arg9[%dma_start3A_1772] : memref<51200xf32, #tpu.memory_space<vmem>> -> memref<1024xf32, #tpu.memory_space<vmem>>
      tpu.enqueue_dma source(%dma_start3A_1773 : memref<1024xf32, #tpu.memory_space<vmem>>) target(%dma_start3A_1771 : memref<1024xf32, #tpu.memory_space<hbm>>) target_semaphore(%arg14 : memref<!tpu.dma_semaphore, #tpu.memory_space<semaphore_mem>>)
      %dma_start3A_1774 = arith.constant 39 : i32
      %dma_start3A_1775 = arith.constant 39936 : i32
      %dma_start3A_1776 = tpu.memref_slice %arg9[%dma_start3A_1775] : memref<51200xf32, #tpu.memory_space<vmem>> -> memref<1024xf32, #tpu.memory_space<vmem>>
      %dma_start3A_1777 = tpu.memref_slice %arg4[%dma_start3A_1774, %select_n3A_1404, %mul3A_1422] : memref<50x200x16384xf32, #tpu.memory_space<hbm>> -> memref<1x1x1024xf32, #tpu.memory_space<hbm>>
      %dma_start3A_1778 = tpu.memref_squeeze %dma_start3A_1777 : memref<1x1x1024xf32, #tpu.memory_space<hbm>> -> memref<1024xf32, #tpu.memory_space<hbm>>
      %dma_start3A_1779 = tpu.memref_slice %arg4[%dma_start3A_1774, %select_n3A_1404, %mul3A_1422] : memref<50x200x16384xf32, #tpu.memory_space<hbm>> -> memref<1x1x1024xf32, #tpu.memory_space<hbm>>
      %dma_start3A_1780 = tpu.memref_squeeze %dma_start3A_1779 : memref<1x1x1024xf32, #tpu.memory_space<hbm>> -> memref<1024xf32, #tpu.memory_space<hbm>>
      %dma_start3A_1781 = arith.constant 39936 : i32
      %dma_start3A_1782 = tpu.memref_slice %arg9[%dma_start3A_1781] : memref<51200xf32, #tpu.memory_space<vmem>> -> memref<1024xf32, #tpu.memory_space<vmem>>
      tpu.enqueue_dma source(%dma_start3A_1782 : memref<1024xf32, #tpu.memory_space<vmem>>) target(%dma_start3A_1780 : memref<1024xf32, #tpu.memory_space<hbm>>) target_semaphore(%arg14 : memref<!tpu.dma_semaphore, #tpu.memory_space<semaphore_mem>>)
      %dma_start3A_1783 = arith.constant 40 : i32
      %dma_start3A_1784 = arith.constant 40960 : i32
      %dma_start3A_1785 = tpu.memref_slice %arg9[%dma_start3A_1784] : memref<51200xf32, #tpu.memory_space<vmem>> -> memref<1024xf32, #tpu.memory_space<vmem>>
      %dma_start3A_1786 = tpu.memref_slice %arg4[%dma_start3A_1783, %select_n3A_1404, %mul3A_1422] : memref<50x200x16384xf32, #tpu.memory_space<hbm>> -> memref<1x1x1024xf32, #tpu.memory_space<hbm>>
      %dma_start3A_1787 = tpu.memref_squeeze %dma_start3A_1786 : memref<1x1x1024xf32, #tpu.memory_space<hbm>> -> memref<1024xf32, #tpu.memory_space<hbm>>
      %dma_start3A_1788 = tpu.memref_slice %arg4[%dma_start3A_1783, %select_n3A_1404, %mul3A_1422] : memref<50x200x16384xf32, #tpu.memory_space<hbm>> -> memref<1x1x1024xf32, #tpu.memory_space<hbm>>
      %dma_start3A_1789 = tpu.memref_squeeze %dma_start3A_1788 : memref<1x1x1024xf32, #tpu.memory_space<hbm>> -> memref<1024xf32, #tpu.memory_space<hbm>>
      %dma_start3A_1790 = arith.constant 40960 : i32
      %dma_start3A_1791 = tpu.memref_slice %arg9[%dma_start3A_1790] : memref<51200xf32, #tpu.memory_space<vmem>> -> memref<1024xf32, #tpu.memory_space<vmem>>
      tpu.enqueue_dma source(%dma_start3A_1791 : memref<1024xf32, #tpu.memory_space<vmem>>) target(%dma_start3A_1789 : memref<1024xf32, #tpu.memory_space<hbm>>) target_semaphore(%arg14 : memref<!tpu.dma_semaphore, #tpu.memory_space<semaphore_mem>>)
      %dma_start3A_1792 = arith.constant 41 : i32
      %dma_start3A_1793 = arith.constant 41984 : i32
      %dma_start3A_1794 = tpu.memref_slice %arg9[%dma_start3A_1793] : memref<51200xf32, #tpu.memory_space<vmem>> -> memref<1024xf32, #tpu.memory_space<vmem>>
      %dma_start3A_1795 = tpu.memref_slice %arg4[%dma_start3A_1792, %select_n3A_1404, %mul3A_1422] : memref<50x200x16384xf32, #tpu.memory_space<hbm>> -> memref<1x1x1024xf32, #tpu.memory_space<hbm>>
      %dma_start3A_1796 = tpu.memref_squeeze %dma_start3A_1795 : memref<1x1x1024xf32, #tpu.memory_space<hbm>> -> memref<1024xf32, #tpu.memory_space<hbm>>
      %dma_start3A_1797 = tpu.memref_slice %arg4[%dma_start3A_1792, %select_n3A_1404, %mul3A_1422] : memref<50x200x16384xf32, #tpu.memory_space<hbm>> -> memref<1x1x1024xf32, #tpu.memory_space<hbm>>
      %dma_start3A_1798 = tpu.memref_squeeze %dma_start3A_1797 : memref<1x1x1024xf32, #tpu.memory_space<hbm>> -> memref<1024xf32, #tpu.memory_space<hbm>>
      %dma_start3A_1799 = arith.constant 41984 : i32
      %dma_start3A_1800 = tpu.memref_slice %arg9[%dma_start3A_1799] : memref<51200xf32, #tpu.memory_space<vmem>> -> memref<1024xf32, #tpu.memory_space<vmem>>
      tpu.enqueue_dma source(%dma_start3A_1800 : memref<1024xf32, #tpu.memory_space<vmem>>) target(%dma_start3A_1798 : memref<1024xf32, #tpu.memory_space<hbm>>) target_semaphore(%arg14 : memref<!tpu.dma_semaphore, #tpu.memory_space<semaphore_mem>>)
      %dma_start3A_1801 = arith.constant 42 : i32
      %dma_start3A_1802 = arith.constant 43008 : i32
      %dma_start3A_1803 = tpu.memref_slice %arg9[%dma_start3A_1802] : memref<51200xf32, #tpu.memory_space<vmem>> -> memref<1024xf32, #tpu.memory_space<vmem>>
      %dma_start3A_1804 = tpu.memref_slice %arg4[%dma_start3A_1801, %select_n3A_1404, %mul3A_1422] : memref<50x200x16384xf32, #tpu.memory_space<hbm>> -> memref<1x1x1024xf32, #tpu.memory_space<hbm>>
      %dma_start3A_1805 = tpu.memref_squeeze %dma_start3A_1804 : memref<1x1x1024xf32, #tpu.memory_space<hbm>> -> memref<1024xf32, #tpu.memory_space<hbm>>
      %dma_start3A_1806 = tpu.memref_slice %arg4[%dma_start3A_1801, %select_n3A_1404, %mul3A_1422] : memref<50x200x16384xf32, #tpu.memory_space<hbm>> -> memref<1x1x1024xf32, #tpu.memory_space<hbm>>
      %dma_start3A_1807 = tpu.memref_squeeze %dma_start3A_1806 : memref<1x1x1024xf32, #tpu.memory_space<hbm>> -> memref<1024xf32, #tpu.memory_space<hbm>>
      %dma_start3A_1808 = arith.constant 43008 : i32
      %dma_start3A_1809 = tpu.memref_slice %arg9[%dma_start3A_1808] : memref<51200xf32, #tpu.memory_space<vmem>> -> memref<1024xf32, #tpu.memory_space<vmem>>
      tpu.enqueue_dma source(%dma_start3A_1809 : memref<1024xf32, #tpu.memory_space<vmem>>) target(%dma_start3A_1807 : memref<1024xf32, #tpu.memory_space<hbm>>) target_semaphore(%arg14 : memref<!tpu.dma_semaphore, #tpu.memory_space<semaphore_mem>>)
      %dma_start3A_1810 = arith.constant 43 : i32
      %dma_start3A_1811 = arith.constant 44032 : i32
      %dma_start3A_1812 = tpu.memref_slice %arg9[%dma_start3A_1811] : memref<51200xf32, #tpu.memory_space<vmem>> -> memref<1024xf32, #tpu.memory_space<vmem>>
      %dma_start3A_1813 = tpu.memref_slice %arg4[%dma_start3A_1810, %select_n3A_1404, %mul3A_1422] : memref<50x200x16384xf32, #tpu.memory_space<hbm>> -> memref<1x1x1024xf32, #tpu.memory_space<hbm>>
      %dma_start3A_1814 = tpu.memref_squeeze %dma_start3A_1813 : memref<1x1x1024xf32, #tpu.memory_space<hbm>> -> memref<1024xf32, #tpu.memory_space<hbm>>
      %dma_start3A_1815 = tpu.memref_slice %arg4[%dma_start3A_1810, %select_n3A_1404, %mul3A_1422] : memref<50x200x16384xf32, #tpu.memory_space<hbm>> -> memref<1x1x1024xf32, #tpu.memory_space<hbm>>
      %dma_start3A_1816 = tpu.memref_squeeze %dma_start3A_1815 : memref<1x1x1024xf32, #tpu.memory_space<hbm>> -> memref<1024xf32, #tpu.memory_space<hbm>>
      %dma_start3A_1817 = arith.constant 44032 : i32
      %dma_start3A_1818 = tpu.memref_slice %arg9[%dma_start3A_1817] : memref<51200xf32, #tpu.memory_space<vmem>> -> memref<1024xf32, #tpu.memory_space<vmem>>
      tpu.enqueue_dma source(%dma_start3A_1818 : memref<1024xf32, #tpu.memory_space<vmem>>) target(%dma_start3A_1816 : memref<1024xf32, #tpu.memory_space<hbm>>) target_semaphore(%arg14 : memref<!tpu.dma_semaphore, #tpu.memory_space<semaphore_mem>>)
      %dma_start3A_1819 = arith.constant 44 : i32
      %dma_start3A_1820 = arith.constant 45056 : i32
      %dma_start3A_1821 = tpu.memref_slice %arg9[%dma_start3A_1820] : memref<51200xf32, #tpu.memory_space<vmem>> -> memref<1024xf32, #tpu.memory_space<vmem>>
      %dma_start3A_1822 = tpu.memref_slice %arg4[%dma_start3A_1819, %select_n3A_1404, %mul3A_1422] : memref<50x200x16384xf32, #tpu.memory_space<hbm>> -> memref<1x1x1024xf32, #tpu.memory_space<hbm>>
      %dma_start3A_1823 = tpu.memref_squeeze %dma_start3A_1822 : memref<1x1x1024xf32, #tpu.memory_space<hbm>> -> memref<1024xf32, #tpu.memory_space<hbm>>
      %dma_start3A_1824 = tpu.memref_slice %arg4[%dma_start3A_1819, %select_n3A_1404, %mul3A_1422] : memref<50x200x16384xf32, #tpu.memory_space<hbm>> -> memref<1x1x1024xf32, #tpu.memory_space<hbm>>
      %dma_start3A_1825 = tpu.memref_squeeze %dma_start3A_1824 : memref<1x1x1024xf32, #tpu.memory_space<hbm>> -> memref<1024xf32, #tpu.memory_space<hbm>>
      %dma_start3A_1826 = arith.constant 45056 : i32
      %dma_start3A_1827 = tpu.memref_slice %arg9[%dma_start3A_1826] : memref<51200xf32, #tpu.memory_space<vmem>> -> memref<1024xf32, #tpu.memory_space<vmem>>
      tpu.enqueue_dma source(%dma_start3A_1827 : memref<1024xf32, #tpu.memory_space<vmem>>) target(%dma_start3A_1825 : memref<1024xf32, #tpu.memory_space<hbm>>) target_semaphore(%arg14 : memref<!tpu.dma_semaphore, #tpu.memory_space<semaphore_mem>>)
      %dma_start3A_1828 = arith.constant 45 : i32
      %dma_start3A_1829 = arith.constant 46080 : i32
      %dma_start3A_1830 = tpu.memref_slice %arg9[%dma_start3A_1829] : memref<51200xf32, #tpu.memory_space<vmem>> -> memref<1024xf32, #tpu.memory_space<vmem>>
      %dma_start3A_1831 = tpu.memref_slice %arg4[%dma_start3A_1828, %select_n3A_1404, %mul3A_1422] : memref<50x200x16384xf32, #tpu.memory_space<hbm>> -> memref<1x1x1024xf32, #tpu.memory_space<hbm>>
      %dma_start3A_1832 = tpu.memref_squeeze %dma_start3A_1831 : memref<1x1x1024xf32, #tpu.memory_space<hbm>> -> memref<1024xf32, #tpu.memory_space<hbm>>
      %dma_start3A_1833 = tpu.memref_slice %arg4[%dma_start3A_1828, %select_n3A_1404, %mul3A_1422] : memref<50x200x16384xf32, #tpu.memory_space<hbm>> -> memref<1x1x1024xf32, #tpu.memory_space<hbm>>
      %dma_start3A_1834 = tpu.memref_squeeze %dma_start3A_1833 : memref<1x1x1024xf32, #tpu.memory_space<hbm>> -> memref<1024xf32, #tpu.memory_space<hbm>>
      %dma_start3A_1835 = arith.constant 46080 : i32
      %dma_start3A_1836 = tpu.memref_slice %arg9[%dma_start3A_1835] : memref<51200xf32, #tpu.memory_space<vmem>> -> memref<1024xf32, #tpu.memory_space<vmem>>
      tpu.enqueue_dma source(%dma_start3A_1836 : memref<1024xf32, #tpu.memory_space<vmem>>) target(%dma_start3A_1834 : memref<1024xf32, #tpu.memory_space<hbm>>) target_semaphore(%arg14 : memref<!tpu.dma_semaphore, #tpu.memory_space<semaphore_mem>>)
      %dma_start3A_1837 = arith.constant 46 : i32
      %dma_start3A_1838 = arith.constant 47104 : i32
      %dma_start3A_1839 = tpu.memref_slice %arg9[%dma_start3A_1838] : memref<51200xf32, #tpu.memory_space<vmem>> -> memref<1024xf32, #tpu.memory_space<vmem>>
      %dma_start3A_1840 = tpu.memref_slice %arg4[%dma_start3A_1837, %select_n3A_1404, %mul3A_1422] : memref<50x200x16384xf32, #tpu.memory_space<hbm>> -> memref<1x1x1024xf32, #tpu.memory_space<hbm>>
      %dma_start3A_1841 = tpu.memref_squeeze %dma_start3A_1840 : memref<1x1x1024xf32, #tpu.memory_space<hbm>> -> memref<1024xf32, #tpu.memory_space<hbm>>
      %dma_start3A_1842 = tpu.memref_slice %arg4[%dma_start3A_1837, %select_n3A_1404, %mul3A_1422] : memref<50x200x16384xf32, #tpu.memory_space<hbm>> -> memref<1x1x1024xf32, #tpu.memory_space<hbm>>
      %dma_start3A_1843 = tpu.memref_squeeze %dma_start3A_1842 : memref<1x1x1024xf32, #tpu.memory_space<hbm>> -> memref<1024xf32, #tpu.memory_space<hbm>>
      %dma_start3A_1844 = arith.constant 47104 : i32
      %dma_start3A_1845 = tpu.memref_slice %arg9[%dma_start3A_1844] : memref<51200xf32, #tpu.memory_space<vmem>> -> memref<1024xf32, #tpu.memory_space<vmem>>
      tpu.enqueue_dma source(%dma_start3A_1845 : memref<1024xf32, #tpu.memory_space<vmem>>) target(%dma_start3A_1843 : memref<1024xf32, #tpu.memory_space<hbm>>) target_semaphore(%arg14 : memref<!tpu.dma_semaphore, #tpu.memory_space<semaphore_mem>>)
      %dma_start3A_1846 = arith.constant 47 : i32
      %dma_start3A_1847 = arith.constant 48128 : i32
      %dma_start3A_1848 = tpu.memref_slice %arg9[%dma_start3A_1847] : memref<51200xf32, #tpu.memory_space<vmem>> -> memref<1024xf32, #tpu.memory_space<vmem>>
      %dma_start3A_1849 = tpu.memref_slice %arg4[%dma_start3A_1846, %select_n3A_1404, %mul3A_1422] : memref<50x200x16384xf32, #tpu.memory_space<hbm>> -> memref<1x1x1024xf32, #tpu.memory_space<hbm>>
      %dma_start3A_1850 = tpu.memref_squeeze %dma_start3A_1849 : memref<1x1x1024xf32, #tpu.memory_space<hbm>> -> memref<1024xf32, #tpu.memory_space<hbm>>
      %dma_start3A_1851 = tpu.memref_slice %arg4[%dma_start3A_1846, %select_n3A_1404, %mul3A_1422] : memref<50x200x16384xf32, #tpu.memory_space<hbm>> -> memref<1x1x1024xf32, #tpu.memory_space<hbm>>
      %dma_start3A_1852 = tpu.memref_squeeze %dma_start3A_1851 : memref<1x1x1024xf32, #tpu.memory_space<hbm>> -> memref<1024xf32, #tpu.memory_space<hbm>>
      %dma_start3A_1853 = arith.constant 48128 : i32
      %dma_start3A_1854 = tpu.memref_slice %arg9[%dma_start3A_1853] : memref<51200xf32, #tpu.memory_space<vmem>> -> memref<1024xf32, #tpu.memory_space<vmem>>
      tpu.enqueue_dma source(%dma_start3A_1854 : memref<1024xf32, #tpu.memory_space<vmem>>) target(%dma_start3A_1852 : memref<1024xf32, #tpu.memory_space<hbm>>) target_semaphore(%arg14 : memref<!tpu.dma_semaphore, #tpu.memory_space<semaphore_mem>>)
      %dma_start3A_1855 = arith.constant 48 : i32
      %dma_start3A_1856 = arith.constant 49152 : i32
      %dma_start3A_1857 = tpu.memref_slice %arg9[%dma_start3A_1856] : memref<51200xf32, #tpu.memory_space<vmem>> -> memref<1024xf32, #tpu.memory_space<vmem>>
      %dma_start3A_1858 = tpu.memref_slice %arg4[%dma_start3A_1855, %select_n3A_1404, %mul3A_1422] : memref<50x200x16384xf32, #tpu.memory_space<hbm>> -> memref<1x1x1024xf32, #tpu.memory_space<hbm>>
      %dma_start3A_1859 = tpu.memref_squeeze %dma_start3A_1858 : memref<1x1x1024xf32, #tpu.memory_space<hbm>> -> memref<1024xf32, #tpu.memory_space<hbm>>
      %dma_start3A_1860 = tpu.memref_slice %arg4[%dma_start3A_1855, %select_n3A_1404, %mul3A_1422] : memref<50x200x16384xf32, #tpu.memory_space<hbm>> -> memref<1x1x1024xf32, #tpu.memory_space<hbm>>
      %dma_start3A_1861 = tpu.memref_squeeze %dma_start3A_1860 : memref<1x1x1024xf32, #tpu.memory_space<hbm>> -> memref<1024xf32, #tpu.memory_space<hbm>>
      %dma_start3A_1862 = arith.constant 49152 : i32
      %dma_start3A_1863 = tpu.memref_slice %arg9[%dma_start3A_1862] : memref<51200xf32, #tpu.memory_space<vmem>> -> memref<1024xf32, #tpu.memory_space<vmem>>
      tpu.enqueue_dma source(%dma_start3A_1863 : memref<1024xf32, #tpu.memory_space<vmem>>) target(%dma_start3A_1861 : memref<1024xf32, #tpu.memory_space<hbm>>) target_semaphore(%arg14 : memref<!tpu.dma_semaphore, #tpu.memory_space<semaphore_mem>>)
      %dma_start3A_1864 = arith.constant 49 : i32
      %dma_start3A_1865 = arith.constant 50176 : i32
      %dma_start3A_1866 = tpu.memref_slice %arg9[%dma_start3A_1865] : memref<51200xf32, #tpu.memory_space<vmem>> -> memref<1024xf32, #tpu.memory_space<vmem>>
      %dma_start3A_1867 = tpu.memref_slice %arg4[%dma_start3A_1864, %select_n3A_1404, %mul3A_1422] : memref<50x200x16384xf32, #tpu.memory_space<hbm>> -> memref<1x1x1024xf32, #tpu.memory_space<hbm>>
      %dma_start3A_1868 = tpu.memref_squeeze %dma_start3A_1867 : memref<1x1x1024xf32, #tpu.memory_space<hbm>> -> memref<1024xf32, #tpu.memory_space<hbm>>
      %dma_start3A_1869 = tpu.memref_slice %arg4[%dma_start3A_1864, %select_n3A_1404, %mul3A_1422] : memref<50x200x16384xf32, #tpu.memory_space<hbm>> -> memref<1x1x1024xf32, #tpu.memory_space<hbm>>
      %dma_start3A_1870 = tpu.memref_squeeze %dma_start3A_1869 : memref<1x1x1024xf32, #tpu.memory_space<hbm>> -> memref<1024xf32, #tpu.memory_space<hbm>>
      %dma_start3A_1871 = arith.constant 50176 : i32
      %dma_start3A_1872 = tpu.memref_slice %arg9[%dma_start3A_1871] : memref<51200xf32, #tpu.memory_space<vmem>> -> memref<1024xf32, #tpu.memory_space<vmem>>
      tpu.enqueue_dma source(%dma_start3A_1872 : memref<1024xf32, #tpu.memory_space<vmem>>) target(%dma_start3A_1870 : memref<1024xf32, #tpu.memory_space<hbm>>) target_semaphore(%arg14 : memref<!tpu.dma_semaphore, #tpu.memory_space<semaphore_mem>>)
    }
    %scan3A_78 = arith.constant 50 : i32
    %dma_wait3A_79 = arith.constant 0 : i32
    %dma_wait3A_80 = arith.constant 0 : i32
    %dma_wait3A_81 = arith.constant 0 : i32
    %dma_wait3A_82 = tpu.memref_slice %arg9[%dma_wait3A_81] : memref<51200xf32, #tpu.memory_space<vmem>> -> memref<1024xf32, #tpu.memory_space<vmem>>
    %dma_wait3A_83 = arith.constant 0 : i32
    %dma_wait3A_84 = tpu.memref_slice %arg4[%dma_wait3A_79, %dma_wait3A_80, %dma_wait3A_83] : memref<50x200x16384xf32, #tpu.memory_space<hbm>> -> memref<1x1x1024xf32, #tpu.memory_space<hbm>>
    %dma_wait3A_85 = tpu.memref_squeeze %dma_wait3A_84 : memref<1x1x1024xf32, #tpu.memory_space<hbm>> -> memref<1024xf32, #tpu.memory_space<hbm>>
    %dma_wait3A_86 = arith.constant 0 : i32
    %dma_wait3A_87 = tpu.memref_slice %arg4[%dma_wait3A_79, %dma_wait3A_80, %dma_wait3A_86] : memref<50x200x16384xf32, #tpu.memory_space<hbm>> -> memref<1x1x1024xf32, #tpu.memory_space<hbm>>
    %dma_wait3A_88 = tpu.memref_squeeze %dma_wait3A_87 : memref<1x1x1024xf32, #tpu.memory_space<hbm>> -> memref<1024xf32, #tpu.memory_space<hbm>>
    %dma_wait3A_89 = arith.constant 0 : i32
    %dma_wait3A_90 = tpu.memref_slice %arg9[%dma_wait3A_89] : memref<51200xf32, #tpu.memory_space<vmem>> -> memref<1024xf32, #tpu.memory_space<vmem>>
    tpu.wait_dma2 semaphore(%arg14 : memref<!tpu.dma_semaphore, #tpu.memory_space<semaphore_mem>>) src(%dma_wait3A_90 : memref<1024xf32, #tpu.memory_space<vmem>>) dst(%dma_wait3A_88 : memref<1024xf32, #tpu.memory_space<hbm>>)
    %dma_wait3A_91 = arith.constant 0 : i32
    %dma_wait3A_92 = arith.constant 0 : i32
    %dma_wait3A_93 = arith.constant 0 : i32
    %dma_wait3A_94 = tpu.memref_slice %arg9[%dma_wait3A_93] : memref<51200xf32, #tpu.memory_space<vmem>> -> memref<1024xf32, #tpu.memory_space<vmem>>
    %dma_wait3A_95 = arith.constant 0 : i32
    %dma_wait3A_96 = tpu.memref_slice %arg4[%dma_wait3A_91, %dma_wait3A_92, %dma_wait3A_95] : memref<50x200x16384xf32, #tpu.memory_space<hbm>> -> memref<1x1x1024xf32, #tpu.memory_space<hbm>>
    %dma_wait3A_97 = tpu.memref_squeeze %dma_wait3A_96 : memref<1x1x1024xf32, #tpu.memory_space<hbm>> -> memref<1024xf32, #tpu.memory_space<hbm>>
    %dma_wait3A_98 = arith.constant 0 : i32
    %dma_wait3A_99 = tpu.memref_slice %arg4[%dma_wait3A_91, %dma_wait3A_92, %dma_wait3A_98] : memref<50x200x16384xf32, #tpu.memory_space<hbm>> -> memref<1x1x1024xf32, #tpu.memory_space<hbm>>
    %dma_wait3A_100 = tpu.memref_squeeze %dma_wait3A_99 : memref<1x1x1024xf32, #tpu.memory_space<hbm>> -> memref<1024xf32, #tpu.memory_space<hbm>>
    %dma_wait3A_101 = arith.constant 0 : i32
    %dma_wait3A_102 = tpu.memref_slice %arg9[%dma_wait3A_101] : memref<51200xf32, #tpu.memory_space<vmem>> -> memref<1024xf32, #tpu.memory_space<vmem>>
    tpu.wait_dma2 semaphore(%arg14 : memref<!tpu.dma_semaphore, #tpu.memory_space<semaphore_mem>>) src(%dma_wait3A_102 : memref<1024xf32, #tpu.memory_space<vmem>>) dst(%dma_wait3A_100 : memref<1024xf32, #tpu.memory_space<hbm>>)
    %dma_wait3A_103 = arith.constant 0 : i32
    %dma_wait3A_104 = arith.constant 0 : i32
    %dma_wait3A_105 = arith.constant 0 : i32
    %dma_wait3A_106 = tpu.memref_slice %arg9[%dma_wait3A_105] : memref<51200xf32, #tpu.memory_space<vmem>> -> memref<1024xf32, #tpu.memory_space<vmem>>
    %dma_wait3A_107 = arith.constant 0 : i32
    %dma_wait3A_108 = tpu.memref_slice %arg4[%dma_wait3A_103, %dma_wait3A_104, %dma_wait3A_107] : memref<50x200x16384xf32, #tpu.memory_space<hbm>> -> memref<1x1x1024xf32, #tpu.memory_space<hbm>>
    %dma_wait3A_109 = tpu.memref_squeeze %dma_wait3A_108 : memref<1x1x1024xf32, #tpu.memory_space<hbm>> -> memref<1024xf32, #tpu.memory_space<hbm>>
    %dma_wait3A_110 = arith.constant 0 : i32
    %dma_wait3A_111 = tpu.memref_slice %arg4[%dma_wait3A_103, %dma_wait3A_104, %dma_wait3A_110] : memref<50x200x16384xf32, #tpu.memory_space<hbm>> -> memref<1x1x1024xf32, #tpu.memory_space<hbm>>
    %dma_wait3A_112 = tpu.memref_squeeze %dma_wait3A_111 : memref<1x1x1024xf32, #tpu.memory_space<hbm>> -> memref<1024xf32, #tpu.memory_space<hbm>>
    %dma_wait3A_113 = arith.constant 0 : i32
    %dma_wait3A_114 = tpu.memref_slice %arg9[%dma_wait3A_113] : memref<51200xf32, #tpu.memory_space<vmem>> -> memref<1024xf32, #tpu.memory_space<vmem>>
    tpu.wait_dma2 semaphore(%arg14 : memref<!tpu.dma_semaphore, #tpu.memory_space<semaphore_mem>>) src(%dma_wait3A_114 : memref<1024xf32, #tpu.memory_space<vmem>>) dst(%dma_wait3A_112 : memref<1024xf32, #tpu.memory_space<hbm>>)
    %dma_wait3A_115 = arith.constant 0 : i32
    %dma_wait3A_116 = arith.constant 0 : i32
    %dma_wait3A_117 = arith.constant 0 : i32
    %dma_wait3A_118 = tpu.memref_slice %arg9[%dma_wait3A_117] : memref<51200xf32, #tpu.memory_space<vmem>> -> memref<1024xf32, #tpu.memory_space<vmem>>
    %dma_wait3A_119 = arith.constant 0 : i32
    %dma_wait3A_120 = tpu.memref_slice %arg4[%dma_wait3A_115, %dma_wait3A_116, %dma_wait3A_119] : memref<50x200x16384xf32, #tpu.memory_space<hbm>> -> memref<1x1x1024xf32, #tpu.memory_space<hbm>>
    %dma_wait3A_121 = tpu.memref_squeeze %dma_wait3A_120 : memref<1x1x1024xf32, #tpu.memory_space<hbm>> -> memref<1024xf32, #tpu.memory_space<hbm>>
    %dma_wait3A_122 = arith.constant 0 : i32
    %dma_wait3A_123 = tpu.memref_slice %arg4[%dma_wait3A_115, %dma_wait3A_116, %dma_wait3A_122] : memref<50x200x16384xf32, #tpu.memory_space<hbm>> -> memref<1x1x1024xf32, #tpu.memory_space<hbm>>
    %dma_wait3A_124 = tpu.memref_squeeze %dma_wait3A_123 : memref<1x1x1024xf32, #tpu.memory_space<hbm>> -> memref<1024xf32, #tpu.memory_space<hbm>>
    %dma_wait3A_125 = arith.constant 0 : i32
    %dma_wait3A_126 = tpu.memref_slice %arg9[%dma_wait3A_125] : memref<51200xf32, #tpu.memory_space<vmem>> -> memref<1024xf32, #tpu.memory_space<vmem>>
    tpu.wait_dma2 semaphore(%arg14 : memref<!tpu.dma_semaphore, #tpu.memory_space<semaphore_mem>>) src(%dma_wait3A_126 : memref<1024xf32, #tpu.memory_space<vmem>>) dst(%dma_wait3A_124 : memref<1024xf32, #tpu.memory_space<hbm>>)
    %dma_wait3A_127 = arith.constant 0 : i32
    %dma_wait3A_128 = arith.constant 0 : i32
    %dma_wait3A_129 = arith.constant 0 : i32
    %dma_wait3A_130 = tpu.memref_slice %arg9[%dma_wait3A_129] : memref<51200xf32, #tpu.memory_space<vmem>> -> memref<1024xf32, #tpu.memory_space<vmem>>
    %dma_wait3A_131 = arith.constant 0 : i32
    %dma_wait3A_132 = tpu.memref_slice %arg4[%dma_wait3A_127, %dma_wait3A_128, %dma_wait3A_131] : memref<50x200x16384xf32, #tpu.memory_space<hbm>> -> memref<1x1x1024xf32, #tpu.memory_space<hbm>>
    %dma_wait3A_133 = tpu.memref_squeeze %dma_wait3A_132 : memref<1x1x1024xf32, #tpu.memory_space<hbm>> -> memref<1024xf32, #tpu.memory_space<hbm>>
    %dma_wait3A_134 = arith.constant 0 : i32
    %dma_wait3A_135 = tpu.memref_slice %arg4[%dma_wait3A_127, %dma_wait3A_128, %dma_wait3A_134] : memref<50x200x16384xf32, #tpu.memory_space<hbm>> -> memref<1x1x1024xf32, #tpu.memory_space<hbm>>
    %dma_wait3A_136 = tpu.memref_squeeze %dma_wait3A_135 : memref<1x1x1024xf32, #tpu.memory_space<hbm>> -> memref<1024xf32, #tpu.memory_space<hbm>>
    %dma_wait3A_137 = arith.constant 0 : i32
    %dma_wait3A_138 = tpu.memref_slice %arg9[%dma_wait3A_137] : memref<51200xf32, #tpu.memory_space<vmem>> -> memref<1024xf32, #tpu.memory_space<vmem>>
    tpu.wait_dma2 semaphore(%arg14 : memref<!tpu.dma_semaphore, #tpu.memory_space<semaphore_mem>>) src(%dma_wait3A_138 : memref<1024xf32, #tpu.memory_space<vmem>>) dst(%dma_wait3A_136 : memref<1024xf32, #tpu.memory_space<hbm>>)
    %dma_wait3A_139 = arith.constant 0 : i32
    %dma_wait3A_140 = arith.constant 0 : i32
    %dma_wait3A_141 = arith.constant 0 : i32
    %dma_wait3A_142 = tpu.memref_slice %arg9[%dma_wait3A_141] : memref<51200xf32, #tpu.memory_space<vmem>> -> memref<1024xf32, #tpu.memory_space<vmem>>
    %dma_wait3A_143 = arith.constant 0 : i32
    %dma_wait3A_144 = tpu.memref_slice %arg4[%dma_wait3A_139, %dma_wait3A_140, %dma_wait3A_143] : memref<50x200x16384xf32, #tpu.memory_space<hbm>> -> memref<1x1x1024xf32, #tpu.memory_space<hbm>>
    %dma_wait3A_145 = tpu.memref_squeeze %dma_wait3A_144 : memref<1x1x1024xf32, #tpu.memory_space<hbm>> -> memref<1024xf32, #tpu.memory_space<hbm>>
    %dma_wait3A_146 = arith.constant 0 : i32
    %dma_wait3A_147 = tpu.memref_slice %arg4[%dma_wait3A_139, %dma_wait3A_140, %dma_wait3A_146] : memref<50x200x16384xf32, #tpu.memory_space<hbm>> -> memref<1x1x1024xf32, #tpu.memory_space<hbm>>
    %dma_wait3A_148 = tpu.memref_squeeze %dma_wait3A_147 : memref<1x1x1024xf32, #tpu.memory_space<hbm>> -> memref<1024xf32, #tpu.memory_space<hbm>>
    %dma_wait3A_149 = arith.constant 0 : i32
    %dma_wait3A_150 = tpu.memref_slice %arg9[%dma_wait3A_149] : memref<51200xf32, #tpu.memory_space<vmem>> -> memref<1024xf32, #tpu.memory_space<vmem>>
    tpu.wait_dma2 semaphore(%arg14 : memref<!tpu.dma_semaphore, #tpu.memory_space<semaphore_mem>>) src(%dma_wait3A_150 : memref<1024xf32, #tpu.memory_space<vmem>>) dst(%dma_wait3A_148 : memref<1024xf32, #tpu.memory_space<hbm>>)
    %dma_wait3A_151 = arith.constant 0 : i32
    %dma_wait3A_152 = arith.constant 0 : i32
    %dma_wait3A_153 = arith.constant 0 : i32
    %dma_wait3A_154 = tpu.memref_slice %arg9[%dma_wait3A_153] : memref<51200xf32, #tpu.memory_space<vmem>> -> memref<1024xf32, #tpu.memory_space<vmem>>
    %dma_wait3A_155 = arith.constant 0 : i32
    %dma_wait3A_156 = tpu.memref_slice %arg4[%dma_wait3A_151, %dma_wait3A_152, %dma_wait3A_155] : memref<50x200x16384xf32, #tpu.memory_space<hbm>> -> memref<1x1x1024xf32, #tpu.memory_space<hbm>>
    %dma_wait3A_157 = tpu.memref_squeeze %dma_wait3A_156 : memref<1x1x1024xf32, #tpu.memory_space<hbm>> -> memref<1024xf32, #tpu.memory_space<hbm>>
    %dma_wait3A_158 = arith.constant 0 : i32
    %dma_wait3A_159 = tpu.memref_slice %arg4[%dma_wait3A_151, %dma_wait3A_152, %dma_wait3A_158] : memref<50x200x16384xf32, #tpu.memory_space<hbm>> -> memref<1x1x1024xf32, #tpu.memory_space<hbm>>
    %dma_wait3A_160 = tpu.memref_squeeze %dma_wait3A_159 : memref<1x1x1024xf32, #tpu.memory_space<hbm>> -> memref<1024xf32, #tpu.memory_space<hbm>>
    %dma_wait3A_161 = arith.constant 0 : i32
    %dma_wait3A_162 = tpu.memref_slice %arg9[%dma_wait3A_161] : memref<51200xf32, #tpu.memory_space<vmem>> -> memref<1024xf32, #tpu.memory_space<vmem>>
    tpu.wait_dma2 semaphore(%arg14 : memref<!tpu.dma_semaphore, #tpu.memory_space<semaphore_mem>>) src(%dma_wait3A_162 : memref<1024xf32, #tpu.memory_space<vmem>>) dst(%dma_wait3A_160 : memref<1024xf32, #tpu.memory_space<hbm>>)
    %dma_wait3A_163 = arith.constant 0 : i32
    %dma_wait3A_164 = arith.constant 0 : i32
    %dma_wait3A_165 = arith.constant 0 : i32
    %dma_wait3A_166 = tpu.memref_slice %arg9[%dma_wait3A_165] : memref<51200xf32, #tpu.memory_space<vmem>> -> memref<1024xf32, #tpu.memory_space<vmem>>
    %dma_wait3A_167 = arith.constant 0 : i32
    %dma_wait3A_168 = tpu.memref_slice %arg4[%dma_wait3A_163, %dma_wait3A_164, %dma_wait3A_167] : memref<50x200x16384xf32, #tpu.memory_space<hbm>> -> memref<1x1x1024xf32, #tpu.memory_space<hbm>>
    %dma_wait3A_169 = tpu.memref_squeeze %dma_wait3A_168 : memref<1x1x1024xf32, #tpu.memory_space<hbm>> -> memref<1024xf32, #tpu.memory_space<hbm>>
    %dma_wait3A_170 = arith.constant 0 : i32
    %dma_wait3A_171 = tpu.memref_slice %arg4[%dma_wait3A_163, %dma_wait3A_164, %dma_wait3A_170] : memref<50x200x16384xf32, #tpu.memory_space<hbm>> -> memref<1x1x1024xf32, #tpu.memory_space<hbm>>
    %dma_wait3A_172 = tpu.memref_squeeze %dma_wait3A_171 : memref<1x1x1024xf32, #tpu.memory_space<hbm>> -> memref<1024xf32, #tpu.memory_space<hbm>>
    %dma_wait3A_173 = arith.constant 0 : i32
    %dma_wait3A_174 = tpu.memref_slice %arg9[%dma_wait3A_173] : memref<51200xf32, #tpu.memory_space<vmem>> -> memref<1024xf32, #tpu.memory_space<vmem>>
    tpu.wait_dma2 semaphore(%arg14 : memref<!tpu.dma_semaphore, #tpu.memory_space<semaphore_mem>>) src(%dma_wait3A_174 : memref<1024xf32, #tpu.memory_space<vmem>>) dst(%dma_wait3A_172 : memref<1024xf32, #tpu.memory_space<hbm>>)
    %dma_wait3A_175 = arith.constant 0 : i32
    %dma_wait3A_176 = arith.constant 0 : i32
    %dma_wait3A_177 = arith.constant 0 : i32
    %dma_wait3A_178 = tpu.memref_slice %arg9[%dma_wait3A_177] : memref<51200xf32, #tpu.memory_space<vmem>> -> memref<1024xf32, #tpu.memory_space<vmem>>
    %dma_wait3A_179 = arith.constant 0 : i32
    %dma_wait3A_180 = tpu.memref_slice %arg4[%dma_wait3A_175, %dma_wait3A_176, %dma_wait3A_179] : memref<50x200x16384xf32, #tpu.memory_space<hbm>> -> memref<1x1x1024xf32, #tpu.memory_space<hbm>>
    %dma_wait3A_181 = tpu.memref_squeeze %dma_wait3A_180 : memref<1x1x1024xf32, #tpu.memory_space<hbm>> -> memref<1024xf32, #tpu.memory_space<hbm>>
    %dma_wait3A_182 = arith.constant 0 : i32
    %dma_wait3A_183 = tpu.memref_slice %arg4[%dma_wait3A_175, %dma_wait3A_176, %dma_wait3A_182] : memref<50x200x16384xf32, #tpu.memory_space<hbm>> -> memref<1x1x1024xf32, #tpu.memory_space<hbm>>
    %dma_wait3A_184 = tpu.memref_squeeze %dma_wait3A_183 : memref<1x1x1024xf32, #tpu.memory_space<hbm>> -> memref<1024xf32, #tpu.memory_space<hbm>>
    %dma_wait3A_185 = arith.constant 0 : i32
    %dma_wait3A_186 = tpu.memref_slice %arg9[%dma_wait3A_185] : memref<51200xf32, #tpu.memory_space<vmem>> -> memref<1024xf32, #tpu.memory_space<vmem>>
    tpu.wait_dma2 semaphore(%arg14 : memref<!tpu.dma_semaphore, #tpu.memory_space<semaphore_mem>>) src(%dma_wait3A_186 : memref<1024xf32, #tpu.memory_space<vmem>>) dst(%dma_wait3A_184 : memref<1024xf32, #tpu.memory_space<hbm>>)
    %dma_wait3A_187 = arith.constant 0 : i32
    %dma_wait3A_188 = arith.constant 0 : i32
    %dma_wait3A_189 = arith.constant 0 : i32
    %dma_wait3A_190 = tpu.memref_slice %arg9[%dma_wait3A_189] : memref<51200xf32, #tpu.memory_space<vmem>> -> memref<1024xf32, #tpu.memory_space<vmem>>
    %dma_wait3A_191 = arith.constant 0 : i32
    %dma_wait3A_192 = tpu.memref_slice %arg4[%dma_wait3A_187, %dma_wait3A_188, %dma_wait3A_191] : memref<50x200x16384xf32, #tpu.memory_space<hbm>> -> memref<1x1x1024xf32, #tpu.memory_space<hbm>>
    %dma_wait3A_193 = tpu.memref_squeeze %dma_wait3A_192 : memref<1x1x1024xf32, #tpu.memory_space<hbm>> -> memref<1024xf32, #tpu.memory_space<hbm>>
    %dma_wait3A_194 = arith.constant 0 : i32
    %dma_wait3A_195 = tpu.memref_slice %arg4[%dma_wait3A_187, %dma_wait3A_188, %dma_wait3A_194] : memref<50x200x16384xf32, #tpu.memory_space<hbm>> -> memref<1x1x1024xf32, #tpu.memory_space<hbm>>
    %dma_wait3A_196 = tpu.memref_squeeze %dma_wait3A_195 : memref<1x1x1024xf32, #tpu.memory_space<hbm>> -> memref<1024xf32, #tpu.memory_space<hbm>>
    %dma_wait3A_197 = arith.constant 0 : i32
    %dma_wait3A_198 = tpu.memref_slice %arg9[%dma_wait3A_197] : memref<51200xf32, #tpu.memory_space<vmem>> -> memref<1024xf32, #tpu.memory_space<vmem>>
    tpu.wait_dma2 semaphore(%arg14 : memref<!tpu.dma_semaphore, #tpu.memory_space<semaphore_mem>>) src(%dma_wait3A_198 : memref<1024xf32, #tpu.memory_space<vmem>>) dst(%dma_wait3A_196 : memref<1024xf32, #tpu.memory_space<hbm>>)
    %dma_wait3A_199 = arith.constant 0 : i32
    %dma_wait3A_200 = arith.constant 0 : i32
    %dma_wait3A_201 = arith.constant 0 : i32
    %dma_wait3A_202 = tpu.memref_slice %arg9[%dma_wait3A_201] : memref<51200xf32, #tpu.memory_space<vmem>> -> memref<1024xf32, #tpu.memory_space<vmem>>
    %dma_wait3A_203 = arith.constant 0 : i32
    %dma_wait3A_204 = tpu.memref_slice %arg4[%dma_wait3A_199, %dma_wait3A_200, %dma_wait3A_203] : memref<50x200x16384xf32, #tpu.memory_space<hbm>> -> memref<1x1x1024xf32, #tpu.memory_space<hbm>>
    %dma_wait3A_205 = tpu.memref_squeeze %dma_wait3A_204 : memref<1x1x1024xf32, #tpu.memory_space<hbm>> -> memref<1024xf32, #tpu.memory_space<hbm>>
    %dma_wait3A_206 = arith.constant 0 : i32
    %dma_wait3A_207 = tpu.memref_slice %arg4[%dma_wait3A_199, %dma_wait3A_200, %dma_wait3A_206] : memref<50x200x16384xf32, #tpu.memory_space<hbm>> -> memref<1x1x1024xf32, #tpu.memory_space<hbm>>
    %dma_wait3A_208 = tpu.memref_squeeze %dma_wait3A_207 : memref<1x1x1024xf32, #tpu.memory_space<hbm>> -> memref<1024xf32, #tpu.memory_space<hbm>>
    %dma_wait3A_209 = arith.constant 0 : i32
    %dma_wait3A_210 = tpu.memref_slice %arg9[%dma_wait3A_209] : memref<51200xf32, #tpu.memory_space<vmem>> -> memref<1024xf32, #tpu.memory_space<vmem>>
    tpu.wait_dma2 semaphore(%arg14 : memref<!tpu.dma_semaphore, #tpu.memory_space<semaphore_mem>>) src(%dma_wait3A_210 : memref<1024xf32, #tpu.memory_space<vmem>>) dst(%dma_wait3A_208 : memref<1024xf32, #tpu.memory_space<hbm>>)
    %dma_wait3A_211 = arith.constant 0 : i32
    %dma_wait3A_212 = arith.constant 0 : i32
    %dma_wait3A_213 = arith.constant 0 : i32
    %dma_wait3A_214 = tpu.memref_slice %arg9[%dma_wait3A_213] : memref<51200xf32, #tpu.memory_space<vmem>> -> memref<1024xf32, #tpu.memory_space<vmem>>
    %dma_wait3A_215 = arith.constant 0 : i32
    %dma_wait3A_216 = tpu.memref_slice %arg4[%dma_wait3A_211, %dma_wait3A_212, %dma_wait3A_215] : memref<50x200x16384xf32, #tpu.memory_space<hbm>> -> memref<1x1x1024xf32, #tpu.memory_space<hbm>>
    %dma_wait3A_217 = tpu.memref_squeeze %dma_wait3A_216 : memref<1x1x1024xf32, #tpu.memory_space<hbm>> -> memref<1024xf32, #tpu.memory_space<hbm>>
    %dma_wait3A_218 = arith.constant 0 : i32
    %dma_wait3A_219 = tpu.memref_slice %arg4[%dma_wait3A_211, %dma_wait3A_212, %dma_wait3A_218] : memref<50x200x16384xf32, #tpu.memory_space<hbm>> -> memref<1x1x1024xf32, #tpu.memory_space<hbm>>
    %dma_wait3A_220 = tpu.memref_squeeze %dma_wait3A_219 : memref<1x1x1024xf32, #tpu.memory_space<hbm>> -> memref<1024xf32, #tpu.memory_space<hbm>>
    %dma_wait3A_221 = arith.constant 0 : i32
    %dma_wait3A_222 = tpu.memref_slice %arg9[%dma_wait3A_221] : memref<51200xf32, #tpu.memory_space<vmem>> -> memref<1024xf32, #tpu.memory_space<vmem>>
    tpu.wait_dma2 semaphore(%arg14 : memref<!tpu.dma_semaphore, #tpu.memory_space<semaphore_mem>>) src(%dma_wait3A_222 : memref<1024xf32, #tpu.memory_space<vmem>>) dst(%dma_wait3A_220 : memref<1024xf32, #tpu.memory_space<hbm>>)
    %dma_wait3A_223 = arith.constant 0 : i32
    %dma_wait3A_224 = arith.constant 0 : i32
    %dma_wait3A_225 = arith.constant 0 : i32
    %dma_wait3A_226 = tpu.memref_slice %arg9[%dma_wait3A_225] : memref<51200xf32, #tpu.memory_space<vmem>> -> memref<1024xf32, #tpu.memory_space<vmem>>
    %dma_wait3A_227 = arith.constant 0 : i32
    %dma_wait3A_228 = tpu.memref_slice %arg4[%dma_wait3A_223, %dma_wait3A_224, %dma_wait3A_227] : memref<50x200x16384xf32, #tpu.memory_space<hbm>> -> memref<1x1x1024xf32, #tpu.memory_space<hbm>>
    %dma_wait3A_229 = tpu.memref_squeeze %dma_wait3A_228 : memref<1x1x1024xf32, #tpu.memory_space<hbm>> -> memref<1024xf32, #tpu.memory_space<hbm>>
    %dma_wait3A_230 = arith.constant 0 : i32
    %dma_wait3A_231 = tpu.memref_slice %arg4[%dma_wait3A_223, %dma_wait3A_224, %dma_wait3A_230] : memref<50x200x16384xf32, #tpu.memory_space<hbm>> -> memref<1x1x1024xf32, #tpu.memory_space<hbm>>
    %dma_wait3A_232 = tpu.memref_squeeze %dma_wait3A_231 : memref<1x1x1024xf32, #tpu.memory_space<hbm>> -> memref<1024xf32, #tpu.memory_space<hbm>>
    %dma_wait3A_233 = arith.constant 0 : i32
    %dma_wait3A_234 = tpu.memref_slice %arg9[%dma_wait3A_233] : memref<51200xf32, #tpu.memory_space<vmem>> -> memref<1024xf32, #tpu.memory_space<vmem>>
    tpu.wait_dma2 semaphore(%arg14 : memref<!tpu.dma_semaphore, #tpu.memory_space<semaphore_mem>>) src(%dma_wait3A_234 : memref<1024xf32, #tpu.memory_space<vmem>>) dst(%dma_wait3A_232 : memref<1024xf32, #tpu.memory_space<hbm>>)
    %dma_wait3A_235 = arith.constant 0 : i32
    %dma_wait3A_236 = arith.constant 0 : i32
    %dma_wait3A_237 = arith.constant 0 : i32
    %dma_wait3A_238 = tpu.memref_slice %arg9[%dma_wait3A_237] : memref<51200xf32, #tpu.memory_space<vmem>> -> memref<1024xf32, #tpu.memory_space<vmem>>
    %dma_wait3A_239 = arith.constant 0 : i32
    %dma_wait3A_240 = tpu.memref_slice %arg4[%dma_wait3A_235, %dma_wait3A_236, %dma_wait3A_239] : memref<50x200x16384xf32, #tpu.memory_space<hbm>> -> memref<1x1x1024xf32, #tpu.memory_space<hbm>>
    %dma_wait3A_241 = tpu.memref_squeeze %dma_wait3A_240 : memref<1x1x1024xf32, #tpu.memory_space<hbm>> -> memref<1024xf32, #tpu.memory_space<hbm>>
    %dma_wait3A_242 = arith.constant 0 : i32
    %dma_wait3A_243 = tpu.memref_slice %arg4[%dma_wait3A_235, %dma_wait3A_236, %dma_wait3A_242] : memref<50x200x16384xf32, #tpu.memory_space<hbm>> -> memref<1x1x1024xf32, #tpu.memory_space<hbm>>
    %dma_wait3A_244 = tpu.memref_squeeze %dma_wait3A_243 : memref<1x1x1024xf32, #tpu.memory_space<hbm>> -> memref<1024xf32, #tpu.memory_space<hbm>>
    %dma_wait3A_245 = arith.constant 0 : i32
    %dma_wait3A_246 = tpu.memref_slice %arg9[%dma_wait3A_245] : memref<51200xf32, #tpu.memory_space<vmem>> -> memref<1024xf32, #tpu.memory_space<vmem>>
    tpu.wait_dma2 semaphore(%arg14 : memref<!tpu.dma_semaphore, #tpu.memory_space<semaphore_mem>>) src(%dma_wait3A_246 : memref<1024xf32, #tpu.memory_space<vmem>>) dst(%dma_wait3A_244 : memref<1024xf32, #tpu.memory_space<hbm>>)
    %dma_wait3A_247 = arith.constant 0 : i32
    %dma_wait3A_248 = arith.constant 0 : i32
    %dma_wait3A_249 = arith.constant 0 : i32
    %dma_wait3A_250 = tpu.memref_slice %arg9[%dma_wait3A_249] : memref<51200xf32, #tpu.memory_space<vmem>> -> memref<1024xf32, #tpu.memory_space<vmem>>
    %dma_wait3A_251 = arith.constant 0 : i32
    %dma_wait3A_252 = tpu.memref_slice %arg4[%dma_wait3A_247, %dma_wait3A_248, %dma_wait3A_251] : memref<50x200x16384xf32, #tpu.memory_space<hbm>> -> memref<1x1x1024xf32, #tpu.memory_space<hbm>>
    %dma_wait3A_253 = tpu.memref_squeeze %dma_wait3A_252 : memref<1x1x1024xf32, #tpu.memory_space<hbm>> -> memref<1024xf32, #tpu.memory_space<hbm>>
    %dma_wait3A_254 = arith.constant 0 : i32
    %dma_wait3A_255 = tpu.memref_slice %arg4[%dma_wait3A_247, %dma_wait3A_248, %dma_wait3A_254] : memref<50x200x16384xf32, #tpu.memory_space<hbm>> -> memref<1x1x1024xf32, #tpu.memory_space<hbm>>
    %dma_wait3A_256 = tpu.memref_squeeze %dma_wait3A_255 : memref<1x1x1024xf32, #tpu.memory_space<hbm>> -> memref<1024xf32, #tpu.memory_space<hbm>>
    %dma_wait3A_257 = arith.constant 0 : i32
    %dma_wait3A_258 = tpu.memref_slice %arg9[%dma_wait3A_257] : memref<51200xf32, #tpu.memory_space<vmem>> -> memref<1024xf32, #tpu.memory_space<vmem>>
    tpu.wait_dma2 semaphore(%arg14 : memref<!tpu.dma_semaphore, #tpu.memory_space<semaphore_mem>>) src(%dma_wait3A_258 : memref<1024xf32, #tpu.memory_space<vmem>>) dst(%dma_wait3A_256 : memref<1024xf32, #tpu.memory_space<hbm>>)
    %dma_wait3A_259 = arith.constant 0 : i32
    %dma_wait3A_260 = arith.constant 0 : i32
    %dma_wait3A_261 = arith.constant 0 : i32
    %dma_wait3A_262 = tpu.memref_slice %arg9[%dma_wait3A_261] : memref<51200xf32, #tpu.memory_space<vmem>> -> memref<1024xf32, #tpu.memory_space<vmem>>
    %dma_wait3A_263 = arith.constant 0 : i32
    %dma_wait3A_264 = tpu.memref_slice %arg4[%dma_wait3A_259, %dma_wait3A_260, %dma_wait3A_263] : memref<50x200x16384xf32, #tpu.memory_space<hbm>> -> memref<1x1x1024xf32, #tpu.memory_space<hbm>>
    %dma_wait3A_265 = tpu.memref_squeeze %dma_wait3A_264 : memref<1x1x1024xf32, #tpu.memory_space<hbm>> -> memref<1024xf32, #tpu.memory_space<hbm>>
    %dma_wait3A_266 = arith.constant 0 : i32
    %dma_wait3A_267 = tpu.memref_slice %arg4[%dma_wait3A_259, %dma_wait3A_260, %dma_wait3A_266] : memref<50x200x16384xf32, #tpu.memory_space<hbm>> -> memref<1x1x1024xf32, #tpu.memory_space<hbm>>
    %dma_wait3A_268 = tpu.memref_squeeze %dma_wait3A_267 : memref<1x1x1024xf32, #tpu.memory_space<hbm>> -> memref<1024xf32, #tpu.memory_space<hbm>>
    %dma_wait3A_269 = arith.constant 0 : i32
    %dma_wait3A_270 = tpu.memref_slice %arg9[%dma_wait3A_269] : memref<51200xf32, #tpu.memory_space<vmem>> -> memref<1024xf32, #tpu.memory_space<vmem>>
    tpu.wait_dma2 semaphore(%arg14 : memref<!tpu.dma_semaphore, #tpu.memory_space<semaphore_mem>>) src(%dma_wait3A_270 : memref<1024xf32, #tpu.memory_space<vmem>>) dst(%dma_wait3A_268 : memref<1024xf32, #tpu.memory_space<hbm>>)
    %dma_wait3A_271 = arith.constant 0 : i32
    %dma_wait3A_272 = arith.constant 0 : i32
    %dma_wait3A_273 = arith.constant 0 : i32
    %dma_wait3A_274 = tpu.memref_slice %arg9[%dma_wait3A_273] : memref<51200xf32, #tpu.memory_space<vmem>> -> memref<1024xf32, #tpu.memory_space<vmem>>
    %dma_wait3A_275 = arith.constant 0 : i32
    %dma_wait3A_276 = tpu.memref_slice %arg4[%dma_wait3A_271, %dma_wait3A_272, %dma_wait3A_275] : memref<50x200x16384xf32, #tpu.memory_space<hbm>> -> memref<1x1x1024xf32, #tpu.memory_space<hbm>>
    %dma_wait3A_277 = tpu.memref_squeeze %dma_wait3A_276 : memref<1x1x1024xf32, #tpu.memory_space<hbm>> -> memref<1024xf32, #tpu.memory_space<hbm>>
    %dma_wait3A_278 = arith.constant 0 : i32
    %dma_wait3A_279 = tpu.memref_slice %arg4[%dma_wait3A_271, %dma_wait3A_272, %dma_wait3A_278] : memref<50x200x16384xf32, #tpu.memory_space<hbm>> -> memref<1x1x1024xf32, #tpu.memory_space<hbm>>
    %dma_wait3A_280 = tpu.memref_squeeze %dma_wait3A_279 : memref<1x1x1024xf32, #tpu.memory_space<hbm>> -> memref<1024xf32, #tpu.memory_space<hbm>>
    %dma_wait3A_281 = arith.constant 0 : i32
    %dma_wait3A_282 = tpu.memref_slice %arg9[%dma_wait3A_281] : memref<51200xf32, #tpu.memory_space<vmem>> -> memref<1024xf32, #tpu.memory_space<vmem>>
    tpu.wait_dma2 semaphore(%arg14 : memref<!tpu.dma_semaphore, #tpu.memory_space<semaphore_mem>>) src(%dma_wait3A_282 : memref<1024xf32, #tpu.memory_space<vmem>>) dst(%dma_wait3A_280 : memref<1024xf32, #tpu.memory_space<hbm>>)
    %dma_wait3A_283 = arith.constant 0 : i32
    %dma_wait3A_284 = arith.constant 0 : i32
    %dma_wait3A_285 = arith.constant 0 : i32
    %dma_wait3A_286 = tpu.memref_slice %arg9[%dma_wait3A_285] : memref<51200xf32, #tpu.memory_space<vmem>> -> memref<1024xf32, #tpu.memory_space<vmem>>
    %dma_wait3A_287 = arith.constant 0 : i32
    %dma_wait3A_288 = tpu.memref_slice %arg4[%dma_wait3A_283, %dma_wait3A_284, %dma_wait3A_287] : memref<50x200x16384xf32, #tpu.memory_space<hbm>> -> memref<1x1x1024xf32, #tpu.memory_space<hbm>>
    %dma_wait3A_289 = tpu.memref_squeeze %dma_wait3A_288 : memref<1x1x1024xf32, #tpu.memory_space<hbm>> -> memref<1024xf32, #tpu.memory_space<hbm>>
    %dma_wait3A_290 = arith.constant 0 : i32
    %dma_wait3A_291 = tpu.memref_slice %arg4[%dma_wait3A_283, %dma_wait3A_284, %dma_wait3A_290] : memref<50x200x16384xf32, #tpu.memory_space<hbm>> -> memref<1x1x1024xf32, #tpu.memory_space<hbm>>
    %dma_wait3A_292 = tpu.memref_squeeze %dma_wait3A_291 : memref<1x1x1024xf32, #tpu.memory_space<hbm>> -> memref<1024xf32, #tpu.memory_space<hbm>>
    %dma_wait3A_293 = arith.constant 0 : i32
    %dma_wait3A_294 = tpu.memref_slice %arg9[%dma_wait3A_293] : memref<51200xf32, #tpu.memory_space<vmem>> -> memref<1024xf32, #tpu.memory_space<vmem>>
    tpu.wait_dma2 semaphore(%arg14 : memref<!tpu.dma_semaphore, #tpu.memory_space<semaphore_mem>>) src(%dma_wait3A_294 : memref<1024xf32, #tpu.memory_space<vmem>>) dst(%dma_wait3A_292 : memref<1024xf32, #tpu.memory_space<hbm>>)
    %dma_wait3A_295 = arith.constant 0 : i32
    %dma_wait3A_296 = arith.constant 0 : i32
    %dma_wait3A_297 = arith.constant 0 : i32
    %dma_wait3A_298 = tpu.memref_slice %arg9[%dma_wait3A_297] : memref<51200xf32, #tpu.memory_space<vmem>> -> memref<1024xf32, #tpu.memory_space<vmem>>
    %dma_wait3A_299 = arith.constant 0 : i32
    %dma_wait3A_300 = tpu.memref_slice %arg4[%dma_wait3A_295, %dma_wait3A_296, %dma_wait3A_299] : memref<50x200x16384xf32, #tpu.memory_space<hbm>> -> memref<1x1x1024xf32, #tpu.memory_space<hbm>>
    %dma_wait3A_301 = tpu.memref_squeeze %dma_wait3A_300 : memref<1x1x1024xf32, #tpu.memory_space<hbm>> -> memref<1024xf32, #tpu.memory_space<hbm>>
    %dma_wait3A_302 = arith.constant 0 : i32
    %dma_wait3A_303 = tpu.memref_slice %arg4[%dma_wait3A_295, %dma_wait3A_296, %dma_wait3A_302] : memref<50x200x16384xf32, #tpu.memory_space<hbm>> -> memref<1x1x1024xf32, #tpu.memory_space<hbm>>
    %dma_wait3A_304 = tpu.memref_squeeze %dma_wait3A_303 : memref<1x1x1024xf32, #tpu.memory_space<hbm>> -> memref<1024xf32, #tpu.memory_space<hbm>>
    %dma_wait3A_305 = arith.constant 0 : i32
    %dma_wait3A_306 = tpu.memref_slice %arg9[%dma_wait3A_305] : memref<51200xf32, #tpu.memory_space<vmem>> -> memref<1024xf32, #tpu.memory_space<vmem>>
    tpu.wait_dma2 semaphore(%arg14 : memref<!tpu.dma_semaphore, #tpu.memory_space<semaphore_mem>>) src(%dma_wait3A_306 : memref<1024xf32, #tpu.memory_space<vmem>>) dst(%dma_wait3A_304 : memref<1024xf32, #tpu.memory_space<hbm>>)
    %dma_wait3A_307 = arith.constant 0 : i32
    %dma_wait3A_308 = arith.constant 0 : i32
    %dma_wait3A_309 = arith.constant 0 : i32
    %dma_wait3A_310 = tpu.memref_slice %arg9[%dma_wait3A_309] : memref<51200xf32, #tpu.memory_space<vmem>> -> memref<1024xf32, #tpu.memory_space<vmem>>
    %dma_wait3A_311 = arith.constant 0 : i32
    %dma_wait3A_312 = tpu.memref_slice %arg4[%dma_wait3A_307, %dma_wait3A_308, %dma_wait3A_311] : memref<50x200x16384xf32, #tpu.memory_space<hbm>> -> memref<1x1x1024xf32, #tpu.memory_space<hbm>>
    %dma_wait3A_313 = tpu.memref_squeeze %dma_wait3A_312 : memref<1x1x1024xf32, #tpu.memory_space<hbm>> -> memref<1024xf32, #tpu.memory_space<hbm>>
    %dma_wait3A_314 = arith.constant 0 : i32
    %dma_wait3A_315 = tpu.memref_slice %arg4[%dma_wait3A_307, %dma_wait3A_308, %dma_wait3A_314] : memref<50x200x16384xf32, #tpu.memory_space<hbm>> -> memref<1x1x1024xf32, #tpu.memory_space<hbm>>
    %dma_wait3A_316 = tpu.memref_squeeze %dma_wait3A_315 : memref<1x1x1024xf32, #tpu.memory_space<hbm>> -> memref<1024xf32, #tpu.memory_space<hbm>>
    %dma_wait3A_317 = arith.constant 0 : i32
    %dma_wait3A_318 = tpu.memref_slice %arg9[%dma_wait3A_317] : memref<51200xf32, #tpu.memory_space<vmem>> -> memref<1024xf32, #tpu.memory_space<vmem>>
    tpu.wait_dma2 semaphore(%arg14 : memref<!tpu.dma_semaphore, #tpu.memory_space<semaphore_mem>>) src(%dma_wait3A_318 : memref<1024xf32, #tpu.memory_space<vmem>>) dst(%dma_wait3A_316 : memref<1024xf32, #tpu.memory_space<hbm>>)
    %dma_wait3A_319 = arith.constant 0 : i32
    %dma_wait3A_320 = arith.constant 0 : i32
    %dma_wait3A_321 = arith.constant 0 : i32
    %dma_wait3A_322 = tpu.memref_slice %arg9[%dma_wait3A_321] : memref<51200xf32, #tpu.memory_space<vmem>> -> memref<1024xf32, #tpu.memory_space<vmem>>
    %dma_wait3A_323 = arith.constant 0 : i32
    %dma_wait3A_324 = tpu.memref_slice %arg4[%dma_wait3A_319, %dma_wait3A_320, %dma_wait3A_323] : memref<50x200x16384xf32, #tpu.memory_space<hbm>> -> memref<1x1x1024xf32, #tpu.memory_space<hbm>>
    %dma_wait3A_325 = tpu.memref_squeeze %dma_wait3A_324 : memref<1x1x1024xf32, #tpu.memory_space<hbm>> -> memref<1024xf32, #tpu.memory_space<hbm>>
    %dma_wait3A_326 = arith.constant 0 : i32
    %dma_wait3A_327 = tpu.memref_slice %arg4[%dma_wait3A_319, %dma_wait3A_320, %dma_wait3A_326] : memref<50x200x16384xf32, #tpu.memory_space<hbm>> -> memref<1x1x1024xf32, #tpu.memory_space<hbm>>
    %dma_wait3A_328 = tpu.memref_squeeze %dma_wait3A_327 : memref<1x1x1024xf32, #tpu.memory_space<hbm>> -> memref<1024xf32, #tpu.memory_space<hbm>>
    %dma_wait3A_329 = arith.constant 0 : i32
    %dma_wait3A_330 = tpu.memref_slice %arg9[%dma_wait3A_329] : memref<51200xf32, #tpu.memory_space<vmem>> -> memref<1024xf32, #tpu.memory_space<vmem>>
    tpu.wait_dma2 semaphore(%arg14 : memref<!tpu.dma_semaphore, #tpu.memory_space<semaphore_mem>>) src(%dma_wait3A_330 : memref<1024xf32, #tpu.memory_space<vmem>>) dst(%dma_wait3A_328 : memref<1024xf32, #tpu.memory_space<hbm>>)
    %dma_wait3A_331 = arith.constant 0 : i32
    %dma_wait3A_332 = arith.constant 0 : i32
    %dma_wait3A_333 = arith.constant 0 : i32
    %dma_wait3A_334 = tpu.memref_slice %arg9[%dma_wait3A_333] : memref<51200xf32, #tpu.memory_space<vmem>> -> memref<1024xf32, #tpu.memory_space<vmem>>
    %dma_wait3A_335 = arith.constant 0 : i32
    %dma_wait3A_336 = tpu.memref_slice %arg4[%dma_wait3A_331, %dma_wait3A_332, %dma_wait3A_335] : memref<50x200x16384xf32, #tpu.memory_space<hbm>> -> memref<1x1x1024xf32, #tpu.memory_space<hbm>>
    %dma_wait3A_337 = tpu.memref_squeeze %dma_wait3A_336 : memref<1x1x1024xf32, #tpu.memory_space<hbm>> -> memref<1024xf32, #tpu.memory_space<hbm>>
    %dma_wait3A_338 = arith.constant 0 : i32
    %dma_wait3A_339 = tpu.memref_slice %arg4[%dma_wait3A_331, %dma_wait3A_332, %dma_wait3A_338] : memref<50x200x16384xf32, #tpu.memory_space<hbm>> -> memref<1x1x1024xf32, #tpu.memory_space<hbm>>
    %dma_wait3A_340 = tpu.memref_squeeze %dma_wait3A_339 : memref<1x1x1024xf32, #tpu.memory_space<hbm>> -> memref<1024xf32, #tpu.memory_space<hbm>>
    %dma_wait3A_341 = arith.constant 0 : i32
    %dma_wait3A_342 = tpu.memref_slice %arg9[%dma_wait3A_341] : memref<51200xf32, #tpu.memory_space<vmem>> -> memref<1024xf32, #tpu.memory_space<vmem>>
    tpu.wait_dma2 semaphore(%arg14 : memref<!tpu.dma_semaphore, #tpu.memory_space<semaphore_mem>>) src(%dma_wait3A_342 : memref<1024xf32, #tpu.memory_space<vmem>>) dst(%dma_wait3A_340 : memref<1024xf32, #tpu.memory_space<hbm>>)
    %dma_wait3A_343 = arith.constant 0 : i32
    %dma_wait3A_344 = arith.constant 0 : i32
    %dma_wait3A_345 = arith.constant 0 : i32
    %dma_wait3A_346 = tpu.memref_slice %arg9[%dma_wait3A_345] : memref<51200xf32, #tpu.memory_space<vmem>> -> memref<1024xf32, #tpu.memory_space<vmem>>
    %dma_wait3A_347 = arith.constant 0 : i32
    %dma_wait3A_348 = tpu.memref_slice %arg4[%dma_wait3A_343, %dma_wait3A_344, %dma_wait3A_347] : memref<50x200x16384xf32, #tpu.memory_space<hbm>> -> memref<1x1x1024xf32, #tpu.memory_space<hbm>>
    %dma_wait3A_349 = tpu.memref_squeeze %dma_wait3A_348 : memref<1x1x1024xf32, #tpu.memory_space<hbm>> -> memref<1024xf32, #tpu.memory_space<hbm>>
    %dma_wait3A_350 = arith.constant 0 : i32
    %dma_wait3A_351 = tpu.memref_slice %arg4[%dma_wait3A_343, %dma_wait3A_344, %dma_wait3A_350] : memref<50x200x16384xf32, #tpu.memory_space<hbm>> -> memref<1x1x1024xf32, #tpu.memory_space<hbm>>
    %dma_wait3A_352 = tpu.memref_squeeze %dma_wait3A_351 : memref<1x1x1024xf32, #tpu.memory_space<hbm>> -> memref<1024xf32, #tpu.memory_space<hbm>>
    %dma_wait3A_353 = arith.constant 0 : i32
    %dma_wait3A_354 = tpu.memref_slice %arg9[%dma_wait3A_353] : memref<51200xf32, #tpu.memory_space<vmem>> -> memref<1024xf32, #tpu.memory_space<vmem>>
    tpu.wait_dma2 semaphore(%arg14 : memref<!tpu.dma_semaphore, #tpu.memory_space<semaphore_mem>>) src(%dma_wait3A_354 : memref<1024xf32, #tpu.memory_space<vmem>>) dst(%dma_wait3A_352 : memref<1024xf32, #tpu.memory_space<hbm>>)
    %dma_wait3A_355 = arith.constant 0 : i32
    %dma_wait3A_356 = arith.constant 0 : i32
    %dma_wait3A_357 = arith.constant 0 : i32
    %dma_wait3A_358 = tpu.memref_slice %arg9[%dma_wait3A_357] : memref<51200xf32, #tpu.memory_space<vmem>> -> memref<1024xf32, #tpu.memory_space<vmem>>
    %dma_wait3A_359 = arith.constant 0 : i32
    %dma_wait3A_360 = tpu.memref_slice %arg4[%dma_wait3A_355, %dma_wait3A_356, %dma_wait3A_359] : memref<50x200x16384xf32, #tpu.memory_space<hbm>> -> memref<1x1x1024xf32, #tpu.memory_space<hbm>>
    %dma_wait3A_361 = tpu.memref_squeeze %dma_wait3A_360 : memref<1x1x1024xf32, #tpu.memory_space<hbm>> -> memref<1024xf32, #tpu.memory_space<hbm>>
    %dma_wait3A_362 = arith.constant 0 : i32
    %dma_wait3A_363 = tpu.memref_slice %arg4[%dma_wait3A_355, %dma_wait3A_356, %dma_wait3A_362] : memref<50x200x16384xf32, #tpu.memory_space<hbm>> -> memref<1x1x1024xf32, #tpu.memory_space<hbm>>
    %dma_wait3A_364 = tpu.memref_squeeze %dma_wait3A_363 : memref<1x1x1024xf32, #tpu.memory_space<hbm>> -> memref<1024xf32, #tpu.memory_space<hbm>>
    %dma_wait3A_365 = arith.constant 0 : i32
    %dma_wait3A_366 = tpu.memref_slice %arg9[%dma_wait3A_365] : memref<51200xf32, #tpu.memory_space<vmem>> -> memref<1024xf32, #tpu.memory_space<vmem>>
    tpu.wait_dma2 semaphore(%arg14 : memref<!tpu.dma_semaphore, #tpu.memory_space<semaphore_mem>>) src(%dma_wait3A_366 : memref<1024xf32, #tpu.memory_space<vmem>>) dst(%dma_wait3A_364 : memref<1024xf32, #tpu.memory_space<hbm>>)
    %dma_wait3A_367 = arith.constant 0 : i32
    %dma_wait3A_368 = arith.constant 0 : i32
    %dma_wait3A_369 = arith.constant 0 : i32
    %dma_wait3A_370 = tpu.memref_slice %arg9[%dma_wait3A_369] : memref<51200xf32, #tpu.memory_space<vmem>> -> memref<1024xf32, #tpu.memory_space<vmem>>
    %dma_wait3A_371 = arith.constant 0 : i32
    %dma_wait3A_372 = tpu.memref_slice %arg4[%dma_wait3A_367, %dma_wait3A_368, %dma_wait3A_371] : memref<50x200x16384xf32, #tpu.memory_space<hbm>> -> memref<1x1x1024xf32, #tpu.memory_space<hbm>>
    %dma_wait3A_373 = tpu.memref_squeeze %dma_wait3A_372 : memref<1x1x1024xf32, #tpu.memory_space<hbm>> -> memref<1024xf32, #tpu.memory_space<hbm>>
    %dma_wait3A_374 = arith.constant 0 : i32
    %dma_wait3A_375 = tpu.memref_slice %arg4[%dma_wait3A_367, %dma_wait3A_368, %dma_wait3A_374] : memref<50x200x16384xf32, #tpu.memory_space<hbm>> -> memref<1x1x1024xf32, #tpu.memory_space<hbm>>
    %dma_wait3A_376 = tpu.memref_squeeze %dma_wait3A_375 : memref<1x1x1024xf32, #tpu.memory_space<hbm>> -> memref<1024xf32, #tpu.memory_space<hbm>>
    %dma_wait3A_377 = arith.constant 0 : i32
    %dma_wait3A_378 = tpu.memref_slice %arg9[%dma_wait3A_377] : memref<51200xf32, #tpu.memory_space<vmem>> -> memref<1024xf32, #tpu.memory_space<vmem>>
    tpu.wait_dma2 semaphore(%arg14 : memref<!tpu.dma_semaphore, #tpu.memory_space<semaphore_mem>>) src(%dma_wait3A_378 : memref<1024xf32, #tpu.memory_space<vmem>>) dst(%dma_wait3A_376 : memref<1024xf32, #tpu.memory_space<hbm>>)
    %dma_wait3A_379 = arith.constant 0 : i32
    %dma_wait3A_380 = arith.constant 0 : i32
    %dma_wait3A_381 = arith.constant 0 : i32
    %dma_wait3A_382 = tpu.memref_slice %arg9[%dma_wait3A_381] : memref<51200xf32, #tpu.memory_space<vmem>> -> memref<1024xf32, #tpu.memory_space<vmem>>
    %dma_wait3A_383 = arith.constant 0 : i32
    %dma_wait3A_384 = tpu.memref_slice %arg4[%dma_wait3A_379, %dma_wait3A_380, %dma_wait3A_383] : memref<50x200x16384xf32, #tpu.memory_space<hbm>> -> memref<1x1x1024xf32, #tpu.memory_space<hbm>>
    %dma_wait3A_385 = tpu.memref_squeeze %dma_wait3A_384 : memref<1x1x1024xf32, #tpu.memory_space<hbm>> -> memref<1024xf32, #tpu.memory_space<hbm>>
    %dma_wait3A_386 = arith.constant 0 : i32
    %dma_wait3A_387 = tpu.memref_slice %arg4[%dma_wait3A_379, %dma_wait3A_380, %dma_wait3A_386] : memref<50x200x16384xf32, #tpu.memory_space<hbm>> -> memref<1x1x1024xf32, #tpu.memory_space<hbm>>
    %dma_wait3A_388 = tpu.memref_squeeze %dma_wait3A_387 : memref<1x1x1024xf32, #tpu.memory_space<hbm>> -> memref<1024xf32, #tpu.memory_space<hbm>>
    %dma_wait3A_389 = arith.constant 0 : i32
    %dma_wait3A_390 = tpu.memref_slice %arg9[%dma_wait3A_389] : memref<51200xf32, #tpu.memory_space<vmem>> -> memref<1024xf32, #tpu.memory_space<vmem>>
    tpu.wait_dma2 semaphore(%arg14 : memref<!tpu.dma_semaphore, #tpu.memory_space<semaphore_mem>>) src(%dma_wait3A_390 : memref<1024xf32, #tpu.memory_space<vmem>>) dst(%dma_wait3A_388 : memref<1024xf32, #tpu.memory_space<hbm>>)
    %dma_wait3A_391 = arith.constant 0 : i32
    %dma_wait3A_392 = arith.constant 0 : i32
    %dma_wait3A_393 = arith.constant 0 : i32
    %dma_wait3A_394 = tpu.memref_slice %arg9[%dma_wait3A_393] : memref<51200xf32, #tpu.memory_space<vmem>> -> memref<1024xf32, #tpu.memory_space<vmem>>
    %dma_wait3A_395 = arith.constant 0 : i32
    %dma_wait3A_396 = tpu.memref_slice %arg4[%dma_wait3A_391, %dma_wait3A_392, %dma_wait3A_395] : memref<50x200x16384xf32, #tpu.memory_space<hbm>> -> memref<1x1x1024xf32, #tpu.memory_space<hbm>>
    %dma_wait3A_397 = tpu.memref_squeeze %dma_wait3A_396 : memref<1x1x1024xf32, #tpu.memory_space<hbm>> -> memref<1024xf32, #tpu.memory_space<hbm>>
    %dma_wait3A_398 = arith.constant 0 : i32
    %dma_wait3A_399 = tpu.memref_slice %arg4[%dma_wait3A_391, %dma_wait3A_392, %dma_wait3A_398] : memref<50x200x16384xf32, #tpu.memory_space<hbm>> -> memref<1x1x1024xf32, #tpu.memory_space<hbm>>
    %dma_wait3A_400 = tpu.memref_squeeze %dma_wait3A_399 : memref<1x1x1024xf32, #tpu.memory_space<hbm>> -> memref<1024xf32, #tpu.memory_space<hbm>>
    %dma_wait3A_401 = arith.constant 0 : i32
    %dma_wait3A_402 = tpu.memref_slice %arg9[%dma_wait3A_401] : memref<51200xf32, #tpu.memory_space<vmem>> -> memref<1024xf32, #tpu.memory_space<vmem>>
    tpu.wait_dma2 semaphore(%arg14 : memref<!tpu.dma_semaphore, #tpu.memory_space<semaphore_mem>>) src(%dma_wait3A_402 : memref<1024xf32, #tpu.memory_space<vmem>>) dst(%dma_wait3A_400 : memref<1024xf32, #tpu.memory_space<hbm>>)
    %dma_wait3A_403 = arith.constant 0 : i32
    %dma_wait3A_404 = arith.constant 0 : i32
    %dma_wait3A_405 = arith.constant 0 : i32
    %dma_wait3A_406 = tpu.memref_slice %arg9[%dma_wait3A_405] : memref<51200xf32, #tpu.memory_space<vmem>> -> memref<1024xf32, #tpu.memory_space<vmem>>
    %dma_wait3A_407 = arith.constant 0 : i32
    %dma_wait3A_408 = tpu.memref_slice %arg4[%dma_wait3A_403, %dma_wait3A_404, %dma_wait3A_407] : memref<50x200x16384xf32, #tpu.memory_space<hbm>> -> memref<1x1x1024xf32, #tpu.memory_space<hbm>>
    %dma_wait3A_409 = tpu.memref_squeeze %dma_wait3A_408 : memref<1x1x1024xf32, #tpu.memory_space<hbm>> -> memref<1024xf32, #tpu.memory_space<hbm>>
    %dma_wait3A_410 = arith.constant 0 : i32
    %dma_wait3A_411 = tpu.memref_slice %arg4[%dma_wait3A_403, %dma_wait3A_404, %dma_wait3A_410] : memref<50x200x16384xf32, #tpu.memory_space<hbm>> -> memref<1x1x1024xf32, #tpu.memory_space<hbm>>
    %dma_wait3A_412 = tpu.memref_squeeze %dma_wait3A_411 : memref<1x1x1024xf32, #tpu.memory_space<hbm>> -> memref<1024xf32, #tpu.memory_space<hbm>>
    %dma_wait3A_413 = arith.constant 0 : i32
    %dma_wait3A_414 = tpu.memref_slice %arg9[%dma_wait3A_413] : memref<51200xf32, #tpu.memory_space<vmem>> -> memref<1024xf32, #tpu.memory_space<vmem>>
    tpu.wait_dma2 semaphore(%arg14 : memref<!tpu.dma_semaphore, #tpu.memory_space<semaphore_mem>>) src(%dma_wait3A_414 : memref<1024xf32, #tpu.memory_space<vmem>>) dst(%dma_wait3A_412 : memref<1024xf32, #tpu.memory_space<hbm>>)
    %dma_wait3A_415 = arith.constant 0 : i32
    %dma_wait3A_416 = arith.constant 0 : i32
    %dma_wait3A_417 = arith.constant 0 : i32
    %dma_wait3A_418 = tpu.memref_slice %arg9[%dma_wait3A_417] : memref<51200xf32, #tpu.memory_space<vmem>> -> memref<1024xf32, #tpu.memory_space<vmem>>
    %dma_wait3A_419 = arith.constant 0 : i32
    %dma_wait3A_420 = tpu.memref_slice %arg4[%dma_wait3A_415, %dma_wait3A_416, %dma_wait3A_419] : memref<50x200x16384xf32, #tpu.memory_space<hbm>> -> memref<1x1x1024xf32, #tpu.memory_space<hbm>>
    %dma_wait3A_421 = tpu.memref_squeeze %dma_wait3A_420 : memref<1x1x1024xf32, #tpu.memory_space<hbm>> -> memref<1024xf32, #tpu.memory_space<hbm>>
    %dma_wait3A_422 = arith.constant 0 : i32
    %dma_wait3A_423 = tpu.memref_slice %arg4[%dma_wait3A_415, %dma_wait3A_416, %dma_wait3A_422] : memref<50x200x16384xf32, #tpu.memory_space<hbm>> -> memref<1x1x1024xf32, #tpu.memory_space<hbm>>
    %dma_wait3A_424 = tpu.memref_squeeze %dma_wait3A_423 : memref<1x1x1024xf32, #tpu.memory_space<hbm>> -> memref<1024xf32, #tpu.memory_space<hbm>>
    %dma_wait3A_425 = arith.constant 0 : i32
    %dma_wait3A_426 = tpu.memref_slice %arg9[%dma_wait3A_425] : memref<51200xf32, #tpu.memory_space<vmem>> -> memref<1024xf32, #tpu.memory_space<vmem>>
    tpu.wait_dma2 semaphore(%arg14 : memref<!tpu.dma_semaphore, #tpu.memory_space<semaphore_mem>>) src(%dma_wait3A_426 : memref<1024xf32, #tpu.memory_space<vmem>>) dst(%dma_wait3A_424 : memref<1024xf32, #tpu.memory_space<hbm>>)
    %dma_wait3A_427 = arith.constant 0 : i32
    %dma_wait3A_428 = arith.constant 0 : i32
    %dma_wait3A_429 = arith.constant 0 : i32
    %dma_wait3A_430 = tpu.memref_slice %arg9[%dma_wait3A_429] : memref<51200xf32, #tpu.memory_space<vmem>> -> memref<1024xf32, #tpu.memory_space<vmem>>
    %dma_wait3A_431 = arith.constant 0 : i32
    %dma_wait3A_432 = tpu.memref_slice %arg4[%dma_wait3A_427, %dma_wait3A_428, %dma_wait3A_431] : memref<50x200x16384xf32, #tpu.memory_space<hbm>> -> memref<1x1x1024xf32, #tpu.memory_space<hbm>>
    %dma_wait3A_433 = tpu.memref_squeeze %dma_wait3A_432 : memref<1x1x1024xf32, #tpu.memory_space<hbm>> -> memref<1024xf32, #tpu.memory_space<hbm>>
    %dma_wait3A_434 = arith.constant 0 : i32
    %dma_wait3A_435 = tpu.memref_slice %arg4[%dma_wait3A_427, %dma_wait3A_428, %dma_wait3A_434] : memref<50x200x16384xf32, #tpu.memory_space<hbm>> -> memref<1x1x1024xf32, #tpu.memory_space<hbm>>
    %dma_wait3A_436 = tpu.memref_squeeze %dma_wait3A_435 : memref<1x1x1024xf32, #tpu.memory_space<hbm>> -> memref<1024xf32, #tpu.memory_space<hbm>>
    %dma_wait3A_437 = arith.constant 0 : i32
    %dma_wait3A_438 = tpu.memref_slice %arg9[%dma_wait3A_437] : memref<51200xf32, #tpu.memory_space<vmem>> -> memref<1024xf32, #tpu.memory_space<vmem>>
    tpu.wait_dma2 semaphore(%arg14 : memref<!tpu.dma_semaphore, #tpu.memory_space<semaphore_mem>>) src(%dma_wait3A_438 : memref<1024xf32, #tpu.memory_space<vmem>>) dst(%dma_wait3A_436 : memref<1024xf32, #tpu.memory_space<hbm>>)
    %dma_wait3A_439 = arith.constant 0 : i32
    %dma_wait3A_440 = arith.constant 0 : i32
    %dma_wait3A_441 = arith.constant 0 : i32
    %dma_wait3A_442 = tpu.memref_slice %arg9[%dma_wait3A_441] : memref<51200xf32, #tpu.memory_space<vmem>> -> memref<1024xf32, #tpu.memory_space<vmem>>
    %dma_wait3A_443 = arith.constant 0 : i32
    %dma_wait3A_444 = tpu.memref_slice %arg4[%dma_wait3A_439, %dma_wait3A_440, %dma_wait3A_443] : memref<50x200x16384xf32, #tpu.memory_space<hbm>> -> memref<1x1x1024xf32, #tpu.memory_space<hbm>>
    %dma_wait3A_445 = tpu.memref_squeeze %dma_wait3A_444 : memref<1x1x1024xf32, #tpu.memory_space<hbm>> -> memref<1024xf32, #tpu.memory_space<hbm>>
    %dma_wait3A_446 = arith.constant 0 : i32
    %dma_wait3A_447 = tpu.memref_slice %arg4[%dma_wait3A_439, %dma_wait3A_440, %dma_wait3A_446] : memref<50x200x16384xf32, #tpu.memory_space<hbm>> -> memref<1x1x1024xf32, #tpu.memory_space<hbm>>
    %dma_wait3A_448 = tpu.memref_squeeze %dma_wait3A_447 : memref<1x1x1024xf32, #tpu.memory_space<hbm>> -> memref<1024xf32, #tpu.memory_space<hbm>>
    %dma_wait3A_449 = arith.constant 0 : i32
    %dma_wait3A_450 = tpu.memref_slice %arg9[%dma_wait3A_449] : memref<51200xf32, #tpu.memory_space<vmem>> -> memref<1024xf32, #tpu.memory_space<vmem>>
    tpu.wait_dma2 semaphore(%arg14 : memref<!tpu.dma_semaphore, #tpu.memory_space<semaphore_mem>>) src(%dma_wait3A_450 : memref<1024xf32, #tpu.memory_space<vmem>>) dst(%dma_wait3A_448 : memref<1024xf32, #tpu.memory_space<hbm>>)
    %dma_wait3A_451 = arith.constant 0 : i32
    %dma_wait3A_452 = arith.constant 0 : i32
    %dma_wait3A_453 = arith.constant 0 : i32
    %dma_wait3A_454 = tpu.memref_slice %arg9[%dma_wait3A_453] : memref<51200xf32, #tpu.memory_space<vmem>> -> memref<1024xf32, #tpu.memory_space<vmem>>
    %dma_wait3A_455 = arith.constant 0 : i32
    %dma_wait3A_456 = tpu.memref_slice %arg4[%dma_wait3A_451, %dma_wait3A_452, %dma_wait3A_455] : memref<50x200x16384xf32, #tpu.memory_space<hbm>> -> memref<1x1x1024xf32, #tpu.memory_space<hbm>>
    %dma_wait3A_457 = tpu.memref_squeeze %dma_wait3A_456 : memref<1x1x1024xf32, #tpu.memory_space<hbm>> -> memref<1024xf32, #tpu.memory_space<hbm>>
    %dma_wait3A_458 = arith.constant 0 : i32
    %dma_wait3A_459 = tpu.memref_slice %arg4[%dma_wait3A_451, %dma_wait3A_452, %dma_wait3A_458] : memref<50x200x16384xf32, #tpu.memory_space<hbm>> -> memref<1x1x1024xf32, #tpu.memory_space<hbm>>
    %dma_wait3A_460 = tpu.memref_squeeze %dma_wait3A_459 : memref<1x1x1024xf32, #tpu.memory_space<hbm>> -> memref<1024xf32, #tpu.memory_space<hbm>>
    %dma_wait3A_461 = arith.constant 0 : i32
    %dma_wait3A_462 = tpu.memref_slice %arg9[%dma_wait3A_461] : memref<51200xf32, #tpu.memory_space<vmem>> -> memref<1024xf32, #tpu.memory_space<vmem>>
    tpu.wait_dma2 semaphore(%arg14 : memref<!tpu.dma_semaphore, #tpu.memory_space<semaphore_mem>>) src(%dma_wait3A_462 : memref<1024xf32, #tpu.memory_space<vmem>>) dst(%dma_wait3A_460 : memref<1024xf32, #tpu.memory_space<hbm>>)
    %dma_wait3A_463 = arith.constant 0 : i32
    %dma_wait3A_464 = arith.constant 0 : i32
    %dma_wait3A_465 = arith.constant 0 : i32
    %dma_wait3A_466 = tpu.memref_slice %arg9[%dma_wait3A_465] : memref<51200xf32, #tpu.memory_space<vmem>> -> memref<1024xf32, #tpu.memory_space<vmem>>
    %dma_wait3A_467 = arith.constant 0 : i32
    %dma_wait3A_468 = tpu.memref_slice %arg4[%dma_wait3A_463, %dma_wait3A_464, %dma_wait3A_467] : memref<50x200x16384xf32, #tpu.memory_space<hbm>> -> memref<1x1x1024xf32, #tpu.memory_space<hbm>>
    %dma_wait3A_469 = tpu.memref_squeeze %dma_wait3A_468 : memref<1x1x1024xf32, #tpu.memory_space<hbm>> -> memref<1024xf32, #tpu.memory_space<hbm>>
    %dma_wait3A_470 = arith.constant 0 : i32
    %dma_wait3A_471 = tpu.memref_slice %arg4[%dma_wait3A_463, %dma_wait3A_464, %dma_wait3A_470] : memref<50x200x16384xf32, #tpu.memory_space<hbm>> -> memref<1x1x1024xf32, #tpu.memory_space<hbm>>
    %dma_wait3A_472 = tpu.memref_squeeze %dma_wait3A_471 : memref<1x1x1024xf32, #tpu.memory_space<hbm>> -> memref<1024xf32, #tpu.memory_space<hbm>>
    %dma_wait3A_473 = arith.constant 0 : i32
    %dma_wait3A_474 = tpu.memref_slice %arg9[%dma_wait3A_473] : memref<51200xf32, #tpu.memory_space<vmem>> -> memref<1024xf32, #tpu.memory_space<vmem>>
    tpu.wait_dma2 semaphore(%arg14 : memref<!tpu.dma_semaphore, #tpu.memory_space<semaphore_mem>>) src(%dma_wait3A_474 : memref<1024xf32, #tpu.memory_space<vmem>>) dst(%dma_wait3A_472 : memref<1024xf32, #tpu.memory_space<hbm>>)
    %dma_wait3A_475 = arith.constant 0 : i32
    %dma_wait3A_476 = arith.constant 0 : i32
    %dma_wait3A_477 = arith.constant 0 : i32
    %dma_wait3A_478 = tpu.memref_slice %arg9[%dma_wait3A_477] : memref<51200xf32, #tpu.memory_space<vmem>> -> memref<1024xf32, #tpu.memory_space<vmem>>
    %dma_wait3A_479 = arith.constant 0 : i32
    %dma_wait3A_480 = tpu.memref_slice %arg4[%dma_wait3A_475, %dma_wait3A_476, %dma_wait3A_479] : memref<50x200x16384xf32, #tpu.memory_space<hbm>> -> memref<1x1x1024xf32, #tpu.memory_space<hbm>>
    %dma_wait3A_481 = tpu.memref_squeeze %dma_wait3A_480 : memref<1x1x1024xf32, #tpu.memory_space<hbm>> -> memref<1024xf32, #tpu.memory_space<hbm>>
    %dma_wait3A_482 = arith.constant 0 : i32
    %dma_wait3A_483 = tpu.memref_slice %arg4[%dma_wait3A_475, %dma_wait3A_476, %dma_wait3A_482] : memref<50x200x16384xf32, #tpu.memory_space<hbm>> -> memref<1x1x1024xf32, #tpu.memory_space<hbm>>
    %dma_wait3A_484 = tpu.memref_squeeze %dma_wait3A_483 : memref<1x1x1024xf32, #tpu.memory_space<hbm>> -> memref<1024xf32, #tpu.memory_space<hbm>>
    %dma_wait3A_485 = arith.constant 0 : i32
    %dma_wait3A_486 = tpu.memref_slice %arg9[%dma_wait3A_485] : memref<51200xf32, #tpu.memory_space<vmem>> -> memref<1024xf32, #tpu.memory_space<vmem>>
    tpu.wait_dma2 semaphore(%arg14 : memref<!tpu.dma_semaphore, #tpu.memory_space<semaphore_mem>>) src(%dma_wait3A_486 : memref<1024xf32, #tpu.memory_space<vmem>>) dst(%dma_wait3A_484 : memref<1024xf32, #tpu.memory_space<hbm>>)
    %dma_wait3A_487 = arith.constant 0 : i32
    %dma_wait3A_488 = arith.constant 0 : i32
    %dma_wait3A_489 = arith.constant 0 : i32
    %dma_wait3A_490 = tpu.memref_slice %arg9[%dma_wait3A_489] : memref<51200xf32, #tpu.memory_space<vmem>> -> memref<1024xf32, #tpu.memory_space<vmem>>
    %dma_wait3A_491 = arith.constant 0 : i32
    %dma_wait3A_492 = tpu.memref_slice %arg4[%dma_wait3A_487, %dma_wait3A_488, %dma_wait3A_491] : memref<50x200x16384xf32, #tpu.memory_space<hbm>> -> memref<1x1x1024xf32, #tpu.memory_space<hbm>>
    %dma_wait3A_493 = tpu.memref_squeeze %dma_wait3A_492 : memref<1x1x1024xf32, #tpu.memory_space<hbm>> -> memref<1024xf32, #tpu.memory_space<hbm>>
    %dma_wait3A_494 = arith.constant 0 : i32
    %dma_wait3A_495 = tpu.memref_slice %arg4[%dma_wait3A_487, %dma_wait3A_488, %dma_wait3A_494] : memref<50x200x16384xf32, #tpu.memory_space<hbm>> -> memref<1x1x1024xf32, #tpu.memory_space<hbm>>
    %dma_wait3A_496 = tpu.memref_squeeze %dma_wait3A_495 : memref<1x1x1024xf32, #tpu.memory_space<hbm>> -> memref<1024xf32, #tpu.memory_space<hbm>>
    %dma_wait3A_497 = arith.constant 0 : i32
    %dma_wait3A_498 = tpu.memref_slice %arg9[%dma_wait3A_497] : memref<51200xf32, #tpu.memory_space<vmem>> -> memref<1024xf32, #tpu.memory_space<vmem>>
    tpu.wait_dma2 semaphore(%arg14 : memref<!tpu.dma_semaphore, #tpu.memory_space<semaphore_mem>>) src(%dma_wait3A_498 : memref<1024xf32, #tpu.memory_space<vmem>>) dst(%dma_wait3A_496 : memref<1024xf32, #tpu.memory_space<hbm>>)
    %dma_wait3A_499 = arith.constant 0 : i32
    %dma_wait3A_500 = arith.constant 0 : i32
    %dma_wait3A_501 = arith.constant 0 : i32
    %dma_wait3A_502 = tpu.memref_slice %arg9[%dma_wait3A_501] : memref<51200xf32, #tpu.memory_space<vmem>> -> memref<1024xf32, #tpu.memory_space<vmem>>
    %dma_wait3A_503 = arith.constant 0 : i32
    %dma_wait3A_504 = tpu.memref_slice %arg4[%dma_wait3A_499, %dma_wait3A_500, %dma_wait3A_503] : memref<50x200x16384xf32, #tpu.memory_space<hbm>> -> memref<1x1x1024xf32, #tpu.memory_space<hbm>>
    %dma_wait3A_505 = tpu.memref_squeeze %dma_wait3A_504 : memref<1x1x1024xf32, #tpu.memory_space<hbm>> -> memref<1024xf32, #tpu.memory_space<hbm>>
    %dma_wait3A_506 = arith.constant 0 : i32
    %dma_wait3A_507 = tpu.memref_slice %arg4[%dma_wait3A_499, %dma_wait3A_500, %dma_wait3A_506] : memref<50x200x16384xf32, #tpu.memory_space<hbm>> -> memref<1x1x1024xf32, #tpu.memory_space<hbm>>
    %dma_wait3A_508 = tpu.memref_squeeze %dma_wait3A_507 : memref<1x1x1024xf32, #tpu.memory_space<hbm>> -> memref<1024xf32, #tpu.memory_space<hbm>>
    %dma_wait3A_509 = arith.constant 0 : i32
    %dma_wait3A_510 = tpu.memref_slice %arg9[%dma_wait3A_509] : memref<51200xf32, #tpu.memory_space<vmem>> -> memref<1024xf32, #tpu.memory_space<vmem>>
    tpu.wait_dma2 semaphore(%arg14 : memref<!tpu.dma_semaphore, #tpu.memory_space<semaphore_mem>>) src(%dma_wait3A_510 : memref<1024xf32, #tpu.memory_space<vmem>>) dst(%dma_wait3A_508 : memref<1024xf32, #tpu.memory_space<hbm>>)
    %dma_wait3A_511 = arith.constant 0 : i32
    %dma_wait3A_512 = arith.constant 0 : i32
    %dma_wait3A_513 = arith.constant 0 : i32
    %dma_wait3A_514 = tpu.memref_slice %arg9[%dma_wait3A_513] : memref<51200xf32, #tpu.memory_space<vmem>> -> memref<1024xf32, #tpu.memory_space<vmem>>
    %dma_wait3A_515 = arith.constant 0 : i32
    %dma_wait3A_516 = tpu.memref_slice %arg4[%dma_wait3A_511, %dma_wait3A_512, %dma_wait3A_515] : memref<50x200x16384xf32, #tpu.memory_space<hbm>> -> memref<1x1x1024xf32, #tpu.memory_space<hbm>>
    %dma_wait3A_517 = tpu.memref_squeeze %dma_wait3A_516 : memref<1x1x1024xf32, #tpu.memory_space<hbm>> -> memref<1024xf32, #tpu.memory_space<hbm>>
    %dma_wait3A_518 = arith.constant 0 : i32
    %dma_wait3A_519 = tpu.memref_slice %arg4[%dma_wait3A_511, %dma_wait3A_512, %dma_wait3A_518] : memref<50x200x16384xf32, #tpu.memory_space<hbm>> -> memref<1x1x1024xf32, #tpu.memory_space<hbm>>
    %dma_wait3A_520 = tpu.memref_squeeze %dma_wait3A_519 : memref<1x1x1024xf32, #tpu.memory_space<hbm>> -> memref<1024xf32, #tpu.memory_space<hbm>>
    %dma_wait3A_521 = arith.constant 0 : i32
    %dma_wait3A_522 = tpu.memref_slice %arg9[%dma_wait3A_521] : memref<51200xf32, #tpu.memory_space<vmem>> -> memref<1024xf32, #tpu.memory_space<vmem>>
    tpu.wait_dma2 semaphore(%arg14 : memref<!tpu.dma_semaphore, #tpu.memory_space<semaphore_mem>>) src(%dma_wait3A_522 : memref<1024xf32, #tpu.memory_space<vmem>>) dst(%dma_wait3A_520 : memref<1024xf32, #tpu.memory_space<hbm>>)
    %dma_wait3A_523 = arith.constant 0 : i32
    %dma_wait3A_524 = arith.constant 0 : i32
    %dma_wait3A_525 = arith.constant 0 : i32
    %dma_wait3A_526 = tpu.memref_slice %arg9[%dma_wait3A_525] : memref<51200xf32, #tpu.memory_space<vmem>> -> memref<1024xf32, #tpu.memory_space<vmem>>
    %dma_wait3A_527 = arith.constant 0 : i32
    %dma_wait3A_528 = tpu.memref_slice %arg4[%dma_wait3A_523, %dma_wait3A_524, %dma_wait3A_527] : memref<50x200x16384xf32, #tpu.memory_space<hbm>> -> memref<1x1x1024xf32, #tpu.memory_space<hbm>>
    %dma_wait3A_529 = tpu.memref_squeeze %dma_wait3A_528 : memref<1x1x1024xf32, #tpu.memory_space<hbm>> -> memref<1024xf32, #tpu.memory_space<hbm>>
    %dma_wait3A_530 = arith.constant 0 : i32
    %dma_wait3A_531 = tpu.memref_slice %arg4[%dma_wait3A_523, %dma_wait3A_524, %dma_wait3A_530] : memref<50x200x16384xf32, #tpu.memory_space<hbm>> -> memref<1x1x1024xf32, #tpu.memory_space<hbm>>
    %dma_wait3A_532 = tpu.memref_squeeze %dma_wait3A_531 : memref<1x1x1024xf32, #tpu.memory_space<hbm>> -> memref<1024xf32, #tpu.memory_space<hbm>>
    %dma_wait3A_533 = arith.constant 0 : i32
    %dma_wait3A_534 = tpu.memref_slice %arg9[%dma_wait3A_533] : memref<51200xf32, #tpu.memory_space<vmem>> -> memref<1024xf32, #tpu.memory_space<vmem>>
    tpu.wait_dma2 semaphore(%arg14 : memref<!tpu.dma_semaphore, #tpu.memory_space<semaphore_mem>>) src(%dma_wait3A_534 : memref<1024xf32, #tpu.memory_space<vmem>>) dst(%dma_wait3A_532 : memref<1024xf32, #tpu.memory_space<hbm>>)
    %dma_wait3A_535 = arith.constant 0 : i32
    %dma_wait3A_536 = arith.constant 0 : i32
    %dma_wait3A_537 = arith.constant 0 : i32
    %dma_wait3A_538 = tpu.memref_slice %arg9[%dma_wait3A_537] : memref<51200xf32, #tpu.memory_space<vmem>> -> memref<1024xf32, #tpu.memory_space<vmem>>
    %dma_wait3A_539 = arith.constant 0 : i32
    %dma_wait3A_540 = tpu.memref_slice %arg4[%dma_wait3A_535, %dma_wait3A_536, %dma_wait3A_539] : memref<50x200x16384xf32, #tpu.memory_space<hbm>> -> memref<1x1x1024xf32, #tpu.memory_space<hbm>>
    %dma_wait3A_541 = tpu.memref_squeeze %dma_wait3A_540 : memref<1x1x1024xf32, #tpu.memory_space<hbm>> -> memref<1024xf32, #tpu.memory_space<hbm>>
    %dma_wait3A_542 = arith.constant 0 : i32
    %dma_wait3A_543 = tpu.memref_slice %arg4[%dma_wait3A_535, %dma_wait3A_536, %dma_wait3A_542] : memref<50x200x16384xf32, #tpu.memory_space<hbm>> -> memref<1x1x1024xf32, #tpu.memory_space<hbm>>
    %dma_wait3A_544 = tpu.memref_squeeze %dma_wait3A_543 : memref<1x1x1024xf32, #tpu.memory_space<hbm>> -> memref<1024xf32, #tpu.memory_space<hbm>>
    %dma_wait3A_545 = arith.constant 0 : i32
    %dma_wait3A_546 = tpu.memref_slice %arg9[%dma_wait3A_545] : memref<51200xf32, #tpu.memory_space<vmem>> -> memref<1024xf32, #tpu.memory_space<vmem>>
    tpu.wait_dma2 semaphore(%arg14 : memref<!tpu.dma_semaphore, #tpu.memory_space<semaphore_mem>>) src(%dma_wait3A_546 : memref<1024xf32, #tpu.memory_space<vmem>>) dst(%dma_wait3A_544 : memref<1024xf32, #tpu.memory_space<hbm>>)
    %dma_wait3A_547 = arith.constant 0 : i32
    %dma_wait3A_548 = arith.constant 0 : i32
    %dma_wait3A_549 = arith.constant 0 : i32
    %dma_wait3A_550 = tpu.memref_slice %arg9[%dma_wait3A_549] : memref<51200xf32, #tpu.memory_space<vmem>> -> memref<1024xf32, #tpu.memory_space<vmem>>
    %dma_wait3A_551 = arith.constant 0 : i32
    %dma_wait3A_552 = tpu.memref_slice %arg4[%dma_wait3A_547, %dma_wait3A_548, %dma_wait3A_551] : memref<50x200x16384xf32, #tpu.memory_space<hbm>> -> memref<1x1x1024xf32, #tpu.memory_space<hbm>>
    %dma_wait3A_553 = tpu.memref_squeeze %dma_wait3A_552 : memref<1x1x1024xf32, #tpu.memory_space<hbm>> -> memref<1024xf32, #tpu.memory_space<hbm>>
    %dma_wait3A_554 = arith.constant 0 : i32
    %dma_wait3A_555 = tpu.memref_slice %arg4[%dma_wait3A_547, %dma_wait3A_548, %dma_wait3A_554] : memref<50x200x16384xf32, #tpu.memory_space<hbm>> -> memref<1x1x1024xf32, #tpu.memory_space<hbm>>
    %dma_wait3A_556 = tpu.memref_squeeze %dma_wait3A_555 : memref<1x1x1024xf32, #tpu.memory_space<hbm>> -> memref<1024xf32, #tpu.memory_space<hbm>>
    %dma_wait3A_557 = arith.constant 0 : i32
    %dma_wait3A_558 = tpu.memref_slice %arg9[%dma_wait3A_557] : memref<51200xf32, #tpu.memory_space<vmem>> -> memref<1024xf32, #tpu.memory_space<vmem>>
    tpu.wait_dma2 semaphore(%arg14 : memref<!tpu.dma_semaphore, #tpu.memory_space<semaphore_mem>>) src(%dma_wait3A_558 : memref<1024xf32, #tpu.memory_space<vmem>>) dst(%dma_wait3A_556 : memref<1024xf32, #tpu.memory_space<hbm>>)
    %dma_wait3A_559 = arith.constant 0 : i32
    %dma_wait3A_560 = arith.constant 0 : i32
    %dma_wait3A_561 = arith.constant 0 : i32
    %dma_wait3A_562 = tpu.memref_slice %arg9[%dma_wait3A_561] : memref<51200xf32, #tpu.memory_space<vmem>> -> memref<1024xf32, #tpu.memory_space<vmem>>
    %dma_wait3A_563 = arith.constant 0 : i32
    %dma_wait3A_564 = tpu.memref_slice %arg4[%dma_wait3A_559, %dma_wait3A_560, %dma_wait3A_563] : memref<50x200x16384xf32, #tpu.memory_space<hbm>> -> memref<1x1x1024xf32, #tpu.memory_space<hbm>>
    %dma_wait3A_565 = tpu.memref_squeeze %dma_wait3A_564 : memref<1x1x1024xf32, #tpu.memory_space<hbm>> -> memref<1024xf32, #tpu.memory_space<hbm>>
    %dma_wait3A_566 = arith.constant 0 : i32
    %dma_wait3A_567 = tpu.memref_slice %arg4[%dma_wait3A_559, %dma_wait3A_560, %dma_wait3A_566] : memref<50x200x16384xf32, #tpu.memory_space<hbm>> -> memref<1x1x1024xf32, #tpu.memory_space<hbm>>
    %dma_wait3A_568 = tpu.memref_squeeze %dma_wait3A_567 : memref<1x1x1024xf32, #tpu.memory_space<hbm>> -> memref<1024xf32, #tpu.memory_space<hbm>>
    %dma_wait3A_569 = arith.constant 0 : i32
    %dma_wait3A_570 = tpu.memref_slice %arg9[%dma_wait3A_569] : memref<51200xf32, #tpu.memory_space<vmem>> -> memref<1024xf32, #tpu.memory_space<vmem>>
    tpu.wait_dma2 semaphore(%arg14 : memref<!tpu.dma_semaphore, #tpu.memory_space<semaphore_mem>>) src(%dma_wait3A_570 : memref<1024xf32, #tpu.memory_space<vmem>>) dst(%dma_wait3A_568 : memref<1024xf32, #tpu.memory_space<hbm>>)
    %dma_wait3A_571 = arith.constant 0 : i32
    %dma_wait3A_572 = arith.constant 0 : i32
    %dma_wait3A_573 = arith.constant 0 : i32
    %dma_wait3A_574 = tpu.memref_slice %arg9[%dma_wait3A_573] : memref<51200xf32, #tpu.memory_space<vmem>> -> memref<1024xf32, #tpu.memory_space<vmem>>
    %dma_wait3A_575 = arith.constant 0 : i32
    %dma_wait3A_576 = tpu.memref_slice %arg4[%dma_wait3A_571, %dma_wait3A_572, %dma_wait3A_575] : memref<50x200x16384xf32, #tpu.memory_space<hbm>> -> memref<1x1x1024xf32, #tpu.memory_space<hbm>>
    %dma_wait3A_577 = tpu.memref_squeeze %dma_wait3A_576 : memref<1x1x1024xf32, #tpu.memory_space<hbm>> -> memref<1024xf32, #tpu.memory_space<hbm>>
    %dma_wait3A_578 = arith.constant 0 : i32
    %dma_wait3A_579 = tpu.memref_slice %arg4[%dma_wait3A_571, %dma_wait3A_572, %dma_wait3A_578] : memref<50x200x16384xf32, #tpu.memory_space<hbm>> -> memref<1x1x1024xf32, #tpu.memory_space<hbm>>
    %dma_wait3A_580 = tpu.memref_squeeze %dma_wait3A_579 : memref<1x1x1024xf32, #tpu.memory_space<hbm>> -> memref<1024xf32, #tpu.memory_space<hbm>>
    %dma_wait3A_581 = arith.constant 0 : i32
    %dma_wait3A_582 = tpu.memref_slice %arg9[%dma_wait3A_581] : memref<51200xf32, #tpu.memory_space<vmem>> -> memref<1024xf32, #tpu.memory_space<vmem>>
    tpu.wait_dma2 semaphore(%arg14 : memref<!tpu.dma_semaphore, #tpu.memory_space<semaphore_mem>>) src(%dma_wait3A_582 : memref<1024xf32, #tpu.memory_space<vmem>>) dst(%dma_wait3A_580 : memref<1024xf32, #tpu.memory_space<hbm>>)
    %dma_wait3A_583 = arith.constant 0 : i32
    %dma_wait3A_584 = arith.constant 0 : i32
    %dma_wait3A_585 = arith.constant 0 : i32
    %dma_wait3A_586 = tpu.memref_slice %arg9[%dma_wait3A_585] : memref<51200xf32, #tpu.memory_space<vmem>> -> memref<1024xf32, #tpu.memory_space<vmem>>
    %dma_wait3A_587 = arith.constant 0 : i32
    %dma_wait3A_588 = tpu.memref_slice %arg4[%dma_wait3A_583, %dma_wait3A_584, %dma_wait3A_587] : memref<50x200x16384xf32, #tpu.memory_space<hbm>> -> memref<1x1x1024xf32, #tpu.memory_space<hbm>>
    %dma_wait3A_589 = tpu.memref_squeeze %dma_wait3A_588 : memref<1x1x1024xf32, #tpu.memory_space<hbm>> -> memref<1024xf32, #tpu.memory_space<hbm>>
    %dma_wait3A_590 = arith.constant 0 : i32
    %dma_wait3A_591 = tpu.memref_slice %arg4[%dma_wait3A_583, %dma_wait3A_584, %dma_wait3A_590] : memref<50x200x16384xf32, #tpu.memory_space<hbm>> -> memref<1x1x1024xf32, #tpu.memory_space<hbm>>
    %dma_wait3A_592 = tpu.memref_squeeze %dma_wait3A_591 : memref<1x1x1024xf32, #tpu.memory_space<hbm>> -> memref<1024xf32, #tpu.memory_space<hbm>>
    %dma_wait3A_593 = arith.constant 0 : i32
    %dma_wait3A_594 = tpu.memref_slice %arg9[%dma_wait3A_593] : memref<51200xf32, #tpu.memory_space<vmem>> -> memref<1024xf32, #tpu.memory_space<vmem>>
    tpu.wait_dma2 semaphore(%arg14 : memref<!tpu.dma_semaphore, #tpu.memory_space<semaphore_mem>>) src(%dma_wait3A_594 : memref<1024xf32, #tpu.memory_space<vmem>>) dst(%dma_wait3A_592 : memref<1024xf32, #tpu.memory_space<hbm>>)
    %dma_wait3A_595 = arith.constant 0 : i32
    %dma_wait3A_596 = arith.constant 0 : i32
    %dma_wait3A_597 = arith.constant 0 : i32
    %dma_wait3A_598 = tpu.memref_slice %arg9[%dma_wait3A_597] : memref<51200xf32, #tpu.memory_space<vmem>> -> memref<1024xf32, #tpu.memory_space<vmem>>
    %dma_wait3A_599 = arith.constant 0 : i32
    %dma_wait3A_600 = tpu.memref_slice %arg4[%dma_wait3A_595, %dma_wait3A_596, %dma_wait3A_599] : memref<50x200x16384xf32, #tpu.memory_space<hbm>> -> memref<1x1x1024xf32, #tpu.memory_space<hbm>>
    %dma_wait3A_601 = tpu.memref_squeeze %dma_wait3A_600 : memref<1x1x1024xf32, #tpu.memory_space<hbm>> -> memref<1024xf32, #tpu.memory_space<hbm>>
    %dma_wait3A_602 = arith.constant 0 : i32
    %dma_wait3A_603 = tpu.memref_slice %arg4[%dma_wait3A_595, %dma_wait3A_596, %dma_wait3A_602] : memref<50x200x16384xf32, #tpu.memory_space<hbm>> -> memref<1x1x1024xf32, #tpu.memory_space<hbm>>
    %dma_wait3A_604 = tpu.memref_squeeze %dma_wait3A_603 : memref<1x1x1024xf32, #tpu.memory_space<hbm>> -> memref<1024xf32, #tpu.memory_space<hbm>>
    %dma_wait3A_605 = arith.constant 0 : i32
    %dma_wait3A_606 = tpu.memref_slice %arg9[%dma_wait3A_605] : memref<51200xf32, #tpu.memory_space<vmem>> -> memref<1024xf32, #tpu.memory_space<vmem>>
    tpu.wait_dma2 semaphore(%arg14 : memref<!tpu.dma_semaphore, #tpu.memory_space<semaphore_mem>>) src(%dma_wait3A_606 : memref<1024xf32, #tpu.memory_space<vmem>>) dst(%dma_wait3A_604 : memref<1024xf32, #tpu.memory_space<hbm>>)
    %dma_wait3A_607 = arith.constant 0 : i32
    %dma_wait3A_608 = arith.constant 0 : i32
    %dma_wait3A_609 = arith.constant 0 : i32
    %dma_wait3A_610 = tpu.memref_slice %arg9[%dma_wait3A_609] : memref<51200xf32, #tpu.memory_space<vmem>> -> memref<1024xf32, #tpu.memory_space<vmem>>
    %dma_wait3A_611 = arith.constant 0 : i32
    %dma_wait3A_612 = tpu.memref_slice %arg4[%dma_wait3A_607, %dma_wait3A_608, %dma_wait3A_611] : memref<50x200x16384xf32, #tpu.memory_space<hbm>> -> memref<1x1x1024xf32, #tpu.memory_space<hbm>>
    %dma_wait3A_613 = tpu.memref_squeeze %dma_wait3A_612 : memref<1x1x1024xf32, #tpu.memory_space<hbm>> -> memref<1024xf32, #tpu.memory_space<hbm>>
    %dma_wait3A_614 = arith.constant 0 : i32
    %dma_wait3A_615 = tpu.memref_slice %arg4[%dma_wait3A_607, %dma_wait3A_608, %dma_wait3A_614] : memref<50x200x16384xf32, #tpu.memory_space<hbm>> -> memref<1x1x1024xf32, #tpu.memory_space<hbm>>
    %dma_wait3A_616 = tpu.memref_squeeze %dma_wait3A_615 : memref<1x1x1024xf32, #tpu.memory_space<hbm>> -> memref<1024xf32, #tpu.memory_space<hbm>>
    %dma_wait3A_617 = arith.constant 0 : i32
    %dma_wait3A_618 = tpu.memref_slice %arg9[%dma_wait3A_617] : memref<51200xf32, #tpu.memory_space<vmem>> -> memref<1024xf32, #tpu.memory_space<vmem>>
    tpu.wait_dma2 semaphore(%arg14 : memref<!tpu.dma_semaphore, #tpu.memory_space<semaphore_mem>>) src(%dma_wait3A_618 : memref<1024xf32, #tpu.memory_space<vmem>>) dst(%dma_wait3A_616 : memref<1024xf32, #tpu.memory_space<hbm>>)
    %dma_wait3A_619 = arith.constant 0 : i32
    %dma_wait3A_620 = arith.constant 0 : i32
    %dma_wait3A_621 = arith.constant 0 : i32
    %dma_wait3A_622 = tpu.memref_slice %arg9[%dma_wait3A_621] : memref<51200xf32, #tpu.memory_space<vmem>> -> memref<1024xf32, #tpu.memory_space<vmem>>
    %dma_wait3A_623 = arith.constant 0 : i32
    %dma_wait3A_624 = tpu.memref_slice %arg4[%dma_wait3A_619, %dma_wait3A_620, %dma_wait3A_623] : memref<50x200x16384xf32, #tpu.memory_space<hbm>> -> memref<1x1x1024xf32, #tpu.memory_space<hbm>>
    %dma_wait3A_625 = tpu.memref_squeeze %dma_wait3A_624 : memref<1x1x1024xf32, #tpu.memory_space<hbm>> -> memref<1024xf32, #tpu.memory_space<hbm>>
    %dma_wait3A_626 = arith.constant 0 : i32
    %dma_wait3A_627 = tpu.memref_slice %arg4[%dma_wait3A_619, %dma_wait3A_620, %dma_wait3A_626] : memref<50x200x16384xf32, #tpu.memory_space<hbm>> -> memref<1x1x1024xf32, #tpu.memory_space<hbm>>
    %dma_wait3A_628 = tpu.memref_squeeze %dma_wait3A_627 : memref<1x1x1024xf32, #tpu.memory_space<hbm>> -> memref<1024xf32, #tpu.memory_space<hbm>>
    %dma_wait3A_629 = arith.constant 0 : i32
    %dma_wait3A_630 = tpu.memref_slice %arg9[%dma_wait3A_629] : memref<51200xf32, #tpu.memory_space<vmem>> -> memref<1024xf32, #tpu.memory_space<vmem>>
    tpu.wait_dma2 semaphore(%arg14 : memref<!tpu.dma_semaphore, #tpu.memory_space<semaphore_mem>>) src(%dma_wait3A_630 : memref<1024xf32, #tpu.memory_space<vmem>>) dst(%dma_wait3A_628 : memref<1024xf32, #tpu.memory_space<hbm>>)
    %dma_wait3A_631 = arith.constant 0 : i32
    %dma_wait3A_632 = arith.constant 0 : i32
    %dma_wait3A_633 = arith.constant 0 : i32
    %dma_wait3A_634 = tpu.memref_slice %arg9[%dma_wait3A_633] : memref<51200xf32, #tpu.memory_space<vmem>> -> memref<1024xf32, #tpu.memory_space<vmem>>
    %dma_wait3A_635 = arith.constant 0 : i32
    %dma_wait3A_636 = tpu.memref_slice %arg4[%dma_wait3A_631, %dma_wait3A_632, %dma_wait3A_635] : memref<50x200x16384xf32, #tpu.memory_space<hbm>> -> memref<1x1x1024xf32, #tpu.memory_space<hbm>>
    %dma_wait3A_637 = tpu.memref_squeeze %dma_wait3A_636 : memref<1x1x1024xf32, #tpu.memory_space<hbm>> -> memref<1024xf32, #tpu.memory_space<hbm>>
    %dma_wait3A_638 = arith.constant 0 : i32
    %dma_wait3A_639 = tpu.memref_slice %arg4[%dma_wait3A_631, %dma_wait3A_632, %dma_wait3A_638] : memref<50x200x16384xf32, #tpu.memory_space<hbm>> -> memref<1x1x1024xf32, #tpu.memory_space<hbm>>
    %dma_wait3A_640 = tpu.memref_squeeze %dma_wait3A_639 : memref<1x1x1024xf32, #tpu.memory_space<hbm>> -> memref<1024xf32, #tpu.memory_space<hbm>>
    %dma_wait3A_641 = arith.constant 0 : i32
    %dma_wait3A_642 = tpu.memref_slice %arg9[%dma_wait3A_641] : memref<51200xf32, #tpu.memory_space<vmem>> -> memref<1024xf32, #tpu.memory_space<vmem>>
    tpu.wait_dma2 semaphore(%arg14 : memref<!tpu.dma_semaphore, #tpu.memory_space<semaphore_mem>>) src(%dma_wait3A_642 : memref<1024xf32, #tpu.memory_space<vmem>>) dst(%dma_wait3A_640 : memref<1024xf32, #tpu.memory_space<hbm>>)
    %dma_wait3A_643 = arith.constant 0 : i32
    %dma_wait3A_644 = arith.constant 0 : i32
    %dma_wait3A_645 = arith.constant 0 : i32
    %dma_wait3A_646 = tpu.memref_slice %arg9[%dma_wait3A_645] : memref<51200xf32, #tpu.memory_space<vmem>> -> memref<1024xf32, #tpu.memory_space<vmem>>
    %dma_wait3A_647 = arith.constant 0 : i32
    %dma_wait3A_648 = tpu.memref_slice %arg4[%dma_wait3A_643, %dma_wait3A_644, %dma_wait3A_647] : memref<50x200x16384xf32, #tpu.memory_space<hbm>> -> memref<1x1x1024xf32, #tpu.memory_space<hbm>>
    %dma_wait3A_649 = tpu.memref_squeeze %dma_wait3A_648 : memref<1x1x1024xf32, #tpu.memory_space<hbm>> -> memref<1024xf32, #tpu.memory_space<hbm>>
    %dma_wait3A_650 = arith.constant 0 : i32
    %dma_wait3A_651 = tpu.memref_slice %arg4[%dma_wait3A_643, %dma_wait3A_644, %dma_wait3A_650] : memref<50x200x16384xf32, #tpu.memory_space<hbm>> -> memref<1x1x1024xf32, #tpu.memory_space<hbm>>
    %dma_wait3A_652 = tpu.memref_squeeze %dma_wait3A_651 : memref<1x1x1024xf32, #tpu.memory_space<hbm>> -> memref<1024xf32, #tpu.memory_space<hbm>>
    %dma_wait3A_653 = arith.constant 0 : i32
    %dma_wait3A_654 = tpu.memref_slice %arg9[%dma_wait3A_653] : memref<51200xf32, #tpu.memory_space<vmem>> -> memref<1024xf32, #tpu.memory_space<vmem>>
    tpu.wait_dma2 semaphore(%arg14 : memref<!tpu.dma_semaphore, #tpu.memory_space<semaphore_mem>>) src(%dma_wait3A_654 : memref<1024xf32, #tpu.memory_space<vmem>>) dst(%dma_wait3A_652 : memref<1024xf32, #tpu.memory_space<hbm>>)
    %dma_wait3A_655 = arith.constant 0 : i32
    %dma_wait3A_656 = arith.constant 0 : i32
    %dma_wait3A_657 = arith.constant 0 : i32
    %dma_wait3A_658 = tpu.memref_slice %arg9[%dma_wait3A_657] : memref<51200xf32, #tpu.memory_space<vmem>> -> memref<1024xf32, #tpu.memory_space<vmem>>
    %dma_wait3A_659 = arith.constant 0 : i32
    %dma_wait3A_660 = tpu.memref_slice %arg4[%dma_wait3A_655, %dma_wait3A_656, %dma_wait3A_659] : memref<50x200x16384xf32, #tpu.memory_space<hbm>> -> memref<1x1x1024xf32, #tpu.memory_space<hbm>>
    %dma_wait3A_661 = tpu.memref_squeeze %dma_wait3A_660 : memref<1x1x1024xf32, #tpu.memory_space<hbm>> -> memref<1024xf32, #tpu.memory_space<hbm>>
    %dma_wait3A_662 = arith.constant 0 : i32
    %dma_wait3A_663 = tpu.memref_slice %arg4[%dma_wait3A_655, %dma_wait3A_656, %dma_wait3A_662] : memref<50x200x16384xf32, #tpu.memory_space<hbm>> -> memref<1x1x1024xf32, #tpu.memory_space<hbm>>
    %dma_wait3A_664 = tpu.memref_squeeze %dma_wait3A_663 : memref<1x1x1024xf32, #tpu.memory_space<hbm>> -> memref<1024xf32, #tpu.memory_space<hbm>>
    %dma_wait3A_665 = arith.constant 0 : i32
    %dma_wait3A_666 = tpu.memref_slice %arg9[%dma_wait3A_665] : memref<51200xf32, #tpu.memory_space<vmem>> -> memref<1024xf32, #tpu.memory_space<vmem>>
    tpu.wait_dma2 semaphore(%arg14 : memref<!tpu.dma_semaphore, #tpu.memory_space<semaphore_mem>>) src(%dma_wait3A_666 : memref<1024xf32, #tpu.memory_space<vmem>>) dst(%dma_wait3A_664 : memref<1024xf32, #tpu.memory_space<hbm>>)
    %dma_wait3A_667 = arith.constant 0 : i32
    %dma_wait3A_668 = arith.constant 0 : i32
    %dma_wait3A_669 = arith.constant 0 : i32
    %dma_wait3A_670 = tpu.memref_slice %arg9[%dma_wait3A_669] : memref<51200xf32, #tpu.memory_space<vmem>> -> memref<1024xf32, #tpu.memory_space<vmem>>
    %dma_wait3A_671 = arith.constant 0 : i32
    %dma_wait3A_672 = tpu.memref_slice %arg4[%dma_wait3A_667, %dma_wait3A_668, %dma_wait3A_671] : memref<50x200x16384xf32, #tpu.memory_space<hbm>> -> memref<1x1x1024xf32, #tpu.memory_space<hbm>>
    %dma_wait3A_673 = tpu.memref_squeeze %dma_wait3A_672 : memref<1x1x1024xf32, #tpu.memory_space<hbm>> -> memref<1024xf32, #tpu.memory_space<hbm>>
    %dma_wait3A_674 = arith.constant 0 : i32
    %dma_wait3A_675 = tpu.memref_slice %arg4[%dma_wait3A_667, %dma_wait3A_668, %dma_wait3A_674] : memref<50x200x16384xf32, #tpu.memory_space<hbm>> -> memref<1x1x1024xf32, #tpu.memory_space<hbm>>
    %dma_wait3A_676 = tpu.memref_squeeze %dma_wait3A_675 : memref<1x1x1024xf32, #tpu.memory_space<hbm>> -> memref<1024xf32, #tpu.memory_space<hbm>>
    %dma_wait3A_677 = arith.constant 0 : i32
    %dma_wait3A_678 = tpu.memref_slice %arg9[%dma_wait3A_677] : memref<51200xf32, #tpu.memory_space<vmem>> -> memref<1024xf32, #tpu.memory_space<vmem>>
    tpu.wait_dma2 semaphore(%arg14 : memref<!tpu.dma_semaphore, #tpu.memory_space<semaphore_mem>>) src(%dma_wait3A_678 : memref<1024xf32, #tpu.memory_space<vmem>>) dst(%dma_wait3A_676 : memref<1024xf32, #tpu.memory_space<hbm>>)
    return
  }
}

</mosaic_0001>

<sc_bundles>
// kernel: kernel.3.cloned.1.call-start
scs
__scs_entry_jumppad:
0x0: {  	(pc) =	sbr.rel $0x88, $3  }
0x1: {  	(tag) =	ssettag $0x0;
	lr =	simm.s32 $0x1  }
0x2: {  	[smem:$0x3F9F] =	sst lr;
	_ =	strace $0xD0000000  }
0x3: {  	_ = 	snop  }
0x4: {  	_ = 	snop  }
0x5: {  	_ = 	snop  }
0x6: {  	_ = 	snop  }
0x7: {  	_ = 	snop  }
__scs_overlays_trampoline_lowered:
0x8: {  	[smem:$0x3FAE] =	sst s0  }
0x9: {  	[smem:$0x3FAF] =	sst s1  }
0xa: {  	[smem:$0x3FB0] =	sst s2  }
0xb: {  	[smem:$0x3FB1] =	sst s3  }
0xc: {  	[smem:$0x3FB2] =	sst s4  }
0xd: {  	[smem:$0x3FB3] =	sst s5  }
0xe: {  	[smem:$0x3FB4] =	sst s6  }
0xf: {  	[smem:$0x3FB5] =	sst s7  }
0x10: {  	[smem:$0x3FB6] =	sst s8  }
0x11: {  	[smem:$0x3FB7] =	sst s9;
	s0 =	simm.s32 @!p0 $0x0  }
0x12: {  	s1 =	sld [smem:$0x3F9D];
	s0 =	simm.s32 @p0 $0x1  }
0x13: {  	[smem:$0x3FB8] =	sst s0;
	s0 =	simm.s32 @!p1 $0x0  }
0x14: {  	s2 =	sld [smem:$0x3F9C];
	s0 =	simm.s32 @p1 $0x1  }
0x15: {  	[smem:$0x3FB9] =	sst s0;
	s0 =	simm.s32 @!p2 $0x0  }
0x16: {  	s3 =	sld [smem:$0x3FDB];
	s0 =	simm.s32 @p2 $0x1  }
0x17: {  	s4 =	simm.s32 $0x1BF5;
	[smem:$0x3FBB] =	sst s0  }
0x18: {  	s0 =	sld [smem:$0x3F9E];
	_ =	swait.ge [sflag:s4], $0x0  }
0x19: {  	s7 =	sld [smem:$0x3F9F]  }
0x1a: {  	s8 =	sadd.s32 $0xFFFFE003, lr  }
0x1b: {  	s9 =	sadd.s32 $0xFFFFFEF7, lr;
	s5 =	simm.s32 $0xFFFFFFFF;
	p2 =	slt.u32 s8, $0xFFFFF086  }
0x1c: {  	p1 =	slt.u32 s9, $0xF7A;
	s5 =	simm.s32 @!p2 $0x0  }
0x1d: {  	s5 =	simm.s32 @p1 $0x1;
	p0 =	seq.s32 s7, s2  }
0x1e: {  	s7 =	smul.u32 @!p0 $0xF7A, s2;
	p2 =	seq.s32 @!p0 s5, $0x0  }
0x1f: {  	s9 =	smul.u32 $0xF7A, s1;
	s8 =	simm.s32 @!p0 $0x1BF5;
	p2 =	por !p2, p0  }
0x20: {  	[sflag:s8] =	ssyncset.s32 @!p0 $0xFFFFF086;
	s6 =	sadd.s32 @!p0 s3, s7;
	s7 =	simm.s32 @!p0 $0x108  }
0x21: {  	s3 =	sadd.s32 s3, s9;
	s6 =	sadd.s32 @!p0 $0x88, s6;
	s7 =	simm.s32 @p2 $0x1082  }
0x22: {  	[simem:s7], [sflag:s8] =	dma.local @!p0 [hbm:s6], $0xF7A  }
0x23: {  	s9 =	sor.u32 $0xD0000000, s2;
	s6 =	simm.s32 $0x108;
	_ =	swait.ge @!p0 [sflag:s8], $0x0  }
0x24: {  	s3 =	sadd.s32 $0x88, s3;
	s6 =	simm.s32 @!p1 $0x1082;
	[sflag:s4] =	ssyncset.s32 $0xFFFFF086  }
0x25: {  	[simem:s6], [sflag:s4] =	dma.local [hbm:s3], $0xF7A  }
0x26: {  	[smem:$0x3F9F] =	sst s1;
	(tag) =	ssettag s2;
	_ =	strace s9  }
0x27: {  	s1 =	sld [smem:$0x3FAF]  }
0x28: {  	s2 =	sld [smem:$0x3FB0]  }
0x29: {  	s4 =	sld [smem:$0x3FB2]  }
0x2a: {  	p0 =	seq.s32 s5, $0x0;
	s5 =	sld [smem:$0x3FB3]  }
0x2b: {  	s6 =	sld [smem:$0x3FB4]  }
0x2c: {  	s7 =	sld [smem:$0x3FB5]  }
0x2d: {  	s3 =	simm.s32 $0x108;
	s8 =	sld [smem:$0x3FB6]  }
0x2e: {  	s3 =	simm.s32 @!p0 $0x1082;
	s9 =	sld [smem:$0x3FB7]  }
0x2f: {  	lr =	sadd.s32 s0, s3;
	s0 =	sld [smem:$0x3FAE]  }
0x30: {  	s3 =	sld [smem:$0x3FB1]  }
0x31: {  	[smem:$0x3FBA] =	sst s10  }
0x32: {  	s10 =	sld [smem:$0x3FB8];
	_ =	sdelay $0x3  }
0x33: {  	p0 =	seq.s32 s10, $0x1;
	s10 =	sld [smem:$0x3FBA];
	_ =	sdelay $0x3  }
0x34: {  	[smem:$0x3FBA] =	sst s10  }
0x35: {  	s10 =	sld [smem:$0x3FB9];
	_ =	sdelay $0x3  }
0x36: {  	p1 =	seq.s32 s10, $0x1;
	s10 =	sld [smem:$0x3FBA];
	_ =	sdelay $0x3  }
0x37: {  	[smem:$0x3FBA] =	sst s10  }
0x38: {  	s10 =	sld [smem:$0x3FBB]  }
0x39: {  	_ = 	snop;
	(pc) =	sbr.ind lr, $3  }
0x3a: {  	_ = 	snop  }
0x3b: {  	_ = 	snop  }
0x3c: {  	p2 =	seq.s32 s10, $0x1;
	s10 =	sld [smem:$0x3FBA]  }
0x3d: {  	_ =	shalt  }
0x3e: {  	_ =	shalt  }
0x3f: {  	_ =	shalt  }
0x40: {  	_ =	shalt  }
0x41: {  	_ =	shalt  }
0x42: {  	_ =	shalt  }
0x43: {  	_ =	shalt  }
0x44: {  	_ =	shalt  }
0x45: {  	_ =	shalt  }
0x46: {  	_ =	shalt  }
0x47: {  	_ =	shalt  }
0x48: {  	_ =	shalt  }
0x49: {  	_ =	shalt  }
0x4a: {  	_ =	shalt  }
0x4b: {  	_ =	shalt  }
0x4c: {  	_ =	shalt  }
0x4d: {  	_ =	shalt  }
0x4e: {  	_ =	shalt  }
0x4f: {  	_ =	shalt  }
0x50: {  	_ =	shalt  }
0x51: {  	_ =	shalt  }
0x52: {  	_ =	shalt  }
0x53: {  	_ =	shalt  }
0x54: {  	_ =	shalt  }
0x55: {  	_ =	shalt  }
0x56: {  	_ =	shalt  }
0x57: {  	_ =	shalt  }
0x58: {  	_ =	shalt  }
0x59: {  	_ =	shalt  }
0x5a: {  	_ =	shalt  }
0x5b: {  	_ =	shalt  }
0x5c: {  	_ =	shalt  }
0x5d: {  	_ =	shalt  }
0x5e: {  	_ =	shalt  }
0x5f: {  	_ =	shalt  }
0x60: {  	_ =	shalt  }
0x61: {  	_ =	shalt  }
0x62: {  	_ =	shalt  }
0x63: {  	_ =	shalt  }
0x64: {  	_ =	shalt  }
0x65: {  	_ =	shalt  }
0x66: {  	_ =	shalt  }
0x67: {  	_ =	shalt  }
0x68: {  	_ =	shalt  }
0x69: {  	_ =	shalt  }
0x6a: {  	_ =	shalt  }
0x6b: {  	_ =	shalt  }
0x6c: {  	_ =	shalt  }
0x6d: {  	_ =	shalt  }
0x6e: {  	_ =	shalt  }
0x6f: {  	_ =	shalt  }
0x70: {  	_ =	shalt  }
0x71: {  	_ =	shalt  }
0x72: {  	_ =	shalt  }
0x73: {  	_ =	shalt  }
0x74: {  	_ =	shalt  }
0x75: {  	_ =	shalt  }
0x76: {  	_ =	shalt  }
0x77: {  	_ =	shalt  }
0x78: {  	_ =	shalt  }
0x79: {  	_ =	shalt  }
0x7a: {  	_ =	shalt  }
0x7b: {  	_ =	shalt  }
0x7c: {  	_ =	shalt  }
0x7d: {  	_ =	shalt  }
0x7e: {  	_ =	shalt  }
0x7f: {  	_ =	shalt  }
0x80: {  	_ =	shalt  }
0x81: {  	_ =	shalt  }
0x82: {  	_ =	shalt  }
0x83: {  	_ =	shalt  }
0x84: {  	_ =	shalt  }
0x85: {  	_ =	shalt  }
0x86: {  	_ =	shalt  }
0x87: {  	_ =	shalt  }
.Lfunc_end0:
.L_simem_size_0:
called_computation_lowered:
.L_overlay_start_0:
0x88: {  	s2 =	sld [smem:$0x3FD9]  }
0x89: {  	s3 =	sld [smem:$0x3FFE];
	_ =	sdelay $0x1  }
0x8a: {  	s1 =	srdreg.scid  }
0x8b: {  	s0 =	sand.u32 $0x1, s1  }
0x8c: {  	s17 =	sshll.u32 s0, $0xA;
	s2 =	sadd.s32 s3, s2  }
0x8d: {  	s2 =	sadd.s32 s2, s17  }
0x8e: {  	[smem:$0x3FC6] =	sst s2  }
0x8f: {  	_ = 	snop  }
0x90: {  	s2 =	sld [smem:$0x3FC9]  }
0x91: {  	s18 =	sld [smem:$0x3FD0];
	(tm) =	ssettm $0x1  }
0x92: {  	s4 =	sld [smem:$0x3FFB];
	_ =	sdelay $0x3  }
0x93: {  	_ =	strace s4  }
0x94: {  	s4 =	sld [smem:$0x3FFC];
	_ =	sdelay $0x3  }
0x95: {  	_ =	strace s4  }
0x96: {  	s4 =	sld [smem:$0x3FFD];
	_ =	sdelay $0x3  }
0x97: {  	_ =	strace s4  }
0x98: {  	_ =	strace $0x8FFFFFFF  }
0x99: {  	s19 =	sld [smem:$0x3FDB];
	_ =	sdelay $0x1  }
0x9a: {  	s5 =	simm.s32 $_scs_section_size  }
0x9b: {  	s6 =	simm.s32 $_size__tile_overlayer_lowered;
	s7 =	simm.s32 $_tile_overlayer_lowered  }
0x9c: {  	s22 =	simm.s32 $0x1BFF;
	s21 =	sshll.u32 s7, $0x1;
	s4 =	sadd.s32 s5, s19  }
0x9d: {  	s8 =	simm.s32 $0x0;
	s20 =	sshll.u32 s6, $0x1;
	s6 =	sadd.s32 s21, s4  }
0x9e: {  	[timem:s8], [sflag:s22] =	dma.local [hbm:s6], s20  }
0x9f: {  	_ =	swait.ge [sflag:s22], s20  }
0xa0: {  	s5 =	ssub.s32 $0x0, s20;
	[sflag:s22] =	ssyncset.done $0x0  }
0xa1: {  	[sflag:s22] =	ssyncadd.s32 s5;
	_ =	sdelay $0x1  }
0xa2: {  	s23 =	simm.s32 $0x1B8B  }
0xa3: {  	_ =	swait.ge [sflag:s23], $0x1  }
0xa4: {  	[sflag:s23] =	ssyncset.done $0x0  }
0xa5: {  	s25 =	simm.s32 $0x1B8E;
	s24 =	sld [smem:$0x3FFE];
	[sflag:s23] =	ssyncadd.s32 $0xFFFFFFFF  }
0xa6: {  	s26 =	simm.s32 $execute0_lowered;
	[smem:$0x3FD2] =	sst s25  }
0xa7: {  	s6 =	sshll.u32 s26, $0x1;
	_ =	strace $0x80000046;
	[dreg:$0x1] =	wrdreg $0xFFFFFFFF  }
0xa8: {  	s28 =	simm.s32 $_size_execute0_lowered;
	s4 =	sadd.s32 s4, s6;
	[dreg:$0x0] =	wrdreg $0x0  }
0xa9: {  	s6 =	sshll.u32 s28, $0x1;
	[dreg:$0x2] =	wrdreg s4  }
0xaa: {  	[dreg:$0x3] =	wrdreg s6  }
0xab: {  	[dreg:$0x4] =	wrdreg $0xC0  }
0xac: {  	_ =	task [dreg:s8], $0x5FFFF  }
0xad: {  	[dreg:$0x1] =	wrdreg $0xFFFFFFFF  }
0xae: {  	[dreg:$0x0] =	wrdreg $0x60  }
0xaf: {  	[dreg:$0x2] =	wrdreg s2  }
0xb0: {  	[dreg:$0x3] =	wrdreg s24  }
0xb1: {  	[dreg:$0x4] =	wrdreg s18  }
0xb2: {  	[dreg:$0x5] =	wrdreg $0x9  }
0xb3: {  	_ =	task.clear_ibuf [dreg:s8], $0x6FFFF;
	_ =	strace $0x90000046  }
0xb4: {  	s29 =	simm.s32 $0x9;
	_ =	strace $0x80000048  }
0xb5: {  	_ =	swait.ge [sflag:s29], $0x1  }
0xb6: {  	[sflag:s29] =	ssyncadd.s32 $0xFFFFFFFF  }
0xb7: {  	_ =	strace $0x90000048  }
0xb8: {  	_ =	sfence  }
0xb9: {  	s30 =	sld [smem:$0x0];
	_ =	sdelay $0x2  }
0xba: {  	s31 =	sshll.u32 s1, $0xD;
	s1 =	sshrl.u32 s1, $0x2  }
0xbb: {  	s3 =	sand.u32 $0x4000, s31;
	s1 =	sadd.s32 s1, s30  }
0xbc: {  	s0 =	sor.u32 s3, s0;
	s1 =	sshll.u32 s1, $0x11  }
0xbd: {  	s0 =	sor.u32 s1, s0  }
0xbe: {  	s0 =	sadd.s32 $0x8F2B, s0  }
0xbf: {  	[sflag:s0] =	ssyncadd.remote.s32 $0x1  }
0xc0: {  	_ =	sfence.sel $0xFFFF  }
0xc1: {  	[dreg:$0x0] =	wrdreg $0xFFFFFFFF;
	(pc) =	sbr.abs _section_cstart, $3  }
0xc2: {  	[dreg:$0x1] =	wrdreg $0xFFFFFFFF  }
0xc3: {  	_ =	task.clear_ibuf [dreg:s8], $0x2FFFF;
	_ =	strace $0x9FFFFFFF  }
0xc4: {  	(tm) =	ssettm $0x7FFFFFFF  }
0xc5: {  	_ =	shalt  }
tec
execute0_lowered:
.L_overlay_start_1:
0x0: {  	(tag) =	ssettag $0x1  }
0x1: {  	s0 =	srdreg.scid  }
0x2: {  	s14 =	stileid.u32;
	s15 =	rddreg [dreg:$0x0]  }
0x3: {  	s2 =	rddreg [dreg:$0x1];
	s7 =	smul.u32 $0x6400, s14  }
0x4: {  	s3 =	rddreg [dreg:$0x2];
	s5 =	simm.s32 $0x0;
	s10 =	smul.u32 $0xC8, s14  }
0x5: {  	s16 =	simm.s32 $0x3;
	s17 =	simm.s32 $0x4800;
	s12 =	smul.u32 $0x32000, s14  }
0x6: {  	s18 =	simm.s32 $0x4;
	s0 =	sand.u32 $0x1, s0;
	s22 =	smul.u32 $0x190000, s14  }
0x7: {  	s28 =	simm.s32 $0x9400;
	s29 =	simm.s32 $0x9800;
	s8 =	smul.u32 $0x3200, s0  }
0x8: {  	s30 =	simm.s32 $0x9C00;
	s31 =	simm.s32 $0xA000;
	s11 =	smul.u32 $0x64, s0  }
0x9: {  	s1 =	sshll.u32 s14, $0x1;
	[smem:$0x7FF] =	sst s5;
	s13 =	smul.u32 $0x19000, s0  }
0xa: {  	s1 =	sor.u32 s0, s1;
	s9 =	ssub.s32 $0x2, s0;
	s0 =	smul.u32 $0xC8000, s0  }
0xb: {  	s5 =	sadd.s32 $0x400, s2;
	_ =	strace $0x80000047;
	s4 =	smul.u32 $0x64, s1  }
0xc: {  	s6 =	smul.u32 $0x3200, s1;
	s21 =	sshrl.u32 s9, $0x1;
	s1 =	sshll.u32 s1, $0xC  }
0xd: {  	s1 =	sand.u32 $0x3000, s1;
	s2 =	ssub.s32 s9, s21;
	s24 =	sadd.s32 s8, s7  }
0xe: {  	s25 =	sadd.s32 s11, s10;
	s26 =	sadd.s32 s13, s12;
	s0 =	sadd.s32 s0, s22  }
0xf: {  	s12 =	simm.s32 $0x80;
	s13 =	simm.s32 $0x400;
	[dreg:$0x6] =	wrdreg s24  }
0x10: {  	s9 =	simm.s32 $0xB400;
	s6 =	sand.u32 $0x7C000, s6;
	[dreg:$0x9] =	wrdreg s25  }
0x11: {  	s4 =	sand.u32 $0x70, s4;
	s23 =	smax.u32 s2, $0x1;
	[dreg:$0x7] =	wrdreg s26  }
.Ltmp0:
0x12: {  	[dreg:$0x8] =	wrdreg s0;
	s0 =	simm.s32 $0x0;
	(pc) =	sbr.rel .LBB2_1-.Ltmp0, $4  }
0x13: {  	s24 =	simm.s32 $0x8800;
	s2 =	simm.s32 $0x8C00;
	s26 =	simm.s32 $0x9000  }
0x14: {  	s25 =	simm.s32 $0xB000;
	s1 =	sor.u32 s1, s6;
	s4 =	sadd.s32 s15, s4  }
0x15: {  	[dreg:$0x5] =	wrdreg s23;
	s15 =	simm.s32 $0x800;
	s1 =	sadd.s32 s1, s4  }
0x16: {  	s6 =	simm.s32 $0x5;
	s4 =	simm.s32 $0xAC00;
	[dreg:$0x4] =	wrdreg s1  }
.LBB2_5:
0x17: {  	_ =	swait.ge [sflag:s6], $0x400  }
0x18: {  	[sflag:s6] =	ssyncset.done $0x0  }
0x19: {  	[sflag:s6] =	ssyncadd.s32 $0xFFFFFC00  }
0x1a: {  	_ =	swait.ge [sflag:s6], $0x400  }
0x1b: {  	[sflag:s6] =	ssyncset.done $0x0  }
0x1c: {  	[sflag:s6] =	ssyncadd.s32 $0xFFFFFC00  }
0x1d: {  	_ =	swait.ge [sflag:s6], $0x400  }
0x1e: {  	[sflag:s6] =	ssyncset.done $0x0  }
0x1f: {  	[sflag:s6] =	ssyncadd.s32 $0xFFFFFC00  }
0x20: {  	_ =	swait.ge [sflag:s6], $0x400  }
0x21: {  	[sflag:s6] =	ssyncset.done $0x0  }
0x22: {  	[sflag:s6] =	ssyncadd.s32 $0xFFFFFC00  }
0x23: {  	_ =	swait.ge [sflag:s6], $0x400  }
0x24: {  	[sflag:s6] =	ssyncset.done $0x0  }
0x25: {  	[sflag:s6] =	ssyncadd.s32 $0xFFFFFC00  }
0x26: {  	_ =	swait.ge [sflag:s6], $0x400  }
0x27: {  	[sflag:s6] =	ssyncset.done $0x0  }
0x28: {  	[sflag:s6] =	ssyncadd.s32 $0xFFFFFC00  }
0x29: {  	_ =	swait.ge [sflag:s6], $0x400  }
0x2a: {  	[sflag:s6] =	ssyncset.done $0x0  }
0x2b: {  	[sflag:s6] =	ssyncadd.s32 $0xFFFFFC00  }
0x2c: {  	_ =	swait.ge [sflag:s6], $0x400  }
0x2d: {  	[sflag:s6] =	ssyncset.done $0x0  }
0x2e: {  	[sflag:s6] =	ssyncadd.s32 $0xFFFFFC00  }
0x2f: {  	_ =	swait.ge [sflag:s6], $0x400  }
0x30: {  	[sflag:s6] =	ssyncset.done $0x0  }
0x31: {  	[sflag:s6] =	ssyncadd.s32 $0xFFFFFC00  }
0x32: {  	_ =	swait.ge [sflag:s6], $0x400  }
0x33: {  	[sflag:s6] =	ssyncset.done $0x0  }
0x34: {  	[sflag:s6] =	ssyncadd.s32 $0xFFFFFC00  }
0x35: {  	_ =	swait.ge [sflag:s6], $0x400  }
0x36: {  	[sflag:s6] =	ssyncset.done $0x0  }
0x37: {  	[sflag:s6] =	ssyncadd.s32 $0xFFFFFC00  }
0x38: {  	_ =	swait.ge [sflag:s6], $0x400  }
0x39: {  	[sflag:s6] =	ssyncset.done $0x0  }
0x3a: {  	[sflag:s6] =	ssyncadd.s32 $0xFFFFFC00  }
0x3b: {  	_ =	swait.ge [sflag:s6], $0x400  }
0x3c: {  	[sflag:s6] =	ssyncset.done $0x0  }
0x3d: {  	[sflag:s6] =	ssyncadd.s32 $0xFFFFFC00  }
0x3e: {  	_ =	swait.ge [sflag:s6], $0x400  }
0x3f: {  	[sflag:s6] =	ssyncset.done $0x0  }
0x40: {  	[sflag:s6] =	ssyncadd.s32 $0xFFFFFC00  }
0x41: {  	_ =	swait.ge [sflag:s6], $0x400  }
0x42: {  	[sflag:s6] =	ssyncset.done $0x0  }
0x43: {  	[sflag:s6] =	ssyncadd.s32 $0xFFFFFC00  }
0x44: {  	_ =	swait.ge [sflag:s6], $0x400  }
0x45: {  	[sflag:s6] =	ssyncset.done $0x0  }
0x46: {  	[sflag:s6] =	ssyncadd.s32 $0xFFFFFC00  }
0x47: {  	_ =	swait.ge [sflag:s6], $0x400  }
0x48: {  	[sflag:s6] =	ssyncset.done $0x0  }
0x49: {  	[sflag:s6] =	ssyncadd.s32 $0xFFFFFC00  }
0x4a: {  	_ =	swait.ge [sflag:s6], $0x400  }
0x4b: {  	[sflag:s6] =	ssyncset.done $0x0  }
0x4c: {  	[sflag:s6] =	ssyncadd.s32 $0xFFFFFC00  }
0x4d: {  	_ =	swait.ge [sflag:s6], $0x400  }
0x4e: {  	[sflag:s6] =	ssyncset.done $0x0  }
0x4f: {  	[sflag:s6] =	ssyncadd.s32 $0xFFFFFC00  }
0x50: {  	_ =	swait.ge [sflag:s6], $0x400  }
0x51: {  	[sflag:s6] =	ssyncset.done $0x0  }
0x52: {  	[sflag:s6] =	ssyncadd.s32 $0xFFFFFC00  }
0x53: {  	_ =	swait.ge [sflag:s6], $0x400  }
0x54: {  	[sflag:s6] =	ssyncset.done $0x0  }
0x55: {  	[sflag:s6] =	ssyncadd.s32 $0xFFFFFC00  }
0x56: {  	_ =	swait.ge [sflag:s6], $0x400  }
0x57: {  	[sflag:s6] =	ssyncset.done $0x0  }
0x58: {  	[sflag:s6] =	ssyncadd.s32 $0xFFFFFC00  }
0x59: {  	_ =	swait.ge [sflag:s6], $0x400  }
0x5a: {  	[sflag:s6] =	ssyncset.done $0x0  }
0x5b: {  	[sflag:s6] =	ssyncadd.s32 $0xFFFFFC00  }
0x5c: {  	_ =	swait.ge [sflag:s6], $0x400  }
0x5d: {  	[sflag:s6] =	ssyncset.done $0x0  }
0x5e: {  	[sflag:s6] =	ssyncadd.s32 $0xFFFFFC00  }
0x5f: {  	_ =	swait.ge [sflag:s6], $0x400  }
0x60: {  	[sflag:s6] =	ssyncset.done $0x0  }
0x61: {  	[sflag:s6] =	ssyncadd.s32 $0xFFFFFC00  }
0x62: {  	_ =	swait.ge [sflag:s6], $0x400  }
0x63: {  	[sflag:s6] =	ssyncset.done $0x0  }
0x64: {  	[sflag:s6] =	ssyncadd.s32 $0xFFFFFC00  }
0x65: {  	_ =	swait.ge [sflag:s6], $0x400  }
0x66: {  	[sflag:s6] =	ssyncset.done $0x0  }
0x67: {  	[sflag:s6] =	ssyncadd.s32 $0xFFFFFC00  }
0x68: {  	_ =	swait.ge [sflag:s6], $0x400  }
0x69: {  	[sflag:s6] =	ssyncset.done $0x0  }
0x6a: {  	[sflag:s6] =	ssyncadd.s32 $0xFFFFFC00  }
0x6b: {  	_ =	swait.ge [sflag:s6], $0x400  }
0x6c: {  	[sflag:s6] =	ssyncset.done $0x0  }
0x6d: {  	[sflag:s6] =	ssyncadd.s32 $0xFFFFFC00  }
0x6e: {  	_ =	swait.ge [sflag:s6], $0x400  }
0x6f: {  	[sflag:s6] =	ssyncset.done $0x0  }
0x70: {  	[sflag:s6] =	ssyncadd.s32 $0xFFFFFC00  }
0x71: {  	_ =	swait.ge [sflag:s6], $0x400  }
0x72: {  	[sflag:s6] =	ssyncset.done $0x0  }
0x73: {  	[sflag:s6] =	ssyncadd.s32 $0xFFFFFC00  }
0x74: {  	_ =	swait.ge [sflag:s6], $0x400  }
0x75: {  	[sflag:s6] =	ssyncset.done $0x0  }
0x76: {  	[sflag:s6] =	ssyncadd.s32 $0xFFFFFC00  }
0x77: {  	_ =	swait.ge [sflag:s6], $0x400  }
0x78: {  	[sflag:s6] =	ssyncset.done $0x0  }
0x79: {  	[sflag:s6] =	ssyncadd.s32 $0xFFFFFC00  }
0x7a: {  	_ =	swait.ge [sflag:s6], $0x400  }
0x7b: {  	[sflag:s6] =	ssyncset.done $0x0  }
0x7c: {  	[sflag:s6] =	ssyncadd.s32 $0xFFFFFC00  }
0x7d: {  	_ =	swait.ge [sflag:s6], $0x400  }
0x7e: {  	[sflag:s6] =	ssyncset.done $0x0  }
0x7f: {  	[sflag:s6] =	ssyncadd.s32 $0xFFFFFC00  }
0x80: {  	_ =	swait.ge [sflag:s6], $0x400  }
0x81: {  	[sflag:s6] =	ssyncset.done $0x0  }
0x82: {  	[sflag:s6] =	ssyncadd.s32 $0xFFFFFC00  }
0x83: {  	_ =	swait.ge [sflag:s6], $0x400  }
0x84: {  	[sflag:s6] =	ssyncset.done $0x0  }
0x85: {  	[sflag:s6] =	ssyncadd.s32 $0xFFFFFC00  }
0x86: {  	_ =	swait.ge [sflag:s6], $0x400  }
0x87: {  	[sflag:s6] =	ssyncset.done $0x0  }
0x88: {  	[sflag:s6] =	ssyncadd.s32 $0xFFFFFC00  }
0x89: {  	_ =	swait.ge [sflag:s6], $0x400  }
0x8a: {  	[sflag:s6] =	ssyncset.done $0x0  }
0x8b: {  	[sflag:s6] =	ssyncadd.s32 $0xFFFFFC00  }
0x8c: {  	_ =	swait.ge [sflag:s6], $0x400  }
0x8d: {  	[sflag:s6] =	ssyncset.done $0x0  }
0x8e: {  	[sflag:s6] =	ssyncadd.s32 $0xFFFFFC00  }
0x8f: {  	_ =	swait.ge [sflag:s6], $0x400  }
0x90: {  	[sflag:s6] =	ssyncset.done $0x0  }
0x91: {  	[sflag:s6] =	ssyncadd.s32 $0xFFFFFC00  }
0x92: {  	_ =	swait.ge [sflag:s6], $0x400  }
0x93: {  	[sflag:s6] =	ssyncset.done $0x0  }
0x94: {  	[sflag:s6] =	ssyncadd.s32 $0xFFFFFC00  }
0x95: {  	_ =	swait.ge [sflag:s6], $0x400  }
0x96: {  	[sflag:s6] =	ssyncset.done $0x0  }
0x97: {  	[sflag:s6] =	ssyncadd.s32 $0xFFFFFC00  }
0x98: {  	_ =	swait.ge [sflag:s6], $0x400  }
0x99: {  	[sflag:s6] =	ssyncset.done $0x0  }
0x9a: {  	[sflag:s6] =	ssyncadd.s32 $0xFFFFFC00  }
0x9b: {  	_ =	swait.ge [sflag:s6], $0x400  }
0x9c: {  	[sflag:s6] =	ssyncset.done $0x0  }
0x9d: {  	[sflag:s6] =	ssyncadd.s32 $0xFFFFFC00  }
0x9e: {  	_ =	swait.ge [sflag:s6], $0x400  }
0x9f: {  	[sflag:s6] =	ssyncset.done $0x0  }
0xa0: {  	[sflag:s6] =	ssyncadd.s32 $0xFFFFFC00  }
0xa1: {  	_ =	swait.ge [sflag:s6], $0x400  }
0xa2: {  	[sflag:s6] =	ssyncset.done $0x0  }
0xa3: {  	[sflag:s6] =	ssyncadd.s32 $0xFFFFFC00  }
0xa4: {  	_ =	swait.ge [sflag:s6], $0x400  }
0xa5: {  	[sflag:s6] =	ssyncset.done $0x0  }
0xa6: {  	[sflag:s6] =	ssyncadd.s32 $0xFFFFFC00  }
0xa7: {  	_ =	swait.ge [sflag:s6], $0x400  }
0xa8: {  	[sflag:s6] =	ssyncset.done $0x0  }
0xa9: {  	[sflag:s6] =	ssyncadd.s32 $0xFFFFFC00  }
0xaa: {  	_ =	swait.ge [sflag:s6], $0x400  }
0xab: {  	s0 =	rddreg [dreg:$0xa]  }
0xac: {  	s7 =	rddreg [dreg:$0x5];
	s0 =	sadd.s32 $0x1, s0  }
0xad: {  	p0 =	sne.s32 s0, s7  }
.Ltmp1:
0xae: {  	_ = 	snop;
	(pc) =	sbr.rel @!p0 .LBB2_6-.Ltmp1, $3  }
0xaf: {  	_ =	sdelay $0x1  }
0xb0: {  	[sflag:s6] =	ssyncset.done $0x0  }
0xb1: {  	[sflag:s6] =	ssyncadd.s32 $0xFFFFFC00  }
.LBB2_1:
0xb2: {  	[dreg:$0xa] =	wrdreg s0  }
0xb3: {  	s7 =	simm.s32 $0x0;
	s8 =	rddreg [dreg:$0x4];
	s23 =	simm.s32 $0x1  }
0xb4: {  	[tilespmem:s7], [sflag:$0x1] =	stream.strided.gather [hbm4b:s8+s12], $0x400, s13, s12, $0x38;
	[tilespmem:$0x15000] =	vst v63  }
.Ltmp2:
0xb5: {  	_ =	swait.ge [sflag:s23], $0x400;
	(pc) =	sbr.rel .LBB2_2-.Ltmp2, $4  }
0xb6: {  	[sflag:s23] =	ssyncset.done $0x0;
	s8 =	rddreg [dreg:$0x7]  }
0xb7: {  	s10 =	rddreg [dreg:$0x6];
	[sflag:s23] =	ssyncadd.s32 $0xFFFFFC00  }
0xb8: {  	[tilespmem:s15], [sflag:$0x3] =	stream.indirect.gather [hbm4b:s5+s12], $0x80, s7, s12, $0xb8;
	[tilespmem:$0x15000] =	vst v63  }
0xb9: {  	s11 =	simm.s32 $0x0;
	s7 =	rddreg [dreg:$0x8]  }
.LBB2_4:
0xba: {  	s15 =	rddreg [dreg:$0x9]  }
0xbb: {  	s20 =	sadd.s32 $0x80, s10;
	s19 =	sadd.s32 s11, s15  }
0xbc: {  	s21 =	sadd.s32 $0x400, s8;
	s23 =	rddreg [dreg:$0x0];
	s14 =	sadd.s32 $0x1, s19  }
0xbd: {  	s20 =	sand.u32 $0xFFFC000, s20;
	s21 =	sand.u32 $0x3C00, s21;
	s22 =	sand.u32 $0x70, s14  }
0xbe: {  	s20 =	sor.u32 s21, s20;
	s1 =	sadd.s32 s23, s22  }
0xbf: {  	s20 =	sadd.s32 s20, s1  }
0xc0: {  	[tilespmem:s13], [sflag:$0x2] =	stream.strided.gather [hbm4b:s20+s12], $0x400, s13, s12, $0x38;
	[tilespmem:$0x15000] =	vst v63  }
0xc1: {  	_ =	swait.ge [sflag:s16], $0x4000  }
0xc2: {  	[sflag:s16] =	ssyncset.done $0x0  }
0xc3: {  	[sflag:s16] =	ssyncadd.s32 $0xFFFFC000  }
0xc4: {  	[tilespmem:s17], [sflag:$0x4] =	stream.indirect.gather [hbm4b:s5+s12], $0x80, s12, s12, $0xb8;
	[tilespmem:$0x15000] =	vst v63  }
0xc5: {  	_ =	swait.ge [sflag:s18], $0x4000  }
0xc6: {  	[sflag:s18] =	ssyncset.done $0x0  }
0xc7: {  	s22 =	simm.s32 $0x100;
	s1 =	simm.s32 $0x800;
	[sflag:s18] =	ssyncadd.s32 $0xFFFFC000  }
0xc8: {  	[tilespmem:s1], [sflag:$0x3] =	stream.indirect.gather [hbm4b:s5+s12], $0x80, s22, s12, $0xb8;
	[tilespmem:$0x15000] =	vst v63  }
0xc9: {  	_ =	swait.ge [sflag:s16], $0x4000  }
0xca: {  	[sflag:s16] =	ssyncset.done $0x0  }
0xcb: {  	s0 =	simm.s32 $0x180;
	[sflag:s16] =	ssyncadd.s32 $0xFFFFC000  }
0xcc: {  	[tilespmem:s17], [sflag:$0x4] =	stream.indirect.gather [hbm4b:s5+s12], $0x80, s0, s12, $0xb8;
	[tilespmem:$0x15000] =	vst v63  }
0xcd: {  	_ =	swait.ge [sflag:s18], $0x4000  }
0xce: {  	[sflag:s18] =	ssyncset.done $0x0  }
0xcf: {  	s21 =	simm.s32 $0x200;
	[sflag:s18] =	ssyncadd.s32 $0xFFFFC000  }
0xd0: {  	[tilespmem:s1], [sflag:$0x3] =	stream.indirect.gather [hbm4b:s5+s12], $0x80, s21, s12, $0xb8;
	[tilespmem:$0x15000] =	vst v63  }
0xd1: {  	_ =	swait.ge [sflag:s16], $0x4000  }
0xd2: {  	[sflag:s16] =	ssyncset.done $0x0  }
0xd3: {  	s22 =	simm.s32 $0x280;
	[sflag:s16] =	ssyncadd.s32 $0xFFFFC000  }
0xd4: {  	[tilespmem:s17], [sflag:$0x4] =	stream.indirect.gather [hbm4b:s5+s12], $0x80, s22, s12, $0xb8;
	[tilespmem:$0x15000] =	vst v63  }
0xd5: {  	_ =	swait.ge [sflag:s18], $0x4000  }
0xd6: {  	[sflag:s18] =	ssyncset.done $0x0  }
0xd7: {  	s0 =	simm.s32 $0x300;
	[sflag:s18] =	ssyncadd.s32 $0xFFFFC000  }
0xd8: {  	[tilespmem:s1], [sflag:$0x3] =	stream.indirect.gather [hbm4b:s5+s12], $0x80, s0, s12, $0xb8;
	[tilespmem:$0x15000] =	vst v63  }
0xd9: {  	_ =	swait.ge [sflag:s16], $0x4000  }
0xda: {  	[sflag:s16] =	ssyncset.done $0x0  }
0xdb: {  	s21 =	simm.s32 $0x380;
	[sflag:s16] =	ssyncadd.s32 $0xFFFFC000  }
0xdc: {  	[tilespmem:s17], [sflag:$0x4] =	stream.indirect.gather [hbm4b:s5+s12], $0x80, s21, s12, $0xb8;
	[tilespmem:$0x15000] =	vst v63  }
0xdd: {  	_ =	swait.ge [sflag:s18], $0x4000  }
0xde: {  	[sflag:s18] =	ssyncset.done $0x0  }
0xdf: {  	s0 =	simm.s32 $0x2;
	[sflag:s18] =	ssyncadd.s32 $0xFFFFC000  }
0xe0: {  	s22 =	sshll.u32 s19, $0x3;
	s19 =	sshll.u32 s19, $0xA;
	_ =	swait.ge [sflag:s0], $0x400  }
0xe1: {  	s20 =	sand.u32 $0x380, s22;
	s21 =	sand.u32 $0x1C000, s7;
	[sflag:s0] =	ssyncset.done $0x0  }
0xe2: {  	s19 =	sand.u32 $0x7FFE0000, s19;
	[sflag:s0] =	ssyncadd.s32 $0xFFFFFC00;
	s0 =	sor.u32 s21, s20  }
0xe3: {  	[tilespmem:s1], [sflag:$0x3] =	stream.indirect.gather [hbm4b:s5+s12], $0x80, s13, s12, $0xb8;
	[tilespmem:$0x15000] =	vst v63  }
0xe4: {  	s22 =	sor.u32 s19, s0;
	s19 =	sor.u32 s21, s19  }
0xe5: {  	s22 =	sshrl.u32 s22, $0x3;
	s19 =	sor.u32 s20, s19  }
0xe6: {  	s22 =	sadd.s32 s3, s22;
	s20 =	sadd.s32 $0x320000, s19  }
0xe7: {  	[hbm4b:s22+s12] =	stream.strided.scatter [tilespmem:s24], [sflag:$0x5], $0x400, s13, s12, $0x38;
	[tilespmem:$0x15000] =	vst v63  }
0xe8: {  	s20 =	sshrl.u32 s20, $0x3  }
0xe9: {  	s22 =	sadd.s32 $0x640000, s19;
	s20 =	sadd.s32 s3, s20  }
0xea: {  	[hbm4b:s20+s12] =	stream.strided.scatter [tilespmem:s2], [sflag:$0x5], $0x400, s13, s12, $0x38;
	[tilespmem:$0x15000] =	vst v63  }
0xeb: {  	s20 =	sshrl.u32 s22, $0x3  }
0xec: {  	s0 =	sadd.s32 $0x960000, s19;
	s20 =	sadd.s32 s3, s20  }
0xed: {  	[hbm4b:s20+s12] =	stream.strided.scatter [tilespmem:s26], [sflag:$0x5], $0x400, s13, s12, $0x38;
	[tilespmem:$0x15000] =	vst v63  }
0xee: {  	s20 =	sshrl.u32 s0, $0x3  }
0xef: {  	s21 =	sadd.s32 $0xC80000, s19;
	s20 =	sadd.s32 s3, s20  }
0xf0: {  	[hbm4b:s20+s12] =	stream.strided.scatter [tilespmem:s28], [sflag:$0x5], $0x400, s13, s12, $0x38;
	[tilespmem:$0x15000] =	vst v63  }
0xf1: {  	s20 =	sshrl.u32 s21, $0x3  }
0xf2: {  	s22 =	sadd.s32 $0xFA0000, s19;
	s20 =	sadd.s32 s3, s20  }
0xf3: {  	[hbm4b:s20+s12] =	stream.strided.scatter [tilespmem:s29], [sflag:$0x5], $0x400, s13, s12, $0x38;
	[tilespmem:$0x15000] =	vst v63  }
0xf4: {  	s20 =	sshrl.u32 s22, $0x3  }
0xf5: {  	s0 =	sadd.s32 $0x12C0000, s19;
	s20 =	sadd.s32 s3, s20  }
0xf6: {  	[hbm4b:s20+s12] =	stream.strided.scatter [tilespmem:s30], [sflag:$0x5], $0x400, s13, s12, $0x38;
	[tilespmem:$0x15000] =	vst v63  }
0xf7: {  	s20 =	sshrl.u32 s0, $0x3  }
0xf8: {  	s21 =	sadd.s32 $0x15E0000, s19;
	s20 =	sadd.s32 s3, s20  }
0xf9: {  	[hbm4b:s20+s12] =	stream.strided.scatter [tilespmem:s31], [sflag:$0x5], $0x400, s13, s12, $0x38;
	[tilespmem:$0x15000] =	vst v63  }
0xfa: {  	s20 =	sshrl.u32 s21, $0x3  }
0xfb: {  	s22 =	simm.s32 $0xA400;
	s21 =	sadd.s32 $0x1900000, s19;
	s20 =	sadd.s32 s3, s20  }
0xfc: {  	[hbm4b:s20+s12] =	stream.strided.scatter [tilespmem:s22], [sflag:$0x5], $0x400, s13, s12, $0x38;
	[tilespmem:$0x15000] =	vst v63  }
0xfd: {  	s20 =	sshrl.u32 s21, $0x3  }
0xfe: {  	s0 =	simm.s32 $0xA800;
	s22 =	sadd.s32 $0x1C20000, s19;
	s20 =	sadd.s32 s3, s20  }
0xff: {  	[hbm4b:s20+s12] =	stream.strided.scatter [tilespmem:s0], [sflag:$0x5], $0x400, s13, s12, $0x38;
	[tilespmem:$0x15000] =	vst v63  }
0x100: {  	s20 =	sshrl.u32 s22, $0x3  }
0x101: {  	s21 =	sadd.s32 $0x1F40000, s19;
	s20 =	sadd.s32 s3, s20  }
0x102: {  	[hbm4b:s20+s12] =	stream.strided.scatter [tilespmem:s4], [sflag:$0x5], $0x400, s13, s12, $0x38;
	[tilespmem:$0x15000] =	vst v63  }
0x103: {  	s20 =	sshrl.u32 s21, $0x3  }
0x104: {  	s22 =	sadd.s32 $0x2260000, s19;
	s20 =	sadd.s32 s3, s20  }
0x105: {  	[hbm4b:s20+s12] =	stream.strided.scatter [tilespmem:s25], [sflag:$0x5], $0x400, s13, s12, $0x38;
	[tilespmem:$0x15000] =	vst v63  }
0x106: {  	s20 =	sshrl.u32 s22, $0x3  }
0x107: {  	s21 =	sadd.s32 $0x2580000, s19;
	s20 =	sadd.s32 s3, s20  }
0x108: {  	[hbm4b:s20+s12] =	stream.strided.scatter [tilespmem:s9], [sflag:$0x5], $0x400, s13, s12, $0x38;
	[tilespmem:$0x15000] =	vst v63  }
0x109: {  	s20 =	sshrl.u32 s21, $0x3  }
0x10a: {  	s22 =	simm.s32 $0xB800;
	s21 =	sadd.s32 $0x28A0000, s19;
	s20 =	sadd.s32 s3, s20  }
0x10b: {  	[hbm4b:s20+s12] =	stream.strided.scatter [tilespmem:s22], [sflag:$0x5], $0x400, s13, s12, $0x38;
	[tilespmem:$0x15000] =	vst v63  }
0x10c: {  	s20 =	sshrl.u32 s21, $0x3  }
0x10d: {  	s22 =	simm.s32 $0xBC00;
	s21 =	sadd.s32 $0x2BC0000, s19;
	s20 =	sadd.s32 s3, s20  }
0x10e: {  	[hbm4b:s20+s12] =	stream.strided.scatter [tilespmem:s22], [sflag:$0x5], $0x400, s13, s12, $0x38;
	[tilespmem:$0x15000] =	vst v63  }
0x10f: {  	s20 =	sshrl.u32 s21, $0x3  }
0x110: {  	s22 =	simm.s32 $0xC000;
	s21 =	sadd.s32 $0x2EE0000, s19;
	s20 =	sadd.s32 s3, s20  }
0x111: {  	[hbm4b:s20+s12] =	stream.strided.scatter [tilespmem:s22], [sflag:$0x5], $0x400, s13, s12, $0x38;
	[tilespmem:$0x15000] =	vst v63  }
0x112: {  	s20 =	sshrl.u32 s21, $0x3  }
0x113: {  	s22 =	simm.s32 $0xC400;
	s21 =	sadd.s32 $0x3200000, s19;
	s20 =	sadd.s32 s3, s20  }
0x114: {  	[hbm4b:s20+s12] =	stream.strided.scatter [tilespmem:s22], [sflag:$0x5], $0x400, s13, s12, $0x38;
	[tilespmem:$0x15000] =	vst v63  }
0x115: {  	s20 =	sshrl.u32 s21, $0x3  }
0x116: {  	s22 =	simm.s32 $0xC800;
	s21 =	sadd.s32 $0x3520000, s19;
	s20 =	sadd.s32 s3, s20  }
0x117: {  	[hbm4b:s20+s12] =	stream.strided.scatter [tilespmem:s22], [sflag:$0x5], $0x400, s13, s12, $0x38;
	[tilespmem:$0x15000] =	vst v63  }
0x118: {  	s20 =	sshrl.u32 s21, $0x3  }
0x119: {  	s22 =	simm.s32 $0xCC00;
	s21 =	sadd.s32 $0x3840000, s19;
	s20 =	sadd.s32 s3, s20  }
0x11a: {  	[hbm4b:s20+s12] =	stream.strided.scatter [tilespmem:s22], [sflag:$0x5], $0x400, s13, s12, $0x38;
	[tilespmem:$0x15000] =	vst v63  }
0x11b: {  	s20 =	sshrl.u32 s21, $0x3  }
0x11c: {  	s22 =	simm.s32 $0xD000;
	s21 =	sadd.s32 $0x3B60000, s19;
	s20 =	sadd.s32 s3, s20  }
0x11d: {  	[hbm4b:s20+s12] =	stream.strided.scatter [tilespmem:s22], [sflag:$0x5], $0x400, s13, s12, $0x38;
	[tilespmem:$0x15000] =	vst v63  }
0x11e: {  	s20 =	sshrl.u32 s21, $0x3  }
0x11f: {  	s22 =	simm.s32 $0xD400;
	s21 =	sadd.s32 $0x3E80000, s19;
	s20 =	sadd.s32 s3, s20  }
0x120: {  	[hbm4b:s20+s12] =	stream.strided.scatter [tilespmem:s22], [sflag:$0x5], $0x400, s13, s12, $0x38;
	[tilespmem:$0x15000] =	vst v63  }
0x121: {  	s20 =	sshrl.u32 s21, $0x3  }
0x122: {  	s22 =	simm.s32 $0xD800;
	s21 =	sadd.s32 $0x41A0000, s19;
	s20 =	sadd.s32 s3, s20  }
0x123: {  	[hbm4b:s20+s12] =	stream.strided.scatter [tilespmem:s22], [sflag:$0x5], $0x400, s13, s12, $0x38;
	[tilespmem:$0x15000] =	vst v63  }
0x124: {  	s20 =	sshrl.u32 s21, $0x3  }
0x125: {  	s22 =	simm.s32 $0xDC00;
	s21 =	sadd.s32 $0x44C0000, s19;
	s20 =	sadd.s32 s3, s20  }
0x126: {  	[hbm4b:s20+s12] =	stream.strided.scatter [tilespmem:s22], [sflag:$0x5], $0x400, s13, s12, $0x38;
	[tilespmem:$0x15000] =	vst v63  }
0x127: {  	s20 =	sshrl.u32 s21, $0x3  }
0x128: {  	s22 =	simm.s32 $0xE000;
	s21 =	sadd.s32 $0x47E0000, s19;
	s20 =	sadd.s32 s3, s20  }
0x129: {  	[hbm4b:s20+s12] =	stream.strided.scatter [tilespmem:s22], [sflag:$0x5], $0x400, s13, s12, $0x38;
	[tilespmem:$0x15000] =	vst v63  }
0x12a: {  	s20 =	sshrl.u32 s21, $0x3  }
0x12b: {  	s22 =	simm.s32 $0xE400;
	s21 =	sadd.s32 $0x4B00000, s19;
	s20 =	sadd.s32 s3, s20  }
0x12c: {  	[hbm4b:s20+s12] =	stream.strided.scatter [tilespmem:s22], [sflag:$0x5], $0x400, s13, s12, $0x38;
	[tilespmem:$0x15000] =	vst v63  }
0x12d: {  	s20 =	sshrl.u32 s21, $0x3  }
0x12e: {  	s22 =	simm.s32 $0xE800;
	s21 =	sadd.s32 $0x4E20000, s19;
	s20 =	sadd.s32 s3, s20  }
0x12f: {  	[hbm4b:s20+s12] =	stream.strided.scatter [tilespmem:s22], [sflag:$0x5], $0x400, s13, s12, $0x38;
	[tilespmem:$0x15000] =	vst v63  }
0x130: {  	s20 =	sshrl.u32 s21, $0x3  }
0x131: {  	s22 =	simm.s32 $0xEC00;
	s21 =	sadd.s32 $0x5140000, s19;
	s20 =	sadd.s32 s3, s20  }
0x132: {  	[hbm4b:s20+s12] =	stream.strided.scatter [tilespmem:s22], [sflag:$0x5], $0x400, s13, s12, $0x38;
	[tilespmem:$0x15000] =	vst v63  }
0x133: {  	s20 =	sshrl.u32 s21, $0x3  }
0x134: {  	s22 =	simm.s32 $0xF000;
	s21 =	sadd.s32 $0x5460000, s19;
	s20 =	sadd.s32 s3, s20  }
0x135: {  	[hbm4b:s20+s12] =	stream.strided.scatter [tilespmem:s22], [sflag:$0x5], $0x400, s13, s12, $0x38;
	[tilespmem:$0x15000] =	vst v63  }
0x136: {  	s20 =	sshrl.u32 s21, $0x3  }
0x137: {  	s22 =	simm.s32 $0xF400;
	s21 =	sadd.s32 $0x5780000, s19;
	s20 =	sadd.s32 s3, s20  }
0x138: {  	[hbm4b:s20+s12] =	stream.strided.scatter [tilespmem:s22], [sflag:$0x5], $0x400, s13, s12, $0x38;
	[tilespmem:$0x15000] =	vst v63  }
0x139: {  	s20 =	sshrl.u32 s21, $0x3  }
0x13a: {  	s22 =	simm.s32 $0xF800;
	s21 =	sadd.s32 $0x5AA0000, s19;
	s20 =	sadd.s32 s3, s20  }
0x13b: {  	[hbm4b:s20+s12] =	stream.strided.scatter [tilespmem:s22], [sflag:$0x5], $0x400, s13, s12, $0x38;
	[tilespmem:$0x15000] =	vst v63  }
0x13c: {  	s20 =	sshrl.u32 s21, $0x3  }
0x13d: {  	s22 =	simm.s32 $0xFC00;
	s21 =	sadd.s32 $0x5DC0000, s19;
	s20 =	sadd.s32 s3, s20  }
0x13e: {  	[hbm4b:s20+s12] =	stream.strided.scatter [tilespmem:s22], [sflag:$0x5], $0x400, s13, s12, $0x38;
	[tilespmem:$0x15000] =	vst v63  }
0x13f: {  	s20 =	sshrl.u32 s21, $0x3  }
0x140: {  	s22 =	simm.s32 $0x10000;
	s21 =	sadd.s32 $0x60E0000, s19;
	s20 =	sadd.s32 s3, s20  }
0x141: {  	[hbm4b:s20+s12] =	stream.strided.scatter [tilespmem:s22], [sflag:$0x5], $0x400, s13, s12, $0x38;
	[tilespmem:$0x15000] =	vst v63  }
0x142: {  	s20 =	sshrl.u32 s21, $0x3  }
0x143: {  	s22 =	simm.s32 $0x10400;
	s21 =	sadd.s32 $0x6400000, s19;
	s20 =	sadd.s32 s3, s20  }
0x144: {  	[hbm4b:s20+s12] =	stream.strided.scatter [tilespmem:s22], [sflag:$0x5], $0x400, s13, s12, $0x38;
	[tilespmem:$0x15000] =	vst v63  }
0x145: {  	s20 =	sshrl.u32 s21, $0x3  }
0x146: {  	s22 =	simm.s32 $0x10800;
	s21 =	sadd.s32 $0x6720000, s19;
	s20 =	sadd.s32 s3, s20  }
0x147: {  	[hbm4b:s20+s12] =	stream.strided.scatter [tilespmem:s22], [sflag:$0x5], $0x400, s13, s12, $0x38;
	[tilespmem:$0x15000] =	vst v63  }
0x148: {  	s20 =	sshrl.u32 s21, $0x3  }
0x149: {  	s22 =	simm.s32 $0x10C00;
	s21 =	sadd.s32 $0x6A40000, s19;
	s20 =	sadd.s32 s3, s20  }
0x14a: {  	[hbm4b:s20+s12] =	stream.strided.scatter [tilespmem:s22], [sflag:$0x5], $0x400, s13, s12, $0x38;
	[tilespmem:$0x15000] =	vst v63  }
0x14b: {  	s20 =	sshrl.u32 s21, $0x3  }
0x14c: {  	s22 =	simm.s32 $0x11000;
	s21 =	sadd.s32 $0x6D60000, s19;
	s20 =	sadd.s32 s3, s20  }
0x14d: {  	[hbm4b:s20+s12] =	stream.strided.scatter [tilespmem:s22], [sflag:$0x5], $0x400, s13, s12, $0x38;
	[tilespmem:$0x15000] =	vst v63  }
0x14e: {  	s20 =	sshrl.u32 s21, $0x3  }
0x14f: {  	s22 =	simm.s32 $0x11400;
	s21 =	sadd.s32 $0x7080000, s19;
	s20 =	sadd.s32 s3, s20  }
0x150: {  	[hbm4b:s20+s12] =	stream.strided.scatter [tilespmem:s22], [sflag:$0x5], $0x400, s13, s12, $0x38;
	[tilespmem:$0x15000] =	vst v63  }
0x151: {  	s20 =	sshrl.u32 s21, $0x3  }
0x152: {  	s22 =	simm.s32 $0x11800;
	s21 =	sadd.s32 $0x73A0000, s19;
	s20 =	sadd.s32 s3, s20  }
0x153: {  	[hbm4b:s20+s12] =	stream.strided.scatter [tilespmem:s22], [sflag:$0x5], $0x400, s13, s12, $0x38;
	[tilespmem:$0x15000] =	vst v63  }
0x154: {  	s20 =	sshrl.u32 s21, $0x3  }
0x155: {  	s22 =	simm.s32 $0x11C00;
	s21 =	sadd.s32 $0x76C0000, s19;
	s20 =	sadd.s32 s3, s20  }
0x156: {  	[hbm4b:s20+s12] =	stream.strided.scatter [tilespmem:s22], [sflag:$0x5], $0x400, s13, s12, $0x38;
	[tilespmem:$0x15000] =	vst v63  }
0x157: {  	s20 =	sshrl.u32 s21, $0x3  }
0x158: {  	s22 =	simm.s32 $0x12000;
	s21 =	sadd.s32 $0x79E0000, s19;
	s20 =	sadd.s32 s3, s20  }
0x159: {  	[hbm4b:s20+s12] =	stream.strided.scatter [tilespmem:s22], [sflag:$0x5], $0x400, s13, s12, $0x38;
	[tilespmem:$0x15000] =	vst v63  }
0x15a: {  	s20 =	sshrl.u32 s21, $0x3  }
0x15b: {  	s22 =	simm.s32 $0x12400;
	s21 =	sadd.s32 $0x7D00000, s19;
	s20 =	sadd.s32 s3, s20  }
0x15c: {  	[hbm4b:s20+s12] =	stream.strided.scatter [tilespmem:s22], [sflag:$0x5], $0x400, s13, s12, $0x38;
	[tilespmem:$0x15000] =	vst v63  }
0x15d: {  	s20 =	sshrl.u32 s21, $0x3  }
0x15e: {  	s22 =	simm.s32 $0x12800;
	s21 =	sadd.s32 $0x8020000, s19;
	s20 =	sadd.s32 s3, s20  }
0x15f: {  	[hbm4b:s20+s12] =	stream.strided.scatter [tilespmem:s22], [sflag:$0x5], $0x400, s13, s12, $0x38;
	[tilespmem:$0x15000] =	vst v63  }
0x160: {  	s20 =	sshrl.u32 s21, $0x3  }
0x161: {  	s22 =	simm.s32 $0x12C00;
	s21 =	sadd.s32 $0x8340000, s19;
	s20 =	sadd.s32 s3, s20  }
0x162: {  	[hbm4b:s20+s12] =	stream.strided.scatter [tilespmem:s22], [sflag:$0x5], $0x400, s13, s12, $0x38;
	[tilespmem:$0x15000] =	vst v63  }
0x163: {  	s20 =	sshrl.u32 s21, $0x3  }
0x164: {  	s22 =	simm.s32 $0x13000;
	s21 =	sadd.s32 $0x8660000, s19;
	s20 =	sadd.s32 s3, s20  }
0x165: {  	[hbm4b:s20+s12] =	stream.strided.scatter [tilespmem:s22], [sflag:$0x5], $0x400, s13, s12, $0x38;
	[tilespmem:$0x15000] =	vst v63  }
0x166: {  	s20 =	sshrl.u32 s21, $0x3  }
0x167: {  	s22 =	simm.s32 $0x13400;
	s21 =	sadd.s32 $0x8980000, s19;
	s20 =	sadd.s32 s3, s20  }
0x168: {  	[hbm4b:s20+s12] =	stream.strided.scatter [tilespmem:s22], [sflag:$0x5], $0x400, s13, s12, $0x38;
	[tilespmem:$0x15000] =	vst v63  }
0x169: {  	s20 =	sshrl.u32 s21, $0x3  }
0x16a: {  	s22 =	simm.s32 $0x13800;
	s21 =	sadd.s32 $0x8CA0000, s19;
	s20 =	sadd.s32 s3, s20  }
0x16b: {  	[hbm4b:s20+s12] =	stream.strided.scatter [tilespmem:s22], [sflag:$0x5], $0x400, s13, s12, $0x38;
	[tilespmem:$0x15000] =	vst v63  }
0x16c: {  	s20 =	sshrl.u32 s21, $0x3  }
0x16d: {  	s22 =	simm.s32 $0x13C00;
	s21 =	sadd.s32 $0x8FC0000, s19;
	s20 =	sadd.s32 s3, s20  }
0x16e: {  	[hbm4b:s20+s12] =	stream.strided.scatter [tilespmem:s22], [sflag:$0x5], $0x400, s13, s12, $0x38;
	[tilespmem:$0x15000] =	vst v63  }
0x16f: {  	s20 =	sshrl.u32 s21, $0x3  }
0x170: {  	s22 =	simm.s32 $0x14000;
	s21 =	sadd.s32 $0x92E0000, s19;
	s20 =	sadd.s32 s3, s20  }
0x171: {  	[hbm4b:s20+s12] =	stream.strided.scatter [tilespmem:s22], [sflag:$0x5], $0x400, s13, s12, $0x38;
	[tilespmem:$0x15000] =	vst v63  }
0x172: {  	s20 =	sshrl.u32 s21, $0x3  }
0x173: {  	s22 =	simm.s32 $0x14400;
	s21 =	sadd.s32 $0x9600000, s19;
	s20 =	sadd.s32 s3, s20  }
0x174: {  	[hbm4b:s20+s12] =	stream.strided.scatter [tilespmem:s22], [sflag:$0x5], $0x400, s13, s12, $0x38;
	[tilespmem:$0x15000] =	vst v63  }
0x175: {  	s19 =	sadd.s32 $0x9920000, s19;
	s20 =	sshrl.u32 s21, $0x3  }
0x176: {  	s19 =	sshrl.u32 s19, $0x3;
	s22 =	simm.s32 $0x14800;
	s20 =	sadd.s32 s3, s20  }
0x177: {  	[hbm4b:s20+s12] =	stream.strided.scatter [tilespmem:s22], [sflag:$0x5], $0x400, s13, s12, $0x38;
	[tilespmem:$0x15000] =	vst v63  }
0x178: {  	s19 =	sadd.s32 s3, s19;
	s22 =	simm.s32 $0x14C00  }
0x179: {  	[hbm4b:s19+s12] =	stream.strided.scatter [tilespmem:s22], [sflag:$0x5], $0x400, s13, s12, $0x38;
	[tilespmem:$0x15000] =	vst v63  }
0x17a: {  	_ =	swait.ge [sflag:s6], $0x400  }
0x17b: {  	[sflag:s6] =	ssyncset.done $0x0  }
0x17c: {  	[sflag:s6] =	ssyncadd.s32 $0xFFFFFC00  }
0x17d: {  	_ =	swait.ge [sflag:s6], $0x400  }
0x17e: {  	[sflag:s6] =	ssyncset.done $0x0  }
0x17f: {  	[sflag:s6] =	ssyncadd.s32 $0xFFFFFC00  }
0x180: {  	_ =	swait.ge [sflag:s6], $0x400  }
0x181: {  	[sflag:s6] =	ssyncset.done $0x0  }
0x182: {  	[sflag:s6] =	ssyncadd.s32 $0xFFFFFC00  }
0x183: {  	_ =	swait.ge [sflag:s6], $0x400  }
0x184: {  	[sflag:s6] =	ssyncset.done $0x0  }
0x185: {  	[sflag:s6] =	ssyncadd.s32 $0xFFFFFC00  }
0x186: {  	_ =	swait.ge [sflag:s6], $0x400  }
0x187: {  	[sflag:s6] =	ssyncset.done $0x0  }
0x188: {  	[sflag:s6] =	ssyncadd.s32 $0xFFFFFC00  }
0x189: {  	_ =	swait.ge [sflag:s6], $0x400  }
0x18a: {  	[sflag:s6] =	ssyncset.done $0x0  }
0x18b: {  	[sflag:s6] =	ssyncadd.s32 $0xFFFFFC00  }
0x18c: {  	_ =	swait.ge [sflag:s6], $0x400  }
0x18d: {  	[sflag:s6] =	ssyncset.done $0x0  }
0x18e: {  	[sflag:s6] =	ssyncadd.s32 $0xFFFFFC00  }
0x18f: {  	_ =	swait.ge [sflag:s6], $0x400  }
0x190: {  	[sflag:s6] =	ssyncset.done $0x0  }
0x191: {  	[sflag:s6] =	ssyncadd.s32 $0xFFFFFC00  }
0x192: {  	_ =	swait.ge [sflag:s6], $0x400  }
0x193: {  	[sflag:s6] =	ssyncset.done $0x0  }
0x194: {  	[sflag:s6] =	ssyncadd.s32 $0xFFFFFC00  }
0x195: {  	_ =	swait.ge [sflag:s6], $0x400  }
0x196: {  	[sflag:s6] =	ssyncset.done $0x0  }
0x197: {  	[sflag:s6] =	ssyncadd.s32 $0xFFFFFC00  }
0x198: {  	_ =	swait.ge [sflag:s6], $0x400  }
0x199: {  	[sflag:s6] =	ssyncset.done $0x0  }
0x19a: {  	[sflag:s6] =	ssyncadd.s32 $0xFFFFFC00  }
0x19b: {  	_ =	swait.ge [sflag:s6], $0x400  }
0x19c: {  	[sflag:s6] =	ssyncset.done $0x0  }
0x19d: {  	[sflag:s6] =	ssyncadd.s32 $0xFFFFFC00  }
0x19e: {  	_ =	swait.ge [sflag:s6], $0x400  }
0x19f: {  	[sflag:s6] =	ssyncset.done $0x0  }
0x1a0: {  	[sflag:s6] =	ssyncadd.s32 $0xFFFFFC00  }
0x1a1: {  	_ =	swait.ge [sflag:s6], $0x400  }
0x1a2: {  	[sflag:s6] =	ssyncset.done $0x0  }
0x1a3: {  	[sflag:s6] =	ssyncadd.s32 $0xFFFFFC00  }
0x1a4: {  	_ =	swait.ge [sflag:s6], $0x400  }
0x1a5: {  	[sflag:s6] =	ssyncset.done $0x0  }
0x1a6: {  	[sflag:s6] =	ssyncadd.s32 $0xFFFFFC00  }
0x1a7: {  	_ =	swait.ge [sflag:s6], $0x400  }
0x1a8: {  	[sflag:s6] =	ssyncset.done $0x0  }
0x1a9: {  	[sflag:s6] =	ssyncadd.s32 $0xFFFFFC00  }
0x1aa: {  	_ =	swait.ge [sflag:s6], $0x400  }
0x1ab: {  	[sflag:s6] =	ssyncset.done $0x0  }
0x1ac: {  	[sflag:s6] =	ssyncadd.s32 $0xFFFFFC00  }
0x1ad: {  	_ =	swait.ge [sflag:s6], $0x400  }
0x1ae: {  	[sflag:s6] =	ssyncset.done $0x0  }
0x1af: {  	[sflag:s6] =	ssyncadd.s32 $0xFFFFFC00  }
0x1b0: {  	_ =	swait.ge [sflag:s6], $0x400  }
0x1b1: {  	[sflag:s6] =	ssyncset.done $0x0  }
0x1b2: {  	[sflag:s6] =	ssyncadd.s32 $0xFFFFFC00  }
0x1b3: {  	_ =	swait.ge [sflag:s6], $0x400  }
0x1b4: {  	[sflag:s6] =	ssyncset.done $0x0  }
0x1b5: {  	[sflag:s6] =	ssyncadd.s32 $0xFFFFFC00  }
0x1b6: {  	_ =	swait.ge [sflag:s6], $0x400  }
0x1b7: {  	[sflag:s6] =	ssyncset.done $0x0  }
0x1b8: {  	[sflag:s6] =	ssyncadd.s32 $0xFFFFFC00  }
0x1b9: {  	_ =	swait.ge [sflag:s6], $0x400  }
0x1ba: {  	[sflag:s6] =	ssyncset.done $0x0  }
0x1bb: {  	[sflag:s6] =	ssyncadd.s32 $0xFFFFFC00  }
0x1bc: {  	_ =	swait.ge [sflag:s6], $0x400  }
0x1bd: {  	[sflag:s6] =	ssyncset.done $0x0  }
0x1be: {  	[sflag:s6] =	ssyncadd.s32 $0xFFFFFC00  }
0x1bf: {  	_ =	swait.ge [sflag:s6], $0x400  }
0x1c0: {  	[sflag:s6] =	ssyncset.done $0x0  }
0x1c1: {  	[sflag:s6] =	ssyncadd.s32 $0xFFFFFC00  }
0x1c2: {  	_ =	swait.ge [sflag:s6], $0x400  }
0x1c3: {  	[sflag:s6] =	ssyncset.done $0x0  }
0x1c4: {  	[sflag:s6] =	ssyncadd.s32 $0xFFFFFC00  }
0x1c5: {  	_ =	swait.ge [sflag:s6], $0x400  }
0x1c6: {  	[sflag:s6] =	ssyncset.done $0x0  }
0x1c7: {  	[sflag:s6] =	ssyncadd.s32 $0xFFFFFC00  }
0x1c8: {  	_ =	swait.ge [sflag:s6], $0x400  }
0x1c9: {  	[sflag:s6] =	ssyncset.done $0x0  }
0x1ca: {  	[sflag:s6] =	ssyncadd.s32 $0xFFFFFC00  }
0x1cb: {  	_ =	swait.ge [sflag:s6], $0x400  }
0x1cc: {  	[sflag:s6] =	ssyncset.done $0x0  }
0x1cd: {  	[sflag:s6] =	ssyncadd.s32 $0xFFFFFC00  }
0x1ce: {  	_ =	swait.ge [sflag:s6], $0x400  }
0x1cf: {  	[sflag:s6] =	ssyncset.done $0x0  }
0x1d0: {  	[sflag:s6] =	ssyncadd.s32 $0xFFFFFC00  }
0x1d1: {  	_ =	swait.ge [sflag:s6], $0x400  }
0x1d2: {  	[sflag:s6] =	ssyncset.done $0x0  }
0x1d3: {  	[sflag:s6] =	ssyncadd.s32 $0xFFFFFC00  }
0x1d4: {  	_ =	swait.ge [sflag:s6], $0x400  }
0x1d5: {  	[sflag:s6] =	ssyncset.done $0x0  }
0x1d6: {  	[sflag:s6] =	ssyncadd.s32 $0xFFFFFC00  }
0x1d7: {  	_ =	swait.ge [sflag:s6], $0x400  }
0x1d8: {  	[sflag:s6] =	ssyncset.done $0x0  }
0x1d9: {  	[sflag:s6] =	ssyncadd.s32 $0xFFFFFC00  }
0x1da: {  	_ =	swait.ge [sflag:s6], $0x400  }
0x1db: {  	[sflag:s6] =	ssyncset.done $0x0  }
0x1dc: {  	[sflag:s6] =	ssyncadd.s32 $0xFFFFFC00  }
0x1dd: {  	_ =	swait.ge [sflag:s6], $0x400  }
0x1de: {  	[sflag:s6] =	ssyncset.done $0x0  }
0x1df: {  	[sflag:s6] =	ssyncadd.s32 $0xFFFFFC00  }
0x1e0: {  	_ =	swait.ge [sflag:s6], $0x400  }
0x1e1: {  	[sflag:s6] =	ssyncset.done $0x0  }
0x1e2: {  	[sflag:s6] =	ssyncadd.s32 $0xFFFFFC00  }
0x1e3: {  	_ =	swait.ge [sflag:s6], $0x400  }
0x1e4: {  	[sflag:s6] =	ssyncset.done $0x0  }
0x1e5: {  	[sflag:s6] =	ssyncadd.s32 $0xFFFFFC00  }
0x1e6: {  	_ =	swait.ge [sflag:s6], $0x400  }
0x1e7: {  	[sflag:s6] =	ssyncset.done $0x0  }
0x1e8: {  	[sflag:s6] =	ssyncadd.s32 $0xFFFFFC00  }
0x1e9: {  	_ =	swait.ge [sflag:s6], $0x400  }
0x1ea: {  	[sflag:s6] =	ssyncset.done $0x0  }
0x1eb: {  	[sflag:s6] =	ssyncadd.s32 $0xFFFFFC00  }
0x1ec: {  	_ =	swait.ge [sflag:s6], $0x400  }
0x1ed: {  	[sflag:s6] =	ssyncset.done $0x0  }
0x1ee: {  	[sflag:s6] =	ssyncadd.s32 $0xFFFFFC00  }
0x1ef: {  	_ =	swait.ge [sflag:s6], $0x400  }
0x1f0: {  	[sflag:s6] =	ssyncset.done $0x0  }
0x1f1: {  	[sflag:s6] =	ssyncadd.s32 $0xFFFFFC00  }
0x1f2: {  	_ =	swait.ge [sflag:s6], $0x400  }
0x1f3: {  	[sflag:s6] =	ssyncset.done $0x0  }
0x1f4: {  	[sflag:s6] =	ssyncadd.s32 $0xFFFFFC00  }
0x1f5: {  	_ =	swait.ge [sflag:s6], $0x400  }
0x1f6: {  	[sflag:s6] =	ssyncset.done $0x0  }
0x1f7: {  	[sflag:s6] =	ssyncadd.s32 $0xFFFFFC00  }
0x1f8: {  	_ =	swait.ge [sflag:s6], $0x400  }
0x1f9: {  	[sflag:s6] =	ssyncset.done $0x0  }
0x1fa: {  	[sflag:s6] =	ssyncadd.s32 $0xFFFFFC00  }
0x1fb: {  	_ =	swait.ge [sflag:s6], $0x400  }
0x1fc: {  	[sflag:s6] =	ssyncset.done $0x0  }
0x1fd: {  	[sflag:s6] =	ssyncadd.s32 $0xFFFFFC00  }
0x1fe: {  	_ =	swait.ge [sflag:s6], $0x400  }
0x1ff: {  	[sflag:s6] =	ssyncset.done $0x0  }
0x200: {  	[sflag:s6] =	ssyncadd.s32 $0xFFFFFC00  }
0x201: {  	_ =	swait.ge [sflag:s6], $0x400  }
0x202: {  	[sflag:s6] =	ssyncset.done $0x0  }
0x203: {  	[sflag:s6] =	ssyncadd.s32 $0xFFFFFC00  }
0x204: {  	_ =	swait.ge [sflag:s6], $0x400  }
0x205: {  	[sflag:s6] =	ssyncset.done $0x0  }
0x206: {  	[sflag:s6] =	ssyncadd.s32 $0xFFFFFC00  }
0x207: {  	_ =	swait.ge [sflag:s6], $0x400  }
0x208: {  	p0 =	seq.s32 s11, $0x62;
	[sflag:s6] =	ssyncset.done $0x0  }
0x209: {  	s21 =	sadd.s32 @!p0 $0x800, s8;
	[sflag:s6] =	ssyncadd.s32 $0xFFFFFC00  }
0x20a: {  	s21 =	sand.u32 @!p0 $0x3800, s21;
	s20 =	sadd.s32 @!p0 $0x100, s10;
	_ =	swait.ge [sflag:s6], $0x400  }
0x20b: {  	s20 =	sand.u32 @!p0 $0xFFFC000, s20;
	s19 =	sadd.s32 @!p0 s11, s15;
	[sflag:s6] =	ssyncset.done $0x0  }
0x20c: {  	s20 =	sor.u32 @!p0 s21, s20;
	s19 =	sadd.s32 @!p0 $0x2, s19;
	[sflag:s6] =	ssyncadd.s32 $0xFFFFFC00  }
0x20d: {  	s21 =	simm.s32 @!p0 $0x400;
	s19 =	sand.u32 @!p0 $0x70, s19;
	_ =	swait.ge [sflag:s6], $0x400  }
0x20e: {  	s22 =	simm.s32 @!p0 $0x0;
	s19 =	sadd.s32 @!p0 s23, s19;
	[sflag:s6] =	ssyncset.done $0x0  }
0x20f: {  	s19 =	sadd.s32 @!p0 s20, s19;
	s20 =	simm.s32 @!p0 $0x80;
	[sflag:s6] =	ssyncadd.s32 $0xFFFFFC00  }
0x210: {  	[tilespmem:s22], [sflag:$0x1] =	stream.strided.gather @!p0 [hbm4b:s19+s20], $0x400, s21, s20, $0x38;
	[tilespmem:$0x15000] =	vst v63  }
0x211: {  	_ =	swait.ge [sflag:s16], $0x4000  }
0x212: {  	[sflag:s16] =	ssyncset.done $0x0  }
0x213: {  	s19 =	simm.s32 $0x480;
	[sflag:s16] =	ssyncadd.s32 $0xFFFFC000  }
0x214: {  	[tilespmem:s17], [sflag:$0x4] =	stream.indirect.gather [hbm4b:s5+s12], $0x80, s19, s12, $0xb8;
	[tilespmem:$0x15000] =	vst v63  }
0x215: {  	_ =	swait.ge [sflag:s18], $0x4000  }
0x216: {  	[sflag:s18] =	ssyncset.done $0x0  }
0x217: {  	s21 =	simm.s32 $0x500;
	[sflag:s18] =	ssyncadd.s32 $0xFFFFC000  }
0x218: {  	[tilespmem:s1], [sflag:$0x3] =	stream.indirect.gather [hbm4b:s5+s12], $0x80, s21, s12, $0xb8;
	[tilespmem:$0x15000] =	vst v63  }
0x219: {  	_ =	swait.ge [sflag:s16], $0x4000  }
0x21a: {  	[sflag:s16] =	ssyncset.done $0x0  }
0x21b: {  	s23 =	simm.s32 $0x580;
	[sflag:s16] =	ssyncadd.s32 $0xFFFFC000  }
0x21c: {  	[tilespmem:s17], [sflag:$0x4] =	stream.indirect.gather [hbm4b:s5+s12], $0x80, s23, s12, $0xb8;
	[tilespmem:$0x15000] =	vst v63  }
0x21d: {  	_ =	swait.ge [sflag:s18], $0x4000  }
0x21e: {  	[sflag:s18] =	ssyncset.done $0x0  }
0x21f: {  	s19 =	simm.s32 $0x600;
	[sflag:s18] =	ssyncadd.s32 $0xFFFFC000  }
0x220: {  	[tilespmem:s1], [sflag:$0x3] =	stream.indirect.gather [hbm4b:s5+s12], $0x80, s19, s12, $0xb8;
	[tilespmem:$0x15000] =	vst v63  }
0x221: {  	_ =	swait.ge [sflag:s16], $0x4000  }
0x222: {  	[sflag:s16] =	ssyncset.done $0x0  }
0x223: {  	s21 =	simm.s32 $0x680;
	[sflag:s16] =	ssyncadd.s32 $0xFFFFC000  }
0x224: {  	[tilespmem:s17], [sflag:$0x4] =	stream.indirect.gather [hbm4b:s5+s12], $0x80, s21, s12, $0xb8;
	[tilespmem:$0x15000] =	vst v63  }
0x225: {  	_ =	swait.ge [sflag:s18], $0x4000  }
0x226: {  	[sflag:s18] =	ssyncset.done $0x0  }
0x227: {  	s23 =	simm.s32 $0x700;
	[sflag:s18] =	ssyncadd.s32 $0xFFFFC000  }
0x228: {  	[tilespmem:s1], [sflag:$0x3] =	stream.indirect.gather [hbm4b:s5+s12], $0x80, s23, s12, $0xb8;
	[tilespmem:$0x15000] =	vst v63  }
0x229: {  	_ =	swait.ge [sflag:s16], $0x4000  }
0x22a: {  	[sflag:s16] =	ssyncset.done $0x0  }
0x22b: {  	s19 =	simm.s32 $0x780;
	[sflag:s16] =	ssyncadd.s32 $0xFFFFC000  }
0x22c: {  	[tilespmem:s17], [sflag:$0x4] =	stream.indirect.gather [hbm4b:s5+s12], $0x80, s19, s12, $0xb8;
	[tilespmem:$0x15000] =	vst v63  }
0x22d: {  	_ =	swait.ge [sflag:s18], $0x4000  }
0x22e: {  	[sflag:s18] =	ssyncset.done $0x0  }
0x22f: {  	s19 =	simm.s32 @!p0 $0x1;
	[sflag:s18] =	ssyncadd.s32 $0xFFFFC000  }
0x230: {  	_ =	swait.ge @!p0 [sflag:s19], $0x400  }
0x231: {  	[sflag:s19] =	ssyncset.done @!p0 $0x0  }
0x232: {  	[sflag:s19] =	ssyncadd.s32 @!p0 $0xFFFFFC00;
	s19 =	simm.s32 @!p0 $0x800  }
0x233: {  	[tilespmem:s19], [sflag:$0x3] =	stream.indirect.gather @!p0 [hbm4b:s5+s20], $0x80, s22, s20, $0xb8;
	[tilespmem:$0x15000] =	vst v63  }
0x234: {  	s21 =	sadd.s32 $0x2000, s7;
	s22 =	sshll.u32 s14, $0x3  }
0x235: {  	s19 =	sand.u32 $0x1E000, s21;
	s14 =	sshll.u32 s14, $0xA;
	s20 =	sand.u32 $0x380, s22  }
0x236: {  	s14 =	sand.u32 $0x7FFE0000, s14;
	s23 =	sor.u32 s19, s20  }
0x237: {  	s21 =	sor.u32 s14, s23;
	s14 =	sor.u32 s19, s14  }
0x238: {  	s21 =	sshrl.u32 s21, $0x3;
	s14 =	sor.u32 s20, s14  }
0x239: {  	s21 =	sadd.s32 s3, s21;
	s1 =	sadd.s32 $0x320000, s14  }
0x23a: {  	[hbm4b:s21+s12] =	stream.strided.scatter [tilespmem:s24], [sflag:$0x5], $0x400, s13, s12, $0x38;
	[tilespmem:$0x15000] =	vst v63  }
0x23b: {  	s19 =	sshrl.u32 s1, $0x3  }
0x23c: {  	s20 =	sadd.s32 $0x640000, s14;
	s19 =	sadd.s32 s3, s19  }
0x23d: {  	[hbm4b:s19+s12] =	stream.strided.scatter [tilespmem:s2], [sflag:$0x5], $0x400, s13, s12, $0x38;
	[tilespmem:$0x15000] =	vst v63  }
0x23e: {  	s19 =	sshrl.u32 s20, $0x3  }
0x23f: {  	s21 =	sadd.s32 $0x960000, s14;
	s19 =	sadd.s32 s3, s19  }
0x240: {  	[hbm4b:s19+s12] =	stream.strided.scatter [tilespmem:s26], [sflag:$0x5], $0x400, s13, s12, $0x38;
	[tilespmem:$0x15000] =	vst v63  }
0x241: {  	s19 =	sshrl.u32 s21, $0x3  }
0x242: {  	s22 =	sadd.s32 $0xC80000, s14;
	s19 =	sadd.s32 s3, s19  }
0x243: {  	[hbm4b:s19+s12] =	stream.strided.scatter [tilespmem:s28], [sflag:$0x5], $0x400, s13, s12, $0x38;
	[tilespmem:$0x15000] =	vst v63  }
0x244: {  	s19 =	sshrl.u32 s22, $0x3  }
0x245: {  	s23 =	sadd.s32 $0xFA0000, s14;
	s19 =	sadd.s32 s3, s19  }
0x246: {  	[hbm4b:s19+s12] =	stream.strided.scatter [tilespmem:s29], [sflag:$0x5], $0x400, s13, s12, $0x38;
	[tilespmem:$0x15000] =	vst v63  }
0x247: {  	s19 =	sshrl.u32 s23, $0x3  }
0x248: {  	s1 =	sadd.s32 $0x12C0000, s14;
	s19 =	sadd.s32 s3, s19  }
0x249: {  	[hbm4b:s19+s12] =	stream.strided.scatter [tilespmem:s30], [sflag:$0x5], $0x400, s13, s12, $0x38;
	[tilespmem:$0x15000] =	vst v63  }
0x24a: {  	s19 =	sshrl.u32 s1, $0x3  }
0x24b: {  	s20 =	sadd.s32 $0x15E0000, s14;
	s19 =	sadd.s32 s3, s19  }
0x24c: {  	[hbm4b:s19+s12] =	stream.strided.scatter [tilespmem:s31], [sflag:$0x5], $0x400, s13, s12, $0x38;
	[tilespmem:$0x15000] =	vst v63  }
0x24d: {  	s19 =	sshrl.u32 s20, $0x3  }
0x24e: {  	s21 =	simm.s32 $0xA400;
	s22 =	sadd.s32 $0x1900000, s14;
	s19 =	sadd.s32 s3, s19  }
0x24f: {  	[hbm4b:s19+s12] =	stream.strided.scatter [tilespmem:s21], [sflag:$0x5], $0x400, s13, s12, $0x38;
	[tilespmem:$0x15000] =	vst v63  }
0x250: {  	s19 =	sshrl.u32 s22, $0x3  }
0x251: {  	s23 =	sadd.s32 $0x1C20000, s14;
	s19 =	sadd.s32 s3, s19  }
0x252: {  	[hbm4b:s19+s12] =	stream.strided.scatter [tilespmem:s0], [sflag:$0x5], $0x400, s13, s12, $0x38;
	[tilespmem:$0x15000] =	vst v63  }
0x253: {  	s19 =	sshrl.u32 s23, $0x3  }
0x254: {  	s0 =	sadd.s32 $0x1F40000, s14;
	s19 =	sadd.s32 s3, s19  }
0x255: {  	[hbm4b:s19+s12] =	stream.strided.scatter [tilespmem:s4], [sflag:$0x5], $0x400, s13, s12, $0x38;
	[tilespmem:$0x15000] =	vst v63  }
0x256: {  	s19 =	sshrl.u32 s0, $0x3  }
0x257: {  	s1 =	sadd.s32 $0x2260000, s14;
	s19 =	sadd.s32 s3, s19  }
0x258: {  	[hbm4b:s19+s12] =	stream.strided.scatter [tilespmem:s25], [sflag:$0x5], $0x400, s13, s12, $0x38;
	[tilespmem:$0x15000] =	vst v63  }
0x259: {  	s19 =	sshrl.u32 s1, $0x3  }
0x25a: {  	s20 =	sadd.s32 $0x2580000, s14;
	s19 =	sadd.s32 s3, s19  }
0x25b: {  	[hbm4b:s19+s12] =	stream.strided.scatter [tilespmem:s9], [sflag:$0x5], $0x400, s13, s12, $0x38;
	[tilespmem:$0x15000] =	vst v63  }
0x25c: {  	s19 =	sshrl.u32 s20, $0x3  }
0x25d: {  	s21 =	simm.s32 $0xB800;
	s22 =	sadd.s32 $0x28A0000, s14;
	s19 =	sadd.s32 s3, s19  }
0x25e: {  	[hbm4b:s19+s12] =	stream.strided.scatter [tilespmem:s21], [sflag:$0x5], $0x400, s13, s12, $0x38;
	[tilespmem:$0x15000] =	vst v63  }
0x25f: {  	s19 =	sshrl.u32 s22, $0x3  }
0x260: {  	s23 =	simm.s32 $0xBC00;
	s0 =	sadd.s32 $0x2BC0000, s14;
	s19 =	sadd.s32 s3, s19  }
0x261: {  	[hbm4b:s19+s12] =	stream.strided.scatter [tilespmem:s23], [sflag:$0x5], $0x400, s13, s12, $0x38;
	[tilespmem:$0x15000] =	vst v63  }
0x262: {  	s19 =	sshrl.u32 s0, $0x3  }
0x263: {  	s1 =	simm.s32 $0xC000;
	s20 =	sadd.s32 $0x2EE0000, s14;
	s19 =	sadd.s32 s3, s19  }
0x264: {  	[hbm4b:s19+s12] =	stream.strided.scatter [tilespmem:s1], [sflag:$0x5], $0x400, s13, s12, $0x38;
	[tilespmem:$0x15000] =	vst v63  }
0x265: {  	s19 =	sshrl.u32 s20, $0x3  }
0x266: {  	s21 =	simm.s32 $0xC400;
	s22 =	sadd.s32 $0x3200000, s14;
	s19 =	sadd.s32 s3, s19  }
0x267: {  	[hbm4b:s19+s12] =	stream.strided.scatter [tilespmem:s21], [sflag:$0x5], $0x400, s13, s12, $0x38;
	[tilespmem:$0x15000] =	vst v63  }
0x268: {  	s19 =	sshrl.u32 s22, $0x3  }
0x269: {  	s23 =	simm.s32 $0xC800;
	s0 =	sadd.s32 $0x3520000, s14;
	s19 =	sadd.s32 s3, s19  }
0x26a: {  	[hbm4b:s19+s12] =	stream.strided.scatter [tilespmem:s23], [sflag:$0x5], $0x400, s13, s12, $0x38;
	[tilespmem:$0x15000] =	vst v63  }
0x26b: {  	s19 =	sshrl.u32 s0, $0x3  }
0x26c: {  	s1 =	simm.s32 $0xCC00;
	s20 =	sadd.s32 $0x3840000, s14;
	s19 =	sadd.s32 s3, s19  }
0x26d: {  	[hbm4b:s19+s12] =	stream.strided.scatter [tilespmem:s1], [sflag:$0x5], $0x400, s13, s12, $0x38;
	[tilespmem:$0x15000] =	vst v63  }
0x26e: {  	s19 =	sshrl.u32 s20, $0x3  }
0x26f: {  	s21 =	simm.s32 $0xD000;
	s22 =	sadd.s32 $0x3B60000, s14;
	s19 =	sadd.s32 s3, s19  }
0x270: {  	[hbm4b:s19+s12] =	stream.strided.scatter [tilespmem:s21], [sflag:$0x5], $0x400, s13, s12, $0x38;
	[tilespmem:$0x15000] =	vst v63  }
0x271: {  	s19 =	sshrl.u32 s22, $0x3  }
0x272: {  	s23 =	simm.s32 $0xD400;
	s0 =	sadd.s32 $0x3E80000, s14;
	s19 =	sadd.s32 s3, s19  }
0x273: {  	[hbm4b:s19+s12] =	stream.strided.scatter [tilespmem:s23], [sflag:$0x5], $0x400, s13, s12, $0x38;
	[tilespmem:$0x15000] =	vst v63  }
0x274: {  	s19 =	sshrl.u32 s0, $0x3  }
0x275: {  	s1 =	simm.s32 $0xD800;
	s20 =	sadd.s32 $0x41A0000, s14;
	s19 =	sadd.s32 s3, s19  }
0x276: {  	[hbm4b:s19+s12] =	stream.strided.scatter [tilespmem:s1], [sflag:$0x5], $0x400, s13, s12, $0x38;
	[tilespmem:$0x15000] =	vst v63  }
0x277: {  	s19 =	sshrl.u32 s20, $0x3  }
0x278: {  	s21 =	simm.s32 $0xDC00;
	s22 =	sadd.s32 $0x44C0000, s14;
	s19 =	sadd.s32 s3, s19  }
0x279: {  	[hbm4b:s19+s12] =	stream.strided.scatter [tilespmem:s21], [sflag:$0x5], $0x400, s13, s12, $0x38;
	[tilespmem:$0x15000] =	vst v63  }
0x27a: {  	s19 =	sshrl.u32 s22, $0x3  }
0x27b: {  	s23 =	simm.s32 $0xE000;
	s0 =	sadd.s32 $0x47E0000, s14;
	s19 =	sadd.s32 s3, s19  }
0x27c: {  	[hbm4b:s19+s12] =	stream.strided.scatter [tilespmem:s23], [sflag:$0x5], $0x400, s13, s12, $0x38;
	[tilespmem:$0x15000] =	vst v63  }
0x27d: {  	s19 =	sshrl.u32 s0, $0x3  }
0x27e: {  	s1 =	simm.s32 $0xE400;
	s20 =	sadd.s32 $0x4B00000, s14;
	s19 =	sadd.s32 s3, s19  }
0x27f: {  	[hbm4b:s19+s12] =	stream.strided.scatter [tilespmem:s1], [sflag:$0x5], $0x400, s13, s12, $0x38;
	[tilespmem:$0x15000] =	vst v63  }
0x280: {  	s19 =	sshrl.u32 s20, $0x3  }
0x281: {  	s21 =	simm.s32 $0xE800;
	s22 =	sadd.s32 $0x4E20000, s14;
	s19 =	sadd.s32 s3, s19  }
0x282: {  	[hbm4b:s19+s12] =	stream.strided.scatter [tilespmem:s21], [sflag:$0x5], $0x400, s13, s12, $0x38;
	[tilespmem:$0x15000] =	vst v63  }
0x283: {  	s19 =	sshrl.u32 s22, $0x3  }
0x284: {  	s23 =	simm.s32 $0xEC00;
	s0 =	sadd.s32 $0x5140000, s14;
	s19 =	sadd.s32 s3, s19  }
0x285: {  	[hbm4b:s19+s12] =	stream.strided.scatter [tilespmem:s23], [sflag:$0x5], $0x400, s13, s12, $0x38;
	[tilespmem:$0x15000] =	vst v63  }
0x286: {  	s19 =	sshrl.u32 s0, $0x3  }
0x287: {  	s1 =	simm.s32 $0xF000;
	s20 =	sadd.s32 $0x5460000, s14;
	s19 =	sadd.s32 s3, s19  }
0x288: {  	[hbm4b:s19+s12] =	stream.strided.scatter [tilespmem:s1], [sflag:$0x5], $0x400, s13, s12, $0x38;
	[tilespmem:$0x15000] =	vst v63  }
0x289: {  	s19 =	sshrl.u32 s20, $0x3  }
0x28a: {  	s21 =	simm.s32 $0xF400;
	s22 =	sadd.s32 $0x5780000, s14;
	s19 =	sadd.s32 s3, s19  }
0x28b: {  	[hbm4b:s19+s12] =	stream.strided.scatter [tilespmem:s21], [sflag:$0x5], $0x400, s13, s12, $0x38;
	[tilespmem:$0x15000] =	vst v63  }
0x28c: {  	s19 =	sshrl.u32 s22, $0x3  }
0x28d: {  	s23 =	simm.s32 $0xF800;
	s0 =	sadd.s32 $0x5AA0000, s14;
	s19 =	sadd.s32 s3, s19  }
0x28e: {  	[hbm4b:s19+s12] =	stream.strided.scatter [tilespmem:s23], [sflag:$0x5], $0x400, s13, s12, $0x38;
	[tilespmem:$0x15000] =	vst v63  }
0x28f: {  	s19 =	sshrl.u32 s0, $0x3  }
0x290: {  	s1 =	simm.s32 $0xFC00;
	s20 =	sadd.s32 $0x5DC0000, s14;
	s19 =	sadd.s32 s3, s19  }
0x291: {  	[hbm4b:s19+s12] =	stream.strided.scatter [tilespmem:s1], [sflag:$0x5], $0x400, s13, s12, $0x38;
	[tilespmem:$0x15000] =	vst v63  }
0x292: {  	s19 =	sshrl.u32 s20, $0x3  }
0x293: {  	s21 =	simm.s32 $0x10000;
	s22 =	sadd.s32 $0x60E0000, s14;
	s19 =	sadd.s32 s3, s19  }
0x294: {  	[hbm4b:s19+s12] =	stream.strided.scatter [tilespmem:s21], [sflag:$0x5], $0x400, s13, s12, $0x38;
	[tilespmem:$0x15000] =	vst v63  }
0x295: {  	s19 =	sshrl.u32 s22, $0x3  }
0x296: {  	s23 =	simm.s32 $0x10400;
	s0 =	sadd.s32 $0x6400000, s14;
	s19 =	sadd.s32 s3, s19  }
0x297: {  	[hbm4b:s19+s12] =	stream.strided.scatter [tilespmem:s23], [sflag:$0x5], $0x400, s13, s12, $0x38;
	[tilespmem:$0x15000] =	vst v63  }
0x298: {  	s19 =	sshrl.u32 s0, $0x3  }
0x299: {  	s1 =	simm.s32 $0x10800;
	s20 =	sadd.s32 $0x6720000, s14;
	s19 =	sadd.s32 s3, s19  }
0x29a: {  	[hbm4b:s19+s12] =	stream.strided.scatter [tilespmem:s1], [sflag:$0x5], $0x400, s13, s12, $0x38;
	[tilespmem:$0x15000] =	vst v63  }
0x29b: {  	s19 =	sshrl.u32 s20, $0x3  }
0x29c: {  	s21 =	simm.s32 $0x10C00;
	s22 =	sadd.s32 $0x6A40000, s14;
	s19 =	sadd.s32 s3, s19  }
0x29d: {  	[hbm4b:s19+s12] =	stream.strided.scatter [tilespmem:s21], [sflag:$0x5], $0x400, s13, s12, $0x38;
	[tilespmem:$0x15000] =	vst v63  }
0x29e: {  	s19 =	sshrl.u32 s22, $0x3  }
0x29f: {  	s23 =	simm.s32 $0x11000;
	s0 =	sadd.s32 $0x6D60000, s14;
	s19 =	sadd.s32 s3, s19  }
0x2a0: {  	[hbm4b:s19+s12] =	stream.strided.scatter [tilespmem:s23], [sflag:$0x5], $0x400, s13, s12, $0x38;
	[tilespmem:$0x15000] =	vst v63  }
0x2a1: {  	s19 =	sshrl.u32 s0, $0x3  }
0x2a2: {  	s1 =	simm.s32 $0x11400;
	s20 =	sadd.s32 $0x7080000, s14;
	s19 =	sadd.s32 s3, s19  }
0x2a3: {  	[hbm4b:s19+s12] =	stream.strided.scatter [tilespmem:s1], [sflag:$0x5], $0x400, s13, s12, $0x38;
	[tilespmem:$0x15000] =	vst v63  }
0x2a4: {  	s19 =	sshrl.u32 s20, $0x3  }
0x2a5: {  	s21 =	simm.s32 $0x11800;
	s22 =	sadd.s32 $0x73A0000, s14;
	s19 =	sadd.s32 s3, s19  }
0x2a6: {  	[hbm4b:s19+s12] =	stream.strided.scatter [tilespmem:s21], [sflag:$0x5], $0x400, s13, s12, $0x38;
	[tilespmem:$0x15000] =	vst v63  }
0x2a7: {  	s19 =	sshrl.u32 s22, $0x3  }
0x2a8: {  	s23 =	simm.s32 $0x11C00;
	s0 =	sadd.s32 $0x76C0000, s14;
	s19 =	sadd.s32 s3, s19  }
0x2a9: {  	[hbm4b:s19+s12] =	stream.strided.scatter [tilespmem:s23], [sflag:$0x5], $0x400, s13, s12, $0x38;
	[tilespmem:$0x15000] =	vst v63  }
0x2aa: {  	s19 =	sshrl.u32 s0, $0x3  }
0x2ab: {  	s1 =	simm.s32 $0x12000;
	s20 =	sadd.s32 $0x79E0000, s14;
	s19 =	sadd.s32 s3, s19  }
0x2ac: {  	[hbm4b:s19+s12] =	stream.strided.scatter [tilespmem:s1], [sflag:$0x5], $0x400, s13, s12, $0x38;
	[tilespmem:$0x15000] =	vst v63  }
0x2ad: {  	s19 =	sshrl.u32 s20, $0x3  }
0x2ae: {  	s21 =	simm.s32 $0x12400;
	s22 =	sadd.s32 $0x7D00000, s14;
	s19 =	sadd.s32 s3, s19  }
0x2af: {  	[hbm4b:s19+s12] =	stream.strided.scatter [tilespmem:s21], [sflag:$0x5], $0x400, s13, s12, $0x38;
	[tilespmem:$0x15000] =	vst v63  }
0x2b0: {  	s19 =	sshrl.u32 s22, $0x3  }
0x2b1: {  	s23 =	simm.s32 $0x12800;
	s0 =	sadd.s32 $0x8020000, s14;
	s19 =	sadd.s32 s3, s19  }
0x2b2: {  	[hbm4b:s19+s12] =	stream.strided.scatter [tilespmem:s23], [sflag:$0x5], $0x400, s13, s12, $0x38;
	[tilespmem:$0x15000] =	vst v63  }
0x2b3: {  	s19 =	sshrl.u32 s0, $0x3  }
0x2b4: {  	s1 =	simm.s32 $0x12C00;
	s20 =	sadd.s32 $0x8340000, s14;
	s19 =	sadd.s32 s3, s19  }
0x2b5: {  	[hbm4b:s19+s12] =	stream.strided.scatter [tilespmem:s1], [sflag:$0x5], $0x400, s13, s12, $0x38;
	[tilespmem:$0x15000] =	vst v63  }
0x2b6: {  	s19 =	sshrl.u32 s20, $0x3  }
0x2b7: {  	s21 =	simm.s32 $0x13000;
	s22 =	sadd.s32 $0x8660000, s14;
	s19 =	sadd.s32 s3, s19  }
0x2b8: {  	[hbm4b:s19+s12] =	stream.strided.scatter [tilespmem:s21], [sflag:$0x5], $0x400, s13, s12, $0x38;
	[tilespmem:$0x15000] =	vst v63  }
0x2b9: {  	s19 =	sshrl.u32 s22, $0x3  }
0x2ba: {  	s23 =	simm.s32 $0x13400;
	s0 =	sadd.s32 $0x8980000, s14;
	s19 =	sadd.s32 s3, s19  }
0x2bb: {  	[hbm4b:s19+s12] =	stream.strided.scatter [tilespmem:s23], [sflag:$0x5], $0x400, s13, s12, $0x38;
	[tilespmem:$0x15000] =	vst v63  }
0x2bc: {  	s19 =	sshrl.u32 s0, $0x3  }
0x2bd: {  	s1 =	simm.s32 $0x13800;
	s20 =	sadd.s32 $0x8CA0000, s14;
	s19 =	sadd.s32 s3, s19  }
0x2be: {  	[hbm4b:s19+s12] =	stream.strided.scatter [tilespmem:s1], [sflag:$0x5], $0x400, s13, s12, $0x38;
	[tilespmem:$0x15000] =	vst v63  }
0x2bf: {  	s8 =	sadd.s32 $0x800, s8;
	s19 =	sshrl.u32 s20, $0x3  }
0x2c0: {  	s21 =	simm.s32 $0x13C00;
	s22 =	sadd.s32 $0x8FC0000, s14;
	s19 =	sadd.s32 s3, s19  }
0x2c1: {  	[hbm4b:s19+s12] =	stream.strided.scatter [tilespmem:s21], [sflag:$0x5], $0x400, s13, s12, $0x38;
	[tilespmem:$0x15000] =	vst v63  }
0x2c2: {  	s10 =	sadd.s32 $0x100, s10;
	s11 =	sadd.s32 $0x2, s11;
	s19 =	sshrl.u32 s22, $0x3  }
0x2c3: {  	s23 =	simm.s32 $0x14000;
	s1 =	sadd.s32 $0x92E0000, s14;
	s19 =	sadd.s32 s3, s19  }
0x2c4: {  	[hbm4b:s19+s12] =	stream.strided.scatter [tilespmem:s23], [sflag:$0x5], $0x400, s13, s12, $0x38;
	[tilespmem:$0x15000] =	vst v63  }
0x2c5: {  	s15 =	simm.s32 $0x800;
	p0 =	sne.s32 s11, $0x64;
	s19 =	sshrl.u32 s1, $0x3  }
0x2c6: {  	s20 =	simm.s32 $0x14400;
	s21 =	sadd.s32 $0x9600000, s14;
	s19 =	sadd.s32 s3, s19  }
0x2c7: {  	[hbm4b:s19+s12] =	stream.strided.scatter [tilespmem:s20], [sflag:$0x5], $0x400, s13, s12, $0x38;
	[tilespmem:$0x15000] =	vst v63  }
.Ltmp3:
0x2c8: {  	s14 =	sadd.s32 $0x9920000, s14;
	s19 =	sshrl.u32 s21, $0x3;
	(pc) =	sbr.rel @!p0 .LBB2_5-.Ltmp3, $4  }
0x2c9: {  	s22 =	simm.s32 $0x14800;
	s14 =	sshrl.u32 s14, $0x3;
	s19 =	sadd.s32 s3, s19  }
0x2ca: {  	[hbm4b:s19+s12] =	stream.strided.scatter [tilespmem:s22], [sflag:$0x5], $0x400, s13, s12, $0x38;
	[tilespmem:$0x15000] =	vst v63  }
0x2cb: {  	s7 =	sadd.s32 $0x4000, s7;
	s14 =	sadd.s32 s3, s14;
	s23 =	simm.s32 $0x14C00  }
0x2cc: {  	[hbm4b:s14+s12] =	stream.strided.scatter [tilespmem:s23], [sflag:$0x5], $0x400, s13, s12, $0x38;
	[tilespmem:$0x15000] =	vst v63  }
.LBB2_2:
0x2cd: {  	p0 =	seq.s32 s11, $0x0  }
.Ltmp4:
0x2ce: {  	_ = 	snop;
	(pc) =	sbr.rel @p0 .LBB2_4-.Ltmp4, $1  }
0x2cf: {  	_ =	sdelay $0x3  }
0x2d0: {  	_ =	swait.ge [sflag:s6], $0x400  }
0x2d1: {  	[sflag:s6] =	ssyncset.done $0x0  }
0x2d2: {  	[sflag:s6] =	ssyncadd.s32 $0xFFFFFC00  }
0x2d3: {  	_ =	swait.ge [sflag:s6], $0x400  }
0x2d4: {  	[sflag:s6] =	ssyncset.done $0x0  }
0x2d5: {  	[sflag:s6] =	ssyncadd.s32 $0xFFFFFC00  }
0x2d6: {  	_ =	swait.ge [sflag:s6], $0x400  }
0x2d7: {  	[sflag:s6] =	ssyncset.done $0x0  }
0x2d8: {  	[sflag:s6] =	ssyncadd.s32 $0xFFFFFC00  }
0x2d9: {  	_ =	swait.ge [sflag:s6], $0x400  }
0x2da: {  	[sflag:s6] =	ssyncset.done $0x0  }
0x2db: {  	[sflag:s6] =	ssyncadd.s32 $0xFFFFFC00  }
0x2dc: {  	_ =	swait.ge [sflag:s6], $0x400  }
0x2dd: {  	[sflag:s6] =	ssyncset.done $0x0  }
0x2de: {  	[sflag:s6] =	ssyncadd.s32 $0xFFFFFC00  }
0x2df: {  	_ =	swait.ge [sflag:s6], $0x400  }
0x2e0: {  	[sflag:s6] =	ssyncset.done $0x0  }
0x2e1: {  	[sflag:s6] =	ssyncadd.s32 $0xFFFFFC00  }
0x2e2: {  	_ =	swait.ge [sflag:s6], $0x400  }
0x2e3: {  	[sflag:s6] =	ssyncset.done $0x0  }
0x2e4: {  	[sflag:s6] =	ssyncadd.s32 $0xFFFFFC00  }
0x2e5: {  	_ =	swait.ge [sflag:s6], $0x400  }
0x2e6: {  	[sflag:s6] =	ssyncset.done $0x0  }
0x2e7: {  	[sflag:s6] =	ssyncadd.s32 $0xFFFFFC00  }
0x2e8: {  	_ =	swait.ge [sflag:s6], $0x400  }
0x2e9: {  	[sflag:s6] =	ssyncset.done $0x0  }
0x2ea: {  	[sflag:s6] =	ssyncadd.s32 $0xFFFFFC00  }
0x2eb: {  	_ =	swait.ge [sflag:s6], $0x400  }
0x2ec: {  	[sflag:s6] =	ssyncset.done $0x0  }
0x2ed: {  	[sflag:s6] =	ssyncadd.s32 $0xFFFFFC00  }
0x2ee: {  	_ =	swait.ge [sflag:s6], $0x400  }
0x2ef: {  	[sflag:s6] =	ssyncset.done $0x0  }
0x2f0: {  	[sflag:s6] =	ssyncadd.s32 $0xFFFFFC00  }
0x2f1: {  	_ =	swait.ge [sflag:s6], $0x400  }
0x2f2: {  	[sflag:s6] =	ssyncset.done $0x0  }
0x2f3: {  	[sflag:s6] =	ssyncadd.s32 $0xFFFFFC00  }
0x2f4: {  	_ =	swait.ge [sflag:s6], $0x400  }
0x2f5: {  	[sflag:s6] =	ssyncset.done $0x0  }
0x2f6: {  	[sflag:s6] =	ssyncadd.s32 $0xFFFFFC00  }
0x2f7: {  	_ =	swait.ge [sflag:s6], $0x400  }
0x2f8: {  	[sflag:s6] =	ssyncset.done $0x0  }
0x2f9: {  	[sflag:s6] =	ssyncadd.s32 $0xFFFFFC00  }
0x2fa: {  	_ =	swait.ge [sflag:s6], $0x400  }
0x2fb: {  	[sflag:s6] =	ssyncset.done $0x0  }
0x2fc: {  	[sflag:s6] =	ssyncadd.s32 $0xFFFFFC00  }
0x2fd: {  	_ =	swait.ge [sflag:s6], $0x400  }
0x2fe: {  	[sflag:s6] =	ssyncset.done $0x0  }
0x2ff: {  	[sflag:s6] =	ssyncadd.s32 $0xFFFFFC00  }
0x300: {  	_ =	swait.ge [sflag:s6], $0x400  }
0x301: {  	[sflag:s6] =	ssyncset.done $0x0  }
0x302: {  	[sflag:s6] =	ssyncadd.s32 $0xFFFFFC00  }
0x303: {  	_ =	swait.ge [sflag:s6], $0x400  }
0x304: {  	[sflag:s6] =	ssyncset.done $0x0  }
0x305: {  	[sflag:s6] =	ssyncadd.s32 $0xFFFFFC00  }
0x306: {  	_ =	swait.ge [sflag:s6], $0x400  }
0x307: {  	[sflag:s6] =	ssyncset.done $0x0  }
0x308: {  	[sflag:s6] =	ssyncadd.s32 $0xFFFFFC00  }
0x309: {  	_ =	swait.ge [sflag:s6], $0x400  }
0x30a: {  	[sflag:s6] =	ssyncset.done $0x0  }
0x30b: {  	[sflag:s6] =	ssyncadd.s32 $0xFFFFFC00  }
0x30c: {  	_ =	swait.ge [sflag:s6], $0x400  }
0x30d: {  	[sflag:s6] =	ssyncset.done $0x0  }
0x30e: {  	[sflag:s6] =	ssyncadd.s32 $0xFFFFFC00  }
0x30f: {  	_ =	swait.ge [sflag:s6], $0x400  }
0x310: {  	[sflag:s6] =	ssyncset.done $0x0  }
0x311: {  	[sflag:s6] =	ssyncadd.s32 $0xFFFFFC00  }
0x312: {  	_ =	swait.ge [sflag:s6], $0x400  }
0x313: {  	[sflag:s6] =	ssyncset.done $0x0  }
0x314: {  	[sflag:s6] =	ssyncadd.s32 $0xFFFFFC00  }
0x315: {  	_ =	swait.ge [sflag:s6], $0x400  }
0x316: {  	[sflag:s6] =	ssyncset.done $0x0  }
0x317: {  	[sflag:s6] =	ssyncadd.s32 $0xFFFFFC00  }
0x318: {  	_ =	swait.ge [sflag:s6], $0x400  }
0x319: {  	[sflag:s6] =	ssyncset.done $0x0  }
0x31a: {  	[sflag:s6] =	ssyncadd.s32 $0xFFFFFC00  }
0x31b: {  	_ =	swait.ge [sflag:s6], $0x400  }
0x31c: {  	[sflag:s6] =	ssyncset.done $0x0  }
0x31d: {  	[sflag:s6] =	ssyncadd.s32 $0xFFFFFC00  }
0x31e: {  	_ =	swait.ge [sflag:s6], $0x400  }
0x31f: {  	[sflag:s6] =	ssyncset.done $0x0  }
0x320: {  	[sflag:s6] =	ssyncadd.s32 $0xFFFFFC00  }
0x321: {  	_ =	swait.ge [sflag:s6], $0x400  }
0x322: {  	[sflag:s6] =	ssyncset.done $0x0  }
0x323: {  	[sflag:s6] =	ssyncadd.s32 $0xFFFFFC00  }
0x324: {  	_ =	swait.ge [sflag:s6], $0x400  }
0x325: {  	[sflag:s6] =	ssyncset.done $0x0  }
0x326: {  	[sflag:s6] =	ssyncadd.s32 $0xFFFFFC00  }
0x327: {  	_ =	swait.ge [sflag:s6], $0x400  }
0x328: {  	[sflag:s6] =	ssyncset.done $0x0  }
0x329: {  	[sflag:s6] =	ssyncadd.s32 $0xFFFFFC00  }
0x32a: {  	_ =	swait.ge [sflag:s6], $0x400  }
0x32b: {  	[sflag:s6] =	ssyncset.done $0x0  }
0x32c: {  	[sflag:s6] =	ssyncadd.s32 $0xFFFFFC00  }
0x32d: {  	_ =	swait.ge [sflag:s6], $0x400  }
0x32e: {  	[sflag:s6] =	ssyncset.done $0x0  }
0x32f: {  	[sflag:s6] =	ssyncadd.s32 $0xFFFFFC00  }
0x330: {  	_ =	swait.ge [sflag:s6], $0x400  }
0x331: {  	[sflag:s6] =	ssyncset.done $0x0  }
0x332: {  	[sflag:s6] =	ssyncadd.s32 $0xFFFFFC00  }
0x333: {  	_ =	swait.ge [sflag:s6], $0x400  }
0x334: {  	[sflag:s6] =	ssyncset.done $0x0  }
0x335: {  	[sflag:s6] =	ssyncadd.s32 $0xFFFFFC00  }
0x336: {  	_ =	swait.ge [sflag:s6], $0x400  }
0x337: {  	[sflag:s6] =	ssyncset.done $0x0  }
0x338: {  	[sflag:s6] =	ssyncadd.s32 $0xFFFFFC00  }
0x339: {  	_ =	swait.ge [sflag:s6], $0x400  }
0x33a: {  	[sflag:s6] =	ssyncset.done $0x0  }
0x33b: {  	[sflag:s6] =	ssyncadd.s32 $0xFFFFFC00  }
0x33c: {  	_ =	swait.ge [sflag:s6], $0x400  }
0x33d: {  	[sflag:s6] =	ssyncset.done $0x0  }
0x33e: {  	[sflag:s6] =	ssyncadd.s32 $0xFFFFFC00  }
0x33f: {  	_ =	swait.ge [sflag:s6], $0x400  }
0x340: {  	[sflag:s6] =	ssyncset.done $0x0  }
0x341: {  	[sflag:s6] =	ssyncadd.s32 $0xFFFFFC00  }
0x342: {  	_ =	swait.ge [sflag:s6], $0x400  }
0x343: {  	[sflag:s6] =	ssyncset.done $0x0  }
0x344: {  	[sflag:s6] =	ssyncadd.s32 $0xFFFFFC00  }
0x345: {  	_ =	swait.ge [sflag:s6], $0x400  }
0x346: {  	[sflag:s6] =	ssyncset.done $0x0  }
0x347: {  	[sflag:s6] =	ssyncadd.s32 $0xFFFFFC00  }
0x348: {  	_ =	swait.ge [sflag:s6], $0x400  }
0x349: {  	[sflag:s6] =	ssyncset.done $0x0  }
0x34a: {  	[sflag:s6] =	ssyncadd.s32 $0xFFFFFC00  }
0x34b: {  	_ =	swait.ge [sflag:s6], $0x400  }
0x34c: {  	[sflag:s6] =	ssyncset.done $0x0  }
0x34d: {  	[sflag:s6] =	ssyncadd.s32 $0xFFFFFC00  }
0x34e: {  	_ =	swait.ge [sflag:s6], $0x400  }
0x34f: {  	[sflag:s6] =	ssyncset.done $0x0  }
0x350: {  	[sflag:s6] =	ssyncadd.s32 $0xFFFFFC00  }
0x351: {  	_ =	swait.ge [sflag:s6], $0x400  }
0x352: {  	[sflag:s6] =	ssyncset.done $0x0  }
0x353: {  	[sflag:s6] =	ssyncadd.s32 $0xFFFFFC00  }
0x354: {  	_ =	swait.ge [sflag:s6], $0x400  }
0x355: {  	[sflag:s6] =	ssyncset.done $0x0  }
0x356: {  	[sflag:s6] =	ssyncadd.s32 $0xFFFFFC00  }
0x357: {  	_ =	swait.ge [sflag:s6], $0x400  }
0x358: {  	[sflag:s6] =	ssyncset.done $0x0  }
0x359: {  	[sflag:s6] =	ssyncadd.s32 $0xFFFFFC00  }
0x35a: {  	_ =	swait.ge [sflag:s6], $0x400  }
0x35b: {  	[sflag:s6] =	ssyncset.done $0x0  }
0x35c: {  	[sflag:s6] =	ssyncadd.s32 $0xFFFFFC00  }
0x35d: {  	_ =	swait.ge [sflag:s6], $0x400  }
0x35e: {  	[sflag:s6] =	ssyncset.done $0x0  }
0x35f: {  	[sflag:s6] =	ssyncadd.s32 $0xFFFFFC00  }
0x360: {  	_ =	swait.ge [sflag:s6], $0x400  }
.Ltmp5:
0x361: {  	[sflag:s6] =	ssyncset.done $0x0;
	(pc) =	sbr.rel .LBB2_4-.Ltmp5, $4  }
0x362: {  	[sflag:s6] =	ssyncadd.s32 $0xFFFFFC00  }
0x363: {  	_ =	swait.ge [sflag:s6], $0x400  }
0x364: {  	[sflag:s6] =	ssyncset.done $0x0  }
0x365: {  	[sflag:s6] =	ssyncadd.s32 $0xFFFFFC00  }
.LBB2_6:
0x366: {  	_ =	sfence.sel $0x180000  }
0x367: {  	[bflag:$0x0] =	sbarrier.arrive $0xFFFF  }
0x368: {  	_ =	strace $0x90000047  }
0x369: {  	s0 =	stileid.u32;
	[bflag:$0x2] =	sbarrier.arrive $0xFFFF  }
0x36a: {  	p0 =	sne.s32 s0, $0x0;
	s0 =	rddreg [dreg:$0x3]  }
0x36b: {  	s0 =	sadd.s32 @!p0 $0x100000, s0  }
0x36c: {  	[sflag:s0] =	ssyncadd.tile.s32 @!p0 $0x1;
	_ =	shalt  }
.Lfunc_end2:
_tile_overlayer_lowered:
.L_overlay_start_2:
0x36d: {  	(tag) =	ssettag $0x2  }
0x36e: {  	s0 =	rddreg [dreg:$0x0];
	s2 =	stileid.u32  }
0x36f: {  	s1 =	rddreg [dreg:$0x1];
	p0 =	sne.s32 s2, $0x0  }
0x370: {  	s3 =	rddreg [dreg:$0x2];
	[bflag:$0x3] =	sbarrier.arrive $0xFFFF;
	s2 =	simm.s32 @!p0 $0x1C06  }
0x371: {  	[timem:s3], [sflag:s2] =	dma.local @!p0 [hbm:s0], s1  }
0x372: {  	s0 =	simm.s32 @!p0 $0x6  }
0x373: {  	_ =	swait.ge @!p0 [sflag:s0], s1  }
0x374: {  	s1 =	ssub.s32 @!p0 $0x0, s1;
	[sflag:s0] =	ssyncset.done @!p0 $0x0  }
0x375: {  	[sflag:s0] =	ssyncadd.s32 @!p0 s1  }
0x376: {  	[bflag:$0x3] =	sbarrier.arrive $0xFFFF  }
0x377: {  	_ =	shalt  }

</sc_bundles>
